<compile_context>
chip_gen: v7x
topology: tpu7x:2x2x1
jax: 0.10.2.dev20260603
libtpu: 0.0.44.dev20260713+nightly
codegen_flags: <defaults>
</compile_context>

<pallas_src>
import jax
import jax.numpy as jnp
from jax import lax
from jax.experimental import pallas as pl
from jax.experimental.pallas import tpu as pltpu
from jax.experimental.pallas import tpu_sc as plsc

N = 10000
D = 128
E = 320000
H = 16

NC = 2
NS = 16
NW = NC * NS
CHUNK = 512
EPT = 10240
NCH = EPT // CHUNK
EPAD = NW * EPT
SLAB = 640
SLAB_LAST = N - 15 * SLAB

_SC_PARAMS = pltpu.CompilerParams(
    needs_layout_passes=False, use_tc_tiling_on_sc=False)


def _row_conv_body(row_hbm, col_hbm, w_hbm, table_hbm, out_hbm,
                   acc_sh, eb0, eb1, msg0, msg1, slab_v,
                   sem_e0, sem_e1, sem_g0, sem_g1):
    c = lax.axis_index("c")
    s = lax.axis_index("s")
    ebase = (c * NS + s) * EPT

    def zbody(i, _):
        slab_v[i, :] = jnp.zeros((H,), jnp.float32)
        return 0
    lax.fori_loop(0, SLAB, zbody, 0)

    @pl.when(s < 15)
    def _():
        pltpu.sync_copy(slab_v, acc_sh.at[pl.ds(s * SLAB, SLAB)])

    @pl.when(s == 15)
    def _():
        pltpu.sync_copy(slab_v.at[pl.ds(0, SLAB_LAST)],
                        acc_sh.at[pl.ds(15 * SLAB, SLAB_LAST)])
    plsc.subcore_barrier()

    iota16 = lax.iota(jnp.int32, 16)

    def start_e(ci, eb, sem):
        base = pl.multiple_of(ebase + ci * CHUNK, 8)
        pltpu.async_copy(row_hbm.at[pl.ds(base, CHUNK)], eb[0], sem)
        pltpu.async_copy(col_hbm.at[pl.ds(base, CHUNK)], eb[1], sem)
        pltpu.async_copy(w_hbm.at[pl.ds(base, CHUNK)], eb[2], sem)

    def wait_e(ci, eb, sem):
        base = pl.multiple_of(ebase + ci * CHUNK, 8)
        pltpu.make_async_copy(row_hbm.at[pl.ds(base, CHUNK)], eb[0], sem).wait()
        pltpu.make_async_copy(col_hbm.at[pl.ds(base, CHUNK)], eb[1], sem).wait()
        pltpu.make_async_copy(w_hbm.at[pl.ds(base, CHUNK)], eb[2], sem).wait()

    def start_g(eb, msg, sem):
        pltpu.async_copy(table_hbm.at[eb[0]], msg, sem)

    def wait_g(eb, msg, sem):
        pltpu.make_async_copy(table_hbm.at[eb[0]], msg, sem).wait()

    def scale_scatter(eb, msg):
        w_v = eb[2]

        def sbody(g, _):
            wv = w_v[pl.ds(g * 16, 16)]
            ev = iota16 + g * 16
            for h in range(H):
                hv = jnp.full((16,), h, jnp.int32)
                v = plsc.load_gather(msg, [ev, hv])
                plsc.store_scatter(msg, [ev, hv], v * wv)
            return 0
        lax.fori_loop(0, CHUNK // 16, sbody, 0)
        pltpu.sync_copy(msg, acc_sh.at[eb[1]], add=True)

    start_e(0, eb0, sem_e0)
    wait_e(0, eb0, sem_e0)
    start_g(eb0, msg0, sem_g0)
    start_e(1, eb1, sem_e1)

    def body(j, _):
        i = 2 * j
        wait_e(i + 1, eb1, sem_e1)
        start_g(eb1, msg1, sem_g1)
        wait_g(eb0, msg0, sem_g0)
        scale_scatter(eb0, msg0)

        @pl.when(i + 2 < NCH)
        def _():
            start_e(i + 2, eb0, sem_e0)

        @pl.when(i + 2 < NCH)
        def _():
            wait_e(i + 2, eb0, sem_e0)
            start_g(eb0, msg0, sem_g0)
        wait_g(eb1, msg1, sem_g1)
        scale_scatter(eb1, msg1)

        @pl.when(i + 3 < NCH)
        def _():
            start_e(i + 3, eb1, sem_e1)
        return 0

    lax.fori_loop(0, NCH // 2, body, 0)
    plsc.subcore_barrier()

    @pl.when(s < 15)
    def _():
        pltpu.sync_copy(acc_sh.at[pl.ds(s * SLAB, SLAB)], slab_v)
        pltpu.sync_copy(slab_v, out_hbm.at[c, pl.ds(s * SLAB, SLAB)])

    @pl.when(s == 15)
    def _():
        pltpu.sync_copy(acc_sh.at[pl.ds(15 * SLAB, SLAB_LAST)],
                        slab_v.at[pl.ds(0, SLAB_LAST)])
        pltpu.sync_copy(slab_v.at[pl.ds(0, SLAB_LAST)],
                        out_hbm.at[c, pl.ds(15 * SLAB, SLAB_LAST)])


def _row_conv(rowp, colp, wp, table):
    mesh = plsc.VectorSubcoreMesh(core_axis_name="c", subcore_axis_name="s")
    f = pl.kernel(
        _row_conv_body,
        out_type=jax.ShapeDtypeStruct((NC, N, H), jnp.float32),
        mesh=mesh,
        compiler_params=_SC_PARAMS,
        scratch_types=[
            pltpu.VMEM_SHARED((N, H), jnp.float32),
            [pltpu.VMEM((CHUNK,), jnp.int32),
             pltpu.VMEM((CHUNK,), jnp.int32),
             pltpu.VMEM((CHUNK,), jnp.float32)],
            [pltpu.VMEM((CHUNK,), jnp.int32),
             pltpu.VMEM((CHUNK,), jnp.int32),
             pltpu.VMEM((CHUNK,), jnp.float32)],
            pltpu.VMEM((CHUNK, H), jnp.float32),
            pltpu.VMEM((CHUNK, H), jnp.float32),
            pltpu.VMEM((SLAB, H), jnp.float32),
            pltpu.SemaphoreType.DMA,
            pltpu.SemaphoreType.DMA,
            pltpu.SemaphoreType.DMA,
            pltpu.SemaphoreType.DMA,
        ],
    )
    return f(rowp, colp, wp, table)


def _scalar_conv_body(row_hbm, col_hbm, w_hbm, table_hbm, out_hbm,
                      acc_sh, tbl_v, eb0, eb1, res0, res1, full_v,
                      sem_e0, sem_e1):
    c = lax.axis_index("c")
    s = lax.axis_index("s")
    ebase = (c * NS + s) * EPT

    pltpu.sync_copy(table_hbm, tbl_v)

    def zbody(i, _):
        full_v[pl.ds(i * 16, 16)] = jnp.zeros((16,), jnp.float32)
        return 0
    lax.fori_loop(0, SLAB // 16, zbody, 0)

    @pl.when(s < 15)
    def _():
        pltpu.sync_copy(full_v.at[pl.ds(0, SLAB)],
                        acc_sh.at[pl.ds(s * SLAB, SLAB)])

    @pl.when(s == 15)
    def _():
        pltpu.sync_copy(full_v.at[pl.ds(0, SLAB_LAST)],
                        acc_sh.at[pl.ds(15 * SLAB, SLAB_LAST)])
    plsc.subcore_barrier()

    def start_e(ci, eb, sem):
        base = pl.multiple_of(ebase + ci * CHUNK, 8)
        pltpu.async_copy(row_hbm.at[pl.ds(base, CHUNK)], eb[0], sem)
        pltpu.async_copy(col_hbm.at[pl.ds(base, CHUNK)], eb[1], sem)
        pltpu.async_copy(w_hbm.at[pl.ds(base, CHUNK)], eb[2], sem)

    def wait_e(ci, eb, sem):
        base = pl.multiple_of(ebase + ci * CHUNK, 8)
        pltpu.make_async_copy(row_hbm.at[pl.ds(base, CHUNK)], eb[0], sem).wait()
        pltpu.make_async_copy(col_hbm.at[pl.ds(base, CHUNK)], eb[1], sem).wait()
        pltpu.make_async_copy(w_hbm.at[pl.ds(base, CHUNK)], eb[2], sem).wait()

    def compute_scatter(eb, res):
        def sbody(g, _):
            rv = eb[0][pl.ds(g * 16, 16)]
            wv = eb[2][pl.ds(g * 16, 16)]
            res[pl.ds(g * 16, 16)] = plsc.load_gather(tbl_v, [rv]) * wv
            return 0
        lax.fori_loop(0, CHUNK // 16, sbody, 0)
        pltpu.sync_copy(res, acc_sh.at[eb[1]], add=True)

    start_e(0, eb0, sem_e0)

    def body(j, _):
        i = 2 * j
        wait_e(i, eb0, sem_e0)
        start_e(i + 1, eb1, sem_e1)
        compute_scatter(eb0, res0)
        wait_e(i + 1, eb1, sem_e1)

        @pl.when(i + 2 < NCH)
        def _():
            start_e(i + 2, eb0, sem_e0)
        compute_scatter(eb1, res1)
        return 0

    lax.fori_loop(0, NCH // 2, body, 0)
    plsc.subcore_barrier()

    @pl.when(s < 15)
    def _():
        pltpu.sync_copy(acc_sh.at[pl.ds(s * SLAB, SLAB)],
                        full_v.at[pl.ds(0, SLAB)])
        pltpu.sync_copy(full_v.at[pl.ds(0, SLAB)],
                        out_hbm.at[c, pl.ds(s * SLAB, SLAB)])

    @pl.when(s == 15)
    def _():
        pltpu.sync_copy(acc_sh.at[pl.ds(15 * SLAB, SLAB_LAST)],
                        full_v.at[pl.ds(0, SLAB_LAST)])
        pltpu.sync_copy(full_v.at[pl.ds(0, SLAB_LAST)],
                        out_hbm.at[c, pl.ds(15 * SLAB, SLAB_LAST)])


def _scalar_conv(rowp, colp, wp, table):
    mesh = plsc.VectorSubcoreMesh(core_axis_name="c", subcore_axis_name="s")
    f = pl.kernel(
        _scalar_conv_body,
        out_type=jax.ShapeDtypeStruct((NC, N), jnp.float32),
        mesh=mesh,
        compiler_params=_SC_PARAMS,
        scratch_types=[
            pltpu.VMEM_SHARED((N,), jnp.float32),
            pltpu.VMEM((N,), jnp.float32),
            [pltpu.VMEM((CHUNK,), jnp.int32),
             pltpu.VMEM((CHUNK,), jnp.int32),
             pltpu.VMEM((CHUNK,), jnp.float32)],
            [pltpu.VMEM((CHUNK,), jnp.int32),
             pltpu.VMEM((CHUNK,), jnp.int32),
             pltpu.VMEM((CHUNK,), jnp.float32)],
            pltpu.VMEM((CHUNK,), jnp.float32),
            pltpu.VMEM((CHUNK,), jnp.float32),
            pltpu.VMEM((N,), jnp.float32),
            pltpu.SemaphoreType.DMA,
            pltpu.SemaphoreType.DMA,
        ],
    )
    return f(rowp, colp, wp, table)


def kernel(x, edge_index, weight, W1, b1, W2, b2, W3, b3, A2w, A2b):
    pad = EPAD - E
    rowp = jnp.concatenate([edge_index[0], jnp.zeros((pad,), jnp.int32)])
    colp = jnp.concatenate([edge_index[1], jnp.zeros((pad,), jnp.int32)])
    wp = jnp.concatenate([weight, jnp.zeros((pad,), jnp.float32)])

    ones_n = jnp.ones((N,), jnp.float32)

    degp = _scalar_conv(rowp, colp, wp, ones_n)
    deg = degp[0] + degp[1] + 1.0
    dinv = jnp.where(deg > 0, deg ** -0.5, 0.0)
    dinv2 = dinv * dinv

    NP = N // 8
    eye8 = jnp.eye(8, dtype=jnp.float32)
    x8 = x.reshape(NP, 8 * D)
    dv3 = dinv.reshape(NP, 8, 1)
    dv23 = dinv2.reshape(NP, 8, 1)

    def epilogue(p, hwp, b):
        a = (p[0] + p[1]).reshape(NP, 8, H)
        hw3d = hwp.reshape(NP, 8, H)
        return jax.nn.relu(a * dv3 + hw3d * dv23 + b).reshape(NP, 8 * H)

    hw1p = x8 @ jnp.kron(eye8, W1)
    tbl1 = (hw1p.reshape(NP, 8, H) * dv3).reshape(N, H)
    p1 = _row_conv(rowp, colp, wp, tbl1)
    h1p = epilogue(p1.reshape(NC, NP, 8 * H), hw1p, b1)

    hw2p = h1p @ jnp.kron(eye8, W2)
    tbl2 = (hw2p.reshape(NP, 8, H) * dv3).reshape(N, H)
    p2 = _row_conv(rowp, colp, wp, tbl2)
    h2p = epilogue(p2.reshape(NC, NP, 8 * H), hw2p, b2)

    hw3 = (h2p @ jnp.kron(eye8, W3)).reshape(N)
    p3 = _scalar_conv(rowp, colp, wp, hw3 * dinv)
    c = (p3[0] + p3[1]) * dinv + hw3 * dinv2 + b3[0]

    choice = jax.nn.softmax(c, axis=0)
    v16 = jnp.sum(h2p, axis=0).reshape(8, H).sum(axis=0) / N
    value = jnp.dot(v16, A2w[0]) + A2b[0]
    return (choice, value)

# --- scband reference (transcript-rebuilt; emitter-appended) ---
"""Pipeline reference for scband-gnn-norm-65807488909361 (READ-ONLY COPY).

The authoritative reference and input builder live on the scoring server;
editing this copy changes nothing except your own understanding.
"""

import jax, jax.numpy as jnp
import numpy as np

N = 10000
D = 128
E = 320000
H = 16

def setup_inputs(seed: int = 0) -> dict:
    key = jax.random.key(seed)
    ks = jax.random.split(key, 12)
    x = jax.random.normal(ks[0], (N, D), dtype=jnp.float32)
    edge_index = jax.random.randint(ks[1], (2, E), 0, N, dtype=jnp.int32)
    weight = jax.random.uniform(ks[2], (E,), dtype=jnp.float32)
    W1 = jax.random.normal(ks[3], (D, H), dtype=jnp.float32) / np.sqrt(D)
    b1 = jnp.zeros((H,), dtype=jnp.float32)
    W2 = jax.random.normal(ks[4], (H, H), dtype=jnp.float32) / np.sqrt(H)
    b2 = jnp.zeros((H,), dtype=jnp.float32)
    W3 = jax.random.normal(ks[5], (H, 1), dtype=jnp.float32) / np.sqrt(H)
    b3 = jnp.zeros((1,), dtype=jnp.float32)
    A2w = jax.random.normal(ks[6], (1, H), dtype=jnp.float32) / np.sqrt(H)
    A2b = jnp.zeros((1,), dtype=jnp.float32)
    return {"x": x, "edge_index": edge_index, "weight": weight,
            "W1": W1, "b1": b1, "W2": W2, "b2": b2, "W3": W3, "b3": b3,
            "A2w": A2w, "A2b": A2b}

def _forward(x, edge_index, weight, W1, b1, W2, b2, W3, b3, A2w, A2b):
    row = edge_index[0]
    col = edge_index[1]
    loop = jnp.arange(N, dtype=edge_index.dtype)
    row = jnp.concatenate([row, loop])
    col = jnp.concatenate([col, loop])
    ew = jnp.concatenate([weight, jnp.ones((N,), dtype=weight.dtype)])
    # symmetric GCN normalization with self-loops (PyG GCNConv normalize=True)
    deg = jnp.zeros((N,), dtype=x.dtype).at[col].add(ew)
    deg_safe = jnp.where(deg > 0, deg, 1.0)
    dinv = jnp.where(deg > 0, deg_safe ** -0.5, 0.0)
    norm = dinv[row] * ew * dinv[col]

    def conv(h, W, b):
        hw = h @ W
        msg = hw[row] * norm[:, None]          # gather (src nodes)
        agg = jnp.zeros((N, W.shape[1]), dtype=h.dtype).at[col].add(msg)  # scatter-add (dst nodes)
        return agg + b

    h1 = jax.nn.relu(conv(x, W1, b1))
    # F.dropout omitted (deterministic eval-mode reference)
    h2 = jax.nn.relu(conv(h1, W2, b2))
    c = conv(h2, W3, b3)                        # [N, 1]
    choice = jax.nn.softmax(c.reshape(N), axis=0)  # softmax over nodes (dim=0)
    v = jnp.mean(h2, axis=0, keepdims=True)     # global_mean_pool, single graph -> [1, H]
    value = (v @ A2w.T + A2b).squeeze()         # scalar
    return (choice, value)

def reference(x, edge_index, weight, W1, b1, W2, b2, W3, b3, A2w, A2b):
    return _forward(x, edge_index, weight, W1, b1, W2, b2, W3, b3, A2w, A2b)

if __name__ == "__main__":
    import jax
    _d = setup_inputs()
    print(jax.jit(kernel)(*tuple(_d.values())))

</pallas_src>

<mosaic_0001>
#map = affine_map<(d0, d1) -> (0)>
#map1 = affine_map<(d0, d1) -> (0, 0)>
#map2 = affine_map<(d0, d1) -> (0, 0, 0)>
module attributes {stable_mosaic.version = 14 : i64} {
  func.func @_row_conv_body(%arg0: i32, %arg1: i32, %arg2: memref<327680xi32, #tpu.memory_space<hbm>>, %arg3: memref<327680xi32, #tpu.memory_space<hbm>>, %arg4: memref<327680xf32, #tpu.memory_space<hbm>>, %arg5: memref<10000x16xf32, #tpu.memory_space<hbm>>, %arg6: memref<2x10000x16xf32, #tpu.memory_space<hbm>>, %arg7: memref<10000x16xf32, #tpu.memory_space<vmem_shared>>, %arg8: memref<512xi32, #tpu.memory_space<vmem>>, %arg9: memref<512xi32, #tpu.memory_space<vmem>>, %arg10: memref<512xf32, #tpu.memory_space<vmem>>, %arg11: memref<512xi32, #tpu.memory_space<vmem>>, %arg12: memref<512xi32, #tpu.memory_space<vmem>>, %arg13: memref<512xf32, #tpu.memory_space<vmem>>, %arg14: memref<512x16xf32, #tpu.memory_space<vmem>>, %arg15: memref<512x16xf32, #tpu.memory_space<vmem>>, %arg16: memref<640x16xf32, #tpu.memory_space<vmem>>, %arg17: memref<!tpu.dma_semaphore, #tpu.memory_space<semaphore_mem>>, %arg18: memref<!tpu.dma_semaphore, #tpu.memory_space<semaphore_mem>>, %arg19: memref<!tpu.dma_semaphore, #tpu.memory_space<semaphore_mem>>, %arg20: memref<!tpu.dma_semaphore, #tpu.memory_space<semaphore_mem>>) attributes {dimension_semantics = [#tpu.dimension_semantics<core_parallel>, #tpu.dimension_semantics<subcore_parallel>], iteration_bounds = array<i64: 2, 16>, scalar_prefetch = 0 : i64, scratch_operands = 14 : i64, tpu.core_type = #tpu.core_type<sc_vector_subcore>, window_params = [{transform_indices = #map}, {transform_indices = #map}, {transform_indices = #map}, {transform_indices = #map1}, {transform_indices = #map2}]} {
    %mul3A = arith.constant 16 : i32
    %mul3A_0 = arith.muli %arg0, %mul3A : i32
    %add3A = arith.addi %mul3A_0, %arg1 : i32
    %mul3A_1 = arith.constant 10240 : i32
    %mul3A_2 = arith.muli %add3A, %mul3A_1 : i32
    %scan3A = arith.constant 0 : i32
    %scan3A_3 = arith.constant 0 : i32
    %scan3A_4 = arith.constant 640 : i32
    %scan3A_5 = arith.addi %scan3A_3, %scan3A_4 : i32
    %scan3A_6 = arith.constant 1 : i32
    %scan3A_7 = scf.for %scan3A_60 = %scan3A_3 to %scan3A_5 step %scan3A_6 iter_args(%scan3A_61 = %scan3A) -> (i32)  : i32 {
      %broadcast_in_dim3A = arith.constant 0.000000e+00 : f32
      %broadcast_in_dim3A_62 = vector.broadcast %broadcast_in_dim3A : f32 to vector<16xf32>
      %swap3A = arith.index_cast %scan3A_60 : i32 to index
      %swap3A_63 = arith.constant 0 : index
      %swap3A_64 = tpu.vector_load %arg16[%swap3A, %swap3A_63] {strides = array<i32>} : memref<640x16xf32, #tpu.memory_space<vmem>>, vector<16xf32>,
      tpu.vector_store %arg16[%swap3A, %swap3A_63], %broadcast_in_dim3A_62 {strides = array<i32>} : memref<640x16xf32, #tpu.memory_space<vmem>>, vector<16xf32>,
      %scan3A_65 = arith.constant 0 : i32
      scf.yield %scan3A_65 : i32
    }
    %scan3A_8 = arith.constant 640 : i32
    %lt3A = arith.constant 15 : i32
    %lt3A_9 = arith.cmpi slt, %arg1, %lt3A : i32
    %convert_element_type3A = arith.extui %lt3A_9 : i1 to i32
    %cond3A = arith.constant 0 : i32
    %cond3A_10 = arith.cmpi ne, %convert_element_type3A, %cond3A : i32
    scf.if %cond3A_10 {
      %mul3A_60 = arith.constant 640 : i32
      %mul3A_61 = arith.muli %arg1, %mul3A_60 : i32
      "tpu.region"() ({
        %run_scoped3A = tpu.sem_alloc : memref<!tpu.dma_semaphore, #tpu.memory_space<semaphore_mem>>
        %dma_start3A_62 = arith.constant 0 : i32
        %dma_start3A_63 = tpu.memref_slice %arg7[%mul3A_61, %dma_start3A_62] : memref<10000x16xf32, #tpu.memory_space<vmem_shared>> -> memref<640x16xf32, #tpu.memory_space<vmem_shared>>
        %dma_start3A_64 = arith.constant 0 : i32
        %dma_start3A_65 = tpu.memref_slice %arg7[%mul3A_61, %dma_start3A_64] : memref<10000x16xf32, #tpu.memory_space<vmem_shared>> -> memref<640x16xf32, #tpu.memory_space<vmem_shared>>
        tpu.enqueue_dma source(%arg16 : memref<640x16xf32, #tpu.memory_space<vmem>>) target(%dma_start3A_65 : memref<640x16xf32, #tpu.memory_space<vmem_shared>>) target_semaphore(%run_scoped3A : memref<!tpu.dma_semaphore, #tpu.memory_space<semaphore_mem>>)
        %dma_wait3A_66 = arith.constant 0 : i32
        %dma_wait3A_67 = tpu.memref_slice %arg7[%mul3A_61, %dma_wait3A_66] : memref<10000x16xf32, #tpu.memory_space<vmem_shared>> -> memref<640x16xf32, #tpu.memory_space<vmem_shared>>
        %dma_wait3A_68 = arith.constant 0 : i32
        %dma_wait3A_69 = tpu.memref_slice %arg7[%mul3A_61, %dma_wait3A_68] : memref<10000x16xf32, #tpu.memory_space<vmem_shared>> -> memref<640x16xf32, #tpu.memory_space<vmem_shared>>
        tpu.wait_dma2 semaphore(%run_scoped3A : memref<!tpu.dma_semaphore, #tpu.memory_space<semaphore_mem>>) src(%arg16 : memref<640x16xf32, #tpu.memory_space<vmem>>) dst(%dma_wait3A_69 : memref<640x16xf32, #tpu.memory_space<vmem_shared>>)
        tpu.yield
      }) : () -> ()
    } else {
    }
    %eq3A = arith.constant 15 : i32
    %eq3A_11 = arith.cmpi eq, %arg1, %eq3A : i32
    %convert_element_type3A_12 = arith.extui %eq3A_11 : i1 to i32
    %cond3A_13 = arith.constant 0 : i32
    %cond3A_14 = arith.cmpi ne, %convert_element_type3A_12, %cond3A_13 : i32
    scf.if %cond3A_14 {
      "tpu.region"() ({
        %run_scoped3A = tpu.sem_alloc : memref<!tpu.dma_semaphore, #tpu.memory_space<semaphore_mem>>
        %dma_start3A_60 = arith.constant 0 : i32
        %dma_start3A_61 = arith.constant 0 : i32
        %dma_start3A_62 = tpu.memref_slice %arg16[%dma_start3A_60, %dma_start3A_61] : memref<640x16xf32, #tpu.memory_space<vmem>> -> memref<400x16xf32, #tpu.memory_space<vmem>>
        %dma_start3A_63 = arith.constant 9600 : i32
        %dma_start3A_64 = arith.constant 0 : i32
        %dma_start3A_65 = tpu.memref_slice %arg7[%dma_start3A_63, %dma_start3A_64] : memref<10000x16xf32, #tpu.memory_space<vmem_shared>> -> memref<400x16xf32, #tpu.memory_space<vmem_shared>>
        %dma_start3A_66 = arith.constant 9600 : i32
        %dma_start3A_67 = arith.constant 0 : i32
        %dma_start3A_68 = tpu.memref_slice %arg7[%dma_start3A_66, %dma_start3A_67] : memref<10000x16xf32, #tpu.memory_space<vmem_shared>> -> memref<400x16xf32, #tpu.memory_space<vmem_shared>>
        %dma_start3A_69 = arith.constant 0 : i32
        %dma_start3A_70 = arith.constant 0 : i32
        %dma_start3A_71 = tpu.memref_slice %arg16[%dma_start3A_69, %dma_start3A_70] : memref<640x16xf32, #tpu.memory_space<vmem>> -> memref<400x16xf32, #tpu.memory_space<vmem>>
        tpu.enqueue_dma source(%dma_start3A_71 : memref<400x16xf32, #tpu.memory_space<vmem>>) target(%dma_start3A_68 : memref<400x16xf32, #tpu.memory_space<vmem_shared>>) target_semaphore(%run_scoped3A : memref<!tpu.dma_semaphore, #tpu.memory_space<semaphore_mem>>)
        %dma_wait3A_72 = arith.constant 0 : i32
        %dma_wait3A_73 = arith.constant 0 : i32
        %dma_wait3A_74 = tpu.memref_slice %arg16[%dma_wait3A_72, %dma_wait3A_73] : memref<640x16xf32, #tpu.memory_space<vmem>> -> memref<400x16xf32, #tpu.memory_space<vmem>>
        %dma_wait3A_75 = arith.constant 9600 : i32
        %dma_wait3A_76 = arith.constant 0 : i32
        %dma_wait3A_77 = tpu.memref_slice %arg7[%dma_wait3A_75, %dma_wait3A_76] : memref<10000x16xf32, #tpu.memory_space<vmem_shared>> -> memref<400x16xf32, #tpu.memory_space<vmem_shared>>
        %dma_wait3A_78 = arith.constant 9600 : i32
        %dma_wait3A_79 = arith.constant 0 : i32
        %dma_wait3A_80 = tpu.memref_slice %arg7[%dma_wait3A_78, %dma_wait3A_79] : memref<10000x16xf32, #tpu.memory_space<vmem_shared>> -> memref<400x16xf32, #tpu.memory_space<vmem_shared>>
        %dma_wait3A_81 = arith.constant 0 : i32
        %dma_wait3A_82 = arith.constant 0 : i32
        %dma_wait3A_83 = tpu.memref_slice %arg16[%dma_wait3A_81, %dma_wait3A_82] : memref<640x16xf32, #tpu.memory_space<vmem>> -> memref<400x16xf32, #tpu.memory_space<vmem>>
        tpu.wait_dma2 semaphore(%run_scoped3A : memref<!tpu.dma_semaphore, #tpu.memory_space<semaphore_mem>>) src(%dma_wait3A_83 : memref<400x16xf32, #tpu.memory_space<vmem>>) dst(%dma_wait3A_80 : memref<400x16xf32, #tpu.memory_space<vmem_shared>>)
        tpu.yield
      }) : () -> ()
    } else {
    }
    %barrier3A = arith.constant 0 : index
    tpu.barrier barrier_id(%barrier3A)
    %iota3A = tpu.iota {dimensions = array<i32: 0>} : vector<16xi32>
    %add3A_15 = arith.constant 0 : i32
    %add3A_16 = arith.addi %mul3A_2, %add3A_15 : i32
    %multiple_of3A = tpu.assume_multiple %add3A_16, 8 : i32
    %dma_start3A = tpu.memref_slice %arg2[%multiple_of3A] : memref<327680xi32, #tpu.memory_space<hbm>> -> memref<512xi32, #tpu.memory_space<hbm>>
    %dma_start3A_17 = tpu.memref_slice %arg2[%multiple_of3A] : memref<327680xi32, #tpu.memory_space<hbm>> -> memref<512xi32, #tpu.memory_space<hbm>>
    tpu.enqueue_dma source(%dma_start3A_17 : memref<512xi32, #tpu.memory_space<hbm>>) target(%arg8 : memref<512xi32, #tpu.memory_space<vmem>>) target_semaphore(%arg17 : memref<!tpu.dma_semaphore, #tpu.memory_space<semaphore_mem>>)
    %dma_start3A_18 = tpu.memref_slice %arg3[%multiple_of3A] : memref<327680xi32, #tpu.memory_space<hbm>> -> memref<512xi32, #tpu.memory_space<hbm>>
    %dma_start3A_19 = tpu.memref_slice %arg3[%multiple_of3A] : memref<327680xi32, #tpu.memory_space<hbm>> -> memref<512xi32, #tpu.memory_space<hbm>>
    tpu.enqueue_dma source(%dma_start3A_19 : memref<512xi32, #tpu.memory_space<hbm>>) target(%arg9 : memref<512xi32, #tpu.memory_space<vmem>>) target_semaphore(%arg17 : memref<!tpu.dma_semaphore, #tpu.memory_space<semaphore_mem>>)
    %dma_start3A_20 = tpu.memref_slice %arg4[%multiple_of3A] : memref<327680xf32, #tpu.memory_space<hbm>> -> memref<512xf32, #tpu.memory_space<hbm>>
    %dma_start3A_21 = tpu.memref_slice %arg4[%multiple_of3A] : memref<327680xf32, #tpu.memory_space<hbm>> -> memref<512xf32, #tpu.memory_space<hbm>>
    tpu.enqueue_dma source(%dma_start3A_21 : memref<512xf32, #tpu.memory_space<hbm>>) target(%arg10 : memref<512xf32, #tpu.memory_space<vmem>>) target_semaphore(%arg17 : memref<!tpu.dma_semaphore, #tpu.memory_space<semaphore_mem>>)
    %add3A_22 = arith.constant 0 : i32
    %add3A_23 = arith.addi %mul3A_2, %add3A_22 : i32
    %multiple_of3A_24 = tpu.assume_multiple %add3A_23, 8 : i32
    %dma_wait3A = tpu.memref_slice %arg2[%multiple_of3A_24] : memref<327680xi32, #tpu.memory_space<hbm>> -> memref<512xi32, #tpu.memory_space<hbm>>
    %dma_wait3A_25 = tpu.memref_slice %arg2[%multiple_of3A_24] : memref<327680xi32, #tpu.memory_space<hbm>> -> memref<512xi32, #tpu.memory_space<hbm>>
    tpu.wait_dma2 semaphore(%arg17 : memref<!tpu.dma_semaphore, #tpu.memory_space<semaphore_mem>>) src(%dma_wait3A_25 : memref<512xi32, #tpu.memory_space<hbm>>) dst(%arg8 : memref<512xi32, #tpu.memory_space<vmem>>)
    %dma_wait3A_26 = tpu.memref_slice %arg3[%multiple_of3A_24] : memref<327680xi32, #tpu.memory_space<hbm>> -> memref<512xi32, #tpu.memory_space<hbm>>
    %dma_wait3A_27 = tpu.memref_slice %arg3[%multiple_of3A_24] : memref<327680xi32, #tpu.memory_space<hbm>> -> memref<512xi32, #tpu.memory_space<hbm>>
    tpu.wait_dma2 semaphore(%arg17 : memref<!tpu.dma_semaphore, #tpu.memory_space<semaphore_mem>>) src(%dma_wait3A_27 : memref<512xi32, #tpu.memory_space<hbm>>) dst(%arg9 : memref<512xi32, #tpu.memory_space<vmem>>)
    %dma_wait3A_28 = tpu.memref_slice %arg4[%multiple_of3A_24] : memref<327680xf32, #tpu.memory_space<hbm>> -> memref<512xf32, #tpu.memory_space<hbm>>
    %dma_wait3A_29 = tpu.memref_slice %arg4[%multiple_of3A_24] : memref<327680xf32, #tpu.memory_space<hbm>> -> memref<512xf32, #tpu.memory_space<hbm>>
    tpu.wait_dma2 semaphore(%arg17 : memref<!tpu.dma_semaphore, #tpu.memory_space<semaphore_mem>>) src(%dma_wait3A_29 : memref<512xf32, #tpu.memory_space<hbm>>) dst(%arg10 : memref<512xf32, #tpu.memory_space<vmem>>)
    %dma_start3A_30 = arith.constant 0 : i32
    %dma_start3A_31 = arith.constant 0 : i32
    %dma_start3A_32 = tpu.memref_slice %arg5[%dma_start3A_30, %dma_start3A_31] : memref<10000x16xf32, #tpu.memory_space<hbm>> -> memref<10000x16xf32, #tpu.memory_space<hbm>>
    tpu.enqueue_indirect_dma source(%dma_start3A_32 : memref<10000x16xf32, #tpu.memory_space<hbm>>) target(%arg14 : memref<512x16xf32, #tpu.memory_space<vmem>>) offsets(%arg8 : memref<512xi32, #tpu.memory_space<vmem>>) semaphore(%arg19 : memref<!tpu.dma_semaphore, #tpu.memory_space<semaphore_mem>>)
    %add3A_33 = arith.constant 512 : i32
    %add3A_34 = arith.addi %mul3A_2, %add3A_33 : i32
    %multiple_of3A_35 = tpu.assume_multiple %add3A_34, 8 : i32
    %dma_start3A_36 = tpu.memref_slice %arg2[%multiple_of3A_35] : memref<327680xi32, #tpu.memory_space<hbm>> -> memref<512xi32, #tpu.memory_space<hbm>>
    %dma_start3A_37 = tpu.memref_slice %arg2[%multiple_of3A_35] : memref<327680xi32, #tpu.memory_space<hbm>> -> memref<512xi32, #tpu.memory_space<hbm>>
    tpu.enqueue_dma source(%dma_start3A_37 : memref<512xi32, #tpu.memory_space<hbm>>) target(%arg11 : memref<512xi32, #tpu.memory_space<vmem>>) target_semaphore(%arg18 : memref<!tpu.dma_semaphore, #tpu.memory_space<semaphore_mem>>)
    %dma_start3A_38 = tpu.memref_slice %arg3[%multiple_of3A_35] : memref<327680xi32, #tpu.memory_space<hbm>> -> memref<512xi32, #tpu.memory_space<hbm>>
    %dma_start3A_39 = tpu.memref_slice %arg3[%multiple_of3A_35] : memref<327680xi32, #tpu.memory_space<hbm>> -> memref<512xi32, #tpu.memory_space<hbm>>
    tpu.enqueue_dma source(%dma_start3A_39 : memref<512xi32, #tpu.memory_space<hbm>>) target(%arg12 : memref<512xi32, #tpu.memory_space<vmem>>) target_semaphore(%arg18 : memref<!tpu.dma_semaphore, #tpu.memory_space<semaphore_mem>>)
    %dma_start3A_40 = tpu.memref_slice %arg4[%multiple_of3A_35] : memref<327680xf32, #tpu.memory_space<hbm>> -> memref<512xf32, #tpu.memory_space<hbm>>
    %dma_start3A_41 = tpu.memref_slice %arg4[%multiple_of3A_35] : memref<327680xf32, #tpu.memory_space<hbm>> -> memref<512xf32, #tpu.memory_space<hbm>>
    tpu.enqueue_dma source(%dma_start3A_41 : memref<512xf32, #tpu.memory_space<hbm>>) target(%arg13 : memref<512xf32, #tpu.memory_space<vmem>>) target_semaphore(%arg18 : memref<!tpu.dma_semaphore, #tpu.memory_space<semaphore_mem>>)
    %scan3A_42 = arith.constant 0 : i32
    %scan3A_43 = arith.constant 0 : i32
    %scan3A_44 = arith.constant 10 : i32
    %scan3A_45 = arith.addi %scan3A_43, %scan3A_44 : i32
    %scan3A_46 = arith.constant 1 : i32
    %scan3A_47 = scf.for %scan3A_60 = %scan3A_43 to %scan3A_45 step %scan3A_46 iter_args(%scan3A_61 = %scan3A_42) -> (i32)  : i32 {
      %mul3A_62 = arith.constant 2 : i32
      %mul3A_63 = arith.muli %mul3A_62, %scan3A_60 : i32
      %add3A_64 = arith.constant 1 : i32
      %add3A_65 = arith.addi %mul3A_63, %add3A_64 : i32
      %mul3A_66 = arith.constant 512 : i32
      %mul3A_67 = arith.muli %add3A_65, %mul3A_66 : i32
      %add3A_68 = arith.addi %mul3A_2, %mul3A_67 : i32
      %multiple_of3A_69 = tpu.assume_multiple %add3A_68, 8 : i32
      %dma_wait3A_70 = tpu.memref_slice %arg2[%multiple_of3A_69] : memref<327680xi32, #tpu.memory_space<hbm>> -> memref<512xi32, #tpu.memory_space<hbm>>
      %dma_wait3A_71 = tpu.memref_slice %arg2[%multiple_of3A_69] : memref<327680xi32, #tpu.memory_space<hbm>> -> memref<512xi32, #tpu.memory_space<hbm>>
      tpu.wait_dma2 semaphore(%arg18 : memref<!tpu.dma_semaphore, #tpu.memory_space<semaphore_mem>>) src(%dma_wait3A_71 : memref<512xi32, #tpu.memory_space<hbm>>) dst(%arg11 : memref<512xi32, #tpu.memory_space<vmem>>)
      %dma_wait3A_72 = tpu.memref_slice %arg3[%multiple_of3A_69] : memref<327680xi32, #tpu.memory_space<hbm>> -> memref<512xi32, #tpu.memory_space<hbm>>
      %dma_wait3A_73 = tpu.memref_slice %arg3[%multiple_of3A_69] : memref<327680xi32, #tpu.memory_space<hbm>> -> memref<512xi32, #tpu.memory_space<hbm>>
      tpu.wait_dma2 semaphore(%arg18 : memref<!tpu.dma_semaphore, #tpu.memory_space<semaphore_mem>>) src(%dma_wait3A_73 : memref<512xi32, #tpu.memory_space<hbm>>) dst(%arg12 : memref<512xi32, #tpu.memory_space<vmem>>)
      %dma_wait3A_74 = tpu.memref_slice %arg4[%multiple_of3A_69] : memref<327680xf32, #tpu.memory_space<hbm>> -> memref<512xf32, #tpu.memory_space<hbm>>
      %dma_wait3A_75 = tpu.memref_slice %arg4[%multiple_of3A_69] : memref<327680xf32, #tpu.memory_space<hbm>> -> memref<512xf32, #tpu.memory_space<hbm>>
      tpu.wait_dma2 semaphore(%arg18 : memref<!tpu.dma_semaphore, #tpu.memory_space<semaphore_mem>>) src(%dma_wait3A_75 : memref<512xf32, #tpu.memory_space<hbm>>) dst(%arg13 : memref<512xf32, #tpu.memory_space<vmem>>)
      %dma_start3A_76 = arith.constant 0 : i32
      %dma_start3A_77 = arith.constant 0 : i32
      %dma_start3A_78 = tpu.memref_slice %arg5[%dma_start3A_76, %dma_start3A_77] : memref<10000x16xf32, #tpu.memory_space<hbm>> -> memref<10000x16xf32, #tpu.memory_space<hbm>>
      tpu.enqueue_indirect_dma source(%dma_start3A_78 : memref<10000x16xf32, #tpu.memory_space<hbm>>) target(%arg15 : memref<512x16xf32, #tpu.memory_space<vmem>>) offsets(%arg11 : memref<512xi32, #tpu.memory_space<vmem>>) semaphore(%arg20 : memref<!tpu.dma_semaphore, #tpu.memory_space<semaphore_mem>>)
      %dma_wait3A_79 = arith.constant 0 : i32
      %dma_wait3A_80 = arith.constant 0 : i32
      %dma_wait3A_81 = tpu.memref_slice %arg5[%dma_wait3A_79, %dma_wait3A_80] : memref<10000x16xf32, #tpu.memory_space<hbm>> -> memref<10000x16xf32, #tpu.memory_space<hbm>>
      tpu.wait_indirect_dma semaphore(%arg19 : memref<!tpu.dma_semaphore, #tpu.memory_space<semaphore_mem>>) src(%dma_wait3A_81 : memref<10000x16xf32, #tpu.memory_space<hbm>>) dst(%arg14 : memref<512x16xf32, #tpu.memory_space<vmem>>)
      %scan3A_82 = arith.constant 0 : i32
      %scan3A_83 = arith.constant 0 : i32
      %scan3A_84 = arith.constant 32 : i32
      %scan3A_85 = arith.addi %scan3A_83, %scan3A_84 : i32
      %scan3A_86 = arith.constant 1 : i32
      %scan3A_87 = scf.for %scan3A_121 = %scan3A_83 to %scan3A_85 step %scan3A_86 iter_args(%scan3A_122 = %scan3A_82) -> (i32)  : i32 {
        %mul3A_123 = arith.constant 16 : i32
        %mul3A_124 = arith.muli %scan3A_121, %mul3A_123 : i32
        %get3A = arith.index_cast %mul3A_124 : i32 to index
        %get3A_125 = tpu.vector_load %arg10[%get3A] {strides = array<i32>} : memref<512xf32, #tpu.memory_space<vmem>>, vector<16xf32>,
        %mul3A_126 = arith.constant 16 : i32
        %mul3A_127 = arith.muli %scan3A_121, %mul3A_126 : i32
        %add3A_128 = vector.broadcast %mul3A_127 : i32 to vector<16xi32>
        %add3A_129 = arith.addi %iota3A, %add3A_128 : vector<16xi32>
        %broadcast_in_dim3A = arith.constant 0 : i32
        %broadcast_in_dim3A_130 = vector.broadcast %broadcast_in_dim3A : i32 to vector<16xi32>
        %gather3A = tpu.vector_load_idx %arg14[%add3A_129, %broadcast_in_dim3A_130] : memref<512x16xf32, #tpu.memory_space<vmem>>[vector<16xi32>, vector<16xi32>], vector<16xf32>,
        %mul3A_131 = arith.mulf %gather3A, %get3A_125 : vector<16xf32>
        tpu.vector_store_idx %arg14[%add3A_129, %broadcast_in_dim3A_130], %mul3A_131 : memref<512x16xf32, #tpu.memory_space<vmem>>[vector<16xi32>, vector<16xi32>], vector<16xf32>,
        %broadcast_in_dim3A_132 = arith.constant 1 : i32
        %broadcast_in_dim3A_133 = vector.broadcast %broadcast_in_dim3A_132 : i32 to vector<16xi32>
        %gather3A_134 = tpu.vector_load_idx %arg14[%add3A_129, %broadcast_in_dim3A_133] : memref<512x16xf32, #tpu.memory_space<vmem>>[vector<16xi32>, vector<16xi32>], vector<16xf32>,
        %mul3A_135 = arith.mulf %gather3A_134, %get3A_125 : vector<16xf32>
        tpu.vector_store_idx %arg14[%add3A_129, %broadcast_in_dim3A_133], %mul3A_135 : memref<512x16xf32, #tpu.memory_space<vmem>>[vector<16xi32>, vector<16xi32>], vector<16xf32>,
        %broadcast_in_dim3A_136 = arith.constant 2 : i32
        %broadcast_in_dim3A_137 = vector.broadcast %broadcast_in_dim3A_136 : i32 to vector<16xi32>
        %gather3A_138 = tpu.vector_load_idx %arg14[%add3A_129, %broadcast_in_dim3A_137] : memref<512x16xf32, #tpu.memory_space<vmem>>[vector<16xi32>, vector<16xi32>], vector<16xf32>,
        %mul3A_139 = arith.mulf %gather3A_138, %get3A_125 : vector<16xf32>
        tpu.vector_store_idx %arg14[%add3A_129, %broadcast_in_dim3A_137], %mul3A_139 : memref<512x16xf32, #tpu.memory_space<vmem>>[vector<16xi32>, vector<16xi32>], vector<16xf32>,
        %broadcast_in_dim3A_140 = arith.constant 3 : i32
        %broadcast_in_dim3A_141 = vector.broadcast %broadcast_in_dim3A_140 : i32 to vector<16xi32>
        %gather3A_142 = tpu.vector_load_idx %arg14[%add3A_129, %broadcast_in_dim3A_141] : memref<512x16xf32, #tpu.memory_space<vmem>>[vector<16xi32>, vector<16xi32>], vector<16xf32>,
        %mul3A_143 = arith.mulf %gather3A_142, %get3A_125 : vector<16xf32>
        tpu.vector_store_idx %arg14[%add3A_129, %broadcast_in_dim3A_141], %mul3A_143 : memref<512x16xf32, #tpu.memory_space<vmem>>[vector<16xi32>, vector<16xi32>], vector<16xf32>,
        %broadcast_in_dim3A_144 = arith.constant 4 : i32
        %broadcast_in_dim3A_145 = vector.broadcast %broadcast_in_dim3A_144 : i32 to vector<16xi32>
        %gather3A_146 = tpu.vector_load_idx %arg14[%add3A_129, %broadcast_in_dim3A_145] : memref<512x16xf32, #tpu.memory_space<vmem>>[vector<16xi32>, vector<16xi32>], vector<16xf32>,
        %mul3A_147 = arith.mulf %gather3A_146, %get3A_125 : vector<16xf32>
        tpu.vector_store_idx %arg14[%add3A_129, %broadcast_in_dim3A_145], %mul3A_147 : memref<512x16xf32, #tpu.memory_space<vmem>>[vector<16xi32>, vector<16xi32>], vector<16xf32>,
        %broadcast_in_dim3A_148 = arith.constant 5 : i32
        %broadcast_in_dim3A_149 = vector.broadcast %broadcast_in_dim3A_148 : i32 to vector<16xi32>
        %gather3A_150 = tpu.vector_load_idx %arg14[%add3A_129, %broadcast_in_dim3A_149] : memref<512x16xf32, #tpu.memory_space<vmem>>[vector<16xi32>, vector<16xi32>], vector<16xf32>,
        %mul3A_151 = arith.mulf %gather3A_150, %get3A_125 : vector<16xf32>
        tpu.vector_store_idx %arg14[%add3A_129, %broadcast_in_dim3A_149], %mul3A_151 : memref<512x16xf32, #tpu.memory_space<vmem>>[vector<16xi32>, vector<16xi32>], vector<16xf32>,
        %broadcast_in_dim3A_152 = arith.constant 6 : i32
        %broadcast_in_dim3A_153 = vector.broadcast %broadcast_in_dim3A_152 : i32 to vector<16xi32>
        %gather3A_154 = tpu.vector_load_idx %arg14[%add3A_129, %broadcast_in_dim3A_153] : memref<512x16xf32, #tpu.memory_space<vmem>>[vector<16xi32>, vector<16xi32>], vector<16xf32>,
        %mul3A_155 = arith.mulf %gather3A_154, %get3A_125 : vector<16xf32>
        tpu.vector_store_idx %arg14[%add3A_129, %broadcast_in_dim3A_153], %mul3A_155 : memref<512x16xf32, #tpu.memory_space<vmem>>[vector<16xi32>, vector<16xi32>], vector<16xf32>,
        %broadcast_in_dim3A_156 = arith.constant 7 : i32
        %broadcast_in_dim3A_157 = vector.broadcast %broadcast_in_dim3A_156 : i32 to vector<16xi32>
        %gather3A_158 = tpu.vector_load_idx %arg14[%add3A_129, %broadcast_in_dim3A_157] : memref<512x16xf32, #tpu.memory_space<vmem>>[vector<16xi32>, vector<16xi32>], vector<16xf32>,
        %mul3A_159 = arith.mulf %gather3A_158, %get3A_125 : vector<16xf32>
        tpu.vector_store_idx %arg14[%add3A_129, %broadcast_in_dim3A_157], %mul3A_159 : memref<512x16xf32, #tpu.memory_space<vmem>>[vector<16xi32>, vector<16xi32>], vector<16xf32>,
        %broadcast_in_dim3A_160 = arith.constant 8 : i32
        %broadcast_in_dim3A_161 = vector.broadcast %broadcast_in_dim3A_160 : i32 to vector<16xi32>
        %gather3A_162 = tpu.vector_load_idx %arg14[%add3A_129, %broadcast_in_dim3A_161] : memref<512x16xf32, #tpu.memory_space<vmem>>[vector<16xi32>, vector<16xi32>], vector<16xf32>,
        %mul3A_163 = arith.mulf %gather3A_162, %get3A_125 : vector<16xf32>
        tpu.vector_store_idx %arg14[%add3A_129, %broadcast_in_dim3A_161], %mul3A_163 : memref<512x16xf32, #tpu.memory_space<vmem>>[vector<16xi32>, vector<16xi32>], vector<16xf32>,
        %broadcast_in_dim3A_164 = arith.constant 9 : i32
        %broadcast_in_dim3A_165 = vector.broadcast %broadcast_in_dim3A_164 : i32 to vector<16xi32>
        %gather3A_166 = tpu.vector_load_idx %arg14[%add3A_129, %broadcast_in_dim3A_165] : memref<512x16xf32, #tpu.memory_space<vmem>>[vector<16xi32>, vector<16xi32>], vector<16xf32>,
        %mul3A_167 = arith.mulf %gather3A_166, %get3A_125 : vector<16xf32>
        tpu.vector_store_idx %arg14[%add3A_129, %broadcast_in_dim3A_165], %mul3A_167 : memref<512x16xf32, #tpu.memory_space<vmem>>[vector<16xi32>, vector<16xi32>], vector<16xf32>,
        %broadcast_in_dim3A_168 = arith.constant 10 : i32
        %broadcast_in_dim3A_169 = vector.broadcast %broadcast_in_dim3A_168 : i32 to vector<16xi32>
        %gather3A_170 = tpu.vector_load_idx %arg14[%add3A_129, %broadcast_in_dim3A_169] : memref<512x16xf32, #tpu.memory_space<vmem>>[vector<16xi32>, vector<16xi32>], vector<16xf32>,
        %mul3A_171 = arith.mulf %gather3A_170, %get3A_125 : vector<16xf32>
        tpu.vector_store_idx %arg14[%add3A_129, %broadcast_in_dim3A_169], %mul3A_171 : memref<512x16xf32, #tpu.memory_space<vmem>>[vector<16xi32>, vector<16xi32>], vector<16xf32>,
        %broadcast_in_dim3A_172 = arith.constant 11 : i32
        %broadcast_in_dim3A_173 = vector.broadcast %broadcast_in_dim3A_172 : i32 to vector<16xi32>
        %gather3A_174 = tpu.vector_load_idx %arg14[%add3A_129, %broadcast_in_dim3A_173] : memref<512x16xf32, #tpu.memory_space<vmem>>[vector<16xi32>, vector<16xi32>], vector<16xf32>,
        %mul3A_175 = arith.mulf %gather3A_174, %get3A_125 : vector<16xf32>
        tpu.vector_store_idx %arg14[%add3A_129, %broadcast_in_dim3A_173], %mul3A_175 : memref<512x16xf32, #tpu.memory_space<vmem>>[vector<16xi32>, vector<16xi32>], vector<16xf32>,
        %broadcast_in_dim3A_176 = arith.constant 12 : i32
        %broadcast_in_dim3A_177 = vector.broadcast %broadcast_in_dim3A_176 : i32 to vector<16xi32>
        %gather3A_178 = tpu.vector_load_idx %arg14[%add3A_129, %broadcast_in_dim3A_177] : memref<512x16xf32, #tpu.memory_space<vmem>>[vector<16xi32>, vector<16xi32>], vector<16xf32>,
        %mul3A_179 = arith.mulf %gather3A_178, %get3A_125 : vector<16xf32>
        tpu.vector_store_idx %arg14[%add3A_129, %broadcast_in_dim3A_177], %mul3A_179 : memref<512x16xf32, #tpu.memory_space<vmem>>[vector<16xi32>, vector<16xi32>], vector<16xf32>,
        %broadcast_in_dim3A_180 = arith.constant 13 : i32
        %broadcast_in_dim3A_181 = vector.broadcast %broadcast_in_dim3A_180 : i32 to vector<16xi32>
        %gather3A_182 = tpu.vector_load_idx %arg14[%add3A_129, %broadcast_in_dim3A_181] : memref<512x16xf32, #tpu.memory_space<vmem>>[vector<16xi32>, vector<16xi32>], vector<16xf32>,
        %mul3A_183 = arith.mulf %gather3A_182, %get3A_125 : vector<16xf32>
        tpu.vector_store_idx %arg14[%add3A_129, %broadcast_in_dim3A_181], %mul3A_183 : memref<512x16xf32, #tpu.memory_space<vmem>>[vector<16xi32>, vector<16xi32>], vector<16xf32>,
        %broadcast_in_dim3A_184 = arith.constant 14 : i32
        %broadcast_in_dim3A_185 = vector.broadcast %broadcast_in_dim3A_184 : i32 to vector<16xi32>
        %gather3A_186 = tpu.vector_load_idx %arg14[%add3A_129, %broadcast_in_dim3A_185] : memref<512x16xf32, #tpu.memory_space<vmem>>[vector<16xi32>, vector<16xi32>], vector<16xf32>,
        %mul3A_187 = arith.mulf %gather3A_186, %get3A_125 : vector<16xf32>
        tpu.vector_store_idx %arg14[%add3A_129, %broadcast_in_dim3A_185], %mul3A_187 : memref<512x16xf32, #tpu.memory_space<vmem>>[vector<16xi32>, vector<16xi32>], vector<16xf32>,
        %broadcast_in_dim3A_188 = arith.constant 15 : i32
        %broadcast_in_dim3A_189 = vector.broadcast %broadcast_in_dim3A_188 : i32 to vector<16xi32>
        %gather3A_190 = tpu.vector_load_idx %arg14[%add3A_129, %broadcast_in_dim3A_189] : memref<512x16xf32, #tpu.memory_space<vmem>>[vector<16xi32>, vector<16xi32>], vector<16xf32>,
        %mul3A_191 = arith.mulf %gather3A_190, %get3A_125 : vector<16xf32>
        tpu.vector_store_idx %arg14[%add3A_129, %broadcast_in_dim3A_189], %mul3A_191 : memref<512x16xf32, #tpu.memory_space<vmem>>[vector<16xi32>, vector<16xi32>], vector<16xf32>,
        %scan3A_192 = arith.constant 0 : i32
        scf.yield %scan3A_192 : i32
      }
      %scan3A_88 = arith.constant 32 : i32
      "tpu.region"() ({
        %run_scoped3A = tpu.sem_alloc : memref<!tpu.dma_semaphore, #tpu.memory_space<semaphore_mem>>
        %dma_start3A_121 = arith.constant 0 : i32
        %dma_start3A_122 = arith.constant 0 : i32
        %dma_start3A_123 = tpu.memref_slice %arg7[%dma_start3A_121, %dma_start3A_122] : memref<10000x16xf32, #tpu.memory_space<vmem_shared>> -> memref<10000x16xf32, #tpu.memory_space<vmem_shared>>
        tpu.enqueue_indirect_dma source(%arg14 : memref<512x16xf32, #tpu.memory_space<vmem>>) target(%dma_start3A_123 : memref<10000x16xf32, #tpu.memory_space<vmem_shared>>) offsets(%arg9 : memref<512xi32, #tpu.memory_space<vmem>>) semaphore(%run_scoped3A : memref<!tpu.dma_semaphore, #tpu.memory_space<semaphore_mem>>) {add = true}
        %dma_wait3A_124 = arith.constant 0 : i32
        %dma_wait3A_125 = arith.constant 0 : i32
        %dma_wait3A_126 = tpu.memref_slice %arg7[%dma_wait3A_124, %dma_wait3A_125] : memref<10000x16xf32, #tpu.memory_space<vmem_shared>> -> memref<10000x16xf32, #tpu.memory_space<vmem_shared>>
        tpu.wait_indirect_dma semaphore(%run_scoped3A : memref<!tpu.dma_semaphore, #tpu.memory_space<semaphore_mem>>) src(%arg14 : memref<512x16xf32, #tpu.memory_space<vmem>>) dst(%dma_wait3A_126 : memref<10000x16xf32, #tpu.memory_space<vmem_shared>>)
        tpu.yield
      }) : () -> ()
      %add3A_89 = arith.constant 2 : i32
      %add3A_90 = arith.addi %mul3A_63, %add3A_89 : i32
      %lt3A_91 = arith.constant 20 : i32
      %lt3A_92 = arith.cmpi slt, %add3A_90, %lt3A_91 : i32
      %convert_element_type3A_93 = arith.extui %lt3A_92 : i1 to i32
      %cond3A_94 = arith.constant 0 : i32
      %cond3A_95 = arith.cmpi ne, %convert_element_type3A_93, %cond3A_94 : i32
      scf.if %cond3A_95 {
        %add3A_121 = arith.constant 2 : i32
        %add3A_122 = arith.addi %mul3A_63, %add3A_121 : i32
        %mul3A_123 = arith.constant 512 : i32
        %mul3A_124 = arith.muli %add3A_122, %mul3A_123 : i32
        %add3A_125 = arith.addi %mul3A_2, %mul3A_124 : i32
        %multiple_of3A_126 = tpu.assume_multiple %add3A_125, 8 : i32
        %dma_start3A_127 = tpu.memref_slice %arg2[%multiple_of3A_126] : memref<327680xi32, #tpu.memory_space<hbm>> -> memref<512xi32, #tpu.memory_space<hbm>>
        %dma_start3A_128 = tpu.memref_slice %arg2[%multiple_of3A_126] : memref<327680xi32, #tpu.memory_space<hbm>> -> memref<512xi32, #tpu.memory_space<hbm>>
        tpu.enqueue_dma source(%dma_start3A_128 : memref<512xi32, #tpu.memory_space<hbm>>) target(%arg8 : memref<512xi32, #tpu.memory_space<vmem>>) target_semaphore(%arg17 : memref<!tpu.dma_semaphore, #tpu.memory_space<semaphore_mem>>)
        %dma_start3A_129 = tpu.memref_slice %arg3[%multiple_of3A_126] : memref<327680xi32, #tpu.memory_space<hbm>> -> memref<512xi32, #tpu.memory_space<hbm>>
        %dma_start3A_130 = tpu.memref_slice %arg3[%multiple_of3A_126] : memref<327680xi32, #tpu.memory_space<hbm>> -> memref<512xi32, #tpu.memory_space<hbm>>
        tpu.enqueue_dma source(%dma_start3A_130 : memref<512xi32, #tpu.memory_space<hbm>>) target(%arg9 : memref<512xi32, #tpu.memory_space<vmem>>) target_semaphore(%arg17 : memref<!tpu.dma_semaphore, #tpu.memory_space<semaphore_mem>>)
        %dma_start3A_131 = tpu.memref_slice %arg4[%multiple_of3A_126] : memref<327680xf32, #tpu.memory_space<hbm>> -> memref<512xf32, #tpu.memory_space<hbm>>
        %dma_start3A_132 = tpu.memref_slice %arg4[%multiple_of3A_126] : memref<327680xf32, #tpu.memory_space<hbm>> -> memref<512xf32, #tpu.memory_space<hbm>>
        tpu.enqueue_dma source(%dma_start3A_132 : memref<512xf32, #tpu.memory_space<hbm>>) target(%arg10 : memref<512xf32, #tpu.memory_space<vmem>>) target_semaphore(%arg17 : memref<!tpu.dma_semaphore, #tpu.memory_space<semaphore_mem>>)
      } else {
      }
      %add3A_96 = arith.constant 2 : i32
      %add3A_97 = arith.addi %mul3A_63, %add3A_96 : i32
      %lt3A_98 = arith.constant 20 : i32
      %lt3A_99 = arith.cmpi slt, %add3A_97, %lt3A_98 : i32
      %convert_element_type3A_100 = arith.extui %lt3A_99 : i1 to i32
      %cond3A_101 = arith.constant 0 : i32
      %cond3A_102 = arith.cmpi ne, %convert_element_type3A_100, %cond3A_101 : i32
      scf.if %cond3A_102 {
        %add3A_121 = arith.constant 2 : i32
        %add3A_122 = arith.addi %mul3A_63, %add3A_121 : i32
        %mul3A_123 = arith.constant 512 : i32
        %mul3A_124 = arith.muli %add3A_122, %mul3A_123 : i32
        %add3A_125 = arith.addi %mul3A_2, %mul3A_124 : i32
        %multiple_of3A_126 = tpu.assume_multiple %add3A_125, 8 : i32
        %dma_wait3A_127 = tpu.memref_slice %arg2[%multiple_of3A_126] : memref<327680xi32, #tpu.memory_space<hbm>> -> memref<512xi32, #tpu.memory_space<hbm>>
        %dma_wait3A_128 = tpu.memref_slice %arg2[%multiple_of3A_126] : memref<327680xi32, #tpu.memory_space<hbm>> -> memref<512xi32, #tpu.memory_space<hbm>>
        tpu.wait_dma2 semaphore(%arg17 : memref<!tpu.dma_semaphore, #tpu.memory_space<semaphore_mem>>) src(%dma_wait3A_128 : memref<512xi32, #tpu.memory_space<hbm>>) dst(%arg8 : memref<512xi32, #tpu.memory_space<vmem>>)
        %dma_wait3A_129 = tpu.memref_slice %arg3[%multiple_of3A_126] : memref<327680xi32, #tpu.memory_space<hbm>> -> memref<512xi32, #tpu.memory_space<hbm>>
        %dma_wait3A_130 = tpu.memref_slice %arg3[%multiple_of3A_126] : memref<327680xi32, #tpu.memory_space<hbm>> -> memref<512xi32, #tpu.memory_space<hbm>>
        tpu.wait_dma2 semaphore(%arg17 : memref<!tpu.dma_semaphore, #tpu.memory_space<semaphore_mem>>) src(%dma_wait3A_130 : memref<512xi32, #tpu.memory_space<hbm>>) dst(%arg9 : memref<512xi32, #tpu.memory_space<vmem>>)
        %dma_wait3A_131 = tpu.memref_slice %arg4[%multiple_of3A_126] : memref<327680xf32, #tpu.memory_space<hbm>> -> memref<512xf32, #tpu.memory_space<hbm>>
        %dma_wait3A_132 = tpu.memref_slice %arg4[%multiple_of3A_126] : memref<327680xf32, #tpu.memory_space<hbm>> -> memref<512xf32, #tpu.memory_space<hbm>>
        tpu.wait_dma2 semaphore(%arg17 : memref<!tpu.dma_semaphore, #tpu.memory_space<semaphore_mem>>) src(%dma_wait3A_132 : memref<512xf32, #tpu.memory_space<hbm>>) dst(%arg10 : memref<512xf32, #tpu.memory_space<vmem>>)
        %dma_start3A_133 = arith.constant 0 : i32
        %dma_start3A_134 = arith.constant 0 : i32
        %dma_start3A_135 = tpu.memref_slice %arg5[%dma_start3A_133, %dma_start3A_134] : memref<10000x16xf32, #tpu.memory_space<hbm>> -> memref<10000x16xf32, #tpu.memory_space<hbm>>
        tpu.enqueue_indirect_dma source(%dma_start3A_135 : memref<10000x16xf32, #tpu.memory_space<hbm>>) target(%arg14 : memref<512x16xf32, #tpu.memory_space<vmem>>) offsets(%arg8 : memref<512xi32, #tpu.memory_space<vmem>>) semaphore(%arg19 : memref<!tpu.dma_semaphore, #tpu.memory_space<semaphore_mem>>)
      } else {
      }
      %dma_wait3A_103 = arith.constant 0 : i32
      %dma_wait3A_104 = arith.constant 0 : i32
      %dma_wait3A_105 = tpu.memref_slice %arg5[%dma_wait3A_103, %dma_wait3A_104] : memref<10000x16xf32, #tpu.memory_space<hbm>> -> memref<10000x16xf32, #tpu.memory_space<hbm>>
      tpu.wait_indirect_dma semaphore(%arg20 : memref<!tpu.dma_semaphore, #tpu.memory_space<semaphore_mem>>) src(%dma_wait3A_105 : memref<10000x16xf32, #tpu.memory_space<hbm>>) dst(%arg15 : memref<512x16xf32, #tpu.memory_space<vmem>>)
      %scan3A_106 = arith.constant 0 : i32
      %scan3A_107 = arith.constant 0 : i32
      %scan3A_108 = arith.constant 32 : i32
      %scan3A_109 = arith.addi %scan3A_107, %scan3A_108 : i32
      %scan3A_110 = arith.constant 1 : i32
      %scan3A_111 = scf.for %scan3A_121 = %scan3A_107 to %scan3A_109 step %scan3A_110 iter_args(%scan3A_122 = %scan3A_106) -> (i32)  : i32 {
        %mul3A_123 = arith.constant 16 : i32
        %mul3A_124 = arith.muli %scan3A_121, %mul3A_123 : i32
        %get3A = arith.index_cast %mul3A_124 : i32 to index
        %get3A_125 = tpu.vector_load %arg13[%get3A] {strides = array<i32>} : memref<512xf32, #tpu.memory_space<vmem>>, vector<16xf32>,
        %mul3A_126 = arith.constant 16 : i32
        %mul3A_127 = arith.muli %scan3A_121, %mul3A_126 : i32
        %add3A_128 = vector.broadcast %mul3A_127 : i32 to vector<16xi32>
        %add3A_129 = arith.addi %iota3A, %add3A_128 : vector<16xi32>
        %broadcast_in_dim3A = arith.constant 0 : i32
        %broadcast_in_dim3A_130 = vector.broadcast %broadcast_in_dim3A : i32 to vector<16xi32>
        %gather3A = tpu.vector_load_idx %arg15[%add3A_129, %broadcast_in_dim3A_130] : memref<512x16xf32, #tpu.memory_space<vmem>>[vector<16xi32>, vector<16xi32>], vector<16xf32>,
        %mul3A_131 = arith.mulf %gather3A, %get3A_125 : vector<16xf32>
        tpu.vector_store_idx %arg15[%add3A_129, %broadcast_in_dim3A_130], %mul3A_131 : memref<512x16xf32, #tpu.memory_space<vmem>>[vector<16xi32>, vector<16xi32>], vector<16xf32>,
        %broadcast_in_dim3A_132 = arith.constant 1 : i32
        %broadcast_in_dim3A_133 = vector.broadcast %broadcast_in_dim3A_132 : i32 to vector<16xi32>
        %gather3A_134 = tpu.vector_load_idx %arg15[%add3A_129, %broadcast_in_dim3A_133] : memref<512x16xf32, #tpu.memory_space<vmem>>[vector<16xi32>, vector<16xi32>], vector<16xf32>,
        %mul3A_135 = arith.mulf %gather3A_134, %get3A_125 : vector<16xf32>
        tpu.vector_store_idx %arg15[%add3A_129, %broadcast_in_dim3A_133], %mul3A_135 : memref<512x16xf32, #tpu.memory_space<vmem>>[vector<16xi32>, vector<16xi32>], vector<16xf32>,
        %broadcast_in_dim3A_136 = arith.constant 2 : i32
        %broadcast_in_dim3A_137 = vector.broadcast %broadcast_in_dim3A_136 : i32 to vector<16xi32>
        %gather3A_138 = tpu.vector_load_idx %arg15[%add3A_129, %broadcast_in_dim3A_137] : memref<512x16xf32, #tpu.memory_space<vmem>>[vector<16xi32>, vector<16xi32>], vector<16xf32>,
        %mul3A_139 = arith.mulf %gather3A_138, %get3A_125 : vector<16xf32>
        tpu.vector_store_idx %arg15[%add3A_129, %broadcast_in_dim3A_137], %mul3A_139 : memref<512x16xf32, #tpu.memory_space<vmem>>[vector<16xi32>, vector<16xi32>], vector<16xf32>,
        %broadcast_in_dim3A_140 = arith.constant 3 : i32
        %broadcast_in_dim3A_141 = vector.broadcast %broadcast_in_dim3A_140 : i32 to vector<16xi32>
        %gather3A_142 = tpu.vector_load_idx %arg15[%add3A_129, %broadcast_in_dim3A_141] : memref<512x16xf32, #tpu.memory_space<vmem>>[vector<16xi32>, vector<16xi32>], vector<16xf32>,
        %mul3A_143 = arith.mulf %gather3A_142, %get3A_125 : vector<16xf32>
        tpu.vector_store_idx %arg15[%add3A_129, %broadcast_in_dim3A_141], %mul3A_143 : memref<512x16xf32, #tpu.memory_space<vmem>>[vector<16xi32>, vector<16xi32>], vector<16xf32>,
        %broadcast_in_dim3A_144 = arith.constant 4 : i32
        %broadcast_in_dim3A_145 = vector.broadcast %broadcast_in_dim3A_144 : i32 to vector<16xi32>
        %gather3A_146 = tpu.vector_load_idx %arg15[%add3A_129, %broadcast_in_dim3A_145] : memref<512x16xf32, #tpu.memory_space<vmem>>[vector<16xi32>, vector<16xi32>], vector<16xf32>,
        %mul3A_147 = arith.mulf %gather3A_146, %get3A_125 : vector<16xf32>
        tpu.vector_store_idx %arg15[%add3A_129, %broadcast_in_dim3A_145], %mul3A_147 : memref<512x16xf32, #tpu.memory_space<vmem>>[vector<16xi32>, vector<16xi32>], vector<16xf32>,
        %broadcast_in_dim3A_148 = arith.constant 5 : i32
        %broadcast_in_dim3A_149 = vector.broadcast %broadcast_in_dim3A_148 : i32 to vector<16xi32>
        %gather3A_150 = tpu.vector_load_idx %arg15[%add3A_129, %broadcast_in_dim3A_149] : memref<512x16xf32, #tpu.memory_space<vmem>>[vector<16xi32>, vector<16xi32>], vector<16xf32>,
        %mul3A_151 = arith.mulf %gather3A_150, %get3A_125 : vector<16xf32>
        tpu.vector_store_idx %arg15[%add3A_129, %broadcast_in_dim3A_149], %mul3A_151 : memref<512x16xf32, #tpu.memory_space<vmem>>[vector<16xi32>, vector<16xi32>], vector<16xf32>,
        %broadcast_in_dim3A_152 = arith.constant 6 : i32
        %broadcast_in_dim3A_153 = vector.broadcast %broadcast_in_dim3A_152 : i32 to vector<16xi32>
        %gather3A_154 = tpu.vector_load_idx %arg15[%add3A_129, %broadcast_in_dim3A_153] : memref<512x16xf32, #tpu.memory_space<vmem>>[vector<16xi32>, vector<16xi32>], vector<16xf32>,
        %mul3A_155 = arith.mulf %gather3A_154, %get3A_125 : vector<16xf32>
        tpu.vector_store_idx %arg15[%add3A_129, %broadcast_in_dim3A_153], %mul3A_155 : memref<512x16xf32, #tpu.memory_space<vmem>>[vector<16xi32>, vector<16xi32>], vector<16xf32>,
        %broadcast_in_dim3A_156 = arith.constant 7 : i32
        %broadcast_in_dim3A_157 = vector.broadcast %broadcast_in_dim3A_156 : i32 to vector<16xi32>
        %gather3A_158 = tpu.vector_load_idx %arg15[%add3A_129, %broadcast_in_dim3A_157] : memref<512x16xf32, #tpu.memory_space<vmem>>[vector<16xi32>, vector<16xi32>], vector<16xf32>,
        %mul3A_159 = arith.mulf %gather3A_158, %get3A_125 : vector<16xf32>
        tpu.vector_store_idx %arg15[%add3A_129, %broadcast_in_dim3A_157], %mul3A_159 : memref<512x16xf32, #tpu.memory_space<vmem>>[vector<16xi32>, vector<16xi32>], vector<16xf32>,
        %broadcast_in_dim3A_160 = arith.constant 8 : i32
        %broadcast_in_dim3A_161 = vector.broadcast %broadcast_in_dim3A_160 : i32 to vector<16xi32>
        %gather3A_162 = tpu.vector_load_idx %arg15[%add3A_129, %broadcast_in_dim3A_161] : memref<512x16xf32, #tpu.memory_space<vmem>>[vector<16xi32>, vector<16xi32>], vector<16xf32>,
        %mul3A_163 = arith.mulf %gather3A_162, %get3A_125 : vector<16xf32>
        tpu.vector_store_idx %arg15[%add3A_129, %broadcast_in_dim3A_161], %mul3A_163 : memref<512x16xf32, #tpu.memory_space<vmem>>[vector<16xi32>, vector<16xi32>], vector<16xf32>,
        %broadcast_in_dim3A_164 = arith.constant 9 : i32
        %broadcast_in_dim3A_165 = vector.broadcast %broadcast_in_dim3A_164 : i32 to vector<16xi32>
        %gather3A_166 = tpu.vector_load_idx %arg15[%add3A_129, %broadcast_in_dim3A_165] : memref<512x16xf32, #tpu.memory_space<vmem>>[vector<16xi32>, vector<16xi32>], vector<16xf32>,
        %mul3A_167 = arith.mulf %gather3A_166, %get3A_125 : vector<16xf32>
        tpu.vector_store_idx %arg15[%add3A_129, %broadcast_in_dim3A_165], %mul3A_167 : memref<512x16xf32, #tpu.memory_space<vmem>>[vector<16xi32>, vector<16xi32>], vector<16xf32>,
        %broadcast_in_dim3A_168 = arith.constant 10 : i32
        %broadcast_in_dim3A_169 = vector.broadcast %broadcast_in_dim3A_168 : i32 to vector<16xi32>
        %gather3A_170 = tpu.vector_load_idx %arg15[%add3A_129, %broadcast_in_dim3A_169] : memref<512x16xf32, #tpu.memory_space<vmem>>[vector<16xi32>, vector<16xi32>], vector<16xf32>,
        %mul3A_171 = arith.mulf %gather3A_170, %get3A_125 : vector<16xf32>
        tpu.vector_store_idx %arg15[%add3A_129, %broadcast_in_dim3A_169], %mul3A_171 : memref<512x16xf32, #tpu.memory_space<vmem>>[vector<16xi32>, vector<16xi32>], vector<16xf32>,
        %broadcast_in_dim3A_172 = arith.constant 11 : i32
        %broadcast_in_dim3A_173 = vector.broadcast %broadcast_in_dim3A_172 : i32 to vector<16xi32>
        %gather3A_174 = tpu.vector_load_idx %arg15[%add3A_129, %broadcast_in_dim3A_173] : memref<512x16xf32, #tpu.memory_space<vmem>>[vector<16xi32>, vector<16xi32>], vector<16xf32>,
        %mul3A_175 = arith.mulf %gather3A_174, %get3A_125 : vector<16xf32>
        tpu.vector_store_idx %arg15[%add3A_129, %broadcast_in_dim3A_173], %mul3A_175 : memref<512x16xf32, #tpu.memory_space<vmem>>[vector<16xi32>, vector<16xi32>], vector<16xf32>,
        %broadcast_in_dim3A_176 = arith.constant 12 : i32
        %broadcast_in_dim3A_177 = vector.broadcast %broadcast_in_dim3A_176 : i32 to vector<16xi32>
        %gather3A_178 = tpu.vector_load_idx %arg15[%add3A_129, %broadcast_in_dim3A_177] : memref<512x16xf32, #tpu.memory_space<vmem>>[vector<16xi32>, vector<16xi32>], vector<16xf32>,
        %mul3A_179 = arith.mulf %gather3A_178, %get3A_125 : vector<16xf32>
        tpu.vector_store_idx %arg15[%add3A_129, %broadcast_in_dim3A_177], %mul3A_179 : memref<512x16xf32, #tpu.memory_space<vmem>>[vector<16xi32>, vector<16xi32>], vector<16xf32>,
        %broadcast_in_dim3A_180 = arith.constant 13 : i32
        %broadcast_in_dim3A_181 = vector.broadcast %broadcast_in_dim3A_180 : i32 to vector<16xi32>
        %gather3A_182 = tpu.vector_load_idx %arg15[%add3A_129, %broadcast_in_dim3A_181] : memref<512x16xf32, #tpu.memory_space<vmem>>[vector<16xi32>, vector<16xi32>], vector<16xf32>,
        %mul3A_183 = arith.mulf %gather3A_182, %get3A_125 : vector<16xf32>
        tpu.vector_store_idx %arg15[%add3A_129, %broadcast_in_dim3A_181], %mul3A_183 : memref<512x16xf32, #tpu.memory_space<vmem>>[vector<16xi32>, vector<16xi32>], vector<16xf32>,
        %broadcast_in_dim3A_184 = arith.constant 14 : i32
        %broadcast_in_dim3A_185 = vector.broadcast %broadcast_in_dim3A_184 : i32 to vector<16xi32>
        %gather3A_186 = tpu.vector_load_idx %arg15[%add3A_129, %broadcast_in_dim3A_185] : memref<512x16xf32, #tpu.memory_space<vmem>>[vector<16xi32>, vector<16xi32>], vector<16xf32>,
        %mul3A_187 = arith.mulf %gather3A_186, %get3A_125 : vector<16xf32>
        tpu.vector_store_idx %arg15[%add3A_129, %broadcast_in_dim3A_185], %mul3A_187 : memref<512x16xf32, #tpu.memory_space<vmem>>[vector<16xi32>, vector<16xi32>], vector<16xf32>,
        %broadcast_in_dim3A_188 = arith.constant 15 : i32
        %broadcast_in_dim3A_189 = vector.broadcast %broadcast_in_dim3A_188 : i32 to vector<16xi32>
        %gather3A_190 = tpu.vector_load_idx %arg15[%add3A_129, %broadcast_in_dim3A_189] : memref<512x16xf32, #tpu.memory_space<vmem>>[vector<16xi32>, vector<16xi32>], vector<16xf32>,
        %mul3A_191 = arith.mulf %gather3A_190, %get3A_125 : vector<16xf32>
        tpu.vector_store_idx %arg15[%add3A_129, %broadcast_in_dim3A_189], %mul3A_191 : memref<512x16xf32, #tpu.memory_space<vmem>>[vector<16xi32>, vector<16xi32>], vector<16xf32>,
        %scan3A_192 = arith.constant 0 : i32
        scf.yield %scan3A_192 : i32
      }
      %scan3A_112 = arith.constant 32 : i32
      "tpu.region"() ({
        %run_scoped3A = tpu.sem_alloc : memref<!tpu.dma_semaphore, #tpu.memory_space<semaphore_mem>>
        %dma_start3A_121 = arith.constant 0 : i32
        %dma_start3A_122 = arith.constant 0 : i32
        %dma_start3A_123 = tpu.memref_slice %arg7[%dma_start3A_121, %dma_start3A_122] : memref<10000x16xf32, #tpu.memory_space<vmem_shared>> -> memref<10000x16xf32, #tpu.memory_space<vmem_shared>>
        tpu.enqueue_indirect_dma source(%arg15 : memref<512x16xf32, #tpu.memory_space<vmem>>) target(%dma_start3A_123 : memref<10000x16xf32, #tpu.memory_space<vmem_shared>>) offsets(%arg12 : memref<512xi32, #tpu.memory_space<vmem>>) semaphore(%run_scoped3A : memref<!tpu.dma_semaphore, #tpu.memory_space<semaphore_mem>>) {add = true}
        %dma_wait3A_124 = arith.constant 0 : i32
        %dma_wait3A_125 = arith.constant 0 : i32
        %dma_wait3A_126 = tpu.memref_slice %arg7[%dma_wait3A_124, %dma_wait3A_125] : memref<10000x16xf32, #tpu.memory_space<vmem_shared>> -> memref<10000x16xf32, #tpu.memory_space<vmem_shared>>
        tpu.wait_indirect_dma semaphore(%run_scoped3A : memref<!tpu.dma_semaphore, #tpu.memory_space<semaphore_mem>>) src(%arg15 : memref<512x16xf32, #tpu.memory_space<vmem>>) dst(%dma_wait3A_126 : memref<10000x16xf32, #tpu.memory_space<vmem_shared>>)
        tpu.yield
      }) : () -> ()
      %add3A_113 = arith.constant 3 : i32
      %add3A_114 = arith.addi %mul3A_63, %add3A_113 : i32
      %lt3A_115 = arith.constant 20 : i32
      %lt3A_116 = arith.cmpi slt, %add3A_114, %lt3A_115 : i32
      %convert_element_type3A_117 = arith.extui %lt3A_116 : i1 to i32
      %cond3A_118 = arith.constant 0 : i32
      %cond3A_119 = arith.cmpi ne, %convert_element_type3A_117, %cond3A_118 : i32
      scf.if %cond3A_119 {
        %add3A_121 = arith.constant 3 : i32
        %add3A_122 = arith.addi %mul3A_63, %add3A_121 : i32
        %mul3A_123 = arith.constant 512 : i32
        %mul3A_124 = arith.muli %add3A_122, %mul3A_123 : i32
        %add3A_125 = arith.addi %mul3A_2, %mul3A_124 : i32
        %multiple_of3A_126 = tpu.assume_multiple %add3A_125, 8 : i32
        %dma_start3A_127 = tpu.memref_slice %arg2[%multiple_of3A_126] : memref<327680xi32, #tpu.memory_space<hbm>> -> memref<512xi32, #tpu.memory_space<hbm>>
        %dma_start3A_128 = tpu.memref_slice %arg2[%multiple_of3A_126] : memref<327680xi32, #tpu.memory_space<hbm>> -> memref<512xi32, #tpu.memory_space<hbm>>
        tpu.enqueue_dma source(%dma_start3A_128 : memref<512xi32, #tpu.memory_space<hbm>>) target(%arg11 : memref<512xi32, #tpu.memory_space<vmem>>) target_semaphore(%arg18 : memref<!tpu.dma_semaphore, #tpu.memory_space<semaphore_mem>>)
        %dma_start3A_129 = tpu.memref_slice %arg3[%multiple_of3A_126] : memref<327680xi32, #tpu.memory_space<hbm>> -> memref<512xi32, #tpu.memory_space<hbm>>
        %dma_start3A_130 = tpu.memref_slice %arg3[%multiple_of3A_126] : memref<327680xi32, #tpu.memory_space<hbm>> -> memref<512xi32, #tpu.memory_space<hbm>>
        tpu.enqueue_dma source(%dma_start3A_130 : memref<512xi32, #tpu.memory_space<hbm>>) target(%arg12 : memref<512xi32, #tpu.memory_space<vmem>>) target_semaphore(%arg18 : memref<!tpu.dma_semaphore, #tpu.memory_space<semaphore_mem>>)
        %dma_start3A_131 = tpu.memref_slice %arg4[%multiple_of3A_126] : memref<327680xf32, #tpu.memory_space<hbm>> -> memref<512xf32, #tpu.memory_space<hbm>>
        %dma_start3A_132 = tpu.memref_slice %arg4[%multiple_of3A_126] : memref<327680xf32, #tpu.memory_space<hbm>> -> memref<512xf32, #tpu.memory_space<hbm>>
        tpu.enqueue_dma source(%dma_start3A_132 : memref<512xf32, #tpu.memory_space<hbm>>) target(%arg13 : memref<512xf32, #tpu.memory_space<vmem>>) target_semaphore(%arg18 : memref<!tpu.dma_semaphore, #tpu.memory_space<semaphore_mem>>)
      } else {
      }
      %scan3A_120 = arith.constant 0 : i32
      scf.yield %scan3A_120 : i32
    }
    %scan3A_48 = arith.constant 10 : i32
    %barrier3A_49 = arith.constant 0 : index
    tpu.barrier barrier_id(%barrier3A_49)
    %lt3A_50 = arith.constant 15 : i32
    %lt3A_51 = arith.cmpi slt, %arg1, %lt3A_50 : i32
    %convert_element_type3A_52 = arith.extui %lt3A_51 : i1 to i32
    %cond3A_53 = arith.constant 0 : i32
    %cond3A_54 = arith.cmpi ne, %convert_element_type3A_52, %cond3A_53 : i32
    scf.if %cond3A_54 {
      %mul3A_60 = arith.constant 640 : i32
      %mul3A_61 = arith.muli %arg1, %mul3A_60 : i32
      "tpu.region"() ({
        %run_scoped3A = tpu.sem_alloc : memref<!tpu.dma_semaphore, #tpu.memory_space<semaphore_mem>>
        %dma_start3A_64 = arith.constant 0 : i32
        %dma_start3A_65 = tpu.memref_slice %arg7[%mul3A_61, %dma_start3A_64] : memref<10000x16xf32, #tpu.memory_space<vmem_shared>> -> memref<640x16xf32, #tpu.memory_space<vmem_shared>>
        %dma_start3A_66 = arith.constant 0 : i32
        %dma_start3A_67 = tpu.memref_slice %arg7[%mul3A_61, %dma_start3A_66] : memref<10000x16xf32, #tpu.memory_space<vmem_shared>> -> memref<640x16xf32, #tpu.memory_space<vmem_shared>>
        tpu.enqueue_dma source(%dma_start3A_67 : memref<640x16xf32, #tpu.memory_space<vmem_shared>>) target(%arg16 : memref<640x16xf32, #tpu.memory_space<vmem>>) target_semaphore(%run_scoped3A : memref<!tpu.dma_semaphore, #tpu.memory_space<semaphore_mem>>)
        %dma_wait3A_68 = arith.constant 0 : i32
        %dma_wait3A_69 = tpu.memref_slice %arg7[%mul3A_61, %dma_wait3A_68] : memref<10000x16xf32, #tpu.memory_space<vmem_shared>> -> memref<640x16xf32, #tpu.memory_space<vmem_shared>>
        %dma_wait3A_70 = arith.constant 0 : i32
        %dma_wait3A_71 = tpu.memref_slice %arg7[%mul3A_61, %dma_wait3A_70] : memref<10000x16xf32, #tpu.memory_space<vmem_shared>> -> memref<640x16xf32, #tpu.memory_space<vmem_shared>>
        tpu.wait_dma2 semaphore(%run_scoped3A : memref<!tpu.dma_semaphore, #tpu.memory_space<semaphore_mem>>) src(%dma_wait3A_71 : memref<640x16xf32, #tpu.memory_space<vmem_shared>>) dst(%arg16 : memref<640x16xf32, #tpu.memory_space<vmem>>)
        tpu.yield
      }) : () -> ()
      %mul3A_62 = arith.constant 640 : i32
      %mul3A_63 = arith.muli %arg1, %mul3A_62 : i32
      "tpu.region"() ({
        %run_scoped3A = tpu.sem_alloc : memref<!tpu.dma_semaphore, #tpu.memory_space<semaphore_mem>>
        %dma_start3A_64 = arith.constant 0 : i32
        %dma_start3A_65 = tpu.memref_slice %arg6[%arg0, %mul3A_63, %dma_start3A_64] : memref<2x10000x16xf32, #tpu.memory_space<hbm>> -> memref<1x640x16xf32, #tpu.memory_space<hbm>>
        %dma_start3A_66 = tpu.memref_squeeze %dma_start3A_65 : memref<1x640x16xf32, #tpu.memory_space<hbm>> -> memref<640x16xf32, #tpu.memory_space<hbm>>
        %dma_start3A_67 = arith.constant 0 : i32
        %dma_start3A_68 = tpu.memref_slice %arg6[%arg0, %mul3A_63, %dma_start3A_67] : memref<2x10000x16xf32, #tpu.memory_space<hbm>> -> memref<1x640x16xf32, #tpu.memory_space<hbm>>
        %dma_start3A_69 = tpu.memref_squeeze %dma_start3A_68 : memref<1x640x16xf32, #tpu.memory_space<hbm>> -> memref<640x16xf32, #tpu.memory_space<hbm>>
        tpu.enqueue_dma source(%arg16 : memref<640x16xf32, #tpu.memory_space<vmem>>) target(%dma_start3A_69 : memref<640x16xf32, #tpu.memory_space<hbm>>) target_semaphore(%run_scoped3A : memref<!tpu.dma_semaphore, #tpu.memory_space<semaphore_mem>>)
        %dma_wait3A_70 = arith.constant 0 : i32
        %dma_wait3A_71 = tpu.memref_slice %arg6[%arg0, %mul3A_63, %dma_wait3A_70] : memref<2x10000x16xf32, #tpu.memory_space<hbm>> -> memref<1x640x16xf32, #tpu.memory_space<hbm>>
        %dma_wait3A_72 = tpu.memref_squeeze %dma_wait3A_71 : memref<1x640x16xf32, #tpu.memory_space<hbm>> -> memref<640x16xf32, #tpu.memory_space<hbm>>
        %dma_wait3A_73 = arith.constant 0 : i32
        %dma_wait3A_74 = tpu.memref_slice %arg6[%arg0, %mul3A_63, %dma_wait3A_73] : memref<2x10000x16xf32, #tpu.memory_space<hbm>> -> memref<1x640x16xf32, #tpu.memory_space<hbm>>
        %dma_wait3A_75 = tpu.memref_squeeze %dma_wait3A_74 : memref<1x640x16xf32, #tpu.memory_space<hbm>> -> memref<640x16xf32, #tpu.memory_space<hbm>>
        tpu.wait_dma2 semaphore(%run_scoped3A : memref<!tpu.dma_semaphore, #tpu.memory_space<semaphore_mem>>) src(%arg16 : memref<640x16xf32, #tpu.memory_space<vmem>>) dst(%dma_wait3A_75 : memref<640x16xf32, #tpu.memory_space<hbm>>)
        tpu.yield
      }) : () -> ()
    } else {
    }
    %eq3A_55 = arith.constant 15 : i32
    %eq3A_56 = arith.cmpi eq, %arg1, %eq3A_55 : i32
    %convert_element_type3A_57 = arith.extui %eq3A_56 : i1 to i32
    %cond3A_58 = arith.constant 0 : i32
    %cond3A_59 = arith.cmpi ne, %convert_element_type3A_57, %cond3A_58 : i32
    scf.if %cond3A_59 {
      "tpu.region"() ({
        %run_scoped3A = tpu.sem_alloc : memref<!tpu.dma_semaphore, #tpu.memory_space<semaphore_mem>>
        %dma_start3A_60 = arith.constant 0 : i32
        %dma_start3A_61 = arith.constant 0 : i32
        %dma_start3A_62 = tpu.memref_slice %arg16[%dma_start3A_60, %dma_start3A_61] : memref<640x16xf32, #tpu.memory_space<vmem>> -> memref<400x16xf32, #tpu.memory_space<vmem>>
        %dma_start3A_63 = arith.constant 9600 : i32
        %dma_start3A_64 = arith.constant 0 : i32
        %dma_start3A_65 = tpu.memref_slice %arg7[%dma_start3A_63, %dma_start3A_64] : memref<10000x16xf32, #tpu.memory_space<vmem_shared>> -> memref<400x16xf32, #tpu.memory_space<vmem_shared>>
        %dma_start3A_66 = arith.constant 0 : i32
        %dma_start3A_67 = arith.constant 0 : i32
        %dma_start3A_68 = tpu.memref_slice %arg16[%dma_start3A_66, %dma_start3A_67] : memref<640x16xf32, #tpu.memory_space<vmem>> -> memref<400x16xf32, #tpu.memory_space<vmem>>
        %dma_start3A_69 = arith.constant 9600 : i32
        %dma_start3A_70 = arith.constant 0 : i32
        %dma_start3A_71 = tpu.memref_slice %arg7[%dma_start3A_69, %dma_start3A_70] : memref<10000x16xf32, #tpu.memory_space<vmem_shared>> -> memref<400x16xf32, #tpu.memory_space<vmem_shared>>
        tpu.enqueue_dma source(%dma_start3A_71 : memref<400x16xf32, #tpu.memory_space<vmem_shared>>) target(%dma_start3A_68 : memref<400x16xf32, #tpu.memory_space<vmem>>) target_semaphore(%run_scoped3A : memref<!tpu.dma_semaphore, #tpu.memory_space<semaphore_mem>>)
        %dma_wait3A_72 = arith.constant 0 : i32
        %dma_wait3A_73 = arith.constant 0 : i32
        %dma_wait3A_74 = tpu.memref_slice %arg16[%dma_wait3A_72, %dma_wait3A_73] : memref<640x16xf32, #tpu.memory_space<vmem>> -> memref<400x16xf32, #tpu.memory_space<vmem>>
        %dma_wait3A_75 = arith.constant 9600 : i32
        %dma_wait3A_76 = arith.constant 0 : i32
        %dma_wait3A_77 = tpu.memref_slice %arg7[%dma_wait3A_75, %dma_wait3A_76] : memref<10000x16xf32, #tpu.memory_space<vmem_shared>> -> memref<400x16xf32, #tpu.memory_space<vmem_shared>>
        %dma_wait3A_78 = arith.constant 0 : i32
        %dma_wait3A_79 = arith.constant 0 : i32
        %dma_wait3A_80 = tpu.memref_slice %arg16[%dma_wait3A_78, %dma_wait3A_79] : memref<640x16xf32, #tpu.memory_space<vmem>> -> memref<400x16xf32, #tpu.memory_space<vmem>>
        %dma_wait3A_81 = arith.constant 9600 : i32
        %dma_wait3A_82 = arith.constant 0 : i32
        %dma_wait3A_83 = tpu.memref_slice %arg7[%dma_wait3A_81, %dma_wait3A_82] : memref<10000x16xf32, #tpu.memory_space<vmem_shared>> -> memref<400x16xf32, #tpu.memory_space<vmem_shared>>
        tpu.wait_dma2 semaphore(%run_scoped3A : memref<!tpu.dma_semaphore, #tpu.memory_space<semaphore_mem>>) src(%dma_wait3A_83 : memref<400x16xf32, #tpu.memory_space<vmem_shared>>) dst(%dma_wait3A_80 : memref<400x16xf32, #tpu.memory_space<vmem>>)
        tpu.yield
      }) : () -> ()
      "tpu.region"() ({
        %run_scoped3A = tpu.sem_alloc : memref<!tpu.dma_semaphore, #tpu.memory_space<semaphore_mem>>
        %dma_start3A_60 = arith.constant 0 : i32
        %dma_start3A_61 = arith.constant 0 : i32
        %dma_start3A_62 = tpu.memref_slice %arg16[%dma_start3A_60, %dma_start3A_61] : memref<640x16xf32, #tpu.memory_space<vmem>> -> memref<400x16xf32, #tpu.memory_space<vmem>>
        %dma_start3A_63 = arith.constant 9600 : i32
        %dma_start3A_64 = arith.constant 0 : i32
        %dma_start3A_65 = tpu.memref_slice %arg6[%arg0, %dma_start3A_63, %dma_start3A_64] : memref<2x10000x16xf32, #tpu.memory_space<hbm>> -> memref<1x400x16xf32, #tpu.memory_space<hbm>>
        %dma_start3A_66 = tpu.memref_squeeze %dma_start3A_65 : memref<1x400x16xf32, #tpu.memory_space<hbm>> -> memref<400x16xf32, #tpu.memory_space<hbm>>
        %dma_start3A_67 = arith.constant 9600 : i32
        %dma_start3A_68 = arith.constant 0 : i32
        %dma_start3A_69 = tpu.memref_slice %arg6[%arg0, %dma_start3A_67, %dma_start3A_68] : memref<2x10000x16xf32, #tpu.memory_space<hbm>> -> memref<1x400x16xf32, #tpu.memory_space<hbm>>
        %dma_start3A_70 = tpu.memref_squeeze %dma_start3A_69 : memref<1x400x16xf32, #tpu.memory_space<hbm>> -> memref<400x16xf32, #tpu.memory_space<hbm>>
        %dma_start3A_71 = arith.constant 0 : i32
        %dma_start3A_72 = arith.constant 0 : i32
        %dma_start3A_73 = tpu.memref_slice %arg16[%dma_start3A_71, %dma_start3A_72] : memref<640x16xf32, #tpu.memory_space<vmem>> -> memref<400x16xf32, #tpu.memory_space<vmem>>
        tpu.enqueue_dma source(%dma_start3A_73 : memref<400x16xf32, #tpu.memory_space<vmem>>) target(%dma_start3A_70 : memref<400x16xf32, #tpu.memory_space<hbm>>) target_semaphore(%run_scoped3A : memref<!tpu.dma_semaphore, #tpu.memory_space<semaphore_mem>>)
        %dma_wait3A_74 = arith.constant 0 : i32
        %dma_wait3A_75 = arith.constant 0 : i32
        %dma_wait3A_76 = tpu.memref_slice %arg16[%dma_wait3A_74, %dma_wait3A_75] : memref<640x16xf32, #tpu.memory_space<vmem>> -> memref<400x16xf32, #tpu.memory_space<vmem>>
        %dma_wait3A_77 = arith.constant 9600 : i32
        %dma_wait3A_78 = arith.constant 0 : i32
        %dma_wait3A_79 = tpu.memref_slice %arg6[%arg0, %dma_wait3A_77, %dma_wait3A_78] : memref<2x10000x16xf32, #tpu.memory_space<hbm>> -> memref<1x400x16xf32, #tpu.memory_space<hbm>>
        %dma_wait3A_80 = tpu.memref_squeeze %dma_wait3A_79 : memref<1x400x16xf32, #tpu.memory_space<hbm>> -> memref<400x16xf32, #tpu.memory_space<hbm>>
        %dma_wait3A_81 = arith.constant 9600 : i32
        %dma_wait3A_82 = arith.constant 0 : i32
        %dma_wait3A_83 = tpu.memref_slice %arg6[%arg0, %dma_wait3A_81, %dma_wait3A_82] : memref<2x10000x16xf32, #tpu.memory_space<hbm>> -> memref<1x400x16xf32, #tpu.memory_space<hbm>>
        %dma_wait3A_84 = tpu.memref_squeeze %dma_wait3A_83 : memref<1x400x16xf32, #tpu.memory_space<hbm>> -> memref<400x16xf32, #tpu.memory_space<hbm>>
        %dma_wait3A_85 = arith.constant 0 : i32
        %dma_wait3A_86 = arith.constant 0 : i32
        %dma_wait3A_87 = tpu.memref_slice %arg16[%dma_wait3A_85, %dma_wait3A_86] : memref<640x16xf32, #tpu.memory_space<vmem>> -> memref<400x16xf32, #tpu.memory_space<vmem>>
        tpu.wait_dma2 semaphore(%run_scoped3A : memref<!tpu.dma_semaphore, #tpu.memory_space<semaphore_mem>>) src(%dma_wait3A_87 : memref<400x16xf32, #tpu.memory_space<vmem>>) dst(%dma_wait3A_84 : memref<400x16xf32, #tpu.memory_space<hbm>>)
        tpu.yield
      }) : () -> ()
    } else {
    }
    return
  }
}

#map = affine_map<(d0, d1) -> (0)>
#map1 = affine_map<(d0, d1) -> (0, 0)>
module attributes {stable_mosaic.version = 14 : i64} {
  func.func @_scalar_conv_body(%arg0: i32, %arg1: i32, %arg2: memref<327680xi32, #tpu.memory_space<hbm>>, %arg3: memref<327680xi32, #tpu.memory_space<hbm>>, %arg4: memref<327680xf32, #tpu.memory_space<hbm>>, %arg5: memref<10000xf32, #tpu.memory_space<hbm>>, %arg6: memref<2x10000xf32, #tpu.memory_space<hbm>>, %arg7: memref<10000xf32, #tpu.memory_space<vmem_shared>>, %arg8: memref<10000xf32, #tpu.memory_space<vmem>>, %arg9: memref<512xi32, #tpu.memory_space<vmem>>, %arg10: memref<512xi32, #tpu.memory_space<vmem>>, %arg11: memref<512xf32, #tpu.memory_space<vmem>>, %arg12: memref<512xi32, #tpu.memory_space<vmem>>, %arg13: memref<512xi32, #tpu.memory_space<vmem>>, %arg14: memref<512xf32, #tpu.memory_space<vmem>>, %arg15: memref<512xf32, #tpu.memory_space<vmem>>, %arg16: memref<512xf32, #tpu.memory_space<vmem>>, %arg17: memref<10000xf32, #tpu.memory_space<vmem>>, %arg18: memref<!tpu.dma_semaphore, #tpu.memory_space<semaphore_mem>>, %arg19: memref<!tpu.dma_semaphore, #tpu.memory_space<semaphore_mem>>) attributes {dimension_semantics = [#tpu.dimension_semantics<core_parallel>, #tpu.dimension_semantics<subcore_parallel>], iteration_bounds = array<i64: 2, 16>, scalar_prefetch = 0 : i64, scratch_operands = 13 : i64, tpu.core_type = #tpu.core_type<sc_vector_subcore>, window_params = [{transform_indices = #map}, {transform_indices = #map}, {transform_indices = #map}, {transform_indices = #map}, {transform_indices = #map1}]} {
    %mul3A = arith.constant 16 : i32
    %mul3A_0 = arith.muli %arg0, %mul3A : i32
    %add3A = arith.addi %mul3A_0, %arg1 : i32
    %mul3A_1 = arith.constant 10240 : i32
    %mul3A_2 = arith.muli %add3A, %mul3A_1 : i32
    "tpu.region"() ({
      %run_scoped3A = tpu.sem_alloc : memref<!tpu.dma_semaphore, #tpu.memory_space<semaphore_mem>>
      tpu.enqueue_dma source(%arg5 : memref<10000xf32, #tpu.memory_space<hbm>>) target(%arg8 : memref<10000xf32, #tpu.memory_space<vmem>>) target_semaphore(%run_scoped3A : memref<!tpu.dma_semaphore, #tpu.memory_space<semaphore_mem>>)
      tpu.wait_dma2 semaphore(%run_scoped3A : memref<!tpu.dma_semaphore, #tpu.memory_space<semaphore_mem>>) src(%arg5 : memref<10000xf32, #tpu.memory_space<hbm>>) dst(%arg8 : memref<10000xf32, #tpu.memory_space<vmem>>)
      tpu.yield
    }) : () -> ()
    %scan3A = arith.constant 0 : i32
    %scan3A_3 = arith.constant 0 : i32
    %scan3A_4 = arith.constant 40 : i32
    %scan3A_5 = arith.addi %scan3A_3, %scan3A_4 : i32
    %scan3A_6 = arith.constant 1 : i32
    %scan3A_7 = scf.for %scan3A_40 = %scan3A_3 to %scan3A_5 step %scan3A_6 iter_args(%scan3A_41 = %scan3A) -> (i32)  : i32 {
      %broadcast_in_dim3A = arith.constant 0.000000e+00 : f32
      %broadcast_in_dim3A_42 = vector.broadcast %broadcast_in_dim3A : f32 to vector<16xf32>
      %mul3A_43 = arith.constant 16 : i32
      %mul3A_44 = arith.muli %scan3A_40, %mul3A_43 : i32
      %swap3A = arith.index_cast %mul3A_44 : i32 to index
      %swap3A_45 = tpu.vector_load %arg17[%swap3A] {strides = array<i32>} : memref<10000xf32, #tpu.memory_space<vmem>>, vector<16xf32>,
      tpu.vector_store %arg17[%swap3A], %broadcast_in_dim3A_42 {strides = array<i32>} : memref<10000xf32, #tpu.memory_space<vmem>>, vector<16xf32>,
      %scan3A_46 = arith.constant 0 : i32
      scf.yield %scan3A_46 : i32
    }
    %scan3A_8 = arith.constant 40 : i32
    %lt3A = arith.constant 15 : i32
    %lt3A_9 = arith.cmpi slt, %arg1, %lt3A : i32
    %convert_element_type3A = arith.extui %lt3A_9 : i1 to i32
    %cond3A = arith.constant 0 : i32
    %cond3A_10 = arith.cmpi ne, %convert_element_type3A, %cond3A : i32
    scf.if %cond3A_10 {
      %mul3A_40 = arith.constant 640 : i32
      %mul3A_41 = arith.muli %arg1, %mul3A_40 : i32
      "tpu.region"() ({
        %run_scoped3A = tpu.sem_alloc : memref<!tpu.dma_semaphore, #tpu.memory_space<semaphore_mem>>
        %dma_start3A_42 = arith.constant 0 : i32
        %dma_start3A_43 = tpu.memref_slice %arg17[%dma_start3A_42] : memref<10000xf32, #tpu.memory_space<vmem>> -> memref<640xf32, #tpu.memory_space<vmem>>
        %dma_start3A_44 = tpu.memref_slice %arg7[%mul3A_41] : memref<10000xf32, #tpu.memory_space<vmem_shared>> -> memref<640xf32, #tpu.memory_space<vmem_shared>>
        %dma_start3A_45 = tpu.memref_slice %arg7[%mul3A_41] : memref<10000xf32, #tpu.memory_space<vmem_shared>> -> memref<640xf32, #tpu.memory_space<vmem_shared>>
        %dma_start3A_46 = arith.constant 0 : i32
        %dma_start3A_47 = tpu.memref_slice %arg17[%dma_start3A_46] : memref<10000xf32, #tpu.memory_space<vmem>> -> memref<640xf32, #tpu.memory_space<vmem>>
        tpu.enqueue_dma source(%dma_start3A_47 : memref<640xf32, #tpu.memory_space<vmem>>) target(%dma_start3A_45 : memref<640xf32, #tpu.memory_space<vmem_shared>>) target_semaphore(%run_scoped3A : memref<!tpu.dma_semaphore, #tpu.memory_space<semaphore_mem>>)
        %dma_wait3A = arith.constant 0 : i32
        %dma_wait3A_48 = tpu.memref_slice %arg17[%dma_wait3A] : memref<10000xf32, #tpu.memory_space<vmem>> -> memref<640xf32, #tpu.memory_space<vmem>>
        %dma_wait3A_49 = tpu.memref_slice %arg7[%mul3A_41] : memref<10000xf32, #tpu.memory_space<vmem_shared>> -> memref<640xf32, #tpu.memory_space<vmem_shared>>
        %dma_wait3A_50 = tpu.memref_slice %arg7[%mul3A_41] : memref<10000xf32, #tpu.memory_space<vmem_shared>> -> memref<640xf32, #tpu.memory_space<vmem_shared>>
        %dma_wait3A_51 = arith.constant 0 : i32
        %dma_wait3A_52 = tpu.memref_slice %arg17[%dma_wait3A_51] : memref<10000xf32, #tpu.memory_space<vmem>> -> memref<640xf32, #tpu.memory_space<vmem>>
        tpu.wait_dma2 semaphore(%run_scoped3A : memref<!tpu.dma_semaphore, #tpu.memory_space<semaphore_mem>>) src(%dma_wait3A_52 : memref<640xf32, #tpu.memory_space<vmem>>) dst(%dma_wait3A_50 : memref<640xf32, #tpu.memory_space<vmem_shared>>)
        tpu.yield
      }) : () -> ()
    } else {
    }
    %eq3A = arith.constant 15 : i32
    %eq3A_11 = arith.cmpi eq, %arg1, %eq3A : i32
    %convert_element_type3A_12 = arith.extui %eq3A_11 : i1 to i32
    %cond3A_13 = arith.constant 0 : i32
    %cond3A_14 = arith.cmpi ne, %convert_element_type3A_12, %cond3A_13 : i32
    scf.if %cond3A_14 {
      "tpu.region"() ({
        %run_scoped3A = tpu.sem_alloc : memref<!tpu.dma_semaphore, #tpu.memory_space<semaphore_mem>>
        %dma_start3A_40 = arith.constant 0 : i32
        %dma_start3A_41 = tpu.memref_slice %arg17[%dma_start3A_40] : memref<10000xf32, #tpu.memory_space<vmem>> -> memref<400xf32, #tpu.memory_space<vmem>>
        %dma_start3A_42 = arith.constant 9600 : i32
        %dma_start3A_43 = tpu.memref_slice %arg7[%dma_start3A_42] : memref<10000xf32, #tpu.memory_space<vmem_shared>> -> memref<400xf32, #tpu.memory_space<vmem_shared>>
        %dma_start3A_44 = arith.constant 9600 : i32
        %dma_start3A_45 = tpu.memref_slice %arg7[%dma_start3A_44] : memref<10000xf32, #tpu.memory_space<vmem_shared>> -> memref<400xf32, #tpu.memory_space<vmem_shared>>
        %dma_start3A_46 = arith.constant 0 : i32
        %dma_start3A_47 = tpu.memref_slice %arg17[%dma_start3A_46] : memref<10000xf32, #tpu.memory_space<vmem>> -> memref<400xf32, #tpu.memory_space<vmem>>
        tpu.enqueue_dma source(%dma_start3A_47 : memref<400xf32, #tpu.memory_space<vmem>>) target(%dma_start3A_45 : memref<400xf32, #tpu.memory_space<vmem_shared>>) target_semaphore(%run_scoped3A : memref<!tpu.dma_semaphore, #tpu.memory_space<semaphore_mem>>)
        %dma_wait3A = arith.constant 0 : i32
        %dma_wait3A_48 = tpu.memref_slice %arg17[%dma_wait3A] : memref<10000xf32, #tpu.memory_space<vmem>> -> memref<400xf32, #tpu.memory_space<vmem>>
        %dma_wait3A_49 = arith.constant 9600 : i32
        %dma_wait3A_50 = tpu.memref_slice %arg7[%dma_wait3A_49] : memref<10000xf32, #tpu.memory_space<vmem_shared>> -> memref<400xf32, #tpu.memory_space<vmem_shared>>
        %dma_wait3A_51 = arith.constant 9600 : i32
        %dma_wait3A_52 = tpu.memref_slice %arg7[%dma_wait3A_51] : memref<10000xf32, #tpu.memory_space<vmem_shared>> -> memref<400xf32, #tpu.memory_space<vmem_shared>>
        %dma_wait3A_53 = arith.constant 0 : i32
        %dma_wait3A_54 = tpu.memref_slice %arg17[%dma_wait3A_53] : memref<10000xf32, #tpu.memory_space<vmem>> -> memref<400xf32, #tpu.memory_space<vmem>>
        tpu.wait_dma2 semaphore(%run_scoped3A : memref<!tpu.dma_semaphore, #tpu.memory_space<semaphore_mem>>) src(%dma_wait3A_54 : memref<400xf32, #tpu.memory_space<vmem>>) dst(%dma_wait3A_52 : memref<400xf32, #tpu.memory_space<vmem_shared>>)
        tpu.yield
      }) : () -> ()
    } else {
    }
    %barrier3A = arith.constant 0 : index
    tpu.barrier barrier_id(%barrier3A)
    %add3A_15 = arith.constant 0 : i32
    %add3A_16 = arith.addi %mul3A_2, %add3A_15 : i32
    %multiple_of3A = tpu.assume_multiple %add3A_16, 8 : i32
    %dma_start3A = tpu.memref_slice %arg2[%multiple_of3A] : memref<327680xi32, #tpu.memory_space<hbm>> -> memref<512xi32, #tpu.memory_space<hbm>>
    %dma_start3A_17 = tpu.memref_slice %arg2[%multiple_of3A] : memref<327680xi32, #tpu.memory_space<hbm>> -> memref<512xi32, #tpu.memory_space<hbm>>
    tpu.enqueue_dma source(%dma_start3A_17 : memref<512xi32, #tpu.memory_space<hbm>>) target(%arg9 : memref<512xi32, #tpu.memory_space<vmem>>) target_semaphore(%arg18 : memref<!tpu.dma_semaphore, #tpu.memory_space<semaphore_mem>>)
    %dma_start3A_18 = tpu.memref_slice %arg3[%multiple_of3A] : memref<327680xi32, #tpu.memory_space<hbm>> -> memref<512xi32, #tpu.memory_space<hbm>>
    %dma_start3A_19 = tpu.memref_slice %arg3[%multiple_of3A] : memref<327680xi32, #tpu.memory_space<hbm>> -> memref<512xi32, #tpu.memory_space<hbm>>
    tpu.enqueue_dma source(%dma_start3A_19 : memref<512xi32, #tpu.memory_space<hbm>>) target(%arg10 : memref<512xi32, #tpu.memory_space<vmem>>) target_semaphore(%arg18 : memref<!tpu.dma_semaphore, #tpu.memory_space<semaphore_mem>>)
    %dma_start3A_20 = tpu.memref_slice %arg4[%multiple_of3A] : memref<327680xf32, #tpu.memory_space<hbm>> -> memref<512xf32, #tpu.memory_space<hbm>>
    %dma_start3A_21 = tpu.memref_slice %arg4[%multiple_of3A] : memref<327680xf32, #tpu.memory_space<hbm>> -> memref<512xf32, #tpu.memory_space<hbm>>
    tpu.enqueue_dma source(%dma_start3A_21 : memref<512xf32, #tpu.memory_space<hbm>>) target(%arg11 : memref<512xf32, #tpu.memory_space<vmem>>) target_semaphore(%arg18 : memref<!tpu.dma_semaphore, #tpu.memory_space<semaphore_mem>>)
    %scan3A_22 = arith.constant 0 : i32
    %scan3A_23 = arith.constant 0 : i32
    %scan3A_24 = arith.constant 10 : i32
    %scan3A_25 = arith.addi %scan3A_23, %scan3A_24 : i32
    %scan3A_26 = arith.constant 1 : i32
    %scan3A_27 = scf.for %scan3A_40 = %scan3A_23 to %scan3A_25 step %scan3A_26 iter_args(%scan3A_41 = %scan3A_22) -> (i32)  : i32 {
      %mul3A_42 = arith.constant 2 : i32
      %mul3A_43 = arith.muli %mul3A_42, %scan3A_40 : i32
      %mul3A_44 = arith.constant 512 : i32
      %mul3A_45 = arith.muli %mul3A_43, %mul3A_44 : i32
      %add3A_46 = arith.addi %mul3A_2, %mul3A_45 : i32
      %multiple_of3A_47 = tpu.assume_multiple %add3A_46, 8 : i32
      %dma_wait3A = tpu.memref_slice %arg2[%multiple_of3A_47] : memref<327680xi32, #tpu.memory_space<hbm>> -> memref<512xi32, #tpu.memory_space<hbm>>
      %dma_wait3A_48 = tpu.memref_slice %arg2[%multiple_of3A_47] : memref<327680xi32, #tpu.memory_space<hbm>> -> memref<512xi32, #tpu.memory_space<hbm>>
      tpu.wait_dma2 semaphore(%arg18 : memref<!tpu.dma_semaphore, #tpu.memory_space<semaphore_mem>>) src(%dma_wait3A_48 : memref<512xi32, #tpu.memory_space<hbm>>) dst(%arg9 : memref<512xi32, #tpu.memory_space<vmem>>)
      %dma_wait3A_49 = tpu.memref_slice %arg3[%multiple_of3A_47] : memref<327680xi32, #tpu.memory_space<hbm>> -> memref<512xi32, #tpu.memory_space<hbm>>
      %dma_wait3A_50 = tpu.memref_slice %arg3[%multiple_of3A_47] : memref<327680xi32, #tpu.memory_space<hbm>> -> memref<512xi32, #tpu.memory_space<hbm>>
      tpu.wait_dma2 semaphore(%arg18 : memref<!tpu.dma_semaphore, #tpu.memory_space<semaphore_mem>>) src(%dma_wait3A_50 : memref<512xi32, #tpu.memory_space<hbm>>) dst(%arg10 : memref<512xi32, #tpu.memory_space<vmem>>)
      %dma_wait3A_51 = tpu.memref_slice %arg4[%multiple_of3A_47] : memref<327680xf32, #tpu.memory_space<hbm>> -> memref<512xf32, #tpu.memory_space<hbm>>
      %dma_wait3A_52 = tpu.memref_slice %arg4[%multiple_of3A_47] : memref<327680xf32, #tpu.memory_space<hbm>> -> memref<512xf32, #tpu.memory_space<hbm>>
      tpu.wait_dma2 semaphore(%arg18 : memref<!tpu.dma_semaphore, #tpu.memory_space<semaphore_mem>>) src(%dma_wait3A_52 : memref<512xf32, #tpu.memory_space<hbm>>) dst(%arg11 : memref<512xf32, #tpu.memory_space<vmem>>)
      %add3A_53 = arith.constant 1 : i32
      %add3A_54 = arith.addi %mul3A_43, %add3A_53 : i32
      %mul3A_55 = arith.constant 512 : i32
      %mul3A_56 = arith.muli %add3A_54, %mul3A_55 : i32
      %add3A_57 = arith.addi %mul3A_2, %mul3A_56 : i32
      %multiple_of3A_58 = tpu.assume_multiple %add3A_57, 8 : i32
      %dma_start3A_59 = tpu.memref_slice %arg2[%multiple_of3A_58] : memref<327680xi32, #tpu.memory_space<hbm>> -> memref<512xi32, #tpu.memory_space<hbm>>
      %dma_start3A_60 = tpu.memref_slice %arg2[%multiple_of3A_58] : memref<327680xi32, #tpu.memory_space<hbm>> -> memref<512xi32, #tpu.memory_space<hbm>>
      tpu.enqueue_dma source(%dma_start3A_60 : memref<512xi32, #tpu.memory_space<hbm>>) target(%arg12 : memref<512xi32, #tpu.memory_space<vmem>>) target_semaphore(%arg19 : memref<!tpu.dma_semaphore, #tpu.memory_space<semaphore_mem>>)
      %dma_start3A_61 = tpu.memref_slice %arg3[%multiple_of3A_58] : memref<327680xi32, #tpu.memory_space<hbm>> -> memref<512xi32, #tpu.memory_space<hbm>>
      %dma_start3A_62 = tpu.memref_slice %arg3[%multiple_of3A_58] : memref<327680xi32, #tpu.memory_space<hbm>> -> memref<512xi32, #tpu.memory_space<hbm>>
      tpu.enqueue_dma source(%dma_start3A_62 : memref<512xi32, #tpu.memory_space<hbm>>) target(%arg13 : memref<512xi32, #tpu.memory_space<vmem>>) target_semaphore(%arg19 : memref<!tpu.dma_semaphore, #tpu.memory_space<semaphore_mem>>)
      %dma_start3A_63 = tpu.memref_slice %arg4[%multiple_of3A_58] : memref<327680xf32, #tpu.memory_space<hbm>> -> memref<512xf32, #tpu.memory_space<hbm>>
      %dma_start3A_64 = tpu.memref_slice %arg4[%multiple_of3A_58] : memref<327680xf32, #tpu.memory_space<hbm>> -> memref<512xf32, #tpu.memory_space<hbm>>
      tpu.enqueue_dma source(%dma_start3A_64 : memref<512xf32, #tpu.memory_space<hbm>>) target(%arg14 : memref<512xf32, #tpu.memory_space<vmem>>) target_semaphore(%arg19 : memref<!tpu.dma_semaphore, #tpu.memory_space<semaphore_mem>>)
      %scan3A_65 = arith.constant 0 : i32
      %scan3A_66 = arith.constant 0 : i32
      %scan3A_67 = arith.constant 32 : i32
      %scan3A_68 = arith.addi %scan3A_66, %scan3A_67 : i32
      %scan3A_69 = arith.constant 1 : i32
      %scan3A_70 = scf.for %scan3A_99 = %scan3A_66 to %scan3A_68 step %scan3A_69 iter_args(%scan3A_100 = %scan3A_65) -> (i32)  : i32 {
        %mul3A_101 = arith.constant 16 : i32
        %mul3A_102 = arith.muli %scan3A_99, %mul3A_101 : i32
        %get3A = arith.index_cast %mul3A_102 : i32 to index
        %get3A_103 = tpu.vector_load %arg9[%get3A] {strides = array<i32>} : memref<512xi32, #tpu.memory_space<vmem>>, vector<16xi32>,
        %mul3A_104 = arith.constant 16 : i32
        %mul3A_105 = arith.muli %scan3A_99, %mul3A_104 : i32
        %get3A_106 = arith.index_cast %mul3A_105 : i32 to index
        %get3A_107 = tpu.vector_load %arg11[%get3A_106] {strides = array<i32>} : memref<512xf32, #tpu.memory_space<vmem>>, vector<16xf32>,
        %gather3A = tpu.vector_load_idx %arg8[%get3A_103] : memref<10000xf32, #tpu.memory_space<vmem>>[vector<16xi32>], vector<16xf32>,
        %mul3A_108 = arith.mulf %gather3A, %get3A_107 : vector<16xf32>
        %mul3A_109 = arith.constant 16 : i32
        %mul3A_110 = arith.muli %scan3A_99, %mul3A_109 : i32
        %swap3A = arith.index_cast %mul3A_110 : i32 to index
        %swap3A_111 = tpu.vector_load %arg15[%swap3A] {strides = array<i32>} : memref<512xf32, #tpu.memory_space<vmem>>, vector<16xf32>,
        tpu.vector_store %arg15[%swap3A], %mul3A_108 {strides = array<i32>} : memref<512xf32, #tpu.memory_space<vmem>>, vector<16xf32>,
        %scan3A_112 = arith.constant 0 : i32
        scf.yield %scan3A_112 : i32
      }
      %scan3A_71 = arith.constant 32 : i32
      "tpu.region"() ({
        %run_scoped3A = tpu.sem_alloc : memref<!tpu.dma_semaphore, #tpu.memory_space<semaphore_mem>>
        %dma_start3A_99 = arith.constant 0 : i32
        %dma_start3A_100 = tpu.memref_slice %arg7[%dma_start3A_99] : memref<10000xf32, #tpu.memory_space<vmem_shared>> -> memref<10000xf32, #tpu.memory_space<vmem_shared>>
        tpu.enqueue_indirect_dma source(%arg15 : memref<512xf32, #tpu.memory_space<vmem>>) target(%dma_start3A_100 : memref<10000xf32, #tpu.memory_space<vmem_shared>>) offsets(%arg10 : memref<512xi32, #tpu.memory_space<vmem>>) semaphore(%run_scoped3A : memref<!tpu.dma_semaphore, #tpu.memory_space<semaphore_mem>>) {add = true}
        %dma_wait3A_101 = arith.constant 0 : i32
        %dma_wait3A_102 = tpu.memref_slice %arg7[%dma_wait3A_101] : memref<10000xf32, #tpu.memory_space<vmem_shared>> -> memref<10000xf32, #tpu.memory_space<vmem_shared>>
        tpu.wait_indirect_dma semaphore(%run_scoped3A : memref<!tpu.dma_semaphore, #tpu.memory_space<semaphore_mem>>) src(%arg15 : memref<512xf32, #tpu.memory_space<vmem>>) dst(%dma_wait3A_102 : memref<10000xf32, #tpu.memory_space<vmem_shared>>)
        tpu.yield
      }) : () -> ()
      %add3A_72 = arith.constant 1 : i32
      %add3A_73 = arith.addi %mul3A_43, %add3A_72 : i32
      %mul3A_74 = arith.constant 512 : i32
      %mul3A_75 = arith.muli %add3A_73, %mul3A_74 : i32
      %add3A_76 = arith.addi %mul3A_2, %mul3A_75 : i32
      %multiple_of3A_77 = tpu.assume_multiple %add3A_76, 8 : i32
      %dma_wait3A_78 = tpu.memref_slice %arg2[%multiple_of3A_77] : memref<327680xi32, #tpu.memory_space<hbm>> -> memref<512xi32, #tpu.memory_space<hbm>>
      %dma_wait3A_79 = tpu.memref_slice %arg2[%multiple_of3A_77] : memref<327680xi32, #tpu.memory_space<hbm>> -> memref<512xi32, #tpu.memory_space<hbm>>
      tpu.wait_dma2 semaphore(%arg19 : memref<!tpu.dma_semaphore, #tpu.memory_space<semaphore_mem>>) src(%dma_wait3A_79 : memref<512xi32, #tpu.memory_space<hbm>>) dst(%arg12 : memref<512xi32, #tpu.memory_space<vmem>>)
      %dma_wait3A_80 = tpu.memref_slice %arg3[%multiple_of3A_77] : memref<327680xi32, #tpu.memory_space<hbm>> -> memref<512xi32, #tpu.memory_space<hbm>>
      %dma_wait3A_81 = tpu.memref_slice %arg3[%multiple_of3A_77] : memref<327680xi32, #tpu.memory_space<hbm>> -> memref<512xi32, #tpu.memory_space<hbm>>
      tpu.wait_dma2 semaphore(%arg19 : memref<!tpu.dma_semaphore, #tpu.memory_space<semaphore_mem>>) src(%dma_wait3A_81 : memref<512xi32, #tpu.memory_space<hbm>>) dst(%arg13 : memref<512xi32, #tpu.memory_space<vmem>>)
      %dma_wait3A_82 = tpu.memref_slice %arg4[%multiple_of3A_77] : memref<327680xf32, #tpu.memory_space<hbm>> -> memref<512xf32, #tpu.memory_space<hbm>>
      %dma_wait3A_83 = tpu.memref_slice %arg4[%multiple_of3A_77] : memref<327680xf32, #tpu.memory_space<hbm>> -> memref<512xf32, #tpu.memory_space<hbm>>
      tpu.wait_dma2 semaphore(%arg19 : memref<!tpu.dma_semaphore, #tpu.memory_space<semaphore_mem>>) src(%dma_wait3A_83 : memref<512xf32, #tpu.memory_space<hbm>>) dst(%arg14 : memref<512xf32, #tpu.memory_space<vmem>>)
      %add3A_84 = arith.constant 2 : i32
      %add3A_85 = arith.addi %mul3A_43, %add3A_84 : i32
      %lt3A_86 = arith.constant 20 : i32
      %lt3A_87 = arith.cmpi slt, %add3A_85, %lt3A_86 : i32
      %convert_element_type3A_88 = arith.extui %lt3A_87 : i1 to i32
      %cond3A_89 = arith.constant 0 : i32
      %cond3A_90 = arith.cmpi ne, %convert_element_type3A_88, %cond3A_89 : i32
      scf.if %cond3A_90 {
        %add3A_99 = arith.constant 2 : i32
        %add3A_100 = arith.addi %mul3A_43, %add3A_99 : i32
        %mul3A_101 = arith.constant 512 : i32
        %mul3A_102 = arith.muli %add3A_100, %mul3A_101 : i32
        %add3A_103 = arith.addi %mul3A_2, %mul3A_102 : i32
        %multiple_of3A_104 = tpu.assume_multiple %add3A_103, 8 : i32
        %dma_start3A_105 = tpu.memref_slice %arg2[%multiple_of3A_104] : memref<327680xi32, #tpu.memory_space<hbm>> -> memref<512xi32, #tpu.memory_space<hbm>>
        %dma_start3A_106 = tpu.memref_slice %arg2[%multiple_of3A_104] : memref<327680xi32, #tpu.memory_space<hbm>> -> memref<512xi32, #tpu.memory_space<hbm>>
        tpu.enqueue_dma source(%dma_start3A_106 : memref<512xi32, #tpu.memory_space<hbm>>) target(%arg9 : memref<512xi32, #tpu.memory_space<vmem>>) target_semaphore(%arg18 : memref<!tpu.dma_semaphore, #tpu.memory_space<semaphore_mem>>)
        %dma_start3A_107 = tpu.memref_slice %arg3[%multiple_of3A_104] : memref<327680xi32, #tpu.memory_space<hbm>> -> memref<512xi32, #tpu.memory_space<hbm>>
        %dma_start3A_108 = tpu.memref_slice %arg3[%multiple_of3A_104] : memref<327680xi32, #tpu.memory_space<hbm>> -> memref<512xi32, #tpu.memory_space<hbm>>
        tpu.enqueue_dma source(%dma_start3A_108 : memref<512xi32, #tpu.memory_space<hbm>>) target(%arg10 : memref<512xi32, #tpu.memory_space<vmem>>) target_semaphore(%arg18 : memref<!tpu.dma_semaphore, #tpu.memory_space<semaphore_mem>>)
        %dma_start3A_109 = tpu.memref_slice %arg4[%multiple_of3A_104] : memref<327680xf32, #tpu.memory_space<hbm>> -> memref<512xf32, #tpu.memory_space<hbm>>
        %dma_start3A_110 = tpu.memref_slice %arg4[%multiple_of3A_104] : memref<327680xf32, #tpu.memory_space<hbm>> -> memref<512xf32, #tpu.memory_space<hbm>>
        tpu.enqueue_dma source(%dma_start3A_110 : memref<512xf32, #tpu.memory_space<hbm>>) target(%arg11 : memref<512xf32, #tpu.memory_space<vmem>>) target_semaphore(%arg18 : memref<!tpu.dma_semaphore, #tpu.memory_space<semaphore_mem>>)
      } else {
      }
      %scan3A_91 = arith.constant 0 : i32
      %scan3A_92 = arith.constant 0 : i32
      %scan3A_93 = arith.constant 32 : i32
      %scan3A_94 = arith.addi %scan3A_92, %scan3A_93 : i32
      %scan3A_95 = arith.constant 1 : i32
      %scan3A_96 = scf.for %scan3A_99 = %scan3A_92 to %scan3A_94 step %scan3A_95 iter_args(%scan3A_100 = %scan3A_91) -> (i32)  : i32 {
        %mul3A_101 = arith.constant 16 : i32
        %mul3A_102 = arith.muli %scan3A_99, %mul3A_101 : i32
        %get3A = arith.index_cast %mul3A_102 : i32 to index
        %get3A_103 = tpu.vector_load %arg12[%get3A] {strides = array<i32>} : memref<512xi32, #tpu.memory_space<vmem>>, vector<16xi32>,
        %mul3A_104 = arith.constant 16 : i32
        %mul3A_105 = arith.muli %scan3A_99, %mul3A_104 : i32
        %get3A_106 = arith.index_cast %mul3A_105 : i32 to index
        %get3A_107 = tpu.vector_load %arg14[%get3A_106] {strides = array<i32>} : memref<512xf32, #tpu.memory_space<vmem>>, vector<16xf32>,
        %gather3A = tpu.vector_load_idx %arg8[%get3A_103] : memref<10000xf32, #tpu.memory_space<vmem>>[vector<16xi32>], vector<16xf32>,
        %mul3A_108 = arith.mulf %gather3A, %get3A_107 : vector<16xf32>
        %mul3A_109 = arith.constant 16 : i32
        %mul3A_110 = arith.muli %scan3A_99, %mul3A_109 : i32
        %swap3A = arith.index_cast %mul3A_110 : i32 to index
        %swap3A_111 = tpu.vector_load %arg16[%swap3A] {strides = array<i32>} : memref<512xf32, #tpu.memory_space<vmem>>, vector<16xf32>,
        tpu.vector_store %arg16[%swap3A], %mul3A_108 {strides = array<i32>} : memref<512xf32, #tpu.memory_space<vmem>>, vector<16xf32>,
        %scan3A_112 = arith.constant 0 : i32
        scf.yield %scan3A_112 : i32
      }
      %scan3A_97 = arith.constant 32 : i32
      "tpu.region"() ({
        %run_scoped3A = tpu.sem_alloc : memref<!tpu.dma_semaphore, #tpu.memory_space<semaphore_mem>>
        %dma_start3A_99 = arith.constant 0 : i32
        %dma_start3A_100 = tpu.memref_slice %arg7[%dma_start3A_99] : memref<10000xf32, #tpu.memory_space<vmem_shared>> -> memref<10000xf32, #tpu.memory_space<vmem_shared>>
        tpu.enqueue_indirect_dma source(%arg16 : memref<512xf32, #tpu.memory_space<vmem>>) target(%dma_start3A_100 : memref<10000xf32, #tpu.memory_space<vmem_shared>>) offsets(%arg13 : memref<512xi32, #tpu.memory_space<vmem>>) semaphore(%run_scoped3A : memref<!tpu.dma_semaphore, #tpu.memory_space<semaphore_mem>>) {add = true}
        %dma_wait3A_101 = arith.constant 0 : i32
        %dma_wait3A_102 = tpu.memref_slice %arg7[%dma_wait3A_101] : memref<10000xf32, #tpu.memory_space<vmem_shared>> -> memref<10000xf32, #tpu.memory_space<vmem_shared>>
        tpu.wait_indirect_dma semaphore(%run_scoped3A : memref<!tpu.dma_semaphore, #tpu.memory_space<semaphore_mem>>) src(%arg16 : memref<512xf32, #tpu.memory_space<vmem>>) dst(%dma_wait3A_102 : memref<10000xf32, #tpu.memory_space<vmem_shared>>)
        tpu.yield
      }) : () -> ()
      %scan3A_98 = arith.constant 0 : i32
      scf.yield %scan3A_98 : i32
    }
    %scan3A_28 = arith.constant 10 : i32
    %barrier3A_29 = arith.constant 0 : index
    tpu.barrier barrier_id(%barrier3A_29)
    %lt3A_30 = arith.constant 15 : i32
    %lt3A_31 = arith.cmpi slt, %arg1, %lt3A_30 : i32
    %convert_element_type3A_32 = arith.extui %lt3A_31 : i1 to i32
    %cond3A_33 = arith.constant 0 : i32
    %cond3A_34 = arith.cmpi ne, %convert_element_type3A_32, %cond3A_33 : i32
    scf.if %cond3A_34 {
      %mul3A_40 = arith.constant 640 : i32
      %mul3A_41 = arith.muli %arg1, %mul3A_40 : i32
      "tpu.region"() ({
        %run_scoped3A = tpu.sem_alloc : memref<!tpu.dma_semaphore, #tpu.memory_space<semaphore_mem>>
        %dma_start3A_44 = arith.constant 0 : i32
        %dma_start3A_45 = tpu.memref_slice %arg17[%dma_start3A_44] : memref<10000xf32, #tpu.memory_space<vmem>> -> memref<640xf32, #tpu.memory_space<vmem>>
        %dma_start3A_46 = tpu.memref_slice %arg7[%mul3A_41] : memref<10000xf32, #tpu.memory_space<vmem_shared>> -> memref<640xf32, #tpu.memory_space<vmem_shared>>
        %dma_start3A_47 = arith.constant 0 : i32
        %dma_start3A_48 = tpu.memref_slice %arg17[%dma_start3A_47] : memref<10000xf32, #tpu.memory_space<vmem>> -> memref<640xf32, #tpu.memory_space<vmem>>
        %dma_start3A_49 = tpu.memref_slice %arg7[%mul3A_41] : memref<10000xf32, #tpu.memory_space<vmem_shared>> -> memref<640xf32, #tpu.memory_space<vmem_shared>>
        tpu.enqueue_dma source(%dma_start3A_49 : memref<640xf32, #tpu.memory_space<vmem_shared>>) target(%dma_start3A_48 : memref<640xf32, #tpu.memory_space<vmem>>) target_semaphore(%run_scoped3A : memref<!tpu.dma_semaphore, #tpu.memory_space<semaphore_mem>>)
        %dma_wait3A = arith.constant 0 : i32
        %dma_wait3A_50 = tpu.memref_slice %arg17[%dma_wait3A] : memref<10000xf32, #tpu.memory_space<vmem>> -> memref<640xf32, #tpu.memory_space<vmem>>
        %dma_wait3A_51 = tpu.memref_slice %arg7[%mul3A_41] : memref<10000xf32, #tpu.memory_space<vmem_shared>> -> memref<640xf32, #tpu.memory_space<vmem_shared>>
        %dma_wait3A_52 = arith.constant 0 : i32
        %dma_wait3A_53 = tpu.memref_slice %arg17[%dma_wait3A_52] : memref<10000xf32, #tpu.memory_space<vmem>> -> memref<640xf32, #tpu.memory_space<vmem>>
        %dma_wait3A_54 = tpu.memref_slice %arg7[%mul3A_41] : memref<10000xf32, #tpu.memory_space<vmem_shared>> -> memref<640xf32, #tpu.memory_space<vmem_shared>>
        tpu.wait_dma2 semaphore(%run_scoped3A : memref<!tpu.dma_semaphore, #tpu.memory_space<semaphore_mem>>) src(%dma_wait3A_54 : memref<640xf32, #tpu.memory_space<vmem_shared>>) dst(%dma_wait3A_53 : memref<640xf32, #tpu.memory_space<vmem>>)
        tpu.yield
      }) : () -> ()
      %mul3A_42 = arith.constant 640 : i32
      %mul3A_43 = arith.muli %arg1, %mul3A_42 : i32
      "tpu.region"() ({
        %run_scoped3A = tpu.sem_alloc : memref<!tpu.dma_semaphore, #tpu.memory_space<semaphore_mem>>
        %dma_start3A_44 = arith.constant 0 : i32
        %dma_start3A_45 = tpu.memref_slice %arg17[%dma_start3A_44] : memref<10000xf32, #tpu.memory_space<vmem>> -> memref<640xf32, #tpu.memory_space<vmem>>
        %dma_start3A_46 = tpu.memref_slice %arg6[%arg0, %mul3A_43] : memref<2x10000xf32, #tpu.memory_space<hbm>> -> memref<1x640xf32, #tpu.memory_space<hbm>>
        %dma_start3A_47 = tpu.memref_squeeze %dma_start3A_46 : memref<1x640xf32, #tpu.memory_space<hbm>> -> memref<640xf32, #tpu.memory_space<hbm>>
        %dma_start3A_48 = tpu.memref_slice %arg6[%arg0, %mul3A_43] : memref<2x10000xf32, #tpu.memory_space<hbm>> -> memref<1x640xf32, #tpu.memory_space<hbm>>
        %dma_start3A_49 = tpu.memref_squeeze %dma_start3A_48 : memref<1x640xf32, #tpu.memory_space<hbm>> -> memref<640xf32, #tpu.memory_space<hbm>>
        %dma_start3A_50 = arith.constant 0 : i32
        %dma_start3A_51 = tpu.memref_slice %arg17[%dma_start3A_50] : memref<10000xf32, #tpu.memory_space<vmem>> -> memref<640xf32, #tpu.memory_space<vmem>>
        tpu.enqueue_dma source(%dma_start3A_51 : memref<640xf32, #tpu.memory_space<vmem>>) target(%dma_start3A_49 : memref<640xf32, #tpu.memory_space<hbm>>) target_semaphore(%run_scoped3A : memref<!tpu.dma_semaphore, #tpu.memory_space<semaphore_mem>>)
        %dma_wait3A = arith.constant 0 : i32
        %dma_wait3A_52 = tpu.memref_slice %arg17[%dma_wait3A] : memref<10000xf32, #tpu.memory_space<vmem>> -> memref<640xf32, #tpu.memory_space<vmem>>
        %dma_wait3A_53 = tpu.memref_slice %arg6[%arg0, %mul3A_43] : memref<2x10000xf32, #tpu.memory_space<hbm>> -> memref<1x640xf32, #tpu.memory_space<hbm>>
        %dma_wait3A_54 = tpu.memref_squeeze %dma_wait3A_53 : memref<1x640xf32, #tpu.memory_space<hbm>> -> memref<640xf32, #tpu.memory_space<hbm>>
        %dma_wait3A_55 = tpu.memref_slice %arg6[%arg0, %mul3A_43] : memref<2x10000xf32, #tpu.memory_space<hbm>> -> memref<1x640xf32, #tpu.memory_space<hbm>>
        %dma_wait3A_56 = tpu.memref_squeeze %dma_wait3A_55 : memref<1x640xf32, #tpu.memory_space<hbm>> -> memref<640xf32, #tpu.memory_space<hbm>>
        %dma_wait3A_57 = arith.constant 0 : i32
        %dma_wait3A_58 = tpu.memref_slice %arg17[%dma_wait3A_57] : memref<10000xf32, #tpu.memory_space<vmem>> -> memref<640xf32, #tpu.memory_space<vmem>>
        tpu.wait_dma2 semaphore(%run_scoped3A : memref<!tpu.dma_semaphore, #tpu.memory_space<semaphore_mem>>) src(%dma_wait3A_58 : memref<640xf32, #tpu.memory_space<vmem>>) dst(%dma_wait3A_56 : memref<640xf32, #tpu.memory_space<hbm>>)
        tpu.yield
      }) : () -> ()
    } else {
    }
    %eq3A_35 = arith.constant 15 : i32
    %eq3A_36 = arith.cmpi eq, %arg1, %eq3A_35 : i32
    %convert_element_type3A_37 = arith.extui %eq3A_36 : i1 to i32
    %cond3A_38 = arith.constant 0 : i32
    %cond3A_39 = arith.cmpi ne, %convert_element_type3A_37, %cond3A_38 : i32
    scf.if %cond3A_39 {
      "tpu.region"() ({
        %run_scoped3A = tpu.sem_alloc : memref<!tpu.dma_semaphore, #tpu.memory_space<semaphore_mem>>
        %dma_start3A_40 = arith.constant 0 : i32
        %dma_start3A_41 = tpu.memref_slice %arg17[%dma_start3A_40] : memref<10000xf32, #tpu.memory_space<vmem>> -> memref<400xf32, #tpu.memory_space<vmem>>
        %dma_start3A_42 = arith.constant 9600 : i32
        %dma_start3A_43 = tpu.memref_slice %arg7[%dma_start3A_42] : memref<10000xf32, #tpu.memory_space<vmem_shared>> -> memref<400xf32, #tpu.memory_space<vmem_shared>>
        %dma_start3A_44 = arith.constant 0 : i32
        %dma_start3A_45 = tpu.memref_slice %arg17[%dma_start3A_44] : memref<10000xf32, #tpu.memory_space<vmem>> -> memref<400xf32, #tpu.memory_space<vmem>>
        %dma_start3A_46 = arith.constant 9600 : i32
        %dma_start3A_47 = tpu.memref_slice %arg7[%dma_start3A_46] : memref<10000xf32, #tpu.memory_space<vmem_shared>> -> memref<400xf32, #tpu.memory_space<vmem_shared>>
        tpu.enqueue_dma source(%dma_start3A_47 : memref<400xf32, #tpu.memory_space<vmem_shared>>) target(%dma_start3A_45 : memref<400xf32, #tpu.memory_space<vmem>>) target_semaphore(%run_scoped3A : memref<!tpu.dma_semaphore, #tpu.memory_space<semaphore_mem>>)
        %dma_wait3A = arith.constant 0 : i32
        %dma_wait3A_48 = tpu.memref_slice %arg17[%dma_wait3A] : memref<10000xf32, #tpu.memory_space<vmem>> -> memref<400xf32, #tpu.memory_space<vmem>>
        %dma_wait3A_49 = arith.constant 9600 : i32
        %dma_wait3A_50 = tpu.memref_slice %arg7[%dma_wait3A_49] : memref<10000xf32, #tpu.memory_space<vmem_shared>> -> memref<400xf32, #tpu.memory_space<vmem_shared>>
        %dma_wait3A_51 = arith.constant 0 : i32
        %dma_wait3A_52 = tpu.memref_slice %arg17[%dma_wait3A_51] : memref<10000xf32, #tpu.memory_space<vmem>> -> memref<400xf32, #tpu.memory_space<vmem>>
        %dma_wait3A_53 = arith.constant 9600 : i32
        %dma_wait3A_54 = tpu.memref_slice %arg7[%dma_wait3A_53] : memref<10000xf32, #tpu.memory_space<vmem_shared>> -> memref<400xf32, #tpu.memory_space<vmem_shared>>
        tpu.wait_dma2 semaphore(%run_scoped3A : memref<!tpu.dma_semaphore, #tpu.memory_space<semaphore_mem>>) src(%dma_wait3A_54 : memref<400xf32, #tpu.memory_space<vmem_shared>>) dst(%dma_wait3A_52 : memref<400xf32, #tpu.memory_space<vmem>>)
        tpu.yield
      }) : () -> ()
      "tpu.region"() ({
        %run_scoped3A = tpu.sem_alloc : memref<!tpu.dma_semaphore, #tpu.memory_space<semaphore_mem>>
        %dma_start3A_40 = arith.constant 0 : i32
        %dma_start3A_41 = tpu.memref_slice %arg17[%dma_start3A_40] : memref<10000xf32, #tpu.memory_space<vmem>> -> memref<400xf32, #tpu.memory_space<vmem>>
        %dma_start3A_42 = arith.constant 9600 : i32
        %dma_start3A_43 = tpu.memref_slice %arg6[%arg0, %dma_start3A_42] : memref<2x10000xf32, #tpu.memory_space<hbm>> -> memref<1x400xf32, #tpu.memory_space<hbm>>
        %dma_start3A_44 = tpu.memref_squeeze %dma_start3A_43 : memref<1x400xf32, #tpu.memory_space<hbm>> -> memref<400xf32, #tpu.memory_space<hbm>>
        %dma_start3A_45 = arith.constant 9600 : i32
        %dma_start3A_46 = tpu.memref_slice %arg6[%arg0, %dma_start3A_45] : memref<2x10000xf32, #tpu.memory_space<hbm>> -> memref<1x400xf32, #tpu.memory_space<hbm>>
        %dma_start3A_47 = tpu.memref_squeeze %dma_start3A_46 : memref<1x400xf32, #tpu.memory_space<hbm>> -> memref<400xf32, #tpu.memory_space<hbm>>
        %dma_start3A_48 = arith.constant 0 : i32
        %dma_start3A_49 = tpu.memref_slice %arg17[%dma_start3A_48] : memref<10000xf32, #tpu.memory_space<vmem>> -> memref<400xf32, #tpu.memory_space<vmem>>
        tpu.enqueue_dma source(%dma_start3A_49 : memref<400xf32, #tpu.memory_space<vmem>>) target(%dma_start3A_47 : memref<400xf32, #tpu.memory_space<hbm>>) target_semaphore(%run_scoped3A : memref<!tpu.dma_semaphore, #tpu.memory_space<semaphore_mem>>)
        %dma_wait3A = arith.constant 0 : i32
        %dma_wait3A_50 = tpu.memref_slice %arg17[%dma_wait3A] : memref<10000xf32, #tpu.memory_space<vmem>> -> memref<400xf32, #tpu.memory_space<vmem>>
        %dma_wait3A_51 = arith.constant 9600 : i32
        %dma_wait3A_52 = tpu.memref_slice %arg6[%arg0, %dma_wait3A_51] : memref<2x10000xf32, #tpu.memory_space<hbm>> -> memref<1x400xf32, #tpu.memory_space<hbm>>
        %dma_wait3A_53 = tpu.memref_squeeze %dma_wait3A_52 : memref<1x400xf32, #tpu.memory_space<hbm>> -> memref<400xf32, #tpu.memory_space<hbm>>
        %dma_wait3A_54 = arith.constant 9600 : i32
        %dma_wait3A_55 = tpu.memref_slice %arg6[%arg0, %dma_wait3A_54] : memref<2x10000xf32, #tpu.memory_space<hbm>> -> memref<1x400xf32, #tpu.memory_space<hbm>>
        %dma_wait3A_56 = tpu.memref_squeeze %dma_wait3A_55 : memref<1x400xf32, #tpu.memory_space<hbm>> -> memref<400xf32, #tpu.memory_space<hbm>>
        %dma_wait3A_57 = arith.constant 0 : i32
        %dma_wait3A_58 = tpu.memref_slice %arg17[%dma_wait3A_57] : memref<10000xf32, #tpu.memory_space<vmem>> -> memref<400xf32, #tpu.memory_space<vmem>>
        tpu.wait_dma2 semaphore(%run_scoped3A : memref<!tpu.dma_semaphore, #tpu.memory_space<semaphore_mem>>) src(%dma_wait3A_58 : memref<400xf32, #tpu.memory_space<vmem>>) dst(%dma_wait3A_56 : memref<400xf32, #tpu.memory_space<hbm>>)
        tpu.yield
      }) : () -> ()
    } else {
    }
    return
  }
}

#map = affine_map<(d0, d1) -> (0)>
#map1 = affine_map<(d0, d1) -> (0, 0)>
module attributes {stable_mosaic.version = 14 : i64} {
  func.func @_scalar_conv_body(%arg0: i32, %arg1: i32, %arg2: memref<327680xi32, #tpu.memory_space<hbm>>, %arg3: memref<327680xi32, #tpu.memory_space<hbm>>, %arg4: memref<327680xf32, #tpu.memory_space<hbm>>, %arg5: memref<10000xf32, #tpu.memory_space<hbm>>, %arg6: memref<2x10000xf32, #tpu.memory_space<hbm>>, %arg7: memref<10000xf32, #tpu.memory_space<vmem_shared>>, %arg8: memref<10000xf32, #tpu.memory_space<vmem>>, %arg9: memref<512xi32, #tpu.memory_space<vmem>>, %arg10: memref<512xi32, #tpu.memory_space<vmem>>, %arg11: memref<512xf32, #tpu.memory_space<vmem>>, %arg12: memref<512xi32, #tpu.memory_space<vmem>>, %arg13: memref<512xi32, #tpu.memory_space<vmem>>, %arg14: memref<512xf32, #tpu.memory_space<vmem>>, %arg15: memref<512xf32, #tpu.memory_space<vmem>>, %arg16: memref<512xf32, #tpu.memory_space<vmem>>, %arg17: memref<10000xf32, #tpu.memory_space<vmem>>, %arg18: memref<!tpu.dma_semaphore, #tpu.memory_space<semaphore_mem>>, %arg19: memref<!tpu.dma_semaphore, #tpu.memory_space<semaphore_mem>>) attributes {dimension_semantics = [#tpu.dimension_semantics<core_parallel>, #tpu.dimension_semantics<subcore_parallel>], iteration_bounds = array<i64: 2, 16>, scalar_prefetch = 0 : i64, scratch_operands = 13 : i64, tpu.core_type = #tpu.core_type<sc_vector_subcore>, window_params = [{transform_indices = #map}, {transform_indices = #map}, {transform_indices = #map}, {transform_indices = #map}, {transform_indices = #map1}]} {
    %mul3A = arith.constant 16 : i32
    %mul3A_0 = arith.muli %arg0, %mul3A : i32
    %add3A = arith.addi %mul3A_0, %arg1 : i32
    %mul3A_1 = arith.constant 10240 : i32
    %mul3A_2 = arith.muli %add3A, %mul3A_1 : i32
    "tpu.region"() ({
      %run_scoped3A = tpu.sem_alloc : memref<!tpu.dma_semaphore, #tpu.memory_space<semaphore_mem>>
      tpu.enqueue_dma source(%arg5 : memref<10000xf32, #tpu.memory_space<hbm>>) target(%arg8 : memref<10000xf32, #tpu.memory_space<vmem>>) target_semaphore(%run_scoped3A : memref<!tpu.dma_semaphore, #tpu.memory_space<semaphore_mem>>)
      tpu.wait_dma2 semaphore(%run_scoped3A : memref<!tpu.dma_semaphore, #tpu.memory_space<semaphore_mem>>) src(%arg5 : memref<10000xf32, #tpu.memory_space<hbm>>) dst(%arg8 : memref<10000xf32, #tpu.memory_space<vmem>>)
      tpu.yield
    }) : () -> ()
    %scan3A = arith.constant 0 : i32
    %scan3A_3 = arith.constant 0 : i32
    %scan3A_4 = arith.constant 40 : i32
    %scan3A_5 = arith.addi %scan3A_3, %scan3A_4 : i32
    %scan3A_6 = arith.constant 1 : i32
    %scan3A_7 = scf.for %scan3A_40 = %scan3A_3 to %scan3A_5 step %scan3A_6 iter_args(%scan3A_41 = %scan3A) -> (i32)  : i32 {
      %broadcast_in_dim3A = arith.constant 0.000000e+00 : f32
      %broadcast_in_dim3A_42 = vector.broadcast %broadcast_in_dim3A : f32 to vector<16xf32>
      %mul3A_43 = arith.constant 16 : i32
      %mul3A_44 = arith.muli %scan3A_40, %mul3A_43 : i32
      %swap3A = arith.index_cast %mul3A_44 : i32 to index
      %swap3A_45 = tpu.vector_load %arg17[%swap3A] {strides = array<i32>} : memref<10000xf32, #tpu.memory_space<vmem>>, vector<16xf32>,
      tpu.vector_store %arg17[%swap3A], %broadcast_in_dim3A_42 {strides = array<i32>} : memref<10000xf32, #tpu.memory_space<vmem>>, vector<16xf32>,
      %scan3A_46 = arith.constant 0 : i32
      scf.yield %scan3A_46 : i32
    }
    %scan3A_8 = arith.constant 40 : i32
    %lt3A = arith.constant 15 : i32
    %lt3A_9 = arith.cmpi slt, %arg1, %lt3A : i32
    %convert_element_type3A = arith.extui %lt3A_9 : i1 to i32
    %cond3A = arith.constant 0 : i32
    %cond3A_10 = arith.cmpi ne, %convert_element_type3A, %cond3A : i32
    scf.if %cond3A_10 {
      %mul3A_40 = arith.constant 640 : i32
      %mul3A_41 = arith.muli %arg1, %mul3A_40 : i32
      "tpu.region"() ({
        %run_scoped3A = tpu.sem_alloc : memref<!tpu.dma_semaphore, #tpu.memory_space<semaphore_mem>>
        %dma_start3A_42 = arith.constant 0 : i32
        %dma_start3A_43 = tpu.memref_slice %arg17[%dma_start3A_42] : memref<10000xf32, #tpu.memory_space<vmem>> -> memref<640xf32, #tpu.memory_space<vmem>>
        %dma_start3A_44 = tpu.memref_slice %arg7[%mul3A_41] : memref<10000xf32, #tpu.memory_space<vmem_shared>> -> memref<640xf32, #tpu.memory_space<vmem_shared>>
        %dma_start3A_45 = tpu.memref_slice %arg7[%mul3A_41] : memref<10000xf32, #tpu.memory_space<vmem_shared>> -> memref<640xf32, #tpu.memory_space<vmem_shared>>
        %dma_start3A_46 = arith.constant 0 : i32
        %dma_start3A_47 = tpu.memref_slice %arg17[%dma_start3A_46] : memref<10000xf32, #tpu.memory_space<vmem>> -> memref<640xf32, #tpu.memory_space<vmem>>
        tpu.enqueue_dma source(%dma_start3A_47 : memref<640xf32, #tpu.memory_space<vmem>>) target(%dma_start3A_45 : memref<640xf32, #tpu.memory_space<vmem_shared>>) target_semaphore(%run_scoped3A : memref<!tpu.dma_semaphore, #tpu.memory_space<semaphore_mem>>)
        %dma_wait3A = arith.constant 0 : i32
        %dma_wait3A_48 = tpu.memref_slice %arg17[%dma_wait3A] : memref<10000xf32, #tpu.memory_space<vmem>> -> memref<640xf32, #tpu.memory_space<vmem>>
        %dma_wait3A_49 = tpu.memref_slice %arg7[%mul3A_41] : memref<10000xf32, #tpu.memory_space<vmem_shared>> -> memref<640xf32, #tpu.memory_space<vmem_shared>>
        %dma_wait3A_50 = tpu.memref_slice %arg7[%mul3A_41] : memref<10000xf32, #tpu.memory_space<vmem_shared>> -> memref<640xf32, #tpu.memory_space<vmem_shared>>
        %dma_wait3A_51 = arith.constant 0 : i32
        %dma_wait3A_52 = tpu.memref_slice %arg17[%dma_wait3A_51] : memref<10000xf32, #tpu.memory_space<vmem>> -> memref<640xf32, #tpu.memory_space<vmem>>
        tpu.wait_dma2 semaphore(%run_scoped3A : memref<!tpu.dma_semaphore, #tpu.memory_space<semaphore_mem>>) src(%dma_wait3A_52 : memref<640xf32, #tpu.memory_space<vmem>>) dst(%dma_wait3A_50 : memref<640xf32, #tpu.memory_space<vmem_shared>>)
        tpu.yield
      }) : () -> ()
    } else {
    }
    %eq3A = arith.constant 15 : i32
    %eq3A_11 = arith.cmpi eq, %arg1, %eq3A : i32
    %convert_element_type3A_12 = arith.extui %eq3A_11 : i1 to i32
    %cond3A_13 = arith.constant 0 : i32
    %cond3A_14 = arith.cmpi ne, %convert_element_type3A_12, %cond3A_13 : i32
    scf.if %cond3A_14 {
      "tpu.region"() ({
        %run_scoped3A = tpu.sem_alloc : memref<!tpu.dma_semaphore, #tpu.memory_space<semaphore_mem>>
        %dma_start3A_40 = arith.constant 0 : i32
        %dma_start3A_41 = tpu.memref_slice %arg17[%dma_start3A_40] : memref<10000xf32, #tpu.memory_space<vmem>> -> memref<400xf32, #tpu.memory_space<vmem>>
        %dma_start3A_42 = arith.constant 9600 : i32
        %dma_start3A_43 = tpu.memref_slice %arg7[%dma_start3A_42] : memref<10000xf32, #tpu.memory_space<vmem_shared>> -> memref<400xf32, #tpu.memory_space<vmem_shared>>
        %dma_start3A_44 = arith.constant 9600 : i32
        %dma_start3A_45 = tpu.memref_slice %arg7[%dma_start3A_44] : memref<10000xf32, #tpu.memory_space<vmem_shared>> -> memref<400xf32, #tpu.memory_space<vmem_shared>>
        %dma_start3A_46 = arith.constant 0 : i32
        %dma_start3A_47 = tpu.memref_slice %arg17[%dma_start3A_46] : memref<10000xf32, #tpu.memory_space<vmem>> -> memref<400xf32, #tpu.memory_space<vmem>>
        tpu.enqueue_dma source(%dma_start3A_47 : memref<400xf32, #tpu.memory_space<vmem>>) target(%dma_start3A_45 : memref<400xf32, #tpu.memory_space<vmem_shared>>) target_semaphore(%run_scoped3A : memref<!tpu.dma_semaphore, #tpu.memory_space<semaphore_mem>>)
        %dma_wait3A = arith.constant 0 : i32
        %dma_wait3A_48 = tpu.memref_slice %arg17[%dma_wait3A] : memref<10000xf32, #tpu.memory_space<vmem>> -> memref<400xf32, #tpu.memory_space<vmem>>
        %dma_wait3A_49 = arith.constant 9600 : i32
        %dma_wait3A_50 = tpu.memref_slice %arg7[%dma_wait3A_49] : memref<10000xf32, #tpu.memory_space<vmem_shared>> -> memref<400xf32, #tpu.memory_space<vmem_shared>>
        %dma_wait3A_51 = arith.constant 9600 : i32
        %dma_wait3A_52 = tpu.memref_slice %arg7[%dma_wait3A_51] : memref<10000xf32, #tpu.memory_space<vmem_shared>> -> memref<400xf32, #tpu.memory_space<vmem_shared>>
        %dma_wait3A_53 = arith.constant 0 : i32
        %dma_wait3A_54 = tpu.memref_slice %arg17[%dma_wait3A_53] : memref<10000xf32, #tpu.memory_space<vmem>> -> memref<400xf32, #tpu.memory_space<vmem>>
        tpu.wait_dma2 semaphore(%run_scoped3A : memref<!tpu.dma_semaphore, #tpu.memory_space<semaphore_mem>>) src(%dma_wait3A_54 : memref<400xf32, #tpu.memory_space<vmem>>) dst(%dma_wait3A_52 : memref<400xf32, #tpu.memory_space<vmem_shared>>)
        tpu.yield
      }) : () -> ()
    } else {
    }
    %barrier3A = arith.constant 0 : index
    tpu.barrier barrier_id(%barrier3A)
    %add3A_15 = arith.constant 0 : i32
    %add3A_16 = arith.addi %mul3A_2, %add3A_15 : i32
    %multiple_of3A = tpu.assume_multiple %add3A_16, 8 : i32
    %dma_start3A = tpu.memref_slice %arg2[%multiple_of3A] : memref<327680xi32, #tpu.memory_space<hbm>> -> memref<512xi32, #tpu.memory_space<hbm>>
    %dma_start3A_17 = tpu.memref_slice %arg2[%multiple_of3A] : memref<327680xi32, #tpu.memory_space<hbm>> -> memref<512xi32, #tpu.memory_space<hbm>>
    tpu.enqueue_dma source(%dma_start3A_17 : memref<512xi32, #tpu.memory_space<hbm>>) target(%arg9 : memref<512xi32, #tpu.memory_space<vmem>>) target_semaphore(%arg18 : memref<!tpu.dma_semaphore, #tpu.memory_space<semaphore_mem>>)
    %dma_start3A_18 = tpu.memref_slice %arg3[%multiple_of3A] : memref<327680xi32, #tpu.memory_space<hbm>> -> memref<512xi32, #tpu.memory_space<hbm>>
    %dma_start3A_19 = tpu.memref_slice %arg3[%multiple_of3A] : memref<327680xi32, #tpu.memory_space<hbm>> -> memref<512xi32, #tpu.memory_space<hbm>>
    tpu.enqueue_dma source(%dma_start3A_19 : memref<512xi32, #tpu.memory_space<hbm>>) target(%arg10 : memref<512xi32, #tpu.memory_space<vmem>>) target_semaphore(%arg18 : memref<!tpu.dma_semaphore, #tpu.memory_space<semaphore_mem>>)
    %dma_start3A_20 = tpu.memref_slice %arg4[%multiple_of3A] : memref<327680xf32, #tpu.memory_space<hbm>> -> memref<512xf32, #tpu.memory_space<hbm>>
    %dma_start3A_21 = tpu.memref_slice %arg4[%multiple_of3A] : memref<327680xf32, #tpu.memory_space<hbm>> -> memref<512xf32, #tpu.memory_space<hbm>>
    tpu.enqueue_dma source(%dma_start3A_21 : memref<512xf32, #tpu.memory_space<hbm>>) target(%arg11 : memref<512xf32, #tpu.memory_space<vmem>>) target_semaphore(%arg18 : memref<!tpu.dma_semaphore, #tpu.memory_space<semaphore_mem>>)
    %scan3A_22 = arith.constant 0 : i32
    %scan3A_23 = arith.constant 0 : i32
    %scan3A_24 = arith.constant 10 : i32
    %scan3A_25 = arith.addi %scan3A_23, %scan3A_24 : i32
    %scan3A_26 = arith.constant 1 : i32
    %scan3A_27 = scf.for %scan3A_40 = %scan3A_23 to %scan3A_25 step %scan3A_26 iter_args(%scan3A_41 = %scan3A_22) -> (i32)  : i32 {
      %mul3A_42 = arith.constant 2 : i32
      %mul3A_43 = arith.muli %mul3A_42, %scan3A_40 : i32
      %mul3A_44 = arith.constant 512 : i32
      %mul3A_45 = arith.muli %mul3A_43, %mul3A_44 : i32
      %add3A_46 = arith.addi %mul3A_2, %mul3A_45 : i32
      %multiple_of3A_47 = tpu.assume_multiple %add3A_46, 8 : i32
      %dma_wait3A = tpu.memref_slice %arg2[%multiple_of3A_47] : memref<327680xi32, #tpu.memory_space<hbm>> -> memref<512xi32, #tpu.memory_space<hbm>>
      %dma_wait3A_48 = tpu.memref_slice %arg2[%multiple_of3A_47] : memref<327680xi32, #tpu.memory_space<hbm>> -> memref<512xi32, #tpu.memory_space<hbm>>
      tpu.wait_dma2 semaphore(%arg18 : memref<!tpu.dma_semaphore, #tpu.memory_space<semaphore_mem>>) src(%dma_wait3A_48 : memref<512xi32, #tpu.memory_space<hbm>>) dst(%arg9 : memref<512xi32, #tpu.memory_space<vmem>>)
      %dma_wait3A_49 = tpu.memref_slice %arg3[%multiple_of3A_47] : memref<327680xi32, #tpu.memory_space<hbm>> -> memref<512xi32, #tpu.memory_space<hbm>>
      %dma_wait3A_50 = tpu.memref_slice %arg3[%multiple_of3A_47] : memref<327680xi32, #tpu.memory_space<hbm>> -> memref<512xi32, #tpu.memory_space<hbm>>
      tpu.wait_dma2 semaphore(%arg18 : memref<!tpu.dma_semaphore, #tpu.memory_space<semaphore_mem>>) src(%dma_wait3A_50 : memref<512xi32, #tpu.memory_space<hbm>>) dst(%arg10 : memref<512xi32, #tpu.memory_space<vmem>>)
      %dma_wait3A_51 = tpu.memref_slice %arg4[%multiple_of3A_47] : memref<327680xf32, #tpu.memory_space<hbm>> -> memref<512xf32, #tpu.memory_space<hbm>>
      %dma_wait3A_52 = tpu.memref_slice %arg4[%multiple_of3A_47] : memref<327680xf32, #tpu.memory_space<hbm>> -> memref<512xf32, #tpu.memory_space<hbm>>
      tpu.wait_dma2 semaphore(%arg18 : memref<!tpu.dma_semaphore, #tpu.memory_space<semaphore_mem>>) src(%dma_wait3A_52 : memref<512xf32, #tpu.memory_space<hbm>>) dst(%arg11 : memref<512xf32, #tpu.memory_space<vmem>>)
      %add3A_53 = arith.constant 1 : i32
      %add3A_54 = arith.addi %mul3A_43, %add3A_53 : i32
      %mul3A_55 = arith.constant 512 : i32
      %mul3A_56 = arith.muli %add3A_54, %mul3A_55 : i32
      %add3A_57 = arith.addi %mul3A_2, %mul3A_56 : i32
      %multiple_of3A_58 = tpu.assume_multiple %add3A_57, 8 : i32
      %dma_start3A_59 = tpu.memref_slice %arg2[%multiple_of3A_58] : memref<327680xi32, #tpu.memory_space<hbm>> -> memref<512xi32, #tpu.memory_space<hbm>>
      %dma_start3A_60 = tpu.memref_slice %arg2[%multiple_of3A_58] : memref<327680xi32, #tpu.memory_space<hbm>> -> memref<512xi32, #tpu.memory_space<hbm>>
      tpu.enqueue_dma source(%dma_start3A_60 : memref<512xi32, #tpu.memory_space<hbm>>) target(%arg12 : memref<512xi32, #tpu.memory_space<vmem>>) target_semaphore(%arg19 : memref<!tpu.dma_semaphore, #tpu.memory_space<semaphore_mem>>)
      %dma_start3A_61 = tpu.memref_slice %arg3[%multiple_of3A_58] : memref<327680xi32, #tpu.memory_space<hbm>> -> memref<512xi32, #tpu.memory_space<hbm>>
      %dma_start3A_62 = tpu.memref_slice %arg3[%multiple_of3A_58] : memref<327680xi32, #tpu.memory_space<hbm>> -> memref<512xi32, #tpu.memory_space<hbm>>
      tpu.enqueue_dma source(%dma_start3A_62 : memref<512xi32, #tpu.memory_space<hbm>>) target(%arg13 : memref<512xi32, #tpu.memory_space<vmem>>) target_semaphore(%arg19 : memref<!tpu.dma_semaphore, #tpu.memory_space<semaphore_mem>>)
      %dma_start3A_63 = tpu.memref_slice %arg4[%multiple_of3A_58] : memref<327680xf32, #tpu.memory_space<hbm>> -> memref<512xf32, #tpu.memory_space<hbm>>
      %dma_start3A_64 = tpu.memref_slice %arg4[%multiple_of3A_58] : memref<327680xf32, #tpu.memory_space<hbm>> -> memref<512xf32, #tpu.memory_space<hbm>>
      tpu.enqueue_dma source(%dma_start3A_64 : memref<512xf32, #tpu.memory_space<hbm>>) target(%arg14 : memref<512xf32, #tpu.memory_space<vmem>>) target_semaphore(%arg19 : memref<!tpu.dma_semaphore, #tpu.memory_space<semaphore_mem>>)
      %scan3A_65 = arith.constant 0 : i32
      %scan3A_66 = arith.constant 0 : i32
      %scan3A_67 = arith.constant 32 : i32
      %scan3A_68 = arith.addi %scan3A_66, %scan3A_67 : i32
      %scan3A_69 = arith.constant 1 : i32
      %scan3A_70 = scf.for %scan3A_99 = %scan3A_66 to %scan3A_68 step %scan3A_69 iter_args(%scan3A_100 = %scan3A_65) -> (i32)  : i32 {
        %mul3A_101 = arith.constant 16 : i32
        %mul3A_102 = arith.muli %scan3A_99, %mul3A_101 : i32
        %get3A = arith.index_cast %mul3A_102 : i32 to index
        %get3A_103 = tpu.vector_load %arg9[%get3A] {strides = array<i32>} : memref<512xi32, #tpu.memory_space<vmem>>, vector<16xi32>,
        %mul3A_104 = arith.constant 16 : i32
        %mul3A_105 = arith.muli %scan3A_99, %mul3A_104 : i32
        %get3A_106 = arith.index_cast %mul3A_105 : i32 to index
        %get3A_107 = tpu.vector_load %arg11[%get3A_106] {strides = array<i32>} : memref<512xf32, #tpu.memory_space<vmem>>, vector<16xf32>,
        %gather3A = tpu.vector_load_idx %arg8[%get3A_103] : memref<10000xf32, #tpu.memory_space<vmem>>[vector<16xi32>], vector<16xf32>,
        %mul3A_108 = arith.mulf %gather3A, %get3A_107 : vector<16xf32>
        %mul3A_109 = arith.constant 16 : i32
        %mul3A_110 = arith.muli %scan3A_99, %mul3A_109 : i32
        %swap3A = arith.index_cast %mul3A_110 : i32 to index
        %swap3A_111 = tpu.vector_load %arg15[%swap3A] {strides = array<i32>} : memref<512xf32, #tpu.memory_space<vmem>>, vector<16xf32>,
        tpu.vector_store %arg15[%swap3A], %mul3A_108 {strides = array<i32>} : memref<512xf32, #tpu.memory_space<vmem>>, vector<16xf32>,
        %scan3A_112 = arith.constant 0 : i32
        scf.yield %scan3A_112 : i32
      }
      %scan3A_71 = arith.constant 32 : i32
      "tpu.region"() ({
        %run_scoped3A = tpu.sem_alloc : memref<!tpu.dma_semaphore, #tpu.memory_space<semaphore_mem>>
        %dma_start3A_99 = arith.constant 0 : i32
        %dma_start3A_100 = tpu.memref_slice %arg7[%dma_start3A_99] : memref<10000xf32, #tpu.memory_space<vmem_shared>> -> memref<10000xf32, #tpu.memory_space<vmem_shared>>
        tpu.enqueue_indirect_dma source(%arg15 : memref<512xf32, #tpu.memory_space<vmem>>) target(%dma_start3A_100 : memref<10000xf32, #tpu.memory_space<vmem_shared>>) offsets(%arg10 : memref<512xi32, #tpu.memory_space<vmem>>) semaphore(%run_scoped3A : memref<!tpu.dma_semaphore, #tpu.memory_space<semaphore_mem>>) {add = true}
        %dma_wait3A_101 = arith.constant 0 : i32
        %dma_wait3A_102 = tpu.memref_slice %arg7[%dma_wait3A_101] : memref<10000xf32, #tpu.memory_space<vmem_shared>> -> memref<10000xf32, #tpu.memory_space<vmem_shared>>
        tpu.wait_indirect_dma semaphore(%run_scoped3A : memref<!tpu.dma_semaphore, #tpu.memory_space<semaphore_mem>>) src(%arg15 : memref<512xf32, #tpu.memory_space<vmem>>) dst(%dma_wait3A_102 : memref<10000xf32, #tpu.memory_space<vmem_shared>>)
        tpu.yield
      }) : () -> ()
      %add3A_72 = arith.constant 1 : i32
      %add3A_73 = arith.addi %mul3A_43, %add3A_72 : i32
      %mul3A_74 = arith.constant 512 : i32
      %mul3A_75 = arith.muli %add3A_73, %mul3A_74 : i32
      %add3A_76 = arith.addi %mul3A_2, %mul3A_75 : i32
      %multiple_of3A_77 = tpu.assume_multiple %add3A_76, 8 : i32
      %dma_wait3A_78 = tpu.memref_slice %arg2[%multiple_of3A_77] : memref<327680xi32, #tpu.memory_space<hbm>> -> memref<512xi32, #tpu.memory_space<hbm>>
      %dma_wait3A_79 = tpu.memref_slice %arg2[%multiple_of3A_77] : memref<327680xi32, #tpu.memory_space<hbm>> -> memref<512xi32, #tpu.memory_space<hbm>>
      tpu.wait_dma2 semaphore(%arg19 : memref<!tpu.dma_semaphore, #tpu.memory_space<semaphore_mem>>) src(%dma_wait3A_79 : memref<512xi32, #tpu.memory_space<hbm>>) dst(%arg12 : memref<512xi32, #tpu.memory_space<vmem>>)
      %dma_wait3A_80 = tpu.memref_slice %arg3[%multiple_of3A_77] : memref<327680xi32, #tpu.memory_space<hbm>> -> memref<512xi32, #tpu.memory_space<hbm>>
      %dma_wait3A_81 = tpu.memref_slice %arg3[%multiple_of3A_77] : memref<327680xi32, #tpu.memory_space<hbm>> -> memref<512xi32, #tpu.memory_space<hbm>>
      tpu.wait_dma2 semaphore(%arg19 : memref<!tpu.dma_semaphore, #tpu.memory_space<semaphore_mem>>) src(%dma_wait3A_81 : memref<512xi32, #tpu.memory_space<hbm>>) dst(%arg13 : memref<512xi32, #tpu.memory_space<vmem>>)
      %dma_wait3A_82 = tpu.memref_slice %arg4[%multiple_of3A_77] : memref<327680xf32, #tpu.memory_space<hbm>> -> memref<512xf32, #tpu.memory_space<hbm>>
      %dma_wait3A_83 = tpu.memref_slice %arg4[%multiple_of3A_77] : memref<327680xf32, #tpu.memory_space<hbm>> -> memref<512xf32, #tpu.memory_space<hbm>>
      tpu.wait_dma2 semaphore(%arg19 : memref<!tpu.dma_semaphore, #tpu.memory_space<semaphore_mem>>) src(%dma_wait3A_83 : memref<512xf32, #tpu.memory_space<hbm>>) dst(%arg14 : memref<512xf32, #tpu.memory_space<vmem>>)
      %add3A_84 = arith.constant 2 : i32
      %add3A_85 = arith.addi %mul3A_43, %add3A_84 : i32
      %lt3A_86 = arith.constant 20 : i32
      %lt3A_87 = arith.cmpi slt, %add3A_85, %lt3A_86 : i32
      %convert_element_type3A_88 = arith.extui %lt3A_87 : i1 to i32
      %cond3A_89 = arith.constant 0 : i32
      %cond3A_90 = arith.cmpi ne, %convert_element_type3A_88, %cond3A_89 : i32
      scf.if %cond3A_90 {
        %add3A_99 = arith.constant 2 : i32
        %add3A_100 = arith.addi %mul3A_43, %add3A_99 : i32
        %mul3A_101 = arith.constant 512 : i32
        %mul3A_102 = arith.muli %add3A_100, %mul3A_101 : i32
        %add3A_103 = arith.addi %mul3A_2, %mul3A_102 : i32
        %multiple_of3A_104 = tpu.assume_multiple %add3A_103, 8 : i32
        %dma_start3A_105 = tpu.memref_slice %arg2[%multiple_of3A_104] : memref<327680xi32, #tpu.memory_space<hbm>> -> memref<512xi32, #tpu.memory_space<hbm>>
        %dma_start3A_106 = tpu.memref_slice %arg2[%multiple_of3A_104] : memref<327680xi32, #tpu.memory_space<hbm>> -> memref<512xi32, #tpu.memory_space<hbm>>
        tpu.enqueue_dma source(%dma_start3A_106 : memref<512xi32, #tpu.memory_space<hbm>>) target(%arg9 : memref<512xi32, #tpu.memory_space<vmem>>) target_semaphore(%arg18 : memref<!tpu.dma_semaphore, #tpu.memory_space<semaphore_mem>>)
        %dma_start3A_107 = tpu.memref_slice %arg3[%multiple_of3A_104] : memref<327680xi32, #tpu.memory_space<hbm>> -> memref<512xi32, #tpu.memory_space<hbm>>
        %dma_start3A_108 = tpu.memref_slice %arg3[%multiple_of3A_104] : memref<327680xi32, #tpu.memory_space<hbm>> -> memref<512xi32, #tpu.memory_space<hbm>>
        tpu.enqueue_dma source(%dma_start3A_108 : memref<512xi32, #tpu.memory_space<hbm>>) target(%arg10 : memref<512xi32, #tpu.memory_space<vmem>>) target_semaphore(%arg18 : memref<!tpu.dma_semaphore, #tpu.memory_space<semaphore_mem>>)
        %dma_start3A_109 = tpu.memref_slice %arg4[%multiple_of3A_104] : memref<327680xf32, #tpu.memory_space<hbm>> -> memref<512xf32, #tpu.memory_space<hbm>>
        %dma_start3A_110 = tpu.memref_slice %arg4[%multiple_of3A_104] : memref<327680xf32, #tpu.memory_space<hbm>> -> memref<512xf32, #tpu.memory_space<hbm>>
        tpu.enqueue_dma source(%dma_start3A_110 : memref<512xf32, #tpu.memory_space<hbm>>) target(%arg11 : memref<512xf32, #tpu.memory_space<vmem>>) target_semaphore(%arg18 : memref<!tpu.dma_semaphore, #tpu.memory_space<semaphore_mem>>)
      } else {
      }
      %scan3A_91 = arith.constant 0 : i32
      %scan3A_92 = arith.constant 0 : i32
      %scan3A_93 = arith.constant 32 : i32
      %scan3A_94 = arith.addi %scan3A_92, %scan3A_93 : i32
      %scan3A_95 = arith.constant 1 : i32
      %scan3A_96 = scf.for %scan3A_99 = %scan3A_92 to %scan3A_94 step %scan3A_95 iter_args(%scan3A_100 = %scan3A_91) -> (i32)  : i32 {
        %mul3A_101 = arith.constant 16 : i32
        %mul3A_102 = arith.muli %scan3A_99, %mul3A_101 : i32
        %get3A = arith.index_cast %mul3A_102 : i32 to index
        %get3A_103 = tpu.vector_load %arg12[%get3A] {strides = array<i32>} : memref<512xi32, #tpu.memory_space<vmem>>, vector<16xi32>,
        %mul3A_104 = arith.constant 16 : i32
        %mul3A_105 = arith.muli %scan3A_99, %mul3A_104 : i32
        %get3A_106 = arith.index_cast %mul3A_105 : i32 to index
        %get3A_107 = tpu.vector_load %arg14[%get3A_106] {strides = array<i32>} : memref<512xf32, #tpu.memory_space<vmem>>, vector<16xf32>,
        %gather3A = tpu.vector_load_idx %arg8[%get3A_103] : memref<10000xf32, #tpu.memory_space<vmem>>[vector<16xi32>], vector<16xf32>,
        %mul3A_108 = arith.mulf %gather3A, %get3A_107 : vector<16xf32>
        %mul3A_109 = arith.constant 16 : i32
        %mul3A_110 = arith.muli %scan3A_99, %mul3A_109 : i32
        %swap3A = arith.index_cast %mul3A_110 : i32 to index
        %swap3A_111 = tpu.vector_load %arg16[%swap3A] {strides = array<i32>} : memref<512xf32, #tpu.memory_space<vmem>>, vector<16xf32>,
        tpu.vector_store %arg16[%swap3A], %mul3A_108 {strides = array<i32>} : memref<512xf32, #tpu.memory_space<vmem>>, vector<16xf32>,
        %scan3A_112 = arith.constant 0 : i32
        scf.yield %scan3A_112 : i32
      }
      %scan3A_97 = arith.constant 32 : i32
      "tpu.region"() ({
        %run_scoped3A = tpu.sem_alloc : memref<!tpu.dma_semaphore, #tpu.memory_space<semaphore_mem>>
        %dma_start3A_99 = arith.constant 0 : i32
        %dma_start3A_100 = tpu.memref_slice %arg7[%dma_start3A_99] : memref<10000xf32, #tpu.memory_space<vmem_shared>> -> memref<10000xf32, #tpu.memory_space<vmem_shared>>
        tpu.enqueue_indirect_dma source(%arg16 : memref<512xf32, #tpu.memory_space<vmem>>) target(%dma_start3A_100 : memref<10000xf32, #tpu.memory_space<vmem_shared>>) offsets(%arg13 : memref<512xi32, #tpu.memory_space<vmem>>) semaphore(%run_scoped3A : memref<!tpu.dma_semaphore, #tpu.memory_space<semaphore_mem>>) {add = true}
        %dma_wait3A_101 = arith.constant 0 : i32
        %dma_wait3A_102 = tpu.memref_slice %arg7[%dma_wait3A_101] : memref<10000xf32, #tpu.memory_space<vmem_shared>> -> memref<10000xf32, #tpu.memory_space<vmem_shared>>
        tpu.wait_indirect_dma semaphore(%run_scoped3A : memref<!tpu.dma_semaphore, #tpu.memory_space<semaphore_mem>>) src(%arg16 : memref<512xf32, #tpu.memory_space<vmem>>) dst(%dma_wait3A_102 : memref<10000xf32, #tpu.memory_space<vmem_shared>>)
        tpu.yield
      }) : () -> ()
      %scan3A_98 = arith.constant 0 : i32
      scf.yield %scan3A_98 : i32
    }
    %scan3A_28 = arith.constant 10 : i32
    %barrier3A_29 = arith.constant 0 : index
    tpu.barrier barrier_id(%barrier3A_29)
    %lt3A_30 = arith.constant 15 : i32
    %lt3A_31 = arith.cmpi slt, %arg1, %lt3A_30 : i32
    %convert_element_type3A_32 = arith.extui %lt3A_31 : i1 to i32
    %cond3A_33 = arith.constant 0 : i32
    %cond3A_34 = arith.cmpi ne, %convert_element_type3A_32, %cond3A_33 : i32
    scf.if %cond3A_34 {
      %mul3A_40 = arith.constant 640 : i32
      %mul3A_41 = arith.muli %arg1, %mul3A_40 : i32
      "tpu.region"() ({
        %run_scoped3A = tpu.sem_alloc : memref<!tpu.dma_semaphore, #tpu.memory_space<semaphore_mem>>
        %dma_start3A_44 = arith.constant 0 : i32
        %dma_start3A_45 = tpu.memref_slice %arg17[%dma_start3A_44] : memref<10000xf32, #tpu.memory_space<vmem>> -> memref<640xf32, #tpu.memory_space<vmem>>
        %dma_start3A_46 = tpu.memref_slice %arg7[%mul3A_41] : memref<10000xf32, #tpu.memory_space<vmem_shared>> -> memref<640xf32, #tpu.memory_space<vmem_shared>>
        %dma_start3A_47 = arith.constant 0 : i32
        %dma_start3A_48 = tpu.memref_slice %arg17[%dma_start3A_47] : memref<10000xf32, #tpu.memory_space<vmem>> -> memref<640xf32, #tpu.memory_space<vmem>>
        %dma_start3A_49 = tpu.memref_slice %arg7[%mul3A_41] : memref<10000xf32, #tpu.memory_space<vmem_shared>> -> memref<640xf32, #tpu.memory_space<vmem_shared>>
        tpu.enqueue_dma source(%dma_start3A_49 : memref<640xf32, #tpu.memory_space<vmem_shared>>) target(%dma_start3A_48 : memref<640xf32, #tpu.memory_space<vmem>>) target_semaphore(%run_scoped3A : memref<!tpu.dma_semaphore, #tpu.memory_space<semaphore_mem>>)
        %dma_wait3A = arith.constant 0 : i32
        %dma_wait3A_50 = tpu.memref_slice %arg17[%dma_wait3A] : memref<10000xf32, #tpu.memory_space<vmem>> -> memref<640xf32, #tpu.memory_space<vmem>>
        %dma_wait3A_51 = tpu.memref_slice %arg7[%mul3A_41] : memref<10000xf32, #tpu.memory_space<vmem_shared>> -> memref<640xf32, #tpu.memory_space<vmem_shared>>
        %dma_wait3A_52 = arith.constant 0 : i32
        %dma_wait3A_53 = tpu.memref_slice %arg17[%dma_wait3A_52] : memref<10000xf32, #tpu.memory_space<vmem>> -> memref<640xf32, #tpu.memory_space<vmem>>
        %dma_wait3A_54 = tpu.memref_slice %arg7[%mul3A_41] : memref<10000xf32, #tpu.memory_space<vmem_shared>> -> memref<640xf32, #tpu.memory_space<vmem_shared>>
        tpu.wait_dma2 semaphore(%run_scoped3A : memref<!tpu.dma_semaphore, #tpu.memory_space<semaphore_mem>>) src(%dma_wait3A_54 : memref<640xf32, #tpu.memory_space<vmem_shared>>) dst(%dma_wait3A_53 : memref<640xf32, #tpu.memory_space<vmem>>)
        tpu.yield
      }) : () -> ()
      %mul3A_42 = arith.constant 640 : i32
      %mul3A_43 = arith.muli %arg1, %mul3A_42 : i32
      "tpu.region"() ({
        %run_scoped3A = tpu.sem_alloc : memref<!tpu.dma_semaphore, #tpu.memory_space<semaphore_mem>>
        %dma_start3A_44 = arith.constant 0 : i32
        %dma_start3A_45 = tpu.memref_slice %arg17[%dma_start3A_44] : memref<10000xf32, #tpu.memory_space<vmem>> -> memref<640xf32, #tpu.memory_space<vmem>>
        %dma_start3A_46 = tpu.memref_slice %arg6[%arg0, %mul3A_43] : memref<2x10000xf32, #tpu.memory_space<hbm>> -> memref<1x640xf32, #tpu.memory_space<hbm>>
        %dma_start3A_47 = tpu.memref_squeeze %dma_start3A_46 : memref<1x640xf32, #tpu.memory_space<hbm>> -> memref<640xf32, #tpu.memory_space<hbm>>
        %dma_start3A_48 = tpu.memref_slice %arg6[%arg0, %mul3A_43] : memref<2x10000xf32, #tpu.memory_space<hbm>> -> memref<1x640xf32, #tpu.memory_space<hbm>>
        %dma_start3A_49 = tpu.memref_squeeze %dma_start3A_48 : memref<1x640xf32, #tpu.memory_space<hbm>> -> memref<640xf32, #tpu.memory_space<hbm>>
        %dma_start3A_50 = arith.constant 0 : i32
        %dma_start3A_51 = tpu.memref_slice %arg17[%dma_start3A_50] : memref<10000xf32, #tpu.memory_space<vmem>> -> memref<640xf32, #tpu.memory_space<vmem>>
        tpu.enqueue_dma source(%dma_start3A_51 : memref<640xf32, #tpu.memory_space<vmem>>) target(%dma_start3A_49 : memref<640xf32, #tpu.memory_space<hbm>>) target_semaphore(%run_scoped3A : memref<!tpu.dma_semaphore, #tpu.memory_space<semaphore_mem>>)
        %dma_wait3A = arith.constant 0 : i32
        %dma_wait3A_52 = tpu.memref_slice %arg17[%dma_wait3A] : memref<10000xf32, #tpu.memory_space<vmem>> -> memref<640xf32, #tpu.memory_space<vmem>>
        %dma_wait3A_53 = tpu.memref_slice %arg6[%arg0, %mul3A_43] : memref<2x10000xf32, #tpu.memory_space<hbm>> -> memref<1x640xf32, #tpu.memory_space<hbm>>
        %dma_wait3A_54 = tpu.memref_squeeze %dma_wait3A_53 : memref<1x640xf32, #tpu.memory_space<hbm>> -> memref<640xf32, #tpu.memory_space<hbm>>
        %dma_wait3A_55 = tpu.memref_slice %arg6[%arg0, %mul3A_43] : memref<2x10000xf32, #tpu.memory_space<hbm>> -> memref<1x640xf32, #tpu.memory_space<hbm>>
        %dma_wait3A_56 = tpu.memref_squeeze %dma_wait3A_55 : memref<1x640xf32, #tpu.memory_space<hbm>> -> memref<640xf32, #tpu.memory_space<hbm>>
        %dma_wait3A_57 = arith.constant 0 : i32
        %dma_wait3A_58 = tpu.memref_slice %arg17[%dma_wait3A_57] : memref<10000xf32, #tpu.memory_space<vmem>> -> memref<640xf32, #tpu.memory_space<vmem>>
        tpu.wait_dma2 semaphore(%run_scoped3A : memref<!tpu.dma_semaphore, #tpu.memory_space<semaphore_mem>>) src(%dma_wait3A_58 : memref<640xf32, #tpu.memory_space<vmem>>) dst(%dma_wait3A_56 : memref<640xf32, #tpu.memory_space<hbm>>)
        tpu.yield
      }) : () -> ()
    } else {
    }
    %eq3A_35 = arith.constant 15 : i32
    %eq3A_36 = arith.cmpi eq, %arg1, %eq3A_35 : i32
    %convert_element_type3A_37 = arith.extui %eq3A_36 : i1 to i32
    %cond3A_38 = arith.constant 0 : i32
    %cond3A_39 = arith.cmpi ne, %convert_element_type3A_37, %cond3A_38 : i32
    scf.if %cond3A_39 {
      "tpu.region"() ({
        %run_scoped3A = tpu.sem_alloc : memref<!tpu.dma_semaphore, #tpu.memory_space<semaphore_mem>>
        %dma_start3A_40 = arith.constant 0 : i32
        %dma_start3A_41 = tpu.memref_slice %arg17[%dma_start3A_40] : memref<10000xf32, #tpu.memory_space<vmem>> -> memref<400xf32, #tpu.memory_space<vmem>>
        %dma_start3A_42 = arith.constant 9600 : i32
        %dma_start3A_43 = tpu.memref_slice %arg7[%dma_start3A_42] : memref<10000xf32, #tpu.memory_space<vmem_shared>> -> memref<400xf32, #tpu.memory_space<vmem_shared>>
        %dma_start3A_44 = arith.constant 0 : i32
        %dma_start3A_45 = tpu.memref_slice %arg17[%dma_start3A_44] : memref<10000xf32, #tpu.memory_space<vmem>> -> memref<400xf32, #tpu.memory_space<vmem>>
        %dma_start3A_46 = arith.constant 9600 : i32
        %dma_start3A_47 = tpu.memref_slice %arg7[%dma_start3A_46] : memref<10000xf32, #tpu.memory_space<vmem_shared>> -> memref<400xf32, #tpu.memory_space<vmem_shared>>
        tpu.enqueue_dma source(%dma_start3A_47 : memref<400xf32, #tpu.memory_space<vmem_shared>>) target(%dma_start3A_45 : memref<400xf32, #tpu.memory_space<vmem>>) target_semaphore(%run_scoped3A : memref<!tpu.dma_semaphore, #tpu.memory_space<semaphore_mem>>)
        %dma_wait3A = arith.constant 0 : i32
        %dma_wait3A_48 = tpu.memref_slice %arg17[%dma_wait3A] : memref<10000xf32, #tpu.memory_space<vmem>> -> memref<400xf32, #tpu.memory_space<vmem>>
        %dma_wait3A_49 = arith.constant 9600 : i32
        %dma_wait3A_50 = tpu.memref_slice %arg7[%dma_wait3A_49] : memref<10000xf32, #tpu.memory_space<vmem_shared>> -> memref<400xf32, #tpu.memory_space<vmem_shared>>
        %dma_wait3A_51 = arith.constant 0 : i32
        %dma_wait3A_52 = tpu.memref_slice %arg17[%dma_wait3A_51] : memref<10000xf32, #tpu.memory_space<vmem>> -> memref<400xf32, #tpu.memory_space<vmem>>
        %dma_wait3A_53 = arith.constant 9600 : i32
        %dma_wait3A_54 = tpu.memref_slice %arg7[%dma_wait3A_53] : memref<10000xf32, #tpu.memory_space<vmem_shared>> -> memref<400xf32, #tpu.memory_space<vmem_shared>>
        tpu.wait_dma2 semaphore(%run_scoped3A : memref<!tpu.dma_semaphore, #tpu.memory_space<semaphore_mem>>) src(%dma_wait3A_54 : memref<400xf32, #tpu.memory_space<vmem_shared>>) dst(%dma_wait3A_52 : memref<400xf32, #tpu.memory_space<vmem>>)
        tpu.yield
      }) : () -> ()
      "tpu.region"() ({
        %run_scoped3A = tpu.sem_alloc : memref<!tpu.dma_semaphore, #tpu.memory_space<semaphore_mem>>
        %dma_start3A_40 = arith.constant 0 : i32
        %dma_start3A_41 = tpu.memref_slice %arg17[%dma_start3A_40] : memref<10000xf32, #tpu.memory_space<vmem>> -> memref<400xf32, #tpu.memory_space<vmem>>
        %dma_start3A_42 = arith.constant 9600 : i32
        %dma_start3A_43 = tpu.memref_slice %arg6[%arg0, %dma_start3A_42] : memref<2x10000xf32, #tpu.memory_space<hbm>> -> memref<1x400xf32, #tpu.memory_space<hbm>>
        %dma_start3A_44 = tpu.memref_squeeze %dma_start3A_43 : memref<1x400xf32, #tpu.memory_space<hbm>> -> memref<400xf32, #tpu.memory_space<hbm>>
        %dma_start3A_45 = arith.constant 9600 : i32
        %dma_start3A_46 = tpu.memref_slice %arg6[%arg0, %dma_start3A_45] : memref<2x10000xf32, #tpu.memory_space<hbm>> -> memref<1x400xf32, #tpu.memory_space<hbm>>
        %dma_start3A_47 = tpu.memref_squeeze %dma_start3A_46 : memref<1x400xf32, #tpu.memory_space<hbm>> -> memref<400xf32, #tpu.memory_space<hbm>>
        %dma_start3A_48 = arith.constant 0 : i32
        %dma_start3A_49 = tpu.memref_slice %arg17[%dma_start3A_48] : memref<10000xf32, #tpu.memory_space<vmem>> -> memref<400xf32, #tpu.memory_space<vmem>>
        tpu.enqueue_dma source(%dma_start3A_49 : memref<400xf32, #tpu.memory_space<vmem>>) target(%dma_start3A_47 : memref<400xf32, #tpu.memory_space<hbm>>) target_semaphore(%run_scoped3A : memref<!tpu.dma_semaphore, #tpu.memory_space<semaphore_mem>>)
        %dma_wait3A = arith.constant 0 : i32
        %dma_wait3A_50 = tpu.memref_slice %arg17[%dma_wait3A] : memref<10000xf32, #tpu.memory_space<vmem>> -> memref<400xf32, #tpu.memory_space<vmem>>
        %dma_wait3A_51 = arith.constant 9600 : i32
        %dma_wait3A_52 = tpu.memref_slice %arg6[%arg0, %dma_wait3A_51] : memref<2x10000xf32, #tpu.memory_space<hbm>> -> memref<1x400xf32, #tpu.memory_space<hbm>>
        %dma_wait3A_53 = tpu.memref_squeeze %dma_wait3A_52 : memref<1x400xf32, #tpu.memory_space<hbm>> -> memref<400xf32, #tpu.memory_space<hbm>>
        %dma_wait3A_54 = arith.constant 9600 : i32
        %dma_wait3A_55 = tpu.memref_slice %arg6[%arg0, %dma_wait3A_54] : memref<2x10000xf32, #tpu.memory_space<hbm>> -> memref<1x400xf32, #tpu.memory_space<hbm>>
        %dma_wait3A_56 = tpu.memref_squeeze %dma_wait3A_55 : memref<1x400xf32, #tpu.memory_space<hbm>> -> memref<400xf32, #tpu.memory_space<hbm>>
        %dma_wait3A_57 = arith.constant 0 : i32
        %dma_wait3A_58 = tpu.memref_slice %arg17[%dma_wait3A_57] : memref<10000xf32, #tpu.memory_space<vmem>> -> memref<400xf32, #tpu.memory_space<vmem>>
        tpu.wait_dma2 semaphore(%run_scoped3A : memref<!tpu.dma_semaphore, #tpu.memory_space<semaphore_mem>>) src(%dma_wait3A_58 : memref<400xf32, #tpu.memory_space<vmem>>) dst(%dma_wait3A_56 : memref<400xf32, #tpu.memory_space<hbm>>)
        tpu.yield
      }) : () -> ()
    } else {
    }
    return
  }
}

#map = affine_map<(d0, d1) -> (0)>
#map1 = affine_map<(d0, d1) -> (0, 0)>
#map2 = affine_map<(d0, d1) -> (0, 0, 0)>
module attributes {stable_mosaic.version = 14 : i64} {
  func.func @_row_conv_body(%arg0: i32, %arg1: i32, %arg2: memref<327680xi32, #tpu.memory_space<hbm>>, %arg3: memref<327680xi32, #tpu.memory_space<hbm>>, %arg4: memref<327680xf32, #tpu.memory_space<hbm>>, %arg5: memref<10000x16xf32, #tpu.memory_space<hbm>>, %arg6: memref<2x10000x16xf32, #tpu.memory_space<hbm>>, %arg7: memref<10000x16xf32, #tpu.memory_space<vmem_shared>>, %arg8: memref<512xi32, #tpu.memory_space<vmem>>, %arg9: memref<512xi32, #tpu.memory_space<vmem>>, %arg10: memref<512xf32, #tpu.memory_space<vmem>>, %arg11: memref<512xi32, #tpu.memory_space<vmem>>, %arg12: memref<512xi32, #tpu.memory_space<vmem>>, %arg13: memref<512xf32, #tpu.memory_space<vmem>>, %arg14: memref<512x16xf32, #tpu.memory_space<vmem>>, %arg15: memref<512x16xf32, #tpu.memory_space<vmem>>, %arg16: memref<640x16xf32, #tpu.memory_space<vmem>>, %arg17: memref<!tpu.dma_semaphore, #tpu.memory_space<semaphore_mem>>, %arg18: memref<!tpu.dma_semaphore, #tpu.memory_space<semaphore_mem>>, %arg19: memref<!tpu.dma_semaphore, #tpu.memory_space<semaphore_mem>>, %arg20: memref<!tpu.dma_semaphore, #tpu.memory_space<semaphore_mem>>) attributes {dimension_semantics = [#tpu.dimension_semantics<core_parallel>, #tpu.dimension_semantics<subcore_parallel>], iteration_bounds = array<i64: 2, 16>, scalar_prefetch = 0 : i64, scratch_operands = 14 : i64, tpu.core_type = #tpu.core_type<sc_vector_subcore>, window_params = [{transform_indices = #map}, {transform_indices = #map}, {transform_indices = #map}, {transform_indices = #map1}, {transform_indices = #map2}]} {
    %mul3A = arith.constant 16 : i32
    %mul3A_0 = arith.muli %arg0, %mul3A : i32
    %add3A = arith.addi %mul3A_0, %arg1 : i32
    %mul3A_1 = arith.constant 10240 : i32
    %mul3A_2 = arith.muli %add3A, %mul3A_1 : i32
    %scan3A = arith.constant 0 : i32
    %scan3A_3 = arith.constant 0 : i32
    %scan3A_4 = arith.constant 640 : i32
    %scan3A_5 = arith.addi %scan3A_3, %scan3A_4 : i32
    %scan3A_6 = arith.constant 1 : i32
    %scan3A_7 = scf.for %scan3A_60 = %scan3A_3 to %scan3A_5 step %scan3A_6 iter_args(%scan3A_61 = %scan3A) -> (i32)  : i32 {
      %broadcast_in_dim3A = arith.constant 0.000000e+00 : f32
      %broadcast_in_dim3A_62 = vector.broadcast %broadcast_in_dim3A : f32 to vector<16xf32>
      %swap3A = arith.index_cast %scan3A_60 : i32 to index
      %swap3A_63 = arith.constant 0 : index
      %swap3A_64 = tpu.vector_load %arg16[%swap3A, %swap3A_63] {strides = array<i32>} : memref<640x16xf32, #tpu.memory_space<vmem>>, vector<16xf32>,
      tpu.vector_store %arg16[%swap3A, %swap3A_63], %broadcast_in_dim3A_62 {strides = array<i32>} : memref<640x16xf32, #tpu.memory_space<vmem>>, vector<16xf32>,
      %scan3A_65 = arith.constant 0 : i32
      scf.yield %scan3A_65 : i32
    }
    %scan3A_8 = arith.constant 640 : i32
    %lt3A = arith.constant 15 : i32
    %lt3A_9 = arith.cmpi slt, %arg1, %lt3A : i32
    %convert_element_type3A = arith.extui %lt3A_9 : i1 to i32
    %cond3A = arith.constant 0 : i32
    %cond3A_10 = arith.cmpi ne, %convert_element_type3A, %cond3A : i32
    scf.if %cond3A_10 {
      %mul3A_60 = arith.constant 640 : i32
      %mul3A_61 = arith.muli %arg1, %mul3A_60 : i32
      "tpu.region"() ({
        %run_scoped3A = tpu.sem_alloc : memref<!tpu.dma_semaphore, #tpu.memory_space<semaphore_mem>>
        %dma_start3A_62 = arith.constant 0 : i32
        %dma_start3A_63 = tpu.memref_slice %arg7[%mul3A_61, %dma_start3A_62] : memref<10000x16xf32, #tpu.memory_space<vmem_shared>> -> memref<640x16xf32, #tpu.memory_space<vmem_shared>>
        %dma_start3A_64 = arith.constant 0 : i32
        %dma_start3A_65 = tpu.memref_slice %arg7[%mul3A_61, %dma_start3A_64] : memref<10000x16xf32, #tpu.memory_space<vmem_shared>> -> memref<640x16xf32, #tpu.memory_space<vmem_shared>>
        tpu.enqueue_dma source(%arg16 : memref<640x16xf32, #tpu.memory_space<vmem>>) target(%dma_start3A_65 : memref<640x16xf32, #tpu.memory_space<vmem_shared>>) target_semaphore(%run_scoped3A : memref<!tpu.dma_semaphore, #tpu.memory_space<semaphore_mem>>)
        %dma_wait3A_66 = arith.constant 0 : i32
        %dma_wait3A_67 = tpu.memref_slice %arg7[%mul3A_61, %dma_wait3A_66] : memref<10000x16xf32, #tpu.memory_space<vmem_shared>> -> memref<640x16xf32, #tpu.memory_space<vmem_shared>>
        %dma_wait3A_68 = arith.constant 0 : i32
        %dma_wait3A_69 = tpu.memref_slice %arg7[%mul3A_61, %dma_wait3A_68] : memref<10000x16xf32, #tpu.memory_space<vmem_shared>> -> memref<640x16xf32, #tpu.memory_space<vmem_shared>>
        tpu.wait_dma2 semaphore(%run_scoped3A : memref<!tpu.dma_semaphore, #tpu.memory_space<semaphore_mem>>) src(%arg16 : memref<640x16xf32, #tpu.memory_space<vmem>>) dst(%dma_wait3A_69 : memref<640x16xf32, #tpu.memory_space<vmem_shared>>)
        tpu.yield
      }) : () -> ()
    } else {
    }
    %eq3A = arith.constant 15 : i32
    %eq3A_11 = arith.cmpi eq, %arg1, %eq3A : i32
    %convert_element_type3A_12 = arith.extui %eq3A_11 : i1 to i32
    %cond3A_13 = arith.constant 0 : i32
    %cond3A_14 = arith.cmpi ne, %convert_element_type3A_12, %cond3A_13 : i32
    scf.if %cond3A_14 {
      "tpu.region"() ({
        %run_scoped3A = tpu.sem_alloc : memref<!tpu.dma_semaphore, #tpu.memory_space<semaphore_mem>>
        %dma_start3A_60 = arith.constant 0 : i32
        %dma_start3A_61 = arith.constant 0 : i32
        %dma_start3A_62 = tpu.memref_slice %arg16[%dma_start3A_60, %dma_start3A_61] : memref<640x16xf32, #tpu.memory_space<vmem>> -> memref<400x16xf32, #tpu.memory_space<vmem>>
        %dma_start3A_63 = arith.constant 9600 : i32
        %dma_start3A_64 = arith.constant 0 : i32
        %dma_start3A_65 = tpu.memref_slice %arg7[%dma_start3A_63, %dma_start3A_64] : memref<10000x16xf32, #tpu.memory_space<vmem_shared>> -> memref<400x16xf32, #tpu.memory_space<vmem_shared>>
        %dma_start3A_66 = arith.constant 9600 : i32
        %dma_start3A_67 = arith.constant 0 : i32
        %dma_start3A_68 = tpu.memref_slice %arg7[%dma_start3A_66, %dma_start3A_67] : memref<10000x16xf32, #tpu.memory_space<vmem_shared>> -> memref<400x16xf32, #tpu.memory_space<vmem_shared>>
        %dma_start3A_69 = arith.constant 0 : i32
        %dma_start3A_70 = arith.constant 0 : i32
        %dma_start3A_71 = tpu.memref_slice %arg16[%dma_start3A_69, %dma_start3A_70] : memref<640x16xf32, #tpu.memory_space<vmem>> -> memref<400x16xf32, #tpu.memory_space<vmem>>
        tpu.enqueue_dma source(%dma_start3A_71 : memref<400x16xf32, #tpu.memory_space<vmem>>) target(%dma_start3A_68 : memref<400x16xf32, #tpu.memory_space<vmem_shared>>) target_semaphore(%run_scoped3A : memref<!tpu.dma_semaphore, #tpu.memory_space<semaphore_mem>>)
        %dma_wait3A_72 = arith.constant 0 : i32
        %dma_wait3A_73 = arith.constant 0 : i32
        %dma_wait3A_74 = tpu.memref_slice %arg16[%dma_wait3A_72, %dma_wait3A_73] : memref<640x16xf32, #tpu.memory_space<vmem>> -> memref<400x16xf32, #tpu.memory_space<vmem>>
        %dma_wait3A_75 = arith.constant 9600 : i32
        %dma_wait3A_76 = arith.constant 0 : i32
        %dma_wait3A_77 = tpu.memref_slice %arg7[%dma_wait3A_75, %dma_wait3A_76] : memref<10000x16xf32, #tpu.memory_space<vmem_shared>> -> memref<400x16xf32, #tpu.memory_space<vmem_shared>>
        %dma_wait3A_78 = arith.constant 9600 : i32
        %dma_wait3A_79 = arith.constant 0 : i32
        %dma_wait3A_80 = tpu.memref_slice %arg7[%dma_wait3A_78, %dma_wait3A_79] : memref<10000x16xf32, #tpu.memory_space<vmem_shared>> -> memref<400x16xf32, #tpu.memory_space<vmem_shared>>
        %dma_wait3A_81 = arith.constant 0 : i32
        %dma_wait3A_82 = arith.constant 0 : i32
        %dma_wait3A_83 = tpu.memref_slice %arg16[%dma_wait3A_81, %dma_wait3A_82] : memref<640x16xf32, #tpu.memory_space<vmem>> -> memref<400x16xf32, #tpu.memory_space<vmem>>
        tpu.wait_dma2 semaphore(%run_scoped3A : memref<!tpu.dma_semaphore, #tpu.memory_space<semaphore_mem>>) src(%dma_wait3A_83 : memref<400x16xf32, #tpu.memory_space<vmem>>) dst(%dma_wait3A_80 : memref<400x16xf32, #tpu.memory_space<vmem_shared>>)
        tpu.yield
      }) : () -> ()
    } else {
    }
    %barrier3A = arith.constant 0 : index
    tpu.barrier barrier_id(%barrier3A)
    %iota3A = tpu.iota {dimensions = array<i32: 0>} : vector<16xi32>
    %add3A_15 = arith.constant 0 : i32
    %add3A_16 = arith.addi %mul3A_2, %add3A_15 : i32
    %multiple_of3A = tpu.assume_multiple %add3A_16, 8 : i32
    %dma_start3A = tpu.memref_slice %arg2[%multiple_of3A] : memref<327680xi32, #tpu.memory_space<hbm>> -> memref<512xi32, #tpu.memory_space<hbm>>
    %dma_start3A_17 = tpu.memref_slice %arg2[%multiple_of3A] : memref<327680xi32, #tpu.memory_space<hbm>> -> memref<512xi32, #tpu.memory_space<hbm>>
    tpu.enqueue_dma source(%dma_start3A_17 : memref<512xi32, #tpu.memory_space<hbm>>) target(%arg8 : memref<512xi32, #tpu.memory_space<vmem>>) target_semaphore(%arg17 : memref<!tpu.dma_semaphore, #tpu.memory_space<semaphore_mem>>)
    %dma_start3A_18 = tpu.memref_slice %arg3[%multiple_of3A] : memref<327680xi32, #tpu.memory_space<hbm>> -> memref<512xi32, #tpu.memory_space<hbm>>
    %dma_start3A_19 = tpu.memref_slice %arg3[%multiple_of3A] : memref<327680xi32, #tpu.memory_space<hbm>> -> memref<512xi32, #tpu.memory_space<hbm>>
    tpu.enqueue_dma source(%dma_start3A_19 : memref<512xi32, #tpu.memory_space<hbm>>) target(%arg9 : memref<512xi32, #tpu.memory_space<vmem>>) target_semaphore(%arg17 : memref<!tpu.dma_semaphore, #tpu.memory_space<semaphore_mem>>)
    %dma_start3A_20 = tpu.memref_slice %arg4[%multiple_of3A] : memref<327680xf32, #tpu.memory_space<hbm>> -> memref<512xf32, #tpu.memory_space<hbm>>
    %dma_start3A_21 = tpu.memref_slice %arg4[%multiple_of3A] : memref<327680xf32, #tpu.memory_space<hbm>> -> memref<512xf32, #tpu.memory_space<hbm>>
    tpu.enqueue_dma source(%dma_start3A_21 : memref<512xf32, #tpu.memory_space<hbm>>) target(%arg10 : memref<512xf32, #tpu.memory_space<vmem>>) target_semaphore(%arg17 : memref<!tpu.dma_semaphore, #tpu.memory_space<semaphore_mem>>)
    %add3A_22 = arith.constant 0 : i32
    %add3A_23 = arith.addi %mul3A_2, %add3A_22 : i32
    %multiple_of3A_24 = tpu.assume_multiple %add3A_23, 8 : i32
    %dma_wait3A = tpu.memref_slice %arg2[%multiple_of3A_24] : memref<327680xi32, #tpu.memory_space<hbm>> -> memref<512xi32, #tpu.memory_space<hbm>>
    %dma_wait3A_25 = tpu.memref_slice %arg2[%multiple_of3A_24] : memref<327680xi32, #tpu.memory_space<hbm>> -> memref<512xi32, #tpu.memory_space<hbm>>
    tpu.wait_dma2 semaphore(%arg17 : memref<!tpu.dma_semaphore, #tpu.memory_space<semaphore_mem>>) src(%dma_wait3A_25 : memref<512xi32, #tpu.memory_space<hbm>>) dst(%arg8 : memref<512xi32, #tpu.memory_space<vmem>>)
    %dma_wait3A_26 = tpu.memref_slice %arg3[%multiple_of3A_24] : memref<327680xi32, #tpu.memory_space<hbm>> -> memref<512xi32, #tpu.memory_space<hbm>>
    %dma_wait3A_27 = tpu.memref_slice %arg3[%multiple_of3A_24] : memref<327680xi32, #tpu.memory_space<hbm>> -> memref<512xi32, #tpu.memory_space<hbm>>
    tpu.wait_dma2 semaphore(%arg17 : memref<!tpu.dma_semaphore, #tpu.memory_space<semaphore_mem>>) src(%dma_wait3A_27 : memref<512xi32, #tpu.memory_space<hbm>>) dst(%arg9 : memref<512xi32, #tpu.memory_space<vmem>>)
    %dma_wait3A_28 = tpu.memref_slice %arg4[%multiple_of3A_24] : memref<327680xf32, #tpu.memory_space<hbm>> -> memref<512xf32, #tpu.memory_space<hbm>>
    %dma_wait3A_29 = tpu.memref_slice %arg4[%multiple_of3A_24] : memref<327680xf32, #tpu.memory_space<hbm>> -> memref<512xf32, #tpu.memory_space<hbm>>
    tpu.wait_dma2 semaphore(%arg17 : memref<!tpu.dma_semaphore, #tpu.memory_space<semaphore_mem>>) src(%dma_wait3A_29 : memref<512xf32, #tpu.memory_space<hbm>>) dst(%arg10 : memref<512xf32, #tpu.memory_space<vmem>>)
    %dma_start3A_30 = arith.constant 0 : i32
    %dma_start3A_31 = arith.constant 0 : i32
    %dma_start3A_32 = tpu.memref_slice %arg5[%dma_start3A_30, %dma_start3A_31] : memref<10000x16xf32, #tpu.memory_space<hbm>> -> memref<10000x16xf32, #tpu.memory_space<hbm>>
    tpu.enqueue_indirect_dma source(%dma_start3A_32 : memref<10000x16xf32, #tpu.memory_space<hbm>>) target(%arg14 : memref<512x16xf32, #tpu.memory_space<vmem>>) offsets(%arg8 : memref<512xi32, #tpu.memory_space<vmem>>) semaphore(%arg19 : memref<!tpu.dma_semaphore, #tpu.memory_space<semaphore_mem>>)
    %add3A_33 = arith.constant 512 : i32
    %add3A_34 = arith.addi %mul3A_2, %add3A_33 : i32
    %multiple_of3A_35 = tpu.assume_multiple %add3A_34, 8 : i32
    %dma_start3A_36 = tpu.memref_slice %arg2[%multiple_of3A_35] : memref<327680xi32, #tpu.memory_space<hbm>> -> memref<512xi32, #tpu.memory_space<hbm>>
    %dma_start3A_37 = tpu.memref_slice %arg2[%multiple_of3A_35] : memref<327680xi32, #tpu.memory_space<hbm>> -> memref<512xi32, #tpu.memory_space<hbm>>
    tpu.enqueue_dma source(%dma_start3A_37 : memref<512xi32, #tpu.memory_space<hbm>>) target(%arg11 : memref<512xi32, #tpu.memory_space<vmem>>) target_semaphore(%arg18 : memref<!tpu.dma_semaphore, #tpu.memory_space<semaphore_mem>>)
    %dma_start3A_38 = tpu.memref_slice %arg3[%multiple_of3A_35] : memref<327680xi32, #tpu.memory_space<hbm>> -> memref<512xi32, #tpu.memory_space<hbm>>
    %dma_start3A_39 = tpu.memref_slice %arg3[%multiple_of3A_35] : memref<327680xi32, #tpu.memory_space<hbm>> -> memref<512xi32, #tpu.memory_space<hbm>>
    tpu.enqueue_dma source(%dma_start3A_39 : memref<512xi32, #tpu.memory_space<hbm>>) target(%arg12 : memref<512xi32, #tpu.memory_space<vmem>>) target_semaphore(%arg18 : memref<!tpu.dma_semaphore, #tpu.memory_space<semaphore_mem>>)
    %dma_start3A_40 = tpu.memref_slice %arg4[%multiple_of3A_35] : memref<327680xf32, #tpu.memory_space<hbm>> -> memref<512xf32, #tpu.memory_space<hbm>>
    %dma_start3A_41 = tpu.memref_slice %arg4[%multiple_of3A_35] : memref<327680xf32, #tpu.memory_space<hbm>> -> memref<512xf32, #tpu.memory_space<hbm>>
    tpu.enqueue_dma source(%dma_start3A_41 : memref<512xf32, #tpu.memory_space<hbm>>) target(%arg13 : memref<512xf32, #tpu.memory_space<vmem>>) target_semaphore(%arg18 : memref<!tpu.dma_semaphore, #tpu.memory_space<semaphore_mem>>)
    %scan3A_42 = arith.constant 0 : i32
    %scan3A_43 = arith.constant 0 : i32
    %scan3A_44 = arith.constant 10 : i32
    %scan3A_45 = arith.addi %scan3A_43, %scan3A_44 : i32
    %scan3A_46 = arith.constant 1 : i32
    %scan3A_47 = scf.for %scan3A_60 = %scan3A_43 to %scan3A_45 step %scan3A_46 iter_args(%scan3A_61 = %scan3A_42) -> (i32)  : i32 {
      %mul3A_62 = arith.constant 2 : i32
      %mul3A_63 = arith.muli %mul3A_62, %scan3A_60 : i32
      %add3A_64 = arith.constant 1 : i32
      %add3A_65 = arith.addi %mul3A_63, %add3A_64 : i32
      %mul3A_66 = arith.constant 512 : i32
      %mul3A_67 = arith.muli %add3A_65, %mul3A_66 : i32
      %add3A_68 = arith.addi %mul3A_2, %mul3A_67 : i32
      %multiple_of3A_69 = tpu.assume_multiple %add3A_68, 8 : i32
      %dma_wait3A_70 = tpu.memref_slice %arg2[%multiple_of3A_69] : memref<327680xi32, #tpu.memory_space<hbm>> -> memref<512xi32, #tpu.memory_space<hbm>>
      %dma_wait3A_71 = tpu.memref_slice %arg2[%multiple_of3A_69] : memref<327680xi32, #tpu.memory_space<hbm>> -> memref<512xi32, #tpu.memory_space<hbm>>
      tpu.wait_dma2 semaphore(%arg18 : memref<!tpu.dma_semaphore, #tpu.memory_space<semaphore_mem>>) src(%dma_wait3A_71 : memref<512xi32, #tpu.memory_space<hbm>>) dst(%arg11 : memref<512xi32, #tpu.memory_space<vmem>>)
      %dma_wait3A_72 = tpu.memref_slice %arg3[%multiple_of3A_69] : memref<327680xi32, #tpu.memory_space<hbm>> -> memref<512xi32, #tpu.memory_space<hbm>>
      %dma_wait3A_73 = tpu.memref_slice %arg3[%multiple_of3A_69] : memref<327680xi32, #tpu.memory_space<hbm>> -> memref<512xi32, #tpu.memory_space<hbm>>
      tpu.wait_dma2 semaphore(%arg18 : memref<!tpu.dma_semaphore, #tpu.memory_space<semaphore_mem>>) src(%dma_wait3A_73 : memref<512xi32, #tpu.memory_space<hbm>>) dst(%arg12 : memref<512xi32, #tpu.memory_space<vmem>>)
      %dma_wait3A_74 = tpu.memref_slice %arg4[%multiple_of3A_69] : memref<327680xf32, #tpu.memory_space<hbm>> -> memref<512xf32, #tpu.memory_space<hbm>>
      %dma_wait3A_75 = tpu.memref_slice %arg4[%multiple_of3A_69] : memref<327680xf32, #tpu.memory_space<hbm>> -> memref<512xf32, #tpu.memory_space<hbm>>
      tpu.wait_dma2 semaphore(%arg18 : memref<!tpu.dma_semaphore, #tpu.memory_space<semaphore_mem>>) src(%dma_wait3A_75 : memref<512xf32, #tpu.memory_space<hbm>>) dst(%arg13 : memref<512xf32, #tpu.memory_space<vmem>>)
      %dma_start3A_76 = arith.constant 0 : i32
      %dma_start3A_77 = arith.constant 0 : i32
      %dma_start3A_78 = tpu.memref_slice %arg5[%dma_start3A_76, %dma_start3A_77] : memref<10000x16xf32, #tpu.memory_space<hbm>> -> memref<10000x16xf32, #tpu.memory_space<hbm>>
      tpu.enqueue_indirect_dma source(%dma_start3A_78 : memref<10000x16xf32, #tpu.memory_space<hbm>>) target(%arg15 : memref<512x16xf32, #tpu.memory_space<vmem>>) offsets(%arg11 : memref<512xi32, #tpu.memory_space<vmem>>) semaphore(%arg20 : memref<!tpu.dma_semaphore, #tpu.memory_space<semaphore_mem>>)
      %dma_wait3A_79 = arith.constant 0 : i32
      %dma_wait3A_80 = arith.constant 0 : i32
      %dma_wait3A_81 = tpu.memref_slice %arg5[%dma_wait3A_79, %dma_wait3A_80] : memref<10000x16xf32, #tpu.memory_space<hbm>> -> memref<10000x16xf32, #tpu.memory_space<hbm>>
      tpu.wait_indirect_dma semaphore(%arg19 : memref<!tpu.dma_semaphore, #tpu.memory_space<semaphore_mem>>) src(%dma_wait3A_81 : memref<10000x16xf32, #tpu.memory_space<hbm>>) dst(%arg14 : memref<512x16xf32, #tpu.memory_space<vmem>>)
      %scan3A_82 = arith.constant 0 : i32
      %scan3A_83 = arith.constant 0 : i32
      %scan3A_84 = arith.constant 32 : i32
      %scan3A_85 = arith.addi %scan3A_83, %scan3A_84 : i32
      %scan3A_86 = arith.constant 1 : i32
      %scan3A_87 = scf.for %scan3A_121 = %scan3A_83 to %scan3A_85 step %scan3A_86 iter_args(%scan3A_122 = %scan3A_82) -> (i32)  : i32 {
        %mul3A_123 = arith.constant 16 : i32
        %mul3A_124 = arith.muli %scan3A_121, %mul3A_123 : i32
        %get3A = arith.index_cast %mul3A_124 : i32 to index
        %get3A_125 = tpu.vector_load %arg10[%get3A] {strides = array<i32>} : memref<512xf32, #tpu.memory_space<vmem>>, vector<16xf32>,
        %mul3A_126 = arith.constant 16 : i32
        %mul3A_127 = arith.muli %scan3A_121, %mul3A_126 : i32
        %add3A_128 = vector.broadcast %mul3A_127 : i32 to vector<16xi32>
        %add3A_129 = arith.addi %iota3A, %add3A_128 : vector<16xi32>
        %broadcast_in_dim3A = arith.constant 0 : i32
        %broadcast_in_dim3A_130 = vector.broadcast %broadcast_in_dim3A : i32 to vector<16xi32>
        %gather3A = tpu.vector_load_idx %arg14[%add3A_129, %broadcast_in_dim3A_130] : memref<512x16xf32, #tpu.memory_space<vmem>>[vector<16xi32>, vector<16xi32>], vector<16xf32>,
        %mul3A_131 = arith.mulf %gather3A, %get3A_125 : vector<16xf32>
        tpu.vector_store_idx %arg14[%add3A_129, %broadcast_in_dim3A_130], %mul3A_131 : memref<512x16xf32, #tpu.memory_space<vmem>>[vector<16xi32>, vector<16xi32>], vector<16xf32>,
        %broadcast_in_dim3A_132 = arith.constant 1 : i32
        %broadcast_in_dim3A_133 = vector.broadcast %broadcast_in_dim3A_132 : i32 to vector<16xi32>
        %gather3A_134 = tpu.vector_load_idx %arg14[%add3A_129, %broadcast_in_dim3A_133] : memref<512x16xf32, #tpu.memory_space<vmem>>[vector<16xi32>, vector<16xi32>], vector<16xf32>,
        %mul3A_135 = arith.mulf %gather3A_134, %get3A_125 : vector<16xf32>
        tpu.vector_store_idx %arg14[%add3A_129, %broadcast_in_dim3A_133], %mul3A_135 : memref<512x16xf32, #tpu.memory_space<vmem>>[vector<16xi32>, vector<16xi32>], vector<16xf32>,
        %broadcast_in_dim3A_136 = arith.constant 2 : i32
        %broadcast_in_dim3A_137 = vector.broadcast %broadcast_in_dim3A_136 : i32 to vector<16xi32>
        %gather3A_138 = tpu.vector_load_idx %arg14[%add3A_129, %broadcast_in_dim3A_137] : memref<512x16xf32, #tpu.memory_space<vmem>>[vector<16xi32>, vector<16xi32>], vector<16xf32>,
        %mul3A_139 = arith.mulf %gather3A_138, %get3A_125 : vector<16xf32>
        tpu.vector_store_idx %arg14[%add3A_129, %broadcast_in_dim3A_137], %mul3A_139 : memref<512x16xf32, #tpu.memory_space<vmem>>[vector<16xi32>, vector<16xi32>], vector<16xf32>,
        %broadcast_in_dim3A_140 = arith.constant 3 : i32
        %broadcast_in_dim3A_141 = vector.broadcast %broadcast_in_dim3A_140 : i32 to vector<16xi32>
        %gather3A_142 = tpu.vector_load_idx %arg14[%add3A_129, %broadcast_in_dim3A_141] : memref<512x16xf32, #tpu.memory_space<vmem>>[vector<16xi32>, vector<16xi32>], vector<16xf32>,
        %mul3A_143 = arith.mulf %gather3A_142, %get3A_125 : vector<16xf32>
        tpu.vector_store_idx %arg14[%add3A_129, %broadcast_in_dim3A_141], %mul3A_143 : memref<512x16xf32, #tpu.memory_space<vmem>>[vector<16xi32>, vector<16xi32>], vector<16xf32>,
        %broadcast_in_dim3A_144 = arith.constant 4 : i32
        %broadcast_in_dim3A_145 = vector.broadcast %broadcast_in_dim3A_144 : i32 to vector<16xi32>
        %gather3A_146 = tpu.vector_load_idx %arg14[%add3A_129, %broadcast_in_dim3A_145] : memref<512x16xf32, #tpu.memory_space<vmem>>[vector<16xi32>, vector<16xi32>], vector<16xf32>,
        %mul3A_147 = arith.mulf %gather3A_146, %get3A_125 : vector<16xf32>
        tpu.vector_store_idx %arg14[%add3A_129, %broadcast_in_dim3A_145], %mul3A_147 : memref<512x16xf32, #tpu.memory_space<vmem>>[vector<16xi32>, vector<16xi32>], vector<16xf32>,
        %broadcast_in_dim3A_148 = arith.constant 5 : i32
        %broadcast_in_dim3A_149 = vector.broadcast %broadcast_in_dim3A_148 : i32 to vector<16xi32>
        %gather3A_150 = tpu.vector_load_idx %arg14[%add3A_129, %broadcast_in_dim3A_149] : memref<512x16xf32, #tpu.memory_space<vmem>>[vector<16xi32>, vector<16xi32>], vector<16xf32>,
        %mul3A_151 = arith.mulf %gather3A_150, %get3A_125 : vector<16xf32>
        tpu.vector_store_idx %arg14[%add3A_129, %broadcast_in_dim3A_149], %mul3A_151 : memref<512x16xf32, #tpu.memory_space<vmem>>[vector<16xi32>, vector<16xi32>], vector<16xf32>,
        %broadcast_in_dim3A_152 = arith.constant 6 : i32
        %broadcast_in_dim3A_153 = vector.broadcast %broadcast_in_dim3A_152 : i32 to vector<16xi32>
        %gather3A_154 = tpu.vector_load_idx %arg14[%add3A_129, %broadcast_in_dim3A_153] : memref<512x16xf32, #tpu.memory_space<vmem>>[vector<16xi32>, vector<16xi32>], vector<16xf32>,
        %mul3A_155 = arith.mulf %gather3A_154, %get3A_125 : vector<16xf32>
        tpu.vector_store_idx %arg14[%add3A_129, %broadcast_in_dim3A_153], %mul3A_155 : memref<512x16xf32, #tpu.memory_space<vmem>>[vector<16xi32>, vector<16xi32>], vector<16xf32>,
        %broadcast_in_dim3A_156 = arith.constant 7 : i32
        %broadcast_in_dim3A_157 = vector.broadcast %broadcast_in_dim3A_156 : i32 to vector<16xi32>
        %gather3A_158 = tpu.vector_load_idx %arg14[%add3A_129, %broadcast_in_dim3A_157] : memref<512x16xf32, #tpu.memory_space<vmem>>[vector<16xi32>, vector<16xi32>], vector<16xf32>,
        %mul3A_159 = arith.mulf %gather3A_158, %get3A_125 : vector<16xf32>
        tpu.vector_store_idx %arg14[%add3A_129, %broadcast_in_dim3A_157], %mul3A_159 : memref<512x16xf32, #tpu.memory_space<vmem>>[vector<16xi32>, vector<16xi32>], vector<16xf32>,
        %broadcast_in_dim3A_160 = arith.constant 8 : i32
        %broadcast_in_dim3A_161 = vector.broadcast %broadcast_in_dim3A_160 : i32 to vector<16xi32>
        %gather3A_162 = tpu.vector_load_idx %arg14[%add3A_129, %broadcast_in_dim3A_161] : memref<512x16xf32, #tpu.memory_space<vmem>>[vector<16xi32>, vector<16xi32>], vector<16xf32>,
        %mul3A_163 = arith.mulf %gather3A_162, %get3A_125 : vector<16xf32>
        tpu.vector_store_idx %arg14[%add3A_129, %broadcast_in_dim3A_161], %mul3A_163 : memref<512x16xf32, #tpu.memory_space<vmem>>[vector<16xi32>, vector<16xi32>], vector<16xf32>,
        %broadcast_in_dim3A_164 = arith.constant 9 : i32
        %broadcast_in_dim3A_165 = vector.broadcast %broadcast_in_dim3A_164 : i32 to vector<16xi32>
        %gather3A_166 = tpu.vector_load_idx %arg14[%add3A_129, %broadcast_in_dim3A_165] : memref<512x16xf32, #tpu.memory_space<vmem>>[vector<16xi32>, vector<16xi32>], vector<16xf32>,
        %mul3A_167 = arith.mulf %gather3A_166, %get3A_125 : vector<16xf32>
        tpu.vector_store_idx %arg14[%add3A_129, %broadcast_in_dim3A_165], %mul3A_167 : memref<512x16xf32, #tpu.memory_space<vmem>>[vector<16xi32>, vector<16xi32>], vector<16xf32>,
        %broadcast_in_dim3A_168 = arith.constant 10 : i32
        %broadcast_in_dim3A_169 = vector.broadcast %broadcast_in_dim3A_168 : i32 to vector<16xi32>
        %gather3A_170 = tpu.vector_load_idx %arg14[%add3A_129, %broadcast_in_dim3A_169] : memref<512x16xf32, #tpu.memory_space<vmem>>[vector<16xi32>, vector<16xi32>], vector<16xf32>,
        %mul3A_171 = arith.mulf %gather3A_170, %get3A_125 : vector<16xf32>
        tpu.vector_store_idx %arg14[%add3A_129, %broadcast_in_dim3A_169], %mul3A_171 : memref<512x16xf32, #tpu.memory_space<vmem>>[vector<16xi32>, vector<16xi32>], vector<16xf32>,
        %broadcast_in_dim3A_172 = arith.constant 11 : i32
        %broadcast_in_dim3A_173 = vector.broadcast %broadcast_in_dim3A_172 : i32 to vector<16xi32>
        %gather3A_174 = tpu.vector_load_idx %arg14[%add3A_129, %broadcast_in_dim3A_173] : memref<512x16xf32, #tpu.memory_space<vmem>>[vector<16xi32>, vector<16xi32>], vector<16xf32>,
        %mul3A_175 = arith.mulf %gather3A_174, %get3A_125 : vector<16xf32>
        tpu.vector_store_idx %arg14[%add3A_129, %broadcast_in_dim3A_173], %mul3A_175 : memref<512x16xf32, #tpu.memory_space<vmem>>[vector<16xi32>, vector<16xi32>], vector<16xf32>,
        %broadcast_in_dim3A_176 = arith.constant 12 : i32
        %broadcast_in_dim3A_177 = vector.broadcast %broadcast_in_dim3A_176 : i32 to vector<16xi32>
        %gather3A_178 = tpu.vector_load_idx %arg14[%add3A_129, %broadcast_in_dim3A_177] : memref<512x16xf32, #tpu.memory_space<vmem>>[vector<16xi32>, vector<16xi32>], vector<16xf32>,
        %mul3A_179 = arith.mulf %gather3A_178, %get3A_125 : vector<16xf32>
        tpu.vector_store_idx %arg14[%add3A_129, %broadcast_in_dim3A_177], %mul3A_179 : memref<512x16xf32, #tpu.memory_space<vmem>>[vector<16xi32>, vector<16xi32>], vector<16xf32>,
        %broadcast_in_dim3A_180 = arith.constant 13 : i32
        %broadcast_in_dim3A_181 = vector.broadcast %broadcast_in_dim3A_180 : i32 to vector<16xi32>
        %gather3A_182 = tpu.vector_load_idx %arg14[%add3A_129, %broadcast_in_dim3A_181] : memref<512x16xf32, #tpu.memory_space<vmem>>[vector<16xi32>, vector<16xi32>], vector<16xf32>,
        %mul3A_183 = arith.mulf %gather3A_182, %get3A_125 : vector<16xf32>
        tpu.vector_store_idx %arg14[%add3A_129, %broadcast_in_dim3A_181], %mul3A_183 : memref<512x16xf32, #tpu.memory_space<vmem>>[vector<16xi32>, vector<16xi32>], vector<16xf32>,
        %broadcast_in_dim3A_184 = arith.constant 14 : i32
        %broadcast_in_dim3A_185 = vector.broadcast %broadcast_in_dim3A_184 : i32 to vector<16xi32>
        %gather3A_186 = tpu.vector_load_idx %arg14[%add3A_129, %broadcast_in_dim3A_185] : memref<512x16xf32, #tpu.memory_space<vmem>>[vector<16xi32>, vector<16xi32>], vector<16xf32>,
        %mul3A_187 = arith.mulf %gather3A_186, %get3A_125 : vector<16xf32>
        tpu.vector_store_idx %arg14[%add3A_129, %broadcast_in_dim3A_185], %mul3A_187 : memref<512x16xf32, #tpu.memory_space<vmem>>[vector<16xi32>, vector<16xi32>], vector<16xf32>,
        %broadcast_in_dim3A_188 = arith.constant 15 : i32
        %broadcast_in_dim3A_189 = vector.broadcast %broadcast_in_dim3A_188 : i32 to vector<16xi32>
        %gather3A_190 = tpu.vector_load_idx %arg14[%add3A_129, %broadcast_in_dim3A_189] : memref<512x16xf32, #tpu.memory_space<vmem>>[vector<16xi32>, vector<16xi32>], vector<16xf32>,
        %mul3A_191 = arith.mulf %gather3A_190, %get3A_125 : vector<16xf32>
        tpu.vector_store_idx %arg14[%add3A_129, %broadcast_in_dim3A_189], %mul3A_191 : memref<512x16xf32, #tpu.memory_space<vmem>>[vector<16xi32>, vector<16xi32>], vector<16xf32>,
        %scan3A_192 = arith.constant 0 : i32
        scf.yield %scan3A_192 : i32
      }
      %scan3A_88 = arith.constant 32 : i32
      "tpu.region"() ({
        %run_scoped3A = tpu.sem_alloc : memref<!tpu.dma_semaphore, #tpu.memory_space<semaphore_mem>>
        %dma_start3A_121 = arith.constant 0 : i32
        %dma_start3A_122 = arith.constant 0 : i32
        %dma_start3A_123 = tpu.memref_slice %arg7[%dma_start3A_121, %dma_start3A_122] : memref<10000x16xf32, #tpu.memory_space<vmem_shared>> -> memref<10000x16xf32, #tpu.memory_space<vmem_shared>>
        tpu.enqueue_indirect_dma source(%arg14 : memref<512x16xf32, #tpu.memory_space<vmem>>) target(%dma_start3A_123 : memref<10000x16xf32, #tpu.memory_space<vmem_shared>>) offsets(%arg9 : memref<512xi32, #tpu.memory_space<vmem>>) semaphore(%run_scoped3A : memref<!tpu.dma_semaphore, #tpu.memory_space<semaphore_mem>>) {add = true}
        %dma_wait3A_124 = arith.constant 0 : i32
        %dma_wait3A_125 = arith.constant 0 : i32
        %dma_wait3A_126 = tpu.memref_slice %arg7[%dma_wait3A_124, %dma_wait3A_125] : memref<10000x16xf32, #tpu.memory_space<vmem_shared>> -> memref<10000x16xf32, #tpu.memory_space<vmem_shared>>
        tpu.wait_indirect_dma semaphore(%run_scoped3A : memref<!tpu.dma_semaphore, #tpu.memory_space<semaphore_mem>>) src(%arg14 : memref<512x16xf32, #tpu.memory_space<vmem>>) dst(%dma_wait3A_126 : memref<10000x16xf32, #tpu.memory_space<vmem_shared>>)
        tpu.yield
      }) : () -> ()
      %add3A_89 = arith.constant 2 : i32
      %add3A_90 = arith.addi %mul3A_63, %add3A_89 : i32
      %lt3A_91 = arith.constant 20 : i32
      %lt3A_92 = arith.cmpi slt, %add3A_90, %lt3A_91 : i32
      %convert_element_type3A_93 = arith.extui %lt3A_92 : i1 to i32
      %cond3A_94 = arith.constant 0 : i32
      %cond3A_95 = arith.cmpi ne, %convert_element_type3A_93, %cond3A_94 : i32
      scf.if %cond3A_95 {
        %add3A_121 = arith.constant 2 : i32
        %add3A_122 = arith.addi %mul3A_63, %add3A_121 : i32
        %mul3A_123 = arith.constant 512 : i32
        %mul3A_124 = arith.muli %add3A_122, %mul3A_123 : i32
        %add3A_125 = arith.addi %mul3A_2, %mul3A_124 : i32
        %multiple_of3A_126 = tpu.assume_multiple %add3A_125, 8 : i32
        %dma_start3A_127 = tpu.memref_slice %arg2[%multiple_of3A_126] : memref<327680xi32, #tpu.memory_space<hbm>> -> memref<512xi32, #tpu.memory_space<hbm>>
        %dma_start3A_128 = tpu.memref_slice %arg2[%multiple_of3A_126] : memref<327680xi32, #tpu.memory_space<hbm>> -> memref<512xi32, #tpu.memory_space<hbm>>
        tpu.enqueue_dma source(%dma_start3A_128 : memref<512xi32, #tpu.memory_space<hbm>>) target(%arg8 : memref<512xi32, #tpu.memory_space<vmem>>) target_semaphore(%arg17 : memref<!tpu.dma_semaphore, #tpu.memory_space<semaphore_mem>>)
        %dma_start3A_129 = tpu.memref_slice %arg3[%multiple_of3A_126] : memref<327680xi32, #tpu.memory_space<hbm>> -> memref<512xi32, #tpu.memory_space<hbm>>
        %dma_start3A_130 = tpu.memref_slice %arg3[%multiple_of3A_126] : memref<327680xi32, #tpu.memory_space<hbm>> -> memref<512xi32, #tpu.memory_space<hbm>>
        tpu.enqueue_dma source(%dma_start3A_130 : memref<512xi32, #tpu.memory_space<hbm>>) target(%arg9 : memref<512xi32, #tpu.memory_space<vmem>>) target_semaphore(%arg17 : memref<!tpu.dma_semaphore, #tpu.memory_space<semaphore_mem>>)
        %dma_start3A_131 = tpu.memref_slice %arg4[%multiple_of3A_126] : memref<327680xf32, #tpu.memory_space<hbm>> -> memref<512xf32, #tpu.memory_space<hbm>>
        %dma_start3A_132 = tpu.memref_slice %arg4[%multiple_of3A_126] : memref<327680xf32, #tpu.memory_space<hbm>> -> memref<512xf32, #tpu.memory_space<hbm>>
        tpu.enqueue_dma source(%dma_start3A_132 : memref<512xf32, #tpu.memory_space<hbm>>) target(%arg10 : memref<512xf32, #tpu.memory_space<vmem>>) target_semaphore(%arg17 : memref<!tpu.dma_semaphore, #tpu.memory_space<semaphore_mem>>)
      } else {
      }
      %add3A_96 = arith.constant 2 : i32
      %add3A_97 = arith.addi %mul3A_63, %add3A_96 : i32
      %lt3A_98 = arith.constant 20 : i32
      %lt3A_99 = arith.cmpi slt, %add3A_97, %lt3A_98 : i32
      %convert_element_type3A_100 = arith.extui %lt3A_99 : i1 to i32
      %cond3A_101 = arith.constant 0 : i32
      %cond3A_102 = arith.cmpi ne, %convert_element_type3A_100, %cond3A_101 : i32
      scf.if %cond3A_102 {
        %add3A_121 = arith.constant 2 : i32
        %add3A_122 = arith.addi %mul3A_63, %add3A_121 : i32
        %mul3A_123 = arith.constant 512 : i32
        %mul3A_124 = arith.muli %add3A_122, %mul3A_123 : i32
        %add3A_125 = arith.addi %mul3A_2, %mul3A_124 : i32
        %multiple_of3A_126 = tpu.assume_multiple %add3A_125, 8 : i32
        %dma_wait3A_127 = tpu.memref_slice %arg2[%multiple_of3A_126] : memref<327680xi32, #tpu.memory_space<hbm>> -> memref<512xi32, #tpu.memory_space<hbm>>
        %dma_wait3A_128 = tpu.memref_slice %arg2[%multiple_of3A_126] : memref<327680xi32, #tpu.memory_space<hbm>> -> memref<512xi32, #tpu.memory_space<hbm>>
        tpu.wait_dma2 semaphore(%arg17 : memref<!tpu.dma_semaphore, #tpu.memory_space<semaphore_mem>>) src(%dma_wait3A_128 : memref<512xi32, #tpu.memory_space<hbm>>) dst(%arg8 : memref<512xi32, #tpu.memory_space<vmem>>)
        %dma_wait3A_129 = tpu.memref_slice %arg3[%multiple_of3A_126] : memref<327680xi32, #tpu.memory_space<hbm>> -> memref<512xi32, #tpu.memory_space<hbm>>
        %dma_wait3A_130 = tpu.memref_slice %arg3[%multiple_of3A_126] : memref<327680xi32, #tpu.memory_space<hbm>> -> memref<512xi32, #tpu.memory_space<hbm>>
        tpu.wait_dma2 semaphore(%arg17 : memref<!tpu.dma_semaphore, #tpu.memory_space<semaphore_mem>>) src(%dma_wait3A_130 : memref<512xi32, #tpu.memory_space<hbm>>) dst(%arg9 : memref<512xi32, #tpu.memory_space<vmem>>)
        %dma_wait3A_131 = tpu.memref_slice %arg4[%multiple_of3A_126] : memref<327680xf32, #tpu.memory_space<hbm>> -> memref<512xf32, #tpu.memory_space<hbm>>
        %dma_wait3A_132 = tpu.memref_slice %arg4[%multiple_of3A_126] : memref<327680xf32, #tpu.memory_space<hbm>> -> memref<512xf32, #tpu.memory_space<hbm>>
        tpu.wait_dma2 semaphore(%arg17 : memref<!tpu.dma_semaphore, #tpu.memory_space<semaphore_mem>>) src(%dma_wait3A_132 : memref<512xf32, #tpu.memory_space<hbm>>) dst(%arg10 : memref<512xf32, #tpu.memory_space<vmem>>)
        %dma_start3A_133 = arith.constant 0 : i32
        %dma_start3A_134 = arith.constant 0 : i32
        %dma_start3A_135 = tpu.memref_slice %arg5[%dma_start3A_133, %dma_start3A_134] : memref<10000x16xf32, #tpu.memory_space<hbm>> -> memref<10000x16xf32, #tpu.memory_space<hbm>>
        tpu.enqueue_indirect_dma source(%dma_start3A_135 : memref<10000x16xf32, #tpu.memory_space<hbm>>) target(%arg14 : memref<512x16xf32, #tpu.memory_space<vmem>>) offsets(%arg8 : memref<512xi32, #tpu.memory_space<vmem>>) semaphore(%arg19 : memref<!tpu.dma_semaphore, #tpu.memory_space<semaphore_mem>>)
      } else {
      }
      %dma_wait3A_103 = arith.constant 0 : i32
      %dma_wait3A_104 = arith.constant 0 : i32
      %dma_wait3A_105 = tpu.memref_slice %arg5[%dma_wait3A_103, %dma_wait3A_104] : memref<10000x16xf32, #tpu.memory_space<hbm>> -> memref<10000x16xf32, #tpu.memory_space<hbm>>
      tpu.wait_indirect_dma semaphore(%arg20 : memref<!tpu.dma_semaphore, #tpu.memory_space<semaphore_mem>>) src(%dma_wait3A_105 : memref<10000x16xf32, #tpu.memory_space<hbm>>) dst(%arg15 : memref<512x16xf32, #tpu.memory_space<vmem>>)
      %scan3A_106 = arith.constant 0 : i32
      %scan3A_107 = arith.constant 0 : i32
      %scan3A_108 = arith.constant 32 : i32
      %scan3A_109 = arith.addi %scan3A_107, %scan3A_108 : i32
      %scan3A_110 = arith.constant 1 : i32
      %scan3A_111 = scf.for %scan3A_121 = %scan3A_107 to %scan3A_109 step %scan3A_110 iter_args(%scan3A_122 = %scan3A_106) -> (i32)  : i32 {
        %mul3A_123 = arith.constant 16 : i32
        %mul3A_124 = arith.muli %scan3A_121, %mul3A_123 : i32
        %get3A = arith.index_cast %mul3A_124 : i32 to index
        %get3A_125 = tpu.vector_load %arg13[%get3A] {strides = array<i32>} : memref<512xf32, #tpu.memory_space<vmem>>, vector<16xf32>,
        %mul3A_126 = arith.constant 16 : i32
        %mul3A_127 = arith.muli %scan3A_121, %mul3A_126 : i32
        %add3A_128 = vector.broadcast %mul3A_127 : i32 to vector<16xi32>
        %add3A_129 = arith.addi %iota3A, %add3A_128 : vector<16xi32>
        %broadcast_in_dim3A = arith.constant 0 : i32
        %broadcast_in_dim3A_130 = vector.broadcast %broadcast_in_dim3A : i32 to vector<16xi32>
        %gather3A = tpu.vector_load_idx %arg15[%add3A_129, %broadcast_in_dim3A_130] : memref<512x16xf32, #tpu.memory_space<vmem>>[vector<16xi32>, vector<16xi32>], vector<16xf32>,
        %mul3A_131 = arith.mulf %gather3A, %get3A_125 : vector<16xf32>
        tpu.vector_store_idx %arg15[%add3A_129, %broadcast_in_dim3A_130], %mul3A_131 : memref<512x16xf32, #tpu.memory_space<vmem>>[vector<16xi32>, vector<16xi32>], vector<16xf32>,
        %broadcast_in_dim3A_132 = arith.constant 1 : i32
        %broadcast_in_dim3A_133 = vector.broadcast %broadcast_in_dim3A_132 : i32 to vector<16xi32>
        %gather3A_134 = tpu.vector_load_idx %arg15[%add3A_129, %broadcast_in_dim3A_133] : memref<512x16xf32, #tpu.memory_space<vmem>>[vector<16xi32>, vector<16xi32>], vector<16xf32>,
        %mul3A_135 = arith.mulf %gather3A_134, %get3A_125 : vector<16xf32>
        tpu.vector_store_idx %arg15[%add3A_129, %broadcast_in_dim3A_133], %mul3A_135 : memref<512x16xf32, #tpu.memory_space<vmem>>[vector<16xi32>, vector<16xi32>], vector<16xf32>,
        %broadcast_in_dim3A_136 = arith.constant 2 : i32
        %broadcast_in_dim3A_137 = vector.broadcast %broadcast_in_dim3A_136 : i32 to vector<16xi32>
        %gather3A_138 = tpu.vector_load_idx %arg15[%add3A_129, %broadcast_in_dim3A_137] : memref<512x16xf32, #tpu.memory_space<vmem>>[vector<16xi32>, vector<16xi32>], vector<16xf32>,
        %mul3A_139 = arith.mulf %gather3A_138, %get3A_125 : vector<16xf32>
        tpu.vector_store_idx %arg15[%add3A_129, %broadcast_in_dim3A_137], %mul3A_139 : memref<512x16xf32, #tpu.memory_space<vmem>>[vector<16xi32>, vector<16xi32>], vector<16xf32>,
        %broadcast_in_dim3A_140 = arith.constant 3 : i32
        %broadcast_in_dim3A_141 = vector.broadcast %broadcast_in_dim3A_140 : i32 to vector<16xi32>
        %gather3A_142 = tpu.vector_load_idx %arg15[%add3A_129, %broadcast_in_dim3A_141] : memref<512x16xf32, #tpu.memory_space<vmem>>[vector<16xi32>, vector<16xi32>], vector<16xf32>,
        %mul3A_143 = arith.mulf %gather3A_142, %get3A_125 : vector<16xf32>
        tpu.vector_store_idx %arg15[%add3A_129, %broadcast_in_dim3A_141], %mul3A_143 : memref<512x16xf32, #tpu.memory_space<vmem>>[vector<16xi32>, vector<16xi32>], vector<16xf32>,
        %broadcast_in_dim3A_144 = arith.constant 4 : i32
        %broadcast_in_dim3A_145 = vector.broadcast %broadcast_in_dim3A_144 : i32 to vector<16xi32>
        %gather3A_146 = tpu.vector_load_idx %arg15[%add3A_129, %broadcast_in_dim3A_145] : memref<512x16xf32, #tpu.memory_space<vmem>>[vector<16xi32>, vector<16xi32>], vector<16xf32>,
        %mul3A_147 = arith.mulf %gather3A_146, %get3A_125 : vector<16xf32>
        tpu.vector_store_idx %arg15[%add3A_129, %broadcast_in_dim3A_145], %mul3A_147 : memref<512x16xf32, #tpu.memory_space<vmem>>[vector<16xi32>, vector<16xi32>], vector<16xf32>,
        %broadcast_in_dim3A_148 = arith.constant 5 : i32
        %broadcast_in_dim3A_149 = vector.broadcast %broadcast_in_dim3A_148 : i32 to vector<16xi32>
        %gather3A_150 = tpu.vector_load_idx %arg15[%add3A_129, %broadcast_in_dim3A_149] : memref<512x16xf32, #tpu.memory_space<vmem>>[vector<16xi32>, vector<16xi32>], vector<16xf32>,
        %mul3A_151 = arith.mulf %gather3A_150, %get3A_125 : vector<16xf32>
        tpu.vector_store_idx %arg15[%add3A_129, %broadcast_in_dim3A_149], %mul3A_151 : memref<512x16xf32, #tpu.memory_space<vmem>>[vector<16xi32>, vector<16xi32>], vector<16xf32>,
        %broadcast_in_dim3A_152 = arith.constant 6 : i32
        %broadcast_in_dim3A_153 = vector.broadcast %broadcast_in_dim3A_152 : i32 to vector<16xi32>
        %gather3A_154 = tpu.vector_load_idx %arg15[%add3A_129, %broadcast_in_dim3A_153] : memref<512x16xf32, #tpu.memory_space<vmem>>[vector<16xi32>, vector<16xi32>], vector<16xf32>,
        %mul3A_155 = arith.mulf %gather3A_154, %get3A_125 : vector<16xf32>
        tpu.vector_store_idx %arg15[%add3A_129, %broadcast_in_dim3A_153], %mul3A_155 : memref<512x16xf32, #tpu.memory_space<vmem>>[vector<16xi32>, vector<16xi32>], vector<16xf32>,
        %broadcast_in_dim3A_156 = arith.constant 7 : i32
        %broadcast_in_dim3A_157 = vector.broadcast %broadcast_in_dim3A_156 : i32 to vector<16xi32>
        %gather3A_158 = tpu.vector_load_idx %arg15[%add3A_129, %broadcast_in_dim3A_157] : memref<512x16xf32, #tpu.memory_space<vmem>>[vector<16xi32>, vector<16xi32>], vector<16xf32>,
        %mul3A_159 = arith.mulf %gather3A_158, %get3A_125 : vector<16xf32>
        tpu.vector_store_idx %arg15[%add3A_129, %broadcast_in_dim3A_157], %mul3A_159 : memref<512x16xf32, #tpu.memory_space<vmem>>[vector<16xi32>, vector<16xi32>], vector<16xf32>,
        %broadcast_in_dim3A_160 = arith.constant 8 : i32
        %broadcast_in_dim3A_161 = vector.broadcast %broadcast_in_dim3A_160 : i32 to vector<16xi32>
        %gather3A_162 = tpu.vector_load_idx %arg15[%add3A_129, %broadcast_in_dim3A_161] : memref<512x16xf32, #tpu.memory_space<vmem>>[vector<16xi32>, vector<16xi32>], vector<16xf32>,
        %mul3A_163 = arith.mulf %gather3A_162, %get3A_125 : vector<16xf32>
        tpu.vector_store_idx %arg15[%add3A_129, %broadcast_in_dim3A_161], %mul3A_163 : memref<512x16xf32, #tpu.memory_space<vmem>>[vector<16xi32>, vector<16xi32>], vector<16xf32>,
        %broadcast_in_dim3A_164 = arith.constant 9 : i32
        %broadcast_in_dim3A_165 = vector.broadcast %broadcast_in_dim3A_164 : i32 to vector<16xi32>
        %gather3A_166 = tpu.vector_load_idx %arg15[%add3A_129, %broadcast_in_dim3A_165] : memref<512x16xf32, #tpu.memory_space<vmem>>[vector<16xi32>, vector<16xi32>], vector<16xf32>,
        %mul3A_167 = arith.mulf %gather3A_166, %get3A_125 : vector<16xf32>
        tpu.vector_store_idx %arg15[%add3A_129, %broadcast_in_dim3A_165], %mul3A_167 : memref<512x16xf32, #tpu.memory_space<vmem>>[vector<16xi32>, vector<16xi32>], vector<16xf32>,
        %broadcast_in_dim3A_168 = arith.constant 10 : i32
        %broadcast_in_dim3A_169 = vector.broadcast %broadcast_in_dim3A_168 : i32 to vector<16xi32>
        %gather3A_170 = tpu.vector_load_idx %arg15[%add3A_129, %broadcast_in_dim3A_169] : memref<512x16xf32, #tpu.memory_space<vmem>>[vector<16xi32>, vector<16xi32>], vector<16xf32>,
        %mul3A_171 = arith.mulf %gather3A_170, %get3A_125 : vector<16xf32>
        tpu.vector_store_idx %arg15[%add3A_129, %broadcast_in_dim3A_169], %mul3A_171 : memref<512x16xf32, #tpu.memory_space<vmem>>[vector<16xi32>, vector<16xi32>], vector<16xf32>,
        %broadcast_in_dim3A_172 = arith.constant 11 : i32
        %broadcast_in_dim3A_173 = vector.broadcast %broadcast_in_dim3A_172 : i32 to vector<16xi32>
        %gather3A_174 = tpu.vector_load_idx %arg15[%add3A_129, %broadcast_in_dim3A_173] : memref<512x16xf32, #tpu.memory_space<vmem>>[vector<16xi32>, vector<16xi32>], vector<16xf32>,
        %mul3A_175 = arith.mulf %gather3A_174, %get3A_125 : vector<16xf32>
        tpu.vector_store_idx %arg15[%add3A_129, %broadcast_in_dim3A_173], %mul3A_175 : memref<512x16xf32, #tpu.memory_space<vmem>>[vector<16xi32>, vector<16xi32>], vector<16xf32>,
        %broadcast_in_dim3A_176 = arith.constant 12 : i32
        %broadcast_in_dim3A_177 = vector.broadcast %broadcast_in_dim3A_176 : i32 to vector<16xi32>
        %gather3A_178 = tpu.vector_load_idx %arg15[%add3A_129, %broadcast_in_dim3A_177] : memref<512x16xf32, #tpu.memory_space<vmem>>[vector<16xi32>, vector<16xi32>], vector<16xf32>,
        %mul3A_179 = arith.mulf %gather3A_178, %get3A_125 : vector<16xf32>
        tpu.vector_store_idx %arg15[%add3A_129, %broadcast_in_dim3A_177], %mul3A_179 : memref<512x16xf32, #tpu.memory_space<vmem>>[vector<16xi32>, vector<16xi32>], vector<16xf32>,
        %broadcast_in_dim3A_180 = arith.constant 13 : i32
        %broadcast_in_dim3A_181 = vector.broadcast %broadcast_in_dim3A_180 : i32 to vector<16xi32>
        %gather3A_182 = tpu.vector_load_idx %arg15[%add3A_129, %broadcast_in_dim3A_181] : memref<512x16xf32, #tpu.memory_space<vmem>>[vector<16xi32>, vector<16xi32>], vector<16xf32>,
        %mul3A_183 = arith.mulf %gather3A_182, %get3A_125 : vector<16xf32>
        tpu.vector_store_idx %arg15[%add3A_129, %broadcast_in_dim3A_181], %mul3A_183 : memref<512x16xf32, #tpu.memory_space<vmem>>[vector<16xi32>, vector<16xi32>], vector<16xf32>,
        %broadcast_in_dim3A_184 = arith.constant 14 : i32
        %broadcast_in_dim3A_185 = vector.broadcast %broadcast_in_dim3A_184 : i32 to vector<16xi32>
        %gather3A_186 = tpu.vector_load_idx %arg15[%add3A_129, %broadcast_in_dim3A_185] : memref<512x16xf32, #tpu.memory_space<vmem>>[vector<16xi32>, vector<16xi32>], vector<16xf32>,
        %mul3A_187 = arith.mulf %gather3A_186, %get3A_125 : vector<16xf32>
        tpu.vector_store_idx %arg15[%add3A_129, %broadcast_in_dim3A_185], %mul3A_187 : memref<512x16xf32, #tpu.memory_space<vmem>>[vector<16xi32>, vector<16xi32>], vector<16xf32>,
        %broadcast_in_dim3A_188 = arith.constant 15 : i32
        %broadcast_in_dim3A_189 = vector.broadcast %broadcast_in_dim3A_188 : i32 to vector<16xi32>
        %gather3A_190 = tpu.vector_load_idx %arg15[%add3A_129, %broadcast_in_dim3A_189] : memref<512x16xf32, #tpu.memory_space<vmem>>[vector<16xi32>, vector<16xi32>], vector<16xf32>,
        %mul3A_191 = arith.mulf %gather3A_190, %get3A_125 : vector<16xf32>
        tpu.vector_store_idx %arg15[%add3A_129, %broadcast_in_dim3A_189], %mul3A_191 : memref<512x16xf32, #tpu.memory_space<vmem>>[vector<16xi32>, vector<16xi32>], vector<16xf32>,
        %scan3A_192 = arith.constant 0 : i32
        scf.yield %scan3A_192 : i32
      }
      %scan3A_112 = arith.constant 32 : i32
      "tpu.region"() ({
        %run_scoped3A = tpu.sem_alloc : memref<!tpu.dma_semaphore, #tpu.memory_space<semaphore_mem>>
        %dma_start3A_121 = arith.constant 0 : i32
        %dma_start3A_122 = arith.constant 0 : i32
        %dma_start3A_123 = tpu.memref_slice %arg7[%dma_start3A_121, %dma_start3A_122] : memref<10000x16xf32, #tpu.memory_space<vmem_shared>> -> memref<10000x16xf32, #tpu.memory_space<vmem_shared>>
        tpu.enqueue_indirect_dma source(%arg15 : memref<512x16xf32, #tpu.memory_space<vmem>>) target(%dma_start3A_123 : memref<10000x16xf32, #tpu.memory_space<vmem_shared>>) offsets(%arg12 : memref<512xi32, #tpu.memory_space<vmem>>) semaphore(%run_scoped3A : memref<!tpu.dma_semaphore, #tpu.memory_space<semaphore_mem>>) {add = true}
        %dma_wait3A_124 = arith.constant 0 : i32
        %dma_wait3A_125 = arith.constant 0 : i32
        %dma_wait3A_126 = tpu.memref_slice %arg7[%dma_wait3A_124, %dma_wait3A_125] : memref<10000x16xf32, #tpu.memory_space<vmem_shared>> -> memref<10000x16xf32, #tpu.memory_space<vmem_shared>>
        tpu.wait_indirect_dma semaphore(%run_scoped3A : memref<!tpu.dma_semaphore, #tpu.memory_space<semaphore_mem>>) src(%arg15 : memref<512x16xf32, #tpu.memory_space<vmem>>) dst(%dma_wait3A_126 : memref<10000x16xf32, #tpu.memory_space<vmem_shared>>)
        tpu.yield
      }) : () -> ()
      %add3A_113 = arith.constant 3 : i32
      %add3A_114 = arith.addi %mul3A_63, %add3A_113 : i32
      %lt3A_115 = arith.constant 20 : i32
      %lt3A_116 = arith.cmpi slt, %add3A_114, %lt3A_115 : i32
      %convert_element_type3A_117 = arith.extui %lt3A_116 : i1 to i32
      %cond3A_118 = arith.constant 0 : i32
      %cond3A_119 = arith.cmpi ne, %convert_element_type3A_117, %cond3A_118 : i32
      scf.if %cond3A_119 {
        %add3A_121 = arith.constant 3 : i32
        %add3A_122 = arith.addi %mul3A_63, %add3A_121 : i32
        %mul3A_123 = arith.constant 512 : i32
        %mul3A_124 = arith.muli %add3A_122, %mul3A_123 : i32
        %add3A_125 = arith.addi %mul3A_2, %mul3A_124 : i32
        %multiple_of3A_126 = tpu.assume_multiple %add3A_125, 8 : i32
        %dma_start3A_127 = tpu.memref_slice %arg2[%multiple_of3A_126] : memref<327680xi32, #tpu.memory_space<hbm>> -> memref<512xi32, #tpu.memory_space<hbm>>
        %dma_start3A_128 = tpu.memref_slice %arg2[%multiple_of3A_126] : memref<327680xi32, #tpu.memory_space<hbm>> -> memref<512xi32, #tpu.memory_space<hbm>>
        tpu.enqueue_dma source(%dma_start3A_128 : memref<512xi32, #tpu.memory_space<hbm>>) target(%arg11 : memref<512xi32, #tpu.memory_space<vmem>>) target_semaphore(%arg18 : memref<!tpu.dma_semaphore, #tpu.memory_space<semaphore_mem>>)
        %dma_start3A_129 = tpu.memref_slice %arg3[%multiple_of3A_126] : memref<327680xi32, #tpu.memory_space<hbm>> -> memref<512xi32, #tpu.memory_space<hbm>>
        %dma_start3A_130 = tpu.memref_slice %arg3[%multiple_of3A_126] : memref<327680xi32, #tpu.memory_space<hbm>> -> memref<512xi32, #tpu.memory_space<hbm>>
        tpu.enqueue_dma source(%dma_start3A_130 : memref<512xi32, #tpu.memory_space<hbm>>) target(%arg12 : memref<512xi32, #tpu.memory_space<vmem>>) target_semaphore(%arg18 : memref<!tpu.dma_semaphore, #tpu.memory_space<semaphore_mem>>)
        %dma_start3A_131 = tpu.memref_slice %arg4[%multiple_of3A_126] : memref<327680xf32, #tpu.memory_space<hbm>> -> memref<512xf32, #tpu.memory_space<hbm>>
        %dma_start3A_132 = tpu.memref_slice %arg4[%multiple_of3A_126] : memref<327680xf32, #tpu.memory_space<hbm>> -> memref<512xf32, #tpu.memory_space<hbm>>
        tpu.enqueue_dma source(%dma_start3A_132 : memref<512xf32, #tpu.memory_space<hbm>>) target(%arg13 : memref<512xf32, #tpu.memory_space<vmem>>) target_semaphore(%arg18 : memref<!tpu.dma_semaphore, #tpu.memory_space<semaphore_mem>>)
      } else {
      }
      %scan3A_120 = arith.constant 0 : i32
      scf.yield %scan3A_120 : i32
    }
    %scan3A_48 = arith.constant 10 : i32
    %barrier3A_49 = arith.constant 0 : index
    tpu.barrier barrier_id(%barrier3A_49)
    %lt3A_50 = arith.constant 15 : i32
    %lt3A_51 = arith.cmpi slt, %arg1, %lt3A_50 : i32
    %convert_element_type3A_52 = arith.extui %lt3A_51 : i1 to i32
    %cond3A_53 = arith.constant 0 : i32
    %cond3A_54 = arith.cmpi ne, %convert_element_type3A_52, %cond3A_53 : i32
    scf.if %cond3A_54 {
      %mul3A_60 = arith.constant 640 : i32
      %mul3A_61 = arith.muli %arg1, %mul3A_60 : i32
      "tpu.region"() ({
        %run_scoped3A = tpu.sem_alloc : memref<!tpu.dma_semaphore, #tpu.memory_space<semaphore_mem>>
        %dma_start3A_64 = arith.constant 0 : i32
        %dma_start3A_65 = tpu.memref_slice %arg7[%mul3A_61, %dma_start3A_64] : memref<10000x16xf32, #tpu.memory_space<vmem_shared>> -> memref<640x16xf32, #tpu.memory_space<vmem_shared>>
        %dma_start3A_66 = arith.constant 0 : i32
        %dma_start3A_67 = tpu.memref_slice %arg7[%mul3A_61, %dma_start3A_66] : memref<10000x16xf32, #tpu.memory_space<vmem_shared>> -> memref<640x16xf32, #tpu.memory_space<vmem_shared>>
        tpu.enqueue_dma source(%dma_start3A_67 : memref<640x16xf32, #tpu.memory_space<vmem_shared>>) target(%arg16 : memref<640x16xf32, #tpu.memory_space<vmem>>) target_semaphore(%run_scoped3A : memref<!tpu.dma_semaphore, #tpu.memory_space<semaphore_mem>>)
        %dma_wait3A_68 = arith.constant 0 : i32
        %dma_wait3A_69 = tpu.memref_slice %arg7[%mul3A_61, %dma_wait3A_68] : memref<10000x16xf32, #tpu.memory_space<vmem_shared>> -> memref<640x16xf32, #tpu.memory_space<vmem_shared>>
        %dma_wait3A_70 = arith.constant 0 : i32
        %dma_wait3A_71 = tpu.memref_slice %arg7[%mul3A_61, %dma_wait3A_70] : memref<10000x16xf32, #tpu.memory_space<vmem_shared>> -> memref<640x16xf32, #tpu.memory_space<vmem_shared>>
        tpu.wait_dma2 semaphore(%run_scoped3A : memref<!tpu.dma_semaphore, #tpu.memory_space<semaphore_mem>>) src(%dma_wait3A_71 : memref<640x16xf32, #tpu.memory_space<vmem_shared>>) dst(%arg16 : memref<640x16xf32, #tpu.memory_space<vmem>>)
        tpu.yield
      }) : () -> ()
      %mul3A_62 = arith.constant 640 : i32
      %mul3A_63 = arith.muli %arg1, %mul3A_62 : i32
      "tpu.region"() ({
        %run_scoped3A = tpu.sem_alloc : memref<!tpu.dma_semaphore, #tpu.memory_space<semaphore_mem>>
        %dma_start3A_64 = arith.constant 0 : i32
        %dma_start3A_65 = tpu.memref_slice %arg6[%arg0, %mul3A_63, %dma_start3A_64] : memref<2x10000x16xf32, #tpu.memory_space<hbm>> -> memref<1x640x16xf32, #tpu.memory_space<hbm>>
        %dma_start3A_66 = tpu.memref_squeeze %dma_start3A_65 : memref<1x640x16xf32, #tpu.memory_space<hbm>> -> memref<640x16xf32, #tpu.memory_space<hbm>>
        %dma_start3A_67 = arith.constant 0 : i32
        %dma_start3A_68 = tpu.memref_slice %arg6[%arg0, %mul3A_63, %dma_start3A_67] : memref<2x10000x16xf32, #tpu.memory_space<hbm>> -> memref<1x640x16xf32, #tpu.memory_space<hbm>>
        %dma_start3A_69 = tpu.memref_squeeze %dma_start3A_68 : memref<1x640x16xf32, #tpu.memory_space<hbm>> -> memref<640x16xf32, #tpu.memory_space<hbm>>
        tpu.enqueue_dma source(%arg16 : memref<640x16xf32, #tpu.memory_space<vmem>>) target(%dma_start3A_69 : memref<640x16xf32, #tpu.memory_space<hbm>>) target_semaphore(%run_scoped3A : memref<!tpu.dma_semaphore, #tpu.memory_space<semaphore_mem>>)
        %dma_wait3A_70 = arith.constant 0 : i32
        %dma_wait3A_71 = tpu.memref_slice %arg6[%arg0, %mul3A_63, %dma_wait3A_70] : memref<2x10000x16xf32, #tpu.memory_space<hbm>> -> memref<1x640x16xf32, #tpu.memory_space<hbm>>
        %dma_wait3A_72 = tpu.memref_squeeze %dma_wait3A_71 : memref<1x640x16xf32, #tpu.memory_space<hbm>> -> memref<640x16xf32, #tpu.memory_space<hbm>>
        %dma_wait3A_73 = arith.constant 0 : i32
        %dma_wait3A_74 = tpu.memref_slice %arg6[%arg0, %mul3A_63, %dma_wait3A_73] : memref<2x10000x16xf32, #tpu.memory_space<hbm>> -> memref<1x640x16xf32, #tpu.memory_space<hbm>>
        %dma_wait3A_75 = tpu.memref_squeeze %dma_wait3A_74 : memref<1x640x16xf32, #tpu.memory_space<hbm>> -> memref<640x16xf32, #tpu.memory_space<hbm>>
        tpu.wait_dma2 semaphore(%run_scoped3A : memref<!tpu.dma_semaphore, #tpu.memory_space<semaphore_mem>>) src(%arg16 : memref<640x16xf32, #tpu.memory_space<vmem>>) dst(%dma_wait3A_75 : memref<640x16xf32, #tpu.memory_space<hbm>>)
        tpu.yield
      }) : () -> ()
    } else {
    }
    %eq3A_55 = arith.constant 15 : i32
    %eq3A_56 = arith.cmpi eq, %arg1, %eq3A_55 : i32
    %convert_element_type3A_57 = arith.extui %eq3A_56 : i1 to i32
    %cond3A_58 = arith.constant 0 : i32
    %cond3A_59 = arith.cmpi ne, %convert_element_type3A_57, %cond3A_58 : i32
    scf.if %cond3A_59 {
      "tpu.region"() ({
        %run_scoped3A = tpu.sem_alloc : memref<!tpu.dma_semaphore, #tpu.memory_space<semaphore_mem>>
        %dma_start3A_60 = arith.constant 0 : i32
        %dma_start3A_61 = arith.constant 0 : i32
        %dma_start3A_62 = tpu.memref_slice %arg16[%dma_start3A_60, %dma_start3A_61] : memref<640x16xf32, #tpu.memory_space<vmem>> -> memref<400x16xf32, #tpu.memory_space<vmem>>
        %dma_start3A_63 = arith.constant 9600 : i32
        %dma_start3A_64 = arith.constant 0 : i32
        %dma_start3A_65 = tpu.memref_slice %arg7[%dma_start3A_63, %dma_start3A_64] : memref<10000x16xf32, #tpu.memory_space<vmem_shared>> -> memref<400x16xf32, #tpu.memory_space<vmem_shared>>
        %dma_start3A_66 = arith.constant 0 : i32
        %dma_start3A_67 = arith.constant 0 : i32
        %dma_start3A_68 = tpu.memref_slice %arg16[%dma_start3A_66, %dma_start3A_67] : memref<640x16xf32, #tpu.memory_space<vmem>> -> memref<400x16xf32, #tpu.memory_space<vmem>>
        %dma_start3A_69 = arith.constant 9600 : i32
        %dma_start3A_70 = arith.constant 0 : i32
        %dma_start3A_71 = tpu.memref_slice %arg7[%dma_start3A_69, %dma_start3A_70] : memref<10000x16xf32, #tpu.memory_space<vmem_shared>> -> memref<400x16xf32, #tpu.memory_space<vmem_shared>>
        tpu.enqueue_dma source(%dma_start3A_71 : memref<400x16xf32, #tpu.memory_space<vmem_shared>>) target(%dma_start3A_68 : memref<400x16xf32, #tpu.memory_space<vmem>>) target_semaphore(%run_scoped3A : memref<!tpu.dma_semaphore, #tpu.memory_space<semaphore_mem>>)
        %dma_wait3A_72 = arith.constant 0 : i32
        %dma_wait3A_73 = arith.constant 0 : i32
        %dma_wait3A_74 = tpu.memref_slice %arg16[%dma_wait3A_72, %dma_wait3A_73] : memref<640x16xf32, #tpu.memory_space<vmem>> -> memref<400x16xf32, #tpu.memory_space<vmem>>
        %dma_wait3A_75 = arith.constant 9600 : i32
        %dma_wait3A_76 = arith.constant 0 : i32
        %dma_wait3A_77 = tpu.memref_slice %arg7[%dma_wait3A_75, %dma_wait3A_76] : memref<10000x16xf32, #tpu.memory_space<vmem_shared>> -> memref<400x16xf32, #tpu.memory_space<vmem_shared>>
        %dma_wait3A_78 = arith.constant 0 : i32
        %dma_wait3A_79 = arith.constant 0 : i32
        %dma_wait3A_80 = tpu.memref_slice %arg16[%dma_wait3A_78, %dma_wait3A_79] : memref<640x16xf32, #tpu.memory_space<vmem>> -> memref<400x16xf32, #tpu.memory_space<vmem>>
        %dma_wait3A_81 = arith.constant 9600 : i32
        %dma_wait3A_82 = arith.constant 0 : i32
        %dma_wait3A_83 = tpu.memref_slice %arg7[%dma_wait3A_81, %dma_wait3A_82] : memref<10000x16xf32, #tpu.memory_space<vmem_shared>> -> memref<400x16xf32, #tpu.memory_space<vmem_shared>>
        tpu.wait_dma2 semaphore(%run_scoped3A : memref<!tpu.dma_semaphore, #tpu.memory_space<semaphore_mem>>) src(%dma_wait3A_83 : memref<400x16xf32, #tpu.memory_space<vmem_shared>>) dst(%dma_wait3A_80 : memref<400x16xf32, #tpu.memory_space<vmem>>)
        tpu.yield
      }) : () -> ()
      "tpu.region"() ({
        %run_scoped3A = tpu.sem_alloc : memref<!tpu.dma_semaphore, #tpu.memory_space<semaphore_mem>>
        %dma_start3A_60 = arith.constant 0 : i32
        %dma_start3A_61 = arith.constant 0 : i32
        %dma_start3A_62 = tpu.memref_slice %arg16[%dma_start3A_60, %dma_start3A_61] : memref<640x16xf32, #tpu.memory_space<vmem>> -> memref<400x16xf32, #tpu.memory_space<vmem>>
        %dma_start3A_63 = arith.constant 9600 : i32
        %dma_start3A_64 = arith.constant 0 : i32
        %dma_start3A_65 = tpu.memref_slice %arg6[%arg0, %dma_start3A_63, %dma_start3A_64] : memref<2x10000x16xf32, #tpu.memory_space<hbm>> -> memref<1x400x16xf32, #tpu.memory_space<hbm>>
        %dma_start3A_66 = tpu.memref_squeeze %dma_start3A_65 : memref<1x400x16xf32, #tpu.memory_space<hbm>> -> memref<400x16xf32, #tpu.memory_space<hbm>>
        %dma_start3A_67 = arith.constant 9600 : i32
        %dma_start3A_68 = arith.constant 0 : i32
        %dma_start3A_69 = tpu.memref_slice %arg6[%arg0, %dma_start3A_67, %dma_start3A_68] : memref<2x10000x16xf32, #tpu.memory_space<hbm>> -> memref<1x400x16xf32, #tpu.memory_space<hbm>>
        %dma_start3A_70 = tpu.memref_squeeze %dma_start3A_69 : memref<1x400x16xf32, #tpu.memory_space<hbm>> -> memref<400x16xf32, #tpu.memory_space<hbm>>
        %dma_start3A_71 = arith.constant 0 : i32
        %dma_start3A_72 = arith.constant 0 : i32
        %dma_start3A_73 = tpu.memref_slice %arg16[%dma_start3A_71, %dma_start3A_72] : memref<640x16xf32, #tpu.memory_space<vmem>> -> memref<400x16xf32, #tpu.memory_space<vmem>>
        tpu.enqueue_dma source(%dma_start3A_73 : memref<400x16xf32, #tpu.memory_space<vmem>>) target(%dma_start3A_70 : memref<400x16xf32, #tpu.memory_space<hbm>>) target_semaphore(%run_scoped3A : memref<!tpu.dma_semaphore, #tpu.memory_space<semaphore_mem>>)
        %dma_wait3A_74 = arith.constant 0 : i32
        %dma_wait3A_75 = arith.constant 0 : i32
        %dma_wait3A_76 = tpu.memref_slice %arg16[%dma_wait3A_74, %dma_wait3A_75] : memref<640x16xf32, #tpu.memory_space<vmem>> -> memref<400x16xf32, #tpu.memory_space<vmem>>
        %dma_wait3A_77 = arith.constant 9600 : i32
        %dma_wait3A_78 = arith.constant 0 : i32
        %dma_wait3A_79 = tpu.memref_slice %arg6[%arg0, %dma_wait3A_77, %dma_wait3A_78] : memref<2x10000x16xf32, #tpu.memory_space<hbm>> -> memref<1x400x16xf32, #tpu.memory_space<hbm>>
        %dma_wait3A_80 = tpu.memref_squeeze %dma_wait3A_79 : memref<1x400x16xf32, #tpu.memory_space<hbm>> -> memref<400x16xf32, #tpu.memory_space<hbm>>
        %dma_wait3A_81 = arith.constant 9600 : i32
        %dma_wait3A_82 = arith.constant 0 : i32
        %dma_wait3A_83 = tpu.memref_slice %arg6[%arg0, %dma_wait3A_81, %dma_wait3A_82] : memref<2x10000x16xf32, #tpu.memory_space<hbm>> -> memref<1x400x16xf32, #tpu.memory_space<hbm>>
        %dma_wait3A_84 = tpu.memref_squeeze %dma_wait3A_83 : memref<1x400x16xf32, #tpu.memory_space<hbm>> -> memref<400x16xf32, #tpu.memory_space<hbm>>
        %dma_wait3A_85 = arith.constant 0 : i32
        %dma_wait3A_86 = arith.constant 0 : i32
        %dma_wait3A_87 = tpu.memref_slice %arg16[%dma_wait3A_85, %dma_wait3A_86] : memref<640x16xf32, #tpu.memory_space<vmem>> -> memref<400x16xf32, #tpu.memory_space<vmem>>
        tpu.wait_dma2 semaphore(%run_scoped3A : memref<!tpu.dma_semaphore, #tpu.memory_space<semaphore_mem>>) src(%dma_wait3A_87 : memref<400x16xf32, #tpu.memory_space<vmem>>) dst(%dma_wait3A_84 : memref<400x16xf32, #tpu.memory_space<hbm>>)
        tpu.yield
      }) : () -> ()
    } else {
    }
    return
  }
}

</mosaic_0001>

<sc_bundles>
// kernel: kernel.12.cloned.1.call-start
scs
__scs_entry_jumppad:
0x0: {  	(pc) =	sbr.rel $0x88, $3  }
0x1: {  	(tag) =	ssettag $0x0;
	lr =	simm.s32 $0x1  }
0x2: {  	[smem:$0x3F96] =	sst lr;
	_ =	strace $0xD0000000  }
0x3: {  	_ = 	snop  }
0x4: {  	_ = 	snop  }
0x5: {  	_ = 	snop  }
0x6: {  	_ = 	snop  }
0x7: {  	_ = 	snop  }
__scs_overlays_trampoline_lowered:
0x8: {  	[smem:$0x3FA5] =	sst s0  }
0x9: {  	[smem:$0x3FA6] =	sst s1  }
0xa: {  	[smem:$0x3FA7] =	sst s2  }
0xb: {  	[smem:$0x3FA8] =	sst s3  }
0xc: {  	[smem:$0x3FA9] =	sst s4  }
0xd: {  	[smem:$0x3FAA] =	sst s5  }
0xe: {  	[smem:$0x3FAB] =	sst s6  }
0xf: {  	[smem:$0x3FAC] =	sst s7  }
0x10: {  	[smem:$0x3FAD] =	sst s8  }
0x11: {  	[smem:$0x3FAE] =	sst s9;
	s0 =	simm.s32 @!p0 $0x0  }
0x12: {  	s1 =	sld [smem:$0x3F94];
	s0 =	simm.s32 @p0 $0x1  }
0x13: {  	[smem:$0x3FAF] =	sst s0;
	s0 =	simm.s32 @!p1 $0x0  }
0x14: {  	s2 =	sld [smem:$0x3F93];
	s0 =	simm.s32 @p1 $0x1  }
0x15: {  	[smem:$0x3FB0] =	sst s0;
	s0 =	simm.s32 @!p2 $0x0  }
0x16: {  	s3 =	sld [smem:$0x3FDB];
	s0 =	simm.s32 @p2 $0x1  }
0x17: {  	s4 =	simm.s32 $0x1BF5;
	[smem:$0x3FB2] =	sst s0  }
0x18: {  	s0 =	sld [smem:$0x3F95];
	_ =	swait.ge [sflag:s4], $0x0  }
0x19: {  	s7 =	sld [smem:$0x3F96]  }
0x1a: {  	s8 =	sadd.s32 $0xFFFFE003, lr  }
0x1b: {  	s9 =	sadd.s32 $0xFFFFFEF7, lr;
	s5 =	simm.s32 $0xFFFFFFFF;
	p2 =	slt.u32 s8, $0xFFFFF086  }
0x1c: {  	p1 =	slt.u32 s9, $0xF7A;
	s5 =	simm.s32 @!p2 $0x0  }
0x1d: {  	s5 =	simm.s32 @p1 $0x1;
	p0 =	seq.s32 s7, s2  }
0x1e: {  	s7 =	smul.u32 @!p0 $0xF7A, s2;
	p2 =	seq.s32 @!p0 s5, $0x0  }
0x1f: {  	s9 =	smul.u32 $0xF7A, s1;
	s8 =	simm.s32 @!p0 $0x1BF5;
	p2 =	por !p2, p0  }
0x20: {  	[sflag:s8] =	ssyncset.s32 @!p0 $0xFFFFF086;
	s6 =	sadd.s32 @!p0 s3, s7;
	s7 =	simm.s32 @!p0 $0x108  }
0x21: {  	s3 =	sadd.s32 s3, s9;
	s6 =	sadd.s32 @!p0 $0x88, s6;
	s7 =	simm.s32 @p2 $0x1082  }
0x22: {  	[simem:s7], [sflag:s8] =	dma.local @!p0 [hbm:s6], $0xF7A  }
0x23: {  	s9 =	sor.u32 $0xD0000000, s2;
	s6 =	simm.s32 $0x108;
	_ =	swait.ge @!p0 [sflag:s8], $0x0  }
0x24: {  	s3 =	sadd.s32 $0x88, s3;
	s6 =	simm.s32 @!p1 $0x1082;
	[sflag:s4] =	ssyncset.s32 $0xFFFFF086  }
0x25: {  	[simem:s6], [sflag:s4] =	dma.local [hbm:s3], $0xF7A  }
0x26: {  	[smem:$0x3F96] =	sst s1;
	(tag) =	ssettag s2;
	_ =	strace s9  }
0x27: {  	s1 =	sld [smem:$0x3FA6]  }
0x28: {  	s2 =	sld [smem:$0x3FA7]  }
0x29: {  	s4 =	sld [smem:$0x3FA9]  }
0x2a: {  	p0 =	seq.s32 s5, $0x0;
	s5 =	sld [smem:$0x3FAA]  }
0x2b: {  	s6 =	sld [smem:$0x3FAB]  }
0x2c: {  	s7 =	sld [smem:$0x3FAC]  }
0x2d: {  	s3 =	simm.s32 $0x108;
	s8 =	sld [smem:$0x3FAD]  }
0x2e: {  	s3 =	simm.s32 @!p0 $0x1082;
	s9 =	sld [smem:$0x3FAE]  }
0x2f: {  	lr =	sadd.s32 s0, s3;
	s0 =	sld [smem:$0x3FA5]  }
0x30: {  	s3 =	sld [smem:$0x3FA8]  }
0x31: {  	[smem:$0x3FB1] =	sst s10  }
0x32: {  	s10 =	sld [smem:$0x3FAF];
	_ =	sdelay $0x3  }
0x33: {  	p0 =	seq.s32 s10, $0x1;
	s10 =	sld [smem:$0x3FB1];
	_ =	sdelay $0x3  }
0x34: {  	[smem:$0x3FB1] =	sst s10  }
0x35: {  	s10 =	sld [smem:$0x3FB0];
	_ =	sdelay $0x3  }
0x36: {  	p1 =	seq.s32 s10, $0x1;
	s10 =	sld [smem:$0x3FB1];
	_ =	sdelay $0x3  }
0x37: {  	[smem:$0x3FB1] =	sst s10  }
0x38: {  	s10 =	sld [smem:$0x3FB2]  }
0x39: {  	_ = 	snop;
	(pc) =	sbr.ind lr, $3  }
0x3a: {  	_ = 	snop  }
0x3b: {  	_ = 	snop  }
0x3c: {  	p2 =	seq.s32 s10, $0x1;
	s10 =	sld [smem:$0x3FB1]  }
0x3d: {  	_ =	shalt  }
0x3e: {  	_ =	shalt  }
0x3f: {  	_ =	shalt  }
0x40: {  	_ =	shalt  }
0x41: {  	_ =	shalt  }
0x42: {  	_ =	shalt  }
0x43: {  	_ =	shalt  }
0x44: {  	_ =	shalt  }
0x45: {  	_ =	shalt  }
0x46: {  	_ =	shalt  }
0x47: {  	_ =	shalt  }
0x48: {  	_ =	shalt  }
0x49: {  	_ =	shalt  }
0x4a: {  	_ =	shalt  }
0x4b: {  	_ =	shalt  }
0x4c: {  	_ =	shalt  }
0x4d: {  	_ =	shalt  }
0x4e: {  	_ =	shalt  }
0x4f: {  	_ =	shalt  }
0x50: {  	_ =	shalt  }
0x51: {  	_ =	shalt  }
0x52: {  	_ =	shalt  }
0x53: {  	_ =	shalt  }
0x54: {  	_ =	shalt  }
0x55: {  	_ =	shalt  }
0x56: {  	_ =	shalt  }
0x57: {  	_ =	shalt  }
0x58: {  	_ =	shalt  }
0x59: {  	_ =	shalt  }
0x5a: {  	_ =	shalt  }
0x5b: {  	_ =	shalt  }
0x5c: {  	_ =	shalt  }
0x5d: {  	_ =	shalt  }
0x5e: {  	_ =	shalt  }
0x5f: {  	_ =	shalt  }
0x60: {  	_ =	shalt  }
0x61: {  	_ =	shalt  }
0x62: {  	_ =	shalt  }
0x63: {  	_ =	shalt  }
0x64: {  	_ =	shalt  }
0x65: {  	_ =	shalt  }
0x66: {  	_ =	shalt  }
0x67: {  	_ =	shalt  }
0x68: {  	_ =	shalt  }
0x69: {  	_ =	shalt  }
0x6a: {  	_ =	shalt  }
0x6b: {  	_ =	shalt  }
0x6c: {  	_ =	shalt  }
0x6d: {  	_ =	shalt  }
0x6e: {  	_ =	shalt  }
0x6f: {  	_ =	shalt  }
0x70: {  	_ =	shalt  }
0x71: {  	_ =	shalt  }
0x72: {  	_ =	shalt  }
0x73: {  	_ =	shalt  }
0x74: {  	_ =	shalt  }
0x75: {  	_ =	shalt  }
0x76: {  	_ =	shalt  }
0x77: {  	_ =	shalt  }
0x78: {  	_ =	shalt  }
0x79: {  	_ =	shalt  }
0x7a: {  	_ =	shalt  }
0x7b: {  	_ =	shalt  }
0x7c: {  	_ =	shalt  }
0x7d: {  	_ =	shalt  }
0x7e: {  	_ =	shalt  }
0x7f: {  	_ =	shalt  }
0x80: {  	_ =	shalt  }
0x81: {  	_ =	shalt  }
0x82: {  	_ =	shalt  }
0x83: {  	_ =	shalt  }
0x84: {  	_ =	shalt  }
0x85: {  	_ =	shalt  }
0x86: {  	_ =	shalt  }
0x87: {  	_ =	shalt  }
.Lfunc_end0:
.L_simem_size_0:
called_computation.2_lowered:
.L_overlay_start_0:
0x88: {  	s2 =	sld [smem:$0x3FD9]  }
0x89: {  	s3 =	sld [smem:$0x3FFE];
	_ =	sdelay $0x1  }
0x8a: {  	s1 =	srdreg.scid  }
0x8b: {  	s0 =	sand.u32 $0x1, s1  }
0x8c: {  	s16 =	sshll.u32 s0, $0xA;
	s2 =	sadd.s32 s3, s2  }
0x8d: {  	s2 =	sadd.s32 s2, s16  }
0x8e: {  	[smem:$0x3FBD] =	sst s2  }
0x8f: {  	_ = 	snop  }
0x90: {  	(tm) =	ssettm $0x1  }
0x91: {  	s17 =	sld [smem:$0x3FFB];
	_ =	sdelay $0x3  }
0x92: {  	_ =	strace s17  }
0x93: {  	s2 =	sld [smem:$0x3FFC];
	_ =	sdelay $0x3  }
0x94: {  	_ =	strace s2  }
0x95: {  	s2 =	sld [smem:$0x3FFD];
	_ =	sdelay $0x3  }
0x96: {  	_ =	strace s2  }
0x97: {  	_ =	strace $0x8FFFFFFF  }
0x98: {  	s18 =	sld [smem:$0x3FDB];
	_ =	sdelay $0x1  }
0x99: {  	s19 =	simm.s32 $_scs_section_size  }
0x9a: {  	s4 =	simm.s32 $_size__tile_overlayer_lowered;
	s5 =	simm.s32 $_tile_overlayer_lowered  }
0x9b: {  	s22 =	simm.s32 $0x1BFF;
	s21 =	sshll.u32 s5, $0x1;
	s2 =	sadd.s32 s19, s18  }
0x9c: {  	s6 =	simm.s32 $0x0;
	s20 =	sshll.u32 s4, $0x1;
	s4 =	sadd.s32 s21, s2  }
0x9d: {  	[timem:s6], [sflag:s22] =	dma.local [hbm:s4], s20  }
0x9e: {  	_ =	swait.ge [sflag:s22], s20  }
0x9f: {  	s3 =	ssub.s32 $0x0, s20;
	[sflag:s22] =	ssyncset.done $0x0  }
0xa0: {  	[sflag:s22] =	ssyncadd.s32 s3;
	_ =	sdelay $0x1  }
0xa1: {  	s23 =	simm.s32 $0x1B8B  }
0xa2: {  	_ =	swait.ge [sflag:s23], $0x1  }
0xa3: {  	[sflag:s23] =	ssyncset.done $0x0  }
0xa4: {  	s25 =	simm.s32 $0x1B8E;
	s24 =	sld [smem:$0x3FFE];
	[sflag:s23] =	ssyncadd.s32 $0xFFFFFFFF  }
0xa5: {  	s26 =	simm.s32 $execute0_lowered;
	[smem:$0x3FD2] =	sst s25  }
0xa6: {  	s4 =	sshll.u32 s26, $0x1;
	_ =	strace $0x8000004C;
	[dreg:$0x1] =	wrdreg $0xFFFFFFFF  }
0xa7: {  	s28 =	simm.s32 $_size_execute0_lowered;
	s2 =	sadd.s32 s2, s4;
	[dreg:$0x0] =	wrdreg $0x0  }
0xa8: {  	s4 =	sshll.u32 s28, $0x1;
	[dreg:$0x2] =	wrdreg s2  }
0xa9: {  	[dreg:$0x3] =	wrdreg s4  }
0xaa: {  	[dreg:$0x4] =	wrdreg $0xC0  }
0xab: {  	_ =	task [dreg:s6], $0x5FFFF  }
0xac: {  	[dreg:$0x1] =	wrdreg $0xFFFFFFFF  }
0xad: {  	[dreg:$0x0] =	wrdreg $0x60  }
0xae: {  	[dreg:$0x2] =	wrdreg s24  }
0xaf: {  	[dreg:$0x3] =	wrdreg $0x0  }
0xb0: {  	[dreg:$0x4] =	wrdreg $0x9  }
0xb1: {  	_ =	task.clear_ibuf [dreg:s6], $0x5FFFF;
	_ =	strace $0x9000004C  }
0xb2: {  	s29 =	simm.s32 $0x9;
	_ =	strace $0x8000004E  }
0xb3: {  	_ =	swait.ge [sflag:s29], $0x1  }
0xb4: {  	[sflag:s29] =	ssyncadd.s32 $0xFFFFFFFF  }
0xb5: {  	_ =	strace $0x9000004E  }
0xb6: {  	_ =	sfence  }
0xb7: {  	s30 =	sld [smem:$0x0];
	_ =	sdelay $0x2  }
0xb8: {  	s31 =	sshll.u32 s1, $0xD;
	s1 =	sshrl.u32 s1, $0x2  }
0xb9: {  	s3 =	sand.u32 $0x4000, s31;
	s1 =	sadd.s32 s1, s30  }
0xba: {  	s0 =	sor.u32 s3, s0;
	s1 =	sshll.u32 s1, $0x11  }
0xbb: {  	s0 =	sor.u32 s1, s0  }
0xbc: {  	s0 =	sadd.s32 $0x8F2B, s0  }
0xbd: {  	[sflag:s0] =	ssyncadd.remote.s32 $0x1  }
0xbe: {  	_ =	sfence.sel $0xFFFF  }
0xbf: {  	[dreg:$0x0] =	wrdreg $0xFFFFFFFF;
	(pc) =	sbr.abs _section_cstart, $3  }
0xc0: {  	[dreg:$0x1] =	wrdreg $0xFFFFFFFF  }
0xc1: {  	_ =	task.clear_ibuf [dreg:s6], $0x2FFFF;
	_ =	strace $0x9FFFFFFF  }
0xc2: {  	(tm) =	ssettm $0x7FFFFFFF  }
0xc3: {  	_ =	shalt  }
tec
execute0_lowered:
.L_overlay_start_1:
0x0: {  	(tag) =	ssettag $0x1  }
0x1: {  	s0 =	rddreg [dreg:$0x0]  }
0x2: {  	s1 =	rddreg [dreg:$0x1]  }
0x3: {  	s2 =	simm.s32 $0x0;
	s3 =	srdreg.scid;
	s14 =	stileid.u32  }
0x4: {  	s28 =	simm.s32 $0x3310;
	s29 =	simm.s32 $0x2D10;
	s30 =	simm.s32 $0x2F10  }
0x5: {  	s31 =	simm.s32 $0x3110;
	[smem:$0x7FF] =	sst s2;
	s4 =	sadd.s32 $0xA400, s0  }
0x6: {  	s3 =	sand.u32 $0x1, s3;
	s5 =	sadd.s32 $0x400, s0;
	s9 =	smul.u32 $0xA000, s14  }
0x7: {  	s6 =	sadd.s32 $0x14400, s0;
	s19 =	smul.u32 $0x2800, s14;
	p0 =	seq.s32 s14, $0xF  }
0x8: {  	_ =	strace $0x8000004D;
	s7 =	sshll.u32 s3, $0x4;
	s10 =	ssub.s32 $0x2, s3  }
0x9: {  	s3 =	smul.u32 $0x27100, s3;
	s8 =	sor.u32 s14, s7;
	s7 =	sadd.s32 $0x1E400, s0  }
0xa: {  	s0 =	sadd.s32 $0x23400, s0;
	s11 =	sshrl.u32 s10, $0x1;
	s9 =	sshrl.u32 s9, $0x2  }
0xb: {  	s26 =	sadd.s32 s19, s1;
	s8 =	smul.u32 $0x2800, s8;
	s10 =	ssub.s32 s10, s11  }
0xc: {  	s9 =	sadd.s32 s9, s1;
	s24 =	sadd.s32 s19, s3;
	[dreg:$0xa] =	wrdreg s26  }
0xd: {  	s3 =	sshrl.u32 s3, $0x3;
	s26 =	simm.s32 $0x200;
	[dreg:$0x3] =	wrdreg s9  }
0xe: {  	s9 =	sadd.s32 $0x25800, s1;
	s25 =	sshrl.u32 s24, $0x3;
	s18 =	sshrl.u32 s8, $0x3  }
0xf: {  	s16 =	sor.u32 $0x400, s8;
	s17 =	sor.u32 $0x600, s8;
	s8 =	sadd.s32 s0, s25  }
0x10: {  	s24 =	simm.s32 $0x3;
	s12 =	sadd.s32 s4, s18;
	[dreg:$0xb] =	wrdreg s8  }
0x11: {  	s0 =	sadd.s32 s0, s3;
	s13 =	sadd.s32 s5, s18;
	[dreg:$0x4] =	wrdreg s12  }
0x12: {  	s25 =	simm.s32 $0x1;
	s11 =	sadd.s32 s6, s18;
	[dreg:$0x5] =	wrdreg s13  }
0x13: {  	s20 =	sor.u32 $0x40, s18;
	s0 =	sadd.s32 $0x4B00, s0;
	[dreg:$0x6] =	wrdreg s11  }
.Ltmp0:
0x14: {  	s21 =	sadd.s32 s4, s20;
	[dreg:$0xc] =	wrdreg s0;
	(pc) =	sbr.rel .LBB2_1-.Ltmp0, $4  }
0x15: {  	s3 =	simm.s32 $0x5310;
	s22 =	sadd.s32 s5, s20;
	[dreg:$0x7] =	wrdreg s21  }
0x16: {  	s8 =	simm.s32 $0x5;
	s23 =	sadd.s32 s6, s20;
	[dreg:$0x8] =	wrdreg s22  }
0x17: {  	v1 =	vlaneseq.u32;
	s0 =	simm.s32 $0x2;
	s11 =	simm.s32 $0x0;
	[dreg:$0x9] =	wrdreg s23  }
0x18: {  	v0 =	vimm.f32 $0.0e+00;
	v1 =	vmul.u32 $0x10, v1;
	s21 =	smax.u32 s10, $0x1;
	s23 =	simm.s32 $0x2910;
	s10 =	simm.s32 $0x4  }
.LBB2_10:
0x19: {  	[bflag:$0x0] =	sbarrier.arrive $0xFFFF;
	s12 =	simm.s32 @p0 $0x7310;
	s13 =	simm.s32 @p0 $0x5  }
0x1a: {  	[tilespmem:s12], [sflag:$0x5] =	stream.linear.gather @p0 [spmem:s9], $0x1900, $0x38;
	[tilespmem:$0x9B10] =	vst v63  }
0x1b: {  	_ =	swait.ge @p0 [sflag:s13], $0x1900  }
0x1c: {  	[sflag:s13] =	ssyncset.done @p0 $0x0  }
0x1d: {  	s14 =	simm.s32 @p0 $0x0;
	s15 =	rddreg [dreg:$0xc];
	[sflag:s13] =	ssyncadd.s32 @p0 $0xFFFFE700  }
0x1e: {  	[hbm4b:s15+s14] =	stream.linear.scatter @p0 [tilespmem:s12], [sflag:$0x5], $0x1900, $0x38;
	[tilespmem:$0x9B10] =	vst v63  }
0x1f: {  	_ =	swait.ge @p0 [sflag:s13], $0x1900  }
0x20: {  	[sflag:s13] =	ssyncset.done @p0 $0x0  }
0x21: {  	s12 =	simm.s32 @!p0 $0x7310;
	[sflag:s13] =	ssyncadd.s32 @p0 $0xFFFFE700;
	s13 =	rddreg [dreg:$0xa]  }
0x22: {  	[tilespmem:s12], [sflag:$0x5] =	stream.linear.gather @!p0 [spmem:s13], $0x2800, $0x38;
	[tilespmem:$0x9B10] =	vst v63  }
0x23: {  	s13 =	simm.s32 @!p0 $0x5  }
0x24: {  	s11 =	sadd.s32 $0x1, s11;
	_ =	swait.ge @!p0 [sflag:s13], $0x2800  }
0x25: {  	p1 =	sne.s32 s11, s21;
	s14 =	simm.s32 @!p0 $0x0;
	[sflag:s13] =	ssyncset.done @!p0 $0x0  }
.Ltmp1:
0x26: {  	s15 =	rddreg [dreg:$0xb];
	[sflag:s13] =	ssyncadd.s32 @!p0 $0xFFFFD800;
	(pc) =	sbr.rel @!p1 .LBB2_11-.Ltmp1, $4  }
0x27: {  	[hbm4b:s15+s14] =	stream.linear.scatter @!p0 [tilespmem:s12], [sflag:$0x5], $0x2800, $0x38;
	[tilespmem:$0x9B10] =	vst v63  }
0x28: {  	_ =	swait.ge @!p0 [sflag:s13], $0x2800  }
0x29: {  	[sflag:s13] =	ssyncset.done @!p0 $0x0  }
0x2a: {  	[sflag:s13] =	ssyncadd.s32 @!p0 $0xFFFFD800  }
.LBB2_1:
0x2b: {  	s12 =	simm.s32 $0x40;
	s13 =	simm.s32 $0x0  }
.LBB2_2:
0x2c: {  	p1 =	sne.s32 s12, $0x9FC0;
	[tilespmem:s13+$0x7310] =	vst v0;
	s13 =	smov.u32 s12;
	s12 =	sadd.s32 $0x40, s12  }
.Ltmp2:
0x2d: {  	(pc) =	sbr.rel @p1 .LBB2_2-.Ltmp2, $2  }
0x2e: {  	_ =	sdelay $0x2  }
0x2f: {  	s13 =	sshra.s32 s13, $0x2  }
0x30: {  	[tilespmem:s13+$0x7310] =	vst v0;
	s12 =	simm.s32 @p0 $0x7310  }
0x31: {  	[spmem:s9] =	stream.linear.scatter @p0 [tilespmem:s12], [sflag:$0x5], $0x1900, $0x38;
	[tilespmem:$0x9B10] =	vst v63  }
0x32: {  	s12 =	simm.s32 @p0 $0x5  }
0x33: {  	_ =	swait.ge @p0 [sflag:s12], $0x1900  }
0x34: {  	[sflag:s12] =	ssyncset.done @p0 $0x0  }
0x35: {  	s13 =	rddreg [dreg:$0x3];
	[sflag:s12] =	ssyncadd.s32 @p0 $0xFFFFE700;
	s12 =	simm.s32 @!p0 $0x7310  }
0x36: {  	[spmem:s13] =	stream.linear.scatter @!p0 [tilespmem:s12], [sflag:$0x5], $0x2800, $0x38;
	[tilespmem:$0x9B10] =	vst v63  }
0x37: {  	s12 =	simm.s32 @!p0 $0x5  }
0x38: {  	_ =	swait.ge @!p0 [sflag:s12], $0x2800  }
0x39: {  	[sflag:s12] =	ssyncset.done @!p0 $0x0  }
0x3a: {  	[sflag:s12] =	ssyncadd.s32 @!p0 $0xFFFFD800  }
0x3b: {  	[bflag:$0x0] =	sbarrier.arrive $0xFFFF  }
0x3c: {  	s14 =	simm.s32 $0x2710;
	s12 =	simm.s32 $0x0;
	s22 =	rddreg [dreg:$0x4]  }
0x3d: {  	[tilespmem:s14], [sflag:$0x1] =	stream.linear.gather [hbm4b:s22+s12], $0x200, $0x38;
	[tilespmem:$0x9B10] =	vst v63  }
0x3e: {  	s15 =	rddreg [dreg:$0x5]  }
0x3f: {  	[tilespmem:s23], [sflag:$0x1] =	stream.linear.gather [hbm4b:s15+s12], $0x200, $0x38;
	[tilespmem:$0x9B10] =	vst v63  }
0x40: {  	s18 =	rddreg [dreg:$0x6];
	s15 =	simm.s32 $0x2B10  }
0x41: {  	[tilespmem:s15], [sflag:$0x1] =	stream.linear.gather [hbm4b:s18+s12], $0x200, $0x38;
	[tilespmem:$0x9B10] =	vst v63  }
0x42: {  	_ =	swait.ge [sflag:s25], $0x200  }
0x43: {  	[sflag:s25] =	ssyncset.done $0x0  }
0x44: {  	[sflag:s25] =	ssyncadd.s32 $0xFFFFFE00  }
0x45: {  	_ =	swait.ge [sflag:s25], $0x200  }
0x46: {  	[sflag:s25] =	ssyncset.done $0x0  }
0x47: {  	[sflag:s25] =	ssyncadd.s32 $0xFFFFFE00  }
0x48: {  	_ =	swait.ge [sflag:s25], $0x200  }
0x49: {  	[sflag:s25] =	ssyncset.done $0x0  }
0x4a: {  	[sflag:s25] =	ssyncadd.s32 $0xFFFFFE00  }
0x4b: {  	[tilespmem:s28], [sflag:$0x3] =	stream.indirect.gather [hbm4b:s7+s26], $0x10, s14, s26, $0xb8;
	[tilespmem:$0x9B10] =	vst v63  }
0x4c: {  	s19 =	rddreg [dreg:$0x7]  }
0x4d: {  	[tilespmem:s29], [sflag:$0x2] =	stream.linear.gather [hbm4b:s19+s12], $0x200, $0x38;
	[tilespmem:$0x9B10] =	vst v63  }
0x4e: {  	s20 =	rddreg [dreg:$0x8]  }
0x4f: {  	[tilespmem:s30], [sflag:$0x2] =	stream.linear.gather [hbm4b:s20+s12], $0x200, $0x38;
	[tilespmem:$0x9B10] =	vst v63  }
0x50: {  	s13 =	simm.s32 $0x0;
	s22 =	rddreg [dreg:$0x9]  }
0x51: {  	[tilespmem:s31], [sflag:$0x2] =	stream.linear.gather [hbm4b:s22+s12], $0x200, $0x38;
	[tilespmem:$0x9B10] =	vst v63  }
.LBB2_4:
0x52: {  	_ =	swait.ge [sflag:s0], $0x200  }
0x53: {  	[sflag:s0] =	ssyncset.done $0x0  }
0x54: {  	[sflag:s0] =	ssyncadd.s32 $0xFFFFFE00  }
0x55: {  	_ =	swait.ge [sflag:s0], $0x200  }
0x56: {  	[sflag:s0] =	ssyncset.done $0x0  }
0x57: {  	[sflag:s0] =	ssyncadd.s32 $0xFFFFFE00  }
0x58: {  	v2 =	vmov s12;
	_ =	swait.ge [sflag:s0], $0x200  }
0x59: {  	v2 =	vshll.u32 v2, $0x4;
	[sflag:s0] =	ssyncset.done $0x0  }
0x5a: {  	v2 =	vor.u32 v1, v2;
	[sflag:s0] =	ssyncadd.s32 $0xFFFFFE00  }
0x5b: {  	[tilespmem:s3], [sflag:$0x4] =	stream.indirect.gather [hbm4b:s7+s26], $0x10, s29, s26, $0xb8;
	[tilespmem:$0x9B10] =	vst v63  }
0x5c: {  	_ =	swait.ge [sflag:s24], $0x2000  }
0x5d: {  	[sflag:s24] =	ssyncset.done $0x0  }
0x5e: {  	[sflag:s24] =	ssyncadd.s32 $0xFFFFE000  }
0x5f: {  	s22 =	simm.s32 $0x2B10;
	v3 =	vld.idx.msk [tilespmem:v2+s28+$0x0], $0xffff  }
0x60: {  	v5 =	vld [tilespmem:s22+$0x0];
	_ =	sdelay $0x2  }
0x61: {  	v4 =	vor.u32 $0x1, v2;
	_ =	sdelay $0x1  }
0x62: {  	v3 =	vmul.f32 v3, v5;
	_ =	sdelay $0x1  }
0x63: {  	[tilespmem:v2+s28+$0x0] =	vst.idx.msk $0xffff, v3  }
0x64: {  	v3 =	vld.idx.msk [tilespmem:v4+s28+$0x0], $0xffff;
	_ =	sdelay $0x2  }
0x65: {  	v6 =	vor.u32 $0x2, v2;
	_ =	sdelay $0x1  }
0x66: {  	v3 =	vmul.f32 v3, v5;
	_ =	sdelay $0x1  }
0x67: {  	[tilespmem:v4+s28+$0x0] =	vst.idx.msk $0xffff, v3  }
0x68: {  	v3 =	vld.idx.msk [tilespmem:v6+s28+$0x0], $0xffff;
	_ =	sdelay $0x2  }
0x69: {  	v4 =	vor.u32 $0x3, v2;
	_ =	sdelay $0x1  }
0x6a: {  	v3 =	vmul.f32 v3, v5;
	_ =	sdelay $0x1  }
0x6b: {  	[tilespmem:v6+s28+$0x0] =	vst.idx.msk $0xffff, v3  }
0x6c: {  	v3 =	vld.idx.msk [tilespmem:v4+s28+$0x0], $0xffff;
	_ =	sdelay $0x2  }
0x6d: {  	v6 =	vor.u32 $0x4, v2;
	_ =	sdelay $0x1  }
0x6e: {  	v3 =	vmul.f32 v3, v5;
	_ =	sdelay $0x1  }
0x6f: {  	[tilespmem:v4+s28+$0x0] =	vst.idx.msk $0xffff, v3  }
0x70: {  	v3 =	vld.idx.msk [tilespmem:v6+s28+$0x0], $0xffff;
	_ =	sdelay $0x2  }
0x71: {  	v4 =	vor.u32 $0x5, v2;
	_ =	sdelay $0x1  }
0x72: {  	v3 =	vmul.f32 v3, v5;
	_ =	sdelay $0x1  }
0x73: {  	[tilespmem:v6+s28+$0x0] =	vst.idx.msk $0xffff, v3  }
0x74: {  	v3 =	vld.idx.msk [tilespmem:v4+s28+$0x0], $0xffff;
	_ =	sdelay $0x2  }
0x75: {  	v6 =	vor.u32 $0x6, v2;
	_ =	sdelay $0x1  }
0x76: {  	v3 =	vmul.f32 v3, v5;
	_ =	sdelay $0x1  }
0x77: {  	[tilespmem:v4+s28+$0x0] =	vst.idx.msk $0xffff, v3  }
0x78: {  	v3 =	vld.idx.msk [tilespmem:v6+s28+$0x0], $0xffff;
	_ =	sdelay $0x2  }
0x79: {  	v4 =	vor.u32 $0x7, v2;
	_ =	sdelay $0x1  }
0x7a: {  	v3 =	vmul.f32 v3, v5;
	_ =	sdelay $0x1  }
0x7b: {  	[tilespmem:v6+s28+$0x0] =	vst.idx.msk $0xffff, v3  }
0x7c: {  	v3 =	vld.idx.msk [tilespmem:v4+s28+$0x0], $0xffff;
	_ =	sdelay $0x2  }
0x7d: {  	v6 =	vor.u32 $0x8, v2;
	_ =	sdelay $0x1  }
0x7e: {  	v3 =	vmul.f32 v3, v5;
	_ =	sdelay $0x1  }
0x7f: {  	[tilespmem:v4+s28+$0x0] =	vst.idx.msk $0xffff, v3  }
0x80: {  	v3 =	vld.idx.msk [tilespmem:v6+s28+$0x0], $0xffff;
	_ =	sdelay $0x2  }
0x81: {  	v4 =	vor.u32 $0x9, v2;
	_ =	sdelay $0x1  }
0x82: {  	v3 =	vmul.f32 v3, v5;
	_ =	sdelay $0x1  }
0x83: {  	[tilespmem:v6+s28+$0x0] =	vst.idx.msk $0xffff, v3  }
0x84: {  	v3 =	vld.idx.msk [tilespmem:v4+s28+$0x0], $0xffff;
	_ =	sdelay $0x2  }
0x85: {  	v6 =	vor.u32 $0xA, v2;
	_ =	sdelay $0x1  }
0x86: {  	v3 =	vmul.f32 v3, v5;
	_ =	sdelay $0x1  }
0x87: {  	[tilespmem:v4+s28+$0x0] =	vst.idx.msk $0xffff, v3  }
0x88: {  	v3 =	vld.idx.msk [tilespmem:v6+s28+$0x0], $0xffff;
	_ =	sdelay $0x2  }
0x89: {  	v4 =	vor.u32 $0xB, v2;
	_ =	sdelay $0x1  }
0x8a: {  	v3 =	vmul.f32 v3, v5;
	_ =	sdelay $0x1  }
0x8b: {  	[tilespmem:v6+s28+$0x0] =	vst.idx.msk $0xffff, v3  }
0x8c: {  	v3 =	vld.idx.msk [tilespmem:v4+s28+$0x0], $0xffff;
	_ =	sdelay $0x2  }
0x8d: {  	v6 =	vor.u32 $0xC, v2;
	_ =	sdelay $0x1  }
0x8e: {  	v3 =	vmul.f32 v3, v5;
	_ =	sdelay $0x1  }
0x8f: {  	[tilespmem:v4+s28+$0x0] =	vst.idx.msk $0xffff, v3  }
0x90: {  	v3 =	vld.idx.msk [tilespmem:v6+s28+$0x0], $0xffff;
	_ =	sdelay $0x2  }
0x91: {  	v4 =	vor.u32 $0xD, v2;
	_ =	sdelay $0x1  }
0x92: {  	v3 =	vmul.f32 v3, v5;
	_ =	sdelay $0x1  }
0x93: {  	[tilespmem:v6+s28+$0x0] =	vst.idx.msk $0xffff, v3  }
0x94: {  	v3 =	vld.idx.msk [tilespmem:v4+s28+$0x0], $0xffff;
	_ =	sdelay $0x2  }
0x95: {  	v6 =	vor.u32 $0xE, v2;
	_ =	sdelay $0x1  }
0x96: {  	v3 =	vmul.f32 v3, v5;
	_ =	sdelay $0x1  }
0x97: {  	[tilespmem:v4+s28+$0x0] =	vst.idx.msk $0xffff, v3  }
0x98: {  	v3 =	vld.idx.msk [tilespmem:v6+s28+$0x0], $0xffff;
	_ =	sdelay $0x2  }
0x99: {  	v4 =	vor.u32 $0xF, v2;
	_ =	sdelay $0x1  }
0x9a: {  	v2 =	vmul.f32 v3, v5;
	_ =	sdelay $0x1  }
0x9b: {  	[tilespmem:v6+s28+$0x0] =	vst.idx.msk $0xffff, v2  }
0x9c: {  	s14 =	simm.s32 $0x10;
	v3 =	vld.idx.msk [tilespmem:v4+s28+$0x0], $0xffff  }
0x9d: {  	v2 =	vmov s14  }
0x9e: {  	v2 =	vshll.u32 v2, $0x4  }
0x9f: {  	v2 =	vor.u32 v1, v2;
	_ =	sdelay $0x1  }
0xa0: {  	s14 =	simm.s32 $0x20;
	v3 =	vmul.f32 v3, v5  }
.LBB2_5:
0xa1: {  	p1 =	sne.s32 s14, $0x1F0  }
0xa2: {  	s22 =	sadd.s32 $0x10, s22;
	s15 =	smov.u32 s14;
	s14 =	sadd.s32 $0x10, s14;
	[tilespmem:v4+s28+$0x0] =	vst.idx.msk $0xffff, v3  }
0xa3: {  	v4 =	vld.idx.msk [tilespmem:v2+s28+$0x0], $0xffff  }
0xa4: {  	v3 =	vld [tilespmem:s22+$0x0];
	_ =	sdelay $0x2  }
0xa5: {  	v5 =	vor.u32 $0x1, v2;
	_ =	sdelay $0x1  }
0xa6: {  	v4 =	vmul.f32 v4, v3;
	_ =	sdelay $0x1  }
0xa7: {  	[tilespmem:v2+s28+$0x0] =	vst.idx.msk $0xffff, v4  }
0xa8: {  	v4 =	vld.idx.msk [tilespmem:v5+s28+$0x0], $0xffff;
	_ =	sdelay $0x3  }
0xa9: {  	v6 =	vor.u32 $0x2, v2;
	_ =	sdelay $0x1  }
0xaa: {  	v4 =	vmul.f32 v4, v3;
	_ =	sdelay $0x1  }
0xab: {  	[tilespmem:v5+s28+$0x0] =	vst.idx.msk $0xffff, v4  }
0xac: {  	v4 =	vld.idx.msk [tilespmem:v6+s28+$0x0], $0xffff;
	_ =	sdelay $0x3  }
0xad: {  	v5 =	vor.u32 $0x3, v2;
	_ =	sdelay $0x1  }
0xae: {  	v4 =	vmul.f32 v4, v3;
	_ =	sdelay $0x1  }
0xaf: {  	[tilespmem:v6+s28+$0x0] =	vst.idx.msk $0xffff, v4  }
0xb0: {  	v4 =	vld.idx.msk [tilespmem:v5+s28+$0x0], $0xffff;
	_ =	sdelay $0x3  }
0xb1: {  	v6 =	vor.u32 $0x4, v2;
	_ =	sdelay $0x1  }
0xb2: {  	v4 =	vmul.f32 v4, v3;
	_ =	sdelay $0x1  }
0xb3: {  	[tilespmem:v5+s28+$0x0] =	vst.idx.msk $0xffff, v4  }
0xb4: {  	v4 =	vld.idx.msk [tilespmem:v6+s28+$0x0], $0xffff;
	_ =	sdelay $0x3  }
0xb5: {  	v5 =	vor.u32 $0x5, v2;
	_ =	sdelay $0x1  }
0xb6: {  	v4 =	vmul.f32 v4, v3;
	_ =	sdelay $0x1  }
0xb7: {  	[tilespmem:v6+s28+$0x0] =	vst.idx.msk $0xffff, v4  }
0xb8: {  	v4 =	vld.idx.msk [tilespmem:v5+s28+$0x0], $0xffff;
	_ =	sdelay $0x3  }
0xb9: {  	v6 =	vor.u32 $0x6, v2;
	_ =	sdelay $0x1  }
0xba: {  	v4 =	vmul.f32 v4, v3;
	_ =	sdelay $0x1  }
0xbb: {  	[tilespmem:v5+s28+$0x0] =	vst.idx.msk $0xffff, v4  }
0xbc: {  	v4 =	vld.idx.msk [tilespmem:v6+s28+$0x0], $0xffff;
	_ =	sdelay $0x3  }
0xbd: {  	v5 =	vor.u32 $0x7, v2;
	_ =	sdelay $0x1  }
0xbe: {  	v4 =	vmul.f32 v4, v3;
	_ =	sdelay $0x1  }
0xbf: {  	[tilespmem:v6+s28+$0x0] =	vst.idx.msk $0xffff, v4  }
0xc0: {  	v4 =	vld.idx.msk [tilespmem:v5+s28+$0x0], $0xffff;
	_ =	sdelay $0x3  }
0xc1: {  	v6 =	vor.u32 $0x8, v2;
	_ =	sdelay $0x1  }
0xc2: {  	v4 =	vmul.f32 v4, v3;
	_ =	sdelay $0x1  }
0xc3: {  	[tilespmem:v5+s28+$0x0] =	vst.idx.msk $0xffff, v4  }
0xc4: {  	v4 =	vld.idx.msk [tilespmem:v6+s28+$0x0], $0xffff;
	_ =	sdelay $0x3  }
0xc5: {  	v5 =	vor.u32 $0x9, v2;
	_ =	sdelay $0x1  }
0xc6: {  	v4 =	vmul.f32 v4, v3;
	_ =	sdelay $0x1  }
0xc7: {  	[tilespmem:v6+s28+$0x0] =	vst.idx.msk $0xffff, v4  }
0xc8: {  	v4 =	vld.idx.msk [tilespmem:v5+s28+$0x0], $0xffff;
	_ =	sdelay $0x3  }
0xc9: {  	v6 =	vor.u32 $0xA, v2;
	_ =	sdelay $0x1  }
0xca: {  	v4 =	vmul.f32 v4, v3;
	_ =	sdelay $0x1  }
0xcb: {  	[tilespmem:v5+s28+$0x0] =	vst.idx.msk $0xffff, v4  }
0xcc: {  	v4 =	vld.idx.msk [tilespmem:v6+s28+$0x0], $0xffff;
	_ =	sdelay $0x3  }
0xcd: {  	v5 =	vor.u32 $0xB, v2;
	_ =	sdelay $0x1  }
0xce: {  	v4 =	vmul.f32 v4, v3;
	_ =	sdelay $0x1  }
0xcf: {  	[tilespmem:v6+s28+$0x0] =	vst.idx.msk $0xffff, v4  }
0xd0: {  	v4 =	vld.idx.msk [tilespmem:v5+s28+$0x0], $0xffff;
	_ =	sdelay $0x3  }
0xd1: {  	v6 =	vor.u32 $0xC, v2;
	_ =	sdelay $0x1  }
0xd2: {  	v4 =	vmul.f32 v4, v3;
	_ =	sdelay $0x1  }
0xd3: {  	[tilespmem:v5+s28+$0x0] =	vst.idx.msk $0xffff, v4  }
0xd4: {  	v4 =	vld.idx.msk [tilespmem:v6+s28+$0x0], $0xffff;
	_ =	sdelay $0x3  }
0xd5: {  	v5 =	vor.u32 $0xD, v2;
	_ =	sdelay $0x1  }
0xd6: {  	v4 =	vmul.f32 v4, v3;
	_ =	sdelay $0x1  }
0xd7: {  	[tilespmem:v6+s28+$0x0] =	vst.idx.msk $0xffff, v4  }
0xd8: {  	v4 =	vld.idx.msk [tilespmem:v5+s28+$0x0], $0xffff;
	_ =	sdelay $0x3  }
0xd9: {  	v6 =	vor.u32 $0xE, v2;
	_ =	sdelay $0x1  }
0xda: {  	v4 =	vmul.f32 v4, v3;
	_ =	sdelay $0x1  }
0xdb: {  	[tilespmem:v5+s28+$0x0] =	vst.idx.msk $0xffff, v4  }
0xdc: {  	v5 =	vld.idx.msk [tilespmem:v6+s28+$0x0], $0xffff;
	_ =	sdelay $0x3  }
0xdd: {  	v4 =	vor.u32 $0xF, v2;
	_ =	sdelay $0x1  }
0xde: {  	v2 =	vmul.f32 v5, v3;
	_ =	sdelay $0x1  }
0xdf: {  	[tilespmem:v6+s28+$0x0] =	vst.idx.msk $0xffff, v2  }
0xe0: {  	v5 =	vld.idx.msk [tilespmem:v4+s28+$0x0], $0xffff;
	_ =	sdelay $0x1  }
.Ltmp3:
0xe1: {  	v2 =	vmov s15;
	(pc) =	sbr.rel @p1 .LBB2_5-.Ltmp3, $3  }
0xe2: {  	v2 =	vshll.u32 v2, $0x4  }
0xe3: {  	v2 =	vor.u32 v1, v2;
	_ =	sdelay $0x1  }
0xe4: {  	v3 =	vmul.f32 v5, v3  }
0xe5: {  	_ =	sdelay $0x3  }
0xe6: {  	[tilespmem:v4+s28+$0x0] =	vst.idx.msk $0xffff, v3  }
0xe7: {  	s14 =	sadd.s32 $0x10, s22;
	v3 =	vld.idx.msk [tilespmem:v2+s28+$0x0], $0xffff  }
0xe8: {  	v4 =	vld [tilespmem:s14+$0x0];
	_ =	sdelay $0x2  }
0xe9: {  	v5 =	vor.u32 $0x1, v2;
	_ =	sdelay $0x1  }
0xea: {  	v3 =	vmul.f32 v3, v4;
	_ =	sdelay $0x1  }
0xeb: {  	[tilespmem:v2+s28+$0x0] =	vst.idx.msk $0xffff, v3  }
0xec: {  	v3 =	vld.idx.msk [tilespmem:v5+s28+$0x0], $0xffff;
	_ =	sdelay $0x2  }
0xed: {  	v6 =	vor.u32 $0x2, v2;
	_ =	sdelay $0x1  }
0xee: {  	v3 =	vmul.f32 v3, v4;
	_ =	sdelay $0x1  }
0xef: {  	[tilespmem:v5+s28+$0x0] =	vst.idx.msk $0xffff, v3  }
0xf0: {  	v3 =	vld.idx.msk [tilespmem:v6+s28+$0x0], $0xffff;
	_ =	sdelay $0x2  }
0xf1: {  	v5 =	vor.u32 $0x3, v2;
	_ =	sdelay $0x1  }
0xf2: {  	v3 =	vmul.f32 v3, v4;
	_ =	sdelay $0x1  }
0xf3: {  	[tilespmem:v6+s28+$0x0] =	vst.idx.msk $0xffff, v3  }
0xf4: {  	v3 =	vld.idx.msk [tilespmem:v5+s28+$0x0], $0xffff;
	_ =	sdelay $0x2  }
0xf5: {  	v6 =	vor.u32 $0x4, v2;
	_ =	sdelay $0x1  }
0xf6: {  	v3 =	vmul.f32 v3, v4;
	_ =	sdelay $0x1  }
0xf7: {  	[tilespmem:v5+s28+$0x0] =	vst.idx.msk $0xffff, v3  }
0xf8: {  	v3 =	vld.idx.msk [tilespmem:v6+s28+$0x0], $0xffff;
	_ =	sdelay $0x2  }
0xf9: {  	v5 =	vor.u32 $0x5, v2;
	_ =	sdelay $0x1  }
0xfa: {  	v3 =	vmul.f32 v3, v4;
	_ =	sdelay $0x1  }
0xfb: {  	[tilespmem:v6+s28+$0x0] =	vst.idx.msk $0xffff, v3  }
0xfc: {  	v3 =	vld.idx.msk [tilespmem:v5+s28+$0x0], $0xffff;
	_ =	sdelay $0x2  }
0xfd: {  	v6 =	vor.u32 $0x6, v2;
	_ =	sdelay $0x1  }
0xfe: {  	v3 =	vmul.f32 v3, v4;
	_ =	sdelay $0x1  }
0xff: {  	[tilespmem:v5+s28+$0x0] =	vst.idx.msk $0xffff, v3  }
0x100: {  	v3 =	vld.idx.msk [tilespmem:v6+s28+$0x0], $0xffff;
	_ =	sdelay $0x2  }
0x101: {  	v5 =	vor.u32 $0x7, v2;
	_ =	sdelay $0x1  }
0x102: {  	v3 =	vmul.f32 v3, v4;
	_ =	sdelay $0x1  }
0x103: {  	[tilespmem:v6+s28+$0x0] =	vst.idx.msk $0xffff, v3  }
0x104: {  	v3 =	vld.idx.msk [tilespmem:v5+s28+$0x0], $0xffff;
	_ =	sdelay $0x2  }
0x105: {  	v6 =	vor.u32 $0x8, v2;
	_ =	sdelay $0x1  }
0x106: {  	v3 =	vmul.f32 v3, v4;
	_ =	sdelay $0x1  }
0x107: {  	[tilespmem:v5+s28+$0x0] =	vst.idx.msk $0xffff, v3  }
0x108: {  	v3 =	vld.idx.msk [tilespmem:v6+s28+$0x0], $0xffff;
	_ =	sdelay $0x2  }
0x109: {  	v5 =	vor.u32 $0x9, v2;
	_ =	sdelay $0x1  }
0x10a: {  	v3 =	vmul.f32 v3, v4;
	_ =	sdelay $0x1  }
0x10b: {  	[tilespmem:v6+s28+$0x0] =	vst.idx.msk $0xffff, v3  }
0x10c: {  	v3 =	vld.idx.msk [tilespmem:v5+s28+$0x0], $0xffff;
	_ =	sdelay $0x2  }
0x10d: {  	v6 =	vor.u32 $0xA, v2;
	_ =	sdelay $0x1  }
0x10e: {  	v3 =	vmul.f32 v3, v4;
	_ =	sdelay $0x1  }
0x10f: {  	[tilespmem:v5+s28+$0x0] =	vst.idx.msk $0xffff, v3  }
0x110: {  	v3 =	vld.idx.msk [tilespmem:v6+s28+$0x0], $0xffff;
	_ =	sdelay $0x2  }
0x111: {  	v5 =	vor.u32 $0xB, v2;
	_ =	sdelay $0x1  }
0x112: {  	v3 =	vmul.f32 v3, v4;
	_ =	sdelay $0x1  }
0x113: {  	[tilespmem:v6+s28+$0x0] =	vst.idx.msk $0xffff, v3  }
0x114: {  	v3 =	vld.idx.msk [tilespmem:v5+s28+$0x0], $0xffff;
	_ =	sdelay $0x2  }
0x115: {  	v6 =	vor.u32 $0xC, v2;
	_ =	sdelay $0x1  }
0x116: {  	v3 =	vmul.f32 v3, v4;
	_ =	sdelay $0x1  }
0x117: {  	[tilespmem:v5+s28+$0x0] =	vst.idx.msk $0xffff, v3  }
0x118: {  	v3 =	vld.idx.msk [tilespmem:v6+s28+$0x0], $0xffff;
	_ =	sdelay $0x2  }
0x119: {  	v5 =	vor.u32 $0xD, v2;
	_ =	sdelay $0x1  }
0x11a: {  	v3 =	vmul.f32 v3, v4;
	_ =	sdelay $0x1  }
0x11b: {  	[tilespmem:v6+s28+$0x0] =	vst.idx.msk $0xffff, v3  }
0x11c: {  	v3 =	vld.idx.msk [tilespmem:v5+s28+$0x0], $0xffff;
	_ =	sdelay $0x2  }
0x11d: {  	v6 =	vor.u32 $0xE, v2;
	_ =	sdelay $0x1  }
0x11e: {  	v3 =	vmul.f32 v3, v4;
	_ =	sdelay $0x1  }
0x11f: {  	[tilespmem:v5+s28+$0x0] =	vst.idx.msk $0xffff, v3  }
0x120: {  	v3 =	vld.idx.msk [tilespmem:v6+s28+$0x0], $0xffff;
	_ =	sdelay $0x2  }
0x121: {  	v2 =	vor.u32 $0xF, v2;
	_ =	sdelay $0x1  }
0x122: {  	v3 =	vmul.f32 v3, v4;
	_ =	sdelay $0x1  }
0x123: {  	[tilespmem:v6+s28+$0x0] =	vst.idx.msk $0xffff, v3  }
0x124: {  	v3 =	vld.idx.msk [tilespmem:v2+s28+$0x0], $0xffff;
	_ =	sdelay $0x4  }
0x125: {  	v3 =	vmul.f32 v3, v4;
	_ =	sdelay $0x1  }
0x126: {  	s22 =	sshll.u32 s13, $0xA;
	p1 =	seq.s32 s13, $0x9;
	[tilespmem:v2+s28+$0x0] =	vst.idx.msk $0xffff, v3  }
0x127: {  	[spmem:s1] =	stream.indirect.scatter.add.f32 [tilespmem:s28], [sflag:$0x5], $0x10, s23, s26, $0xb8;
	[tilespmem:$0x9B10] =	vst v63  }
0x128: {  	s14 =	sadd.s32 @!p1 s22, s16;
	_ =	swait.ge [sflag:s8], $0x2000  }
0x129: {  	s18 =	simm.s32 @!p1 $0x0;
	s14 =	sshrl.u32 @!p1 s14, $0x3;
	[sflag:s8] =	ssyncset.done $0x0  }
0x12a: {  	s19 =	simm.s32 @!p1 $0x2710;
	s15 =	sadd.s32 @!p1 s4, s14;
	[sflag:s8] =	ssyncadd.s32 $0xFFFFE000  }
0x12b: {  	[tilespmem:s19], [sflag:$0x1] =	stream.linear.gather @!p1 [hbm4b:s15+s18], $0x200, $0x38;
	[tilespmem:$0x9B10] =	vst v63  }
0x12c: {  	s20 =	simm.s32 @!p1 $0x2910;
	s15 =	sadd.s32 @!p1 s5, s14  }
0x12d: {  	[tilespmem:s20], [sflag:$0x1] =	stream.linear.gather @!p1 [hbm4b:s15+s18], $0x200, $0x38;
	[tilespmem:$0x9B10] =	vst v63  }
0x12e: {  	s14 =	sadd.s32 @!p1 s6, s14;
	s15 =	simm.s32 @!p1 $0x2B10  }
0x12f: {  	[tilespmem:s15], [sflag:$0x1] =	stream.linear.gather @!p1 [hbm4b:s14+s18], $0x200, $0x38;
	[tilespmem:$0x9B10] =	vst v63  }
0x130: {  	s14 =	simm.s32 @!p1 $0x1  }
0x131: {  	_ =	swait.ge @!p1 [sflag:s14], $0x200  }
0x132: {  	[sflag:s14] =	ssyncset.done @!p1 $0x0  }
0x133: {  	[sflag:s14] =	ssyncadd.s32 @!p1 $0xFFFFFE00  }
0x134: {  	_ =	swait.ge @!p1 [sflag:s14], $0x200  }
0x135: {  	[sflag:s14] =	ssyncset.done @!p1 $0x0  }
0x136: {  	s18 =	simm.s32 $0x0;
	[sflag:s14] =	ssyncadd.s32 @!p1 $0xFFFFFE00  }
0x137: {  	v2 =	vmov s18;
	_ =	swait.ge @!p1 [sflag:s14], $0x200  }
0x138: {  	v2 =	vshll.u32 v2, $0x4;
	[sflag:s14] =	ssyncset.done @!p1 $0x0  }
0x139: {  	s15 =	simm.s32 @!p1 $0x3310;
	v2 =	vor.u32 v1, v2;
	[sflag:s14] =	ssyncadd.s32 @!p1 $0xFFFFFE00;
	s14 =	simm.s32 @!p1 $0x200  }
0x13a: {  	[tilespmem:s15], [sflag:$0x3] =	stream.indirect.gather @!p1 [hbm4b:s7+s14], $0x10, s19, s14, $0xb8;
	[tilespmem:$0x9B10] =	vst v63  }
0x13b: {  	_ =	swait.ge [sflag:s10], $0x2000  }
0x13c: {  	[sflag:s10] =	ssyncset.done $0x0  }
0x13d: {  	[sflag:s10] =	ssyncadd.s32 $0xFFFFE000  }
0x13e: {  	s14 =	simm.s32 $0x3110;
	v3 =	vld.idx.msk [tilespmem:v2+s3+$0x0], $0xffff  }
0x13f: {  	v5 =	vld [tilespmem:s14+$0x0];
	_ =	sdelay $0x2  }
0x140: {  	v4 =	vor.u32 $0x1, v2;
	_ =	sdelay $0x1  }
0x141: {  	v3 =	vmul.f32 v3, v5;
	_ =	sdelay $0x1  }
0x142: {  	[tilespmem:v2+s3+$0x0] =	vst.idx.msk $0xffff, v3  }
0x143: {  	v3 =	vld.idx.msk [tilespmem:v4+s3+$0x0], $0xffff;
	_ =	sdelay $0x2  }
0x144: {  	v6 =	vor.u32 $0x2, v2;
	_ =	sdelay $0x1  }
0x145: {  	v3 =	vmul.f32 v3, v5;
	_ =	sdelay $0x1  }
0x146: {  	[tilespmem:v4+s3+$0x0] =	vst.idx.msk $0xffff, v3  }
0x147: {  	v3 =	vld.idx.msk [tilespmem:v6+s3+$0x0], $0xffff;
	_ =	sdelay $0x2  }
0x148: {  	v4 =	vor.u32 $0x3, v2;
	_ =	sdelay $0x1  }
0x149: {  	v3 =	vmul.f32 v3, v5;
	_ =	sdelay $0x1  }
0x14a: {  	[tilespmem:v6+s3+$0x0] =	vst.idx.msk $0xffff, v3  }
0x14b: {  	v3 =	vld.idx.msk [tilespmem:v4+s3+$0x0], $0xffff;
	_ =	sdelay $0x2  }
0x14c: {  	v6 =	vor.u32 $0x4, v2;
	_ =	sdelay $0x1  }
0x14d: {  	v3 =	vmul.f32 v3, v5;
	_ =	sdelay $0x1  }
0x14e: {  	[tilespmem:v4+s3+$0x0] =	vst.idx.msk $0xffff, v3  }
0x14f: {  	v3 =	vld.idx.msk [tilespmem:v6+s3+$0x0], $0xffff;
	_ =	sdelay $0x2  }
0x150: {  	v4 =	vor.u32 $0x5, v2;
	_ =	sdelay $0x1  }
0x151: {  	v3 =	vmul.f32 v3, v5;
	_ =	sdelay $0x1  }
0x152: {  	[tilespmem:v6+s3+$0x0] =	vst.idx.msk $0xffff, v3  }
0x153: {  	v3 =	vld.idx.msk [tilespmem:v4+s3+$0x0], $0xffff;
	_ =	sdelay $0x2  }
0x154: {  	v6 =	vor.u32 $0x6, v2;
	_ =	sdelay $0x1  }
0x155: {  	v3 =	vmul.f32 v3, v5;
	_ =	sdelay $0x1  }
0x156: {  	[tilespmem:v4+s3+$0x0] =	vst.idx.msk $0xffff, v3  }
0x157: {  	v3 =	vld.idx.msk [tilespmem:v6+s3+$0x0], $0xffff;
	_ =	sdelay $0x2  }
0x158: {  	v4 =	vor.u32 $0x7, v2;
	_ =	sdelay $0x1  }
0x159: {  	v3 =	vmul.f32 v3, v5;
	_ =	sdelay $0x1  }
0x15a: {  	[tilespmem:v6+s3+$0x0] =	vst.idx.msk $0xffff, v3  }
0x15b: {  	v3 =	vld.idx.msk [tilespmem:v4+s3+$0x0], $0xffff;
	_ =	sdelay $0x2  }
0x15c: {  	v6 =	vor.u32 $0x8, v2;
	_ =	sdelay $0x1  }
0x15d: {  	v3 =	vmul.f32 v3, v5;
	_ =	sdelay $0x1  }
0x15e: {  	[tilespmem:v4+s3+$0x0] =	vst.idx.msk $0xffff, v3  }
0x15f: {  	v3 =	vld.idx.msk [tilespmem:v6+s3+$0x0], $0xffff;
	_ =	sdelay $0x2  }
0x160: {  	v4 =	vor.u32 $0x9, v2;
	_ =	sdelay $0x1  }
0x161: {  	v3 =	vmul.f32 v3, v5;
	_ =	sdelay $0x1  }
0x162: {  	[tilespmem:v6+s3+$0x0] =	vst.idx.msk $0xffff, v3  }
0x163: {  	v3 =	vld.idx.msk [tilespmem:v4+s3+$0x0], $0xffff;
	_ =	sdelay $0x2  }
0x164: {  	v6 =	vor.u32 $0xA, v2;
	_ =	sdelay $0x1  }
0x165: {  	v3 =	vmul.f32 v3, v5;
	_ =	sdelay $0x1  }
0x166: {  	[tilespmem:v4+s3+$0x0] =	vst.idx.msk $0xffff, v3  }
0x167: {  	v3 =	vld.idx.msk [tilespmem:v6+s3+$0x0], $0xffff;
	_ =	sdelay $0x2  }
0x168: {  	v4 =	vor.u32 $0xB, v2;
	_ =	sdelay $0x1  }
0x169: {  	v3 =	vmul.f32 v3, v5;
	_ =	sdelay $0x1  }
0x16a: {  	[tilespmem:v6+s3+$0x0] =	vst.idx.msk $0xffff, v3  }
0x16b: {  	v3 =	vld.idx.msk [tilespmem:v4+s3+$0x0], $0xffff;
	_ =	sdelay $0x2  }
0x16c: {  	v6 =	vor.u32 $0xC, v2;
	_ =	sdelay $0x1  }
0x16d: {  	v3 =	vmul.f32 v3, v5;
	_ =	sdelay $0x1  }
0x16e: {  	[tilespmem:v4+s3+$0x0] =	vst.idx.msk $0xffff, v3  }
0x16f: {  	v3 =	vld.idx.msk [tilespmem:v6+s3+$0x0], $0xffff;
	_ =	sdelay $0x2  }
0x170: {  	v4 =	vor.u32 $0xD, v2;
	_ =	sdelay $0x1  }
0x171: {  	v3 =	vmul.f32 v3, v5;
	_ =	sdelay $0x1  }
0x172: {  	[tilespmem:v6+s3+$0x0] =	vst.idx.msk $0xffff, v3  }
0x173: {  	v3 =	vld.idx.msk [tilespmem:v4+s3+$0x0], $0xffff;
	_ =	sdelay $0x2  }
0x174: {  	v6 =	vor.u32 $0xE, v2;
	_ =	sdelay $0x1  }
0x175: {  	v3 =	vmul.f32 v3, v5;
	_ =	sdelay $0x1  }
0x176: {  	[tilespmem:v4+s3+$0x0] =	vst.idx.msk $0xffff, v3  }
0x177: {  	v3 =	vld.idx.msk [tilespmem:v6+s3+$0x0], $0xffff;
	_ =	sdelay $0x2  }
0x178: {  	v4 =	vor.u32 $0xF, v2;
	_ =	sdelay $0x1  }
0x179: {  	v2 =	vmul.f32 v3, v5;
	_ =	sdelay $0x1  }
0x17a: {  	[tilespmem:v6+s3+$0x0] =	vst.idx.msk $0xffff, v2  }
0x17b: {  	s20 =	simm.s32 $0x10;
	v3 =	vld.idx.msk [tilespmem:v4+s3+$0x0], $0xffff  }
0x17c: {  	v2 =	vmov s20  }
0x17d: {  	v2 =	vshll.u32 v2, $0x4  }
0x17e: {  	v2 =	vor.u32 v1, v2;
	_ =	sdelay $0x1  }
0x17f: {  	s15 =	simm.s32 $0x20;
	v3 =	vmul.f32 v3, v5  }
.LBB2_7:
0x180: {  	p2 =	sne.s32 s15, $0x1F0  }
0x181: {  	s14 =	sadd.s32 $0x10, s14;
	s18 =	smov.u32 s15;
	s15 =	sadd.s32 $0x10, s15;
	[tilespmem:v4+s3+$0x0] =	vst.idx.msk $0xffff, v3  }
0x182: {  	v4 =	vld.idx.msk [tilespmem:v2+s3+$0x0], $0xffff  }
0x183: {  	v3 =	vld [tilespmem:s14+$0x0];
	_ =	sdelay $0x2  }
0x184: {  	v5 =	vor.u32 $0x1, v2;
	_ =	sdelay $0x1  }
0x185: {  	v4 =	vmul.f32 v4, v3;
	_ =	sdelay $0x1  }
0x186: {  	[tilespmem:v2+s3+$0x0] =	vst.idx.msk $0xffff, v4  }
0x187: {  	v4 =	vld.idx.msk [tilespmem:v5+s3+$0x0], $0xffff;
	_ =	sdelay $0x3  }
0x188: {  	v6 =	vor.u32 $0x2, v2;
	_ =	sdelay $0x1  }
0x189: {  	v4 =	vmul.f32 v4, v3;
	_ =	sdelay $0x1  }
0x18a: {  	[tilespmem:v5+s3+$0x0] =	vst.idx.msk $0xffff, v4  }
0x18b: {  	v4 =	vld.idx.msk [tilespmem:v6+s3+$0x0], $0xffff;
	_ =	sdelay $0x3  }
0x18c: {  	v5 =	vor.u32 $0x3, v2;
	_ =	sdelay $0x1  }
0x18d: {  	v4 =	vmul.f32 v4, v3;
	_ =	sdelay $0x1  }
0x18e: {  	[tilespmem:v6+s3+$0x0] =	vst.idx.msk $0xffff, v4  }
0x18f: {  	v4 =	vld.idx.msk [tilespmem:v5+s3+$0x0], $0xffff;
	_ =	sdelay $0x3  }
0x190: {  	v6 =	vor.u32 $0x4, v2;
	_ =	sdelay $0x1  }
0x191: {  	v4 =	vmul.f32 v4, v3;
	_ =	sdelay $0x1  }
0x192: {  	[tilespmem:v5+s3+$0x0] =	vst.idx.msk $0xffff, v4  }
0x193: {  	v4 =	vld.idx.msk [tilespmem:v6+s3+$0x0], $0xffff;
	_ =	sdelay $0x3  }
0x194: {  	v5 =	vor.u32 $0x5, v2;
	_ =	sdelay $0x1  }
0x195: {  	v4 =	vmul.f32 v4, v3;
	_ =	sdelay $0x1  }
0x196: {  	[tilespmem:v6+s3+$0x0] =	vst.idx.msk $0xffff, v4  }
0x197: {  	v4 =	vld.idx.msk [tilespmem:v5+s3+$0x0], $0xffff;
	_ =	sdelay $0x3  }
0x198: {  	v6 =	vor.u32 $0x6, v2;
	_ =	sdelay $0x1  }
0x199: {  	v4 =	vmul.f32 v4, v3;
	_ =	sdelay $0x1  }
0x19a: {  	[tilespmem:v5+s3+$0x0] =	vst.idx.msk $0xffff, v4  }
0x19b: {  	v4 =	vld.idx.msk [tilespmem:v6+s3+$0x0], $0xffff;
	_ =	sdelay $0x3  }
0x19c: {  	v5 =	vor.u32 $0x7, v2;
	_ =	sdelay $0x1  }
0x19d: {  	v4 =	vmul.f32 v4, v3;
	_ =	sdelay $0x1  }
0x19e: {  	[tilespmem:v6+s3+$0x0] =	vst.idx.msk $0xffff, v4  }
0x19f: {  	v4 =	vld.idx.msk [tilespmem:v5+s3+$0x0], $0xffff;
	_ =	sdelay $0x3  }
0x1a0: {  	v6 =	vor.u32 $0x8, v2;
	_ =	sdelay $0x1  }
0x1a1: {  	v4 =	vmul.f32 v4, v3;
	_ =	sdelay $0x1  }
0x1a2: {  	[tilespmem:v5+s3+$0x0] =	vst.idx.msk $0xffff, v4  }
0x1a3: {  	v4 =	vld.idx.msk [tilespmem:v6+s3+$0x0], $0xffff;
	_ =	sdelay $0x3  }
0x1a4: {  	v5 =	vor.u32 $0x9, v2;
	_ =	sdelay $0x1  }
0x1a5: {  	v4 =	vmul.f32 v4, v3;
	_ =	sdelay $0x1  }
0x1a6: {  	[tilespmem:v6+s3+$0x0] =	vst.idx.msk $0xffff, v4  }
0x1a7: {  	v4 =	vld.idx.msk [tilespmem:v5+s3+$0x0], $0xffff;
	_ =	sdelay $0x3  }
0x1a8: {  	v6 =	vor.u32 $0xA, v2;
	_ =	sdelay $0x1  }
0x1a9: {  	v4 =	vmul.f32 v4, v3;
	_ =	sdelay $0x1  }
0x1aa: {  	[tilespmem:v5+s3+$0x0] =	vst.idx.msk $0xffff, v4  }
0x1ab: {  	v4 =	vld.idx.msk [tilespmem:v6+s3+$0x0], $0xffff;
	_ =	sdelay $0x3  }
0x1ac: {  	v5 =	vor.u32 $0xB, v2;
	_ =	sdelay $0x1  }
0x1ad: {  	v4 =	vmul.f32 v4, v3;
	_ =	sdelay $0x1  }
0x1ae: {  	[tilespmem:v6+s3+$0x0] =	vst.idx.msk $0xffff, v4  }
0x1af: {  	v4 =	vld.idx.msk [tilespmem:v5+s3+$0x0], $0xffff;
	_ =	sdelay $0x3  }
0x1b0: {  	v6 =	vor.u32 $0xC, v2;
	_ =	sdelay $0x1  }
0x1b1: {  	v4 =	vmul.f32 v4, v3;
	_ =	sdelay $0x1  }
0x1b2: {  	[tilespmem:v5+s3+$0x0] =	vst.idx.msk $0xffff, v4  }
0x1b3: {  	v4 =	vld.idx.msk [tilespmem:v6+s3+$0x0], $0xffff;
	_ =	sdelay $0x3  }
0x1b4: {  	v5 =	vor.u32 $0xD, v2;
	_ =	sdelay $0x1  }
0x1b5: {  	v4 =	vmul.f32 v4, v3;
	_ =	sdelay $0x1  }
0x1b6: {  	[tilespmem:v6+s3+$0x0] =	vst.idx.msk $0xffff, v4  }
0x1b7: {  	v4 =	vld.idx.msk [tilespmem:v5+s3+$0x0], $0xffff;
	_ =	sdelay $0x3  }
0x1b8: {  	v6 =	vor.u32 $0xE, v2;
	_ =	sdelay $0x1  }
0x1b9: {  	v4 =	vmul.f32 v4, v3;
	_ =	sdelay $0x1  }
0x1ba: {  	[tilespmem:v5+s3+$0x0] =	vst.idx.msk $0xffff, v4  }
0x1bb: {  	v5 =	vld.idx.msk [tilespmem:v6+s3+$0x0], $0xffff;
	_ =	sdelay $0x3  }
0x1bc: {  	v4 =	vor.u32 $0xF, v2;
	_ =	sdelay $0x1  }
0x1bd: {  	v2 =	vmul.f32 v5, v3;
	_ =	sdelay $0x1  }
0x1be: {  	[tilespmem:v6+s3+$0x0] =	vst.idx.msk $0xffff, v2  }
0x1bf: {  	v5 =	vld.idx.msk [tilespmem:v4+s3+$0x0], $0xffff;
	_ =	sdelay $0x1  }
.Ltmp4:
0x1c0: {  	v2 =	vmov s18;
	(pc) =	sbr.rel @p2 .LBB2_7-.Ltmp4, $3  }
0x1c1: {  	v2 =	vshll.u32 v2, $0x4  }
0x1c2: {  	v2 =	vor.u32 v1, v2;
	_ =	sdelay $0x1  }
0x1c3: {  	v3 =	vmul.f32 v5, v3  }
0x1c4: {  	_ =	sdelay $0x3  }
0x1c5: {  	[tilespmem:v4+s3+$0x0] =	vst.idx.msk $0xffff, v3  }
0x1c6: {  	s14 =	sadd.s32 $0x10, s14;
	v3 =	vld.idx.msk [tilespmem:v2+s3+$0x0], $0xffff  }
0x1c7: {  	v4 =	vld [tilespmem:s14+$0x0];
	_ =	sdelay $0x2  }
0x1c8: {  	v5 =	vor.u32 $0x1, v2;
	_ =	sdelay $0x1  }
0x1c9: {  	v3 =	vmul.f32 v3, v4;
	_ =	sdelay $0x1  }
0x1ca: {  	[tilespmem:v2+s3+$0x0] =	vst.idx.msk $0xffff, v3  }
0x1cb: {  	v3 =	vld.idx.msk [tilespmem:v5+s3+$0x0], $0xffff;
	_ =	sdelay $0x2  }
0x1cc: {  	v6 =	vor.u32 $0x2, v2;
	_ =	sdelay $0x1  }
0x1cd: {  	v3 =	vmul.f32 v3, v4;
	_ =	sdelay $0x1  }
0x1ce: {  	[tilespmem:v5+s3+$0x0] =	vst.idx.msk $0xffff, v3  }
0x1cf: {  	v3 =	vld.idx.msk [tilespmem:v6+s3+$0x0], $0xffff;
	_ =	sdelay $0x2  }
0x1d0: {  	v52 =	vor.u32 $0x3, v2;
	_ =	sdelay $0x1  }
0x1d1: {  	v3 =	vmul.f32 v3, v4;
	_ =	sdelay $0x1  }
0x1d2: {  	[tilespmem:v6+s3+$0x0] =	vst.idx.msk $0xffff, v3  }
0x1d3: {  	v3 =	vld.idx.msk [tilespmem:v52+s3+$0x0], $0xffff;
	_ =	sdelay $0x2  }
0x1d4: {  	v53 =	vor.u32 $0x4, v2;
	_ =	sdelay $0x1  }
0x1d5: {  	v3 =	vmul.f32 v3, v4;
	_ =	sdelay $0x1  }
0x1d6: {  	[tilespmem:v52+s3+$0x0] =	vst.idx.msk $0xffff, v3  }
0x1d7: {  	v3 =	vld.idx.msk [tilespmem:v53+s3+$0x0], $0xffff;
	_ =	sdelay $0x2  }
0x1d8: {  	v54 =	vor.u32 $0x5, v2;
	_ =	sdelay $0x1  }
0x1d9: {  	v3 =	vmul.f32 v3, v4;
	_ =	sdelay $0x1  }
0x1da: {  	[tilespmem:v53+s3+$0x0] =	vst.idx.msk $0xffff, v3  }
0x1db: {  	v3 =	vld.idx.msk [tilespmem:v54+s3+$0x0], $0xffff;
	_ =	sdelay $0x2  }
0x1dc: {  	v55 =	vor.u32 $0x6, v2;
	_ =	sdelay $0x1  }
0x1dd: {  	v3 =	vmul.f32 v3, v4;
	_ =	sdelay $0x1  }
0x1de: {  	[tilespmem:v54+s3+$0x0] =	vst.idx.msk $0xffff, v3  }
0x1df: {  	v3 =	vld.idx.msk [tilespmem:v55+s3+$0x0], $0xffff;
	_ =	sdelay $0x2  }
0x1e0: {  	v56 =	vor.u32 $0x7, v2;
	_ =	sdelay $0x1  }
0x1e1: {  	v3 =	vmul.f32 v3, v4;
	_ =	sdelay $0x1  }
0x1e2: {  	[tilespmem:v55+s3+$0x0] =	vst.idx.msk $0xffff, v3  }
0x1e3: {  	v3 =	vld.idx.msk [tilespmem:v56+s3+$0x0], $0xffff;
	_ =	sdelay $0x2  }
0x1e4: {  	v57 =	vor.u32 $0x8, v2;
	_ =	sdelay $0x1  }
0x1e5: {  	v3 =	vmul.f32 v3, v4;
	_ =	sdelay $0x1  }
0x1e6: {  	[tilespmem:v56+s3+$0x0] =	vst.idx.msk $0xffff, v3  }
0x1e7: {  	v3 =	vld.idx.msk [tilespmem:v57+s3+$0x0], $0xffff;
	_ =	sdelay $0x2  }
0x1e8: {  	v58 =	vor.u32 $0x9, v2;
	_ =	sdelay $0x1  }
0x1e9: {  	v3 =	vmul.f32 v3, v4;
	_ =	sdelay $0x1  }
0x1ea: {  	[tilespmem:v57+s3+$0x0] =	vst.idx.msk $0xffff, v3  }
0x1eb: {  	v3 =	vld.idx.msk [tilespmem:v58+s3+$0x0], $0xffff;
	_ =	sdelay $0x2  }
0x1ec: {  	v59 =	vor.u32 $0xA, v2;
	_ =	sdelay $0x1  }
0x1ed: {  	v3 =	vmul.f32 v3, v4;
	_ =	sdelay $0x1  }
0x1ee: {  	[tilespmem:v58+s3+$0x0] =	vst.idx.msk $0xffff, v3  }
0x1ef: {  	v3 =	vld.idx.msk [tilespmem:v59+s3+$0x0], $0xffff;
	_ =	sdelay $0x2  }
0x1f0: {  	v60 =	vor.u32 $0xB, v2;
	_ =	sdelay $0x1  }
0x1f1: {  	v3 =	vmul.f32 v3, v4;
	_ =	sdelay $0x1  }
0x1f2: {  	[tilespmem:v59+s3+$0x0] =	vst.idx.msk $0xffff, v3  }
0x1f3: {  	v3 =	vld.idx.msk [tilespmem:v60+s3+$0x0], $0xffff;
	_ =	sdelay $0x2  }
0x1f4: {  	v61 =	vor.u32 $0xC, v2;
	_ =	sdelay $0x1  }
0x1f5: {  	v3 =	vmul.f32 v3, v4;
	_ =	sdelay $0x1  }
0x1f6: {  	[tilespmem:v60+s3+$0x0] =	vst.idx.msk $0xffff, v3  }
0x1f7: {  	v3 =	vld.idx.msk [tilespmem:v61+s3+$0x0], $0xffff;
	_ =	sdelay $0x2  }
0x1f8: {  	v62 =	vor.u32 $0xD, v2;
	_ =	sdelay $0x1  }
0x1f9: {  	v3 =	vmul.f32 v3, v4;
	_ =	sdelay $0x1  }
0x1fa: {  	[tilespmem:v61+s3+$0x0] =	vst.idx.msk $0xffff, v3  }
0x1fb: {  	v3 =	vld.idx.msk [tilespmem:v62+s3+$0x0], $0xffff;
	_ =	sdelay $0x2  }
0x1fc: {  	v63 =	vor.u32 $0xE, v2;
	_ =	sdelay $0x1  }
0x1fd: {  	v3 =	vmul.f32 v3, v4;
	_ =	sdelay $0x1  }
0x1fe: {  	[tilespmem:v62+s3+$0x0] =	vst.idx.msk $0xffff, v3  }
0x1ff: {  	v3 =	vld.idx.msk [tilespmem:v63+s3+$0x0], $0xffff;
	_ =	sdelay $0x2  }
0x200: {  	v2 =	vor.u32 $0xF, v2;
	_ =	sdelay $0x1  }
0x201: {  	v3 =	vmul.f32 v3, v4;
	_ =	sdelay $0x1  }
0x202: {  	[tilespmem:v63+s3+$0x0] =	vst.idx.msk $0xffff, v3  }
0x203: {  	v3 =	vld.idx.msk [tilespmem:v2+s3+$0x0], $0xffff;
	_ =	sdelay $0x4  }
0x204: {  	v3 =	vmul.f32 v3, v4;
	_ =	sdelay $0x1  }
.Ltmp5:
0x205: {  	[tilespmem:v2+s3+$0x0] =	vst.idx.msk $0xffff, v3;
	(pc) =	sbr.rel @p1 .LBB2_10-.Ltmp5, $4  }
0x206: {  	[spmem:s1] =	stream.indirect.scatter.add.f32 [tilespmem:s3], [sflag:$0x5], $0x10, s30, s26, $0xb8;
	[tilespmem:$0x9B10] =	vst v63  }
0x207: {  	_ =	swait.ge [sflag:s8], $0x2000  }
0x208: {  	[sflag:s8] =	ssyncset.done $0x0  }
0x209: {  	[sflag:s8] =	ssyncadd.s32 $0xFFFFE000  }
0x20a: {  	s14 =	sadd.s32 s22, s17  }
0x20b: {  	s14 =	sshrl.u32 s14, $0x3  }
0x20c: {  	s15 =	sadd.s32 s4, s14  }
0x20d: {  	[tilespmem:s29], [sflag:$0x2] =	stream.linear.gather [hbm4b:s15+s2], $0x200, $0x38;
	[tilespmem:$0x9B10] =	vst v63  }
.Ltmp6:
0x20e: {  	_ = 	snop;
	(pc) =	sbr.rel .LBB2_4-.Ltmp6, $4  }
0x20f: {  	s22 =	sadd.s32 s5, s14  }
0x210: {  	[tilespmem:s30], [sflag:$0x2] =	stream.linear.gather [hbm4b:s22+s2], $0x200, $0x38;
	[tilespmem:$0x9B10] =	vst v63  }
0x211: {  	s13 =	sadd.s32 $0x1, s13;
	s14 =	sadd.s32 s6, s14  }
0x212: {  	[tilespmem:s31], [sflag:$0x2] =	stream.linear.gather [hbm4b:s14+s2], $0x200, $0x38;
	[tilespmem:$0x9B10] =	vst v63  }
.LBB2_11:
0x213: {  	_ =	sfence.sel $0x180000  }
0x214: {  	[bflag:$0x0] =	sbarrier.arrive $0xFFFF  }
0x215: {  	_ =	strace $0x9000004D  }
0x216: {  	s0 =	stileid.u32;
	[bflag:$0x2] =	sbarrier.arrive $0xFFFF  }
0x217: {  	p0 =	sne.s32 s0, $0x0;
	s0 =	rddreg [dreg:$0x2]  }
0x218: {  	s0 =	sadd.s32 @!p0 $0x100000, s0  }
0x219: {  	[sflag:s0] =	ssyncadd.tile.s32 @!p0 $0x1;
	_ =	shalt  }
.Lfunc_end2:
_tile_overlayer_lowered:
.L_overlay_start_2:
0x21a: {  	(tag) =	ssettag $0x2  }
0x21b: {  	s0 =	rddreg [dreg:$0x0];
	s2 =	stileid.u32  }
0x21c: {  	s1 =	rddreg [dreg:$0x1];
	p0 =	sne.s32 s2, $0x0  }
0x21d: {  	s3 =	rddreg [dreg:$0x2];
	[bflag:$0x3] =	sbarrier.arrive $0xFFFF;
	s2 =	simm.s32 @!p0 $0x1C05  }
0x21e: {  	[timem:s3], [sflag:s2] =	dma.local @!p0 [hbm:s0], s1  }
0x21f: {  	s0 =	simm.s32 @!p0 $0x5  }
0x220: {  	_ =	swait.ge @!p0 [sflag:s0], s1  }
0x221: {  	s1 =	ssub.s32 @!p0 $0x0, s1;
	[sflag:s0] =	ssyncset.done @!p0 $0x0  }
0x222: {  	[sflag:s0] =	ssyncadd.s32 @!p0 s1  }
0x223: {  	[bflag:$0x3] =	sbarrier.arrive $0xFFFF  }
0x224: {  	_ =	shalt  }

// kernel: kernel.15.cloned.1.call-start
scs
__scs_entry_jumppad:
0x0: {  	(pc) =	sbr.rel $0x88, $3  }
0x1: {  	(tag) =	ssettag $0x0;
	lr =	simm.s32 $0x1  }
0x2: {  	[smem:$0x3F96] =	sst lr;
	_ =	strace $0xD0000000  }
0x3: {  	_ = 	snop  }
0x4: {  	_ = 	snop  }
0x5: {  	_ = 	snop  }
0x6: {  	_ = 	snop  }
0x7: {  	_ = 	snop  }
__scs_overlays_trampoline_lowered:
0x8: {  	[smem:$0x3FA5] =	sst s0  }
0x9: {  	[smem:$0x3FA6] =	sst s1  }
0xa: {  	[smem:$0x3FA7] =	sst s2  }
0xb: {  	[smem:$0x3FA8] =	sst s3  }
0xc: {  	[smem:$0x3FA9] =	sst s4  }
0xd: {  	[smem:$0x3FAA] =	sst s5  }
0xe: {  	[smem:$0x3FAB] =	sst s6  }
0xf: {  	[smem:$0x3FAC] =	sst s7  }
0x10: {  	[smem:$0x3FAD] =	sst s8  }
0x11: {  	[smem:$0x3FAE] =	sst s9;
	s0 =	simm.s32 @!p0 $0x0  }
0x12: {  	s1 =	sld [smem:$0x3F94];
	s0 =	simm.s32 @p0 $0x1  }
0x13: {  	[smem:$0x3FAF] =	sst s0;
	s0 =	simm.s32 @!p1 $0x0  }
0x14: {  	s2 =	sld [smem:$0x3F93];
	s0 =	simm.s32 @p1 $0x1  }
0x15: {  	[smem:$0x3FB0] =	sst s0;
	s0 =	simm.s32 @!p2 $0x0  }
0x16: {  	s3 =	sld [smem:$0x3FDB];
	s0 =	simm.s32 @p2 $0x1  }
0x17: {  	s4 =	simm.s32 $0x1BF5;
	[smem:$0x3FB2] =	sst s0  }
0x18: {  	s0 =	sld [smem:$0x3F95];
	_ =	swait.ge [sflag:s4], $0x0  }
0x19: {  	s7 =	sld [smem:$0x3F96]  }
0x1a: {  	s8 =	sadd.s32 $0xFFFFE003, lr  }
0x1b: {  	s9 =	sadd.s32 $0xFFFFFEF7, lr;
	s5 =	simm.s32 $0xFFFFFFFF;
	p2 =	slt.u32 s8, $0xFFFFF086  }
0x1c: {  	p1 =	slt.u32 s9, $0xF7A;
	s5 =	simm.s32 @!p2 $0x0  }
0x1d: {  	s5 =	simm.s32 @p1 $0x1;
	p0 =	seq.s32 s7, s2  }
0x1e: {  	s7 =	smul.u32 @!p0 $0xF7A, s2;
	p2 =	seq.s32 @!p0 s5, $0x0  }
0x1f: {  	s9 =	smul.u32 $0xF7A, s1;
	s8 =	simm.s32 @!p0 $0x1BF5;
	p2 =	por !p2, p0  }
0x20: {  	[sflag:s8] =	ssyncset.s32 @!p0 $0xFFFFF086;
	s6 =	sadd.s32 @!p0 s3, s7;
	s7 =	simm.s32 @!p0 $0x108  }
0x21: {  	s3 =	sadd.s32 s3, s9;
	s6 =	sadd.s32 @!p0 $0x88, s6;
	s7 =	simm.s32 @p2 $0x1082  }
0x22: {  	[simem:s7], [sflag:s8] =	dma.local @!p0 [hbm:s6], $0xF7A  }
0x23: {  	s9 =	sor.u32 $0xD0000000, s2;
	s6 =	simm.s32 $0x108;
	_ =	swait.ge @!p0 [sflag:s8], $0x0  }
0x24: {  	s3 =	sadd.s32 $0x88, s3;
	s6 =	simm.s32 @!p1 $0x1082;
	[sflag:s4] =	ssyncset.s32 $0xFFFFF086  }
0x25: {  	[simem:s6], [sflag:s4] =	dma.local [hbm:s3], $0xF7A  }
0x26: {  	[smem:$0x3F96] =	sst s1;
	(tag) =	ssettag s2;
	_ =	strace s9  }
0x27: {  	s1 =	sld [smem:$0x3FA6]  }
0x28: {  	s2 =	sld [smem:$0x3FA7]  }
0x29: {  	s4 =	sld [smem:$0x3FA9]  }
0x2a: {  	p0 =	seq.s32 s5, $0x0;
	s5 =	sld [smem:$0x3FAA]  }
0x2b: {  	s6 =	sld [smem:$0x3FAB]  }
0x2c: {  	s7 =	sld [smem:$0x3FAC]  }
0x2d: {  	s3 =	simm.s32 $0x108;
	s8 =	sld [smem:$0x3FAD]  }
0x2e: {  	s3 =	simm.s32 @!p0 $0x1082;
	s9 =	sld [smem:$0x3FAE]  }
0x2f: {  	lr =	sadd.s32 s0, s3;
	s0 =	sld [smem:$0x3FA5]  }
0x30: {  	s3 =	sld [smem:$0x3FA8]  }
0x31: {  	[smem:$0x3FB1] =	sst s10  }
0x32: {  	s10 =	sld [smem:$0x3FAF];
	_ =	sdelay $0x3  }
0x33: {  	p0 =	seq.s32 s10, $0x1;
	s10 =	sld [smem:$0x3FB1];
	_ =	sdelay $0x3  }
0x34: {  	[smem:$0x3FB1] =	sst s10  }
0x35: {  	s10 =	sld [smem:$0x3FB0];
	_ =	sdelay $0x3  }
0x36: {  	p1 =	seq.s32 s10, $0x1;
	s10 =	sld [smem:$0x3FB1];
	_ =	sdelay $0x3  }
0x37: {  	[smem:$0x3FB1] =	sst s10  }
0x38: {  	s10 =	sld [smem:$0x3FB2]  }
0x39: {  	_ = 	snop;
	(pc) =	sbr.ind lr, $3  }
0x3a: {  	_ = 	snop  }
0x3b: {  	_ = 	snop  }
0x3c: {  	p2 =	seq.s32 s10, $0x1;
	s10 =	sld [smem:$0x3FB1]  }
0x3d: {  	_ =	shalt  }
0x3e: {  	_ =	shalt  }
0x3f: {  	_ =	shalt  }
0x40: {  	_ =	shalt  }
0x41: {  	_ =	shalt  }
0x42: {  	_ =	shalt  }
0x43: {  	_ =	shalt  }
0x44: {  	_ =	shalt  }
0x45: {  	_ =	shalt  }
0x46: {  	_ =	shalt  }
0x47: {  	_ =	shalt  }
0x48: {  	_ =	shalt  }
0x49: {  	_ =	shalt  }
0x4a: {  	_ =	shalt  }
0x4b: {  	_ =	shalt  }
0x4c: {  	_ =	shalt  }
0x4d: {  	_ =	shalt  }
0x4e: {  	_ =	shalt  }
0x4f: {  	_ =	shalt  }
0x50: {  	_ =	shalt  }
0x51: {  	_ =	shalt  }
0x52: {  	_ =	shalt  }
0x53: {  	_ =	shalt  }
0x54: {  	_ =	shalt  }
0x55: {  	_ =	shalt  }
0x56: {  	_ =	shalt  }
0x57: {  	_ =	shalt  }
0x58: {  	_ =	shalt  }
0x59: {  	_ =	shalt  }
0x5a: {  	_ =	shalt  }
0x5b: {  	_ =	shalt  }
0x5c: {  	_ =	shalt  }
0x5d: {  	_ =	shalt  }
0x5e: {  	_ =	shalt  }
0x5f: {  	_ =	shalt  }
0x60: {  	_ =	shalt  }
0x61: {  	_ =	shalt  }
0x62: {  	_ =	shalt  }
0x63: {  	_ =	shalt  }
0x64: {  	_ =	shalt  }
0x65: {  	_ =	shalt  }
0x66: {  	_ =	shalt  }
0x67: {  	_ =	shalt  }
0x68: {  	_ =	shalt  }
0x69: {  	_ =	shalt  }
0x6a: {  	_ =	shalt  }
0x6b: {  	_ =	shalt  }
0x6c: {  	_ =	shalt  }
0x6d: {  	_ =	shalt  }
0x6e: {  	_ =	shalt  }
0x6f: {  	_ =	shalt  }
0x70: {  	_ =	shalt  }
0x71: {  	_ =	shalt  }
0x72: {  	_ =	shalt  }
0x73: {  	_ =	shalt  }
0x74: {  	_ =	shalt  }
0x75: {  	_ =	shalt  }
0x76: {  	_ =	shalt  }
0x77: {  	_ =	shalt  }
0x78: {  	_ =	shalt  }
0x79: {  	_ =	shalt  }
0x7a: {  	_ =	shalt  }
0x7b: {  	_ =	shalt  }
0x7c: {  	_ =	shalt  }
0x7d: {  	_ =	shalt  }
0x7e: {  	_ =	shalt  }
0x7f: {  	_ =	shalt  }
0x80: {  	_ =	shalt  }
0x81: {  	_ =	shalt  }
0x82: {  	_ =	shalt  }
0x83: {  	_ =	shalt  }
0x84: {  	_ =	shalt  }
0x85: {  	_ =	shalt  }
0x86: {  	_ =	shalt  }
0x87: {  	_ =	shalt  }
.Lfunc_end0:
.L_simem_size_0:
called_computation.3_lowered:
.L_overlay_start_0:
0x88: {  	s2 =	sld [smem:$0x3FD9]  }
0x89: {  	s3 =	sld [smem:$0x3FFE];
	_ =	sdelay $0x1  }
0x8a: {  	s1 =	srdreg.scid  }
0x8b: {  	s0 =	sand.u32 $0x1, s1  }
0x8c: {  	s14 =	sshll.u32 s0, $0xA;
	s2 =	sadd.s32 s3, s2  }
0x8d: {  	s2 =	sadd.s32 s2, s14  }
0x8e: {  	[smem:$0x3FBD] =	sst s2  }
0x8f: {  	_ = 	snop  }
0x90: {  	s2 =	sld [smem:$0x3FD0];
	_ =	sdelay $0x2  }
0x91: {  	s15 =	simm.s32 $0xA;
	s4 =	simm.s32 $0x10  }
0x92: {  	[smem:s4], [sflag:s15] =	dma.local [hbm:s2], $0x1  }
0x93: {  	_ =	swait.eq [sflag:s15], $0x1  }
0x94: {  	[sflag:s15] =	ssyncset.done $0x0  }
0x95: {  	[sflag:s15] =	ssyncadd.s32 $0xFFFFFFFF  }
0x96: {  	s16 =	sld [smem:$0x10];
	(tm) =	ssettm $0x1  }
0x97: {  	s17 =	sld [smem:$0x3FFB];
	_ =	sdelay $0x3  }
0x98: {  	_ =	strace s17  }
0x99: {  	s3 =	sld [smem:$0x3FFC];
	_ =	sdelay $0x3  }
0x9a: {  	_ =	strace s3  }
0x9b: {  	s3 =	sld [smem:$0x3FFD];
	_ =	sdelay $0x3  }
0x9c: {  	_ =	strace s3  }
0x9d: {  	_ =	strace $0x8FFFFFFF  }
0x9e: {  	s18 =	sld [smem:$0x3FDB];
	_ =	sdelay $0x1  }
0x9f: {  	s19 =	simm.s32 $_scs_section_size  }
0xa0: {  	s5 =	simm.s32 $_size__tile_overlayer_lowered;
	s6 =	simm.s32 $_tile_overlayer_lowered  }
0xa1: {  	s22 =	simm.s32 $0x1BFF;
	s21 =	sshll.u32 s6, $0x1;
	s3 =	sadd.s32 s19, s18  }
0xa2: {  	s7 =	simm.s32 $0x0;
	s20 =	sshll.u32 s5, $0x1;
	s5 =	sadd.s32 s21, s3  }
0xa3: {  	[timem:s7], [sflag:s22] =	dma.local [hbm:s5], s20  }
0xa4: {  	_ =	swait.ge [sflag:s22], s20  }
0xa5: {  	s4 =	ssub.s32 $0x0, s20;
	[sflag:s22] =	ssyncset.done $0x0  }
0xa6: {  	[sflag:s22] =	ssyncadd.s32 s4;
	_ =	sdelay $0x1  }
0xa7: {  	s23 =	simm.s32 $0x1B8B  }
0xa8: {  	_ =	swait.ge [sflag:s23], $0x1  }
0xa9: {  	[sflag:s23] =	ssyncset.done $0x0  }
0xaa: {  	s25 =	simm.s32 $0x1B8E;
	s24 =	sld [smem:$0x3FFE];
	[sflag:s23] =	ssyncadd.s32 $0xFFFFFFFF  }
0xab: {  	s26 =	simm.s32 $execute0_lowered;
	[smem:$0x3FD2] =	sst s25  }
0xac: {  	s5 =	sshll.u32 s26, $0x1;
	_ =	strace $0x8000004F;
	[dreg:$0x1] =	wrdreg $0xFFFFFFFF  }
0xad: {  	s28 =	simm.s32 $_size_execute0_lowered;
	s3 =	sadd.s32 s3, s5;
	[dreg:$0x0] =	wrdreg $0x0  }
0xae: {  	s5 =	sshll.u32 s28, $0x1;
	[dreg:$0x2] =	wrdreg s3  }
0xaf: {  	[dreg:$0x3] =	wrdreg s5  }
0xb0: {  	[dreg:$0x4] =	wrdreg $0xC0  }
0xb1: {  	_ =	task [dreg:s7], $0x5FFFF  }
0xb2: {  	[dreg:$0x1] =	wrdreg $0xFFFFFFFF  }
0xb3: {  	[dreg:$0x0] =	wrdreg $0x60  }
0xb4: {  	[dreg:$0x2] =	wrdreg s24  }
0xb5: {  	[dreg:$0x3] =	wrdreg s16  }
0xb6: {  	[dreg:$0x4] =	wrdreg $0x0  }
0xb7: {  	[dreg:$0x5] =	wrdreg $0x9  }
0xb8: {  	_ =	task.clear_ibuf [dreg:s7], $0x6FFFF;
	_ =	strace $0x9000004F  }
0xb9: {  	s29 =	simm.s32 $0x9;
	_ =	strace $0x80000051  }
0xba: {  	_ =	swait.ge [sflag:s29], $0x1  }
0xbb: {  	[sflag:s29] =	ssyncadd.s32 $0xFFFFFFFF  }
0xbc: {  	_ =	strace $0x90000051  }
0xbd: {  	_ =	sfence  }
0xbe: {  	s30 =	sld [smem:$0x0];
	_ =	sdelay $0x2  }
0xbf: {  	s31 =	sshll.u32 s1, $0xD;
	s1 =	sshrl.u32 s1, $0x2  }
0xc0: {  	s3 =	sand.u32 $0x4000, s31;
	s1 =	sadd.s32 s1, s30  }
0xc1: {  	s0 =	sor.u32 s3, s0;
	s1 =	sshll.u32 s1, $0x11  }
0xc2: {  	s0 =	sor.u32 s1, s0  }
0xc3: {  	s0 =	sadd.s32 $0x8F2B, s0  }
0xc4: {  	[sflag:s0] =	ssyncadd.remote.s32 $0x1  }
0xc5: {  	_ =	sfence.sel $0xFFFF  }
0xc6: {  	[dreg:$0x0] =	wrdreg $0xFFFFFFFF;
	(pc) =	sbr.abs _section_cstart, $3  }
0xc7: {  	[dreg:$0x1] =	wrdreg $0xFFFFFFFF  }
0xc8: {  	_ =	task.clear_ibuf [dreg:s7], $0x2FFFF;
	_ =	strace $0x9FFFFFFF  }
0xc9: {  	(tm) =	ssettm $0x7FFFFFFF  }
tec
execute0_lowered:
.L_overlay_start_1:
0x0: {  	(tag) =	ssettag $0x1  }
0x1: {  	s0 =	rddreg [dreg:$0x0]  }
0x2: {  	s2 =	rddreg [dreg:$0x2]  }
0x3: {  	s3 =	simm.s32 $0x0;
	s1 =	srdreg.scid;
	s19 =	stileid.u32  }
0x4: {  	s20 =	simm.s32 $0x3;
	s22 =	simm.s32 $0x2B88;
	s24 =	simm.s32 $0x1  }
0x5: {  	s28 =	simm.s32 $0x3388;
	s29 =	simm.s32 $0x200;
	s30 =	simm.s32 $0x3588  }
0x6: {  	s31 =	simm.s32 $0x2;
	[smem:$0x7FF] =	sst s3;
	s5 =	sadd.s32 $0xA400, s0  }
0x7: {  	s1 =	sand.u32 $0x1, s1;
	s6 =	sadd.s32 $0x400, s0;
	s9 =	smul.u32 $0xA00, s19  }
0x8: {  	s7 =	sadd.s32 $0x14400, s0;
	s0 =	sadd.s32 $0x1E400, s0;
	s15 =	smul.u32 $0x280, s19  }
0x9: {  	p0 =	seq.s32 s19, $0xF;
	_ =	strace $0x80000050;
	s4 =	sshll.u32 s1, $0x4  }
0xa: {  	s8 =	ssub.s32 $0x2, s1;
	s1 =	smul.u32 $0x2710, s1;
	s4 =	sor.u32 s19, s4  }
0xb: {  	s10 =	sshrl.u32 s8, $0x1;
	s9 =	sshrl.u32 s9, $0x2;
	s19 =	simm.s32 $0x278  }
0xc: {  	s4 =	smul.u32 $0x2800, s4;
	s8 =	ssub.s32 s8, s10;
	s9 =	sadd.s32 s9, s2  }
0xd: {  	s26 =	sadd.s32 s15, s1;
	s1 =	sshrl.u32 s1, $0x3;
	s15 =	sadd.s32 s15, s2  }
0xe: {  	[dreg:$0x4] =	wrdreg s9;
	s9 =	sadd.s32 $0x2580, s2;
	s1 =	sadd.s32 s0, s1  }
0xf: {  	s18 =	smax.u32 s8, $0x1;
	s25 =	sshrl.u32 s4, $0x3;
	s13 =	sor.u32 $0x200, s4  }
0x10: {  	s14 =	sor.u32 $0x400, s4;
	s4 =	sshrl.u32 s26, $0x3;
	s17 =	sadd.s32 $0x4B0, s1  }
0x11: {  	s26 =	simm.s32 $0x3188;
	s11 =	sadd.s32 s5, s25;
	s12 =	sadd.s32 s7, s25  }
0x12: {  	s16 =	sadd.s32 s0, s4;
	s0 =	simm.s32 $0x3788;
	s4 =	simm.s32 $0x0  }
0x13: {  	v0 =	vimm.f32 $0.0e+00;
	[dreg:$0x5] =	wrdreg s11;
	s11 =	sadd.s32 s6, s25;
	s25 =	simm.s32 $0x2F88  }
.LBB2_1:
0x14: {  	s1 =	rddreg [dreg:$0x1]  }
0x15: {  	[tilespmem:s19], [sflag:$0x3] =	stream.linear.gather [hbm4b:s1+s3], $0x2710, $0x38;
	[tilespmem:$0x6098] =	vst v63  }
0x16: {  	_ =	swait.ge [sflag:s20], $0x2710  }
0x17: {  	[sflag:s20] =	ssyncset.done $0x0  }
0x18: {  	[sflag:s20] =	ssyncadd.s32 $0xFFFFD8F0  }
0x19: {  	[tilespmem:$0x3988] =	vst v0  }
0x1a: {  	[tilespmem:$0x3998] =	vst v0  }
0x1b: {  	[tilespmem:$0x39A8] =	vst v0  }
0x1c: {  	[tilespmem:$0x39B8] =	vst v0  }
0x1d: {  	[tilespmem:$0x39C8] =	vst v0  }
0x1e: {  	[tilespmem:$0x39D8] =	vst v0  }
0x1f: {  	[tilespmem:$0x39E8] =	vst v0  }
0x20: {  	[tilespmem:$0x39F8] =	vst v0  }
0x21: {  	[tilespmem:$0x3A08] =	vst v0  }
0x22: {  	[tilespmem:$0x3A18] =	vst v0  }
0x23: {  	[tilespmem:$0x3A28] =	vst v0  }
0x24: {  	[tilespmem:$0x3A38] =	vst v0  }
0x25: {  	[tilespmem:$0x3A48] =	vst v0  }
0x26: {  	[tilespmem:$0x3A58] =	vst v0  }
0x27: {  	[tilespmem:$0x3A68] =	vst v0  }
0x28: {  	[tilespmem:$0x3A78] =	vst v0  }
0x29: {  	[tilespmem:$0x3A88] =	vst v0  }
0x2a: {  	[tilespmem:$0x3A98] =	vst v0  }
0x2b: {  	[tilespmem:$0x3AA8] =	vst v0  }
0x2c: {  	[tilespmem:$0x3AB8] =	vst v0  }
0x2d: {  	[tilespmem:$0x3AC8] =	vst v0  }
0x2e: {  	[tilespmem:$0x3AD8] =	vst v0  }
0x2f: {  	[tilespmem:$0x3AE8] =	vst v0  }
0x30: {  	[tilespmem:$0x3AF8] =	vst v0  }
0x31: {  	[tilespmem:$0x3B08] =	vst v0  }
0x32: {  	[tilespmem:$0x3B18] =	vst v0  }
0x33: {  	[tilespmem:$0x3B28] =	vst v0  }
0x34: {  	[tilespmem:$0x3B38] =	vst v0  }
0x35: {  	[tilespmem:$0x3B48] =	vst v0  }
0x36: {  	[tilespmem:$0x3B58] =	vst v0  }
0x37: {  	[tilespmem:$0x3B68] =	vst v0  }
0x38: {  	[tilespmem:$0x3B78] =	vst v0  }
0x39: {  	[tilespmem:$0x3B88] =	vst v0  }
0x3a: {  	[tilespmem:$0x3B98] =	vst v0  }
0x3b: {  	[tilespmem:$0x3BA8] =	vst v0  }
0x3c: {  	[tilespmem:$0x3BB8] =	vst v0  }
0x3d: {  	[tilespmem:$0x3BC8] =	vst v0  }
0x3e: {  	[tilespmem:$0x3BD8] =	vst v0  }
0x3f: {  	[tilespmem:$0x3BE8] =	vst v0  }
0x40: {  	s1 =	simm.s32 @p0 $0x3988;
	[tilespmem:$0x3BF8] =	vst v0  }
0x41: {  	[spmem:s9] =	stream.linear.scatter @p0 [tilespmem:s1], [sflag:$0x3], $0x190, $0x38;
	[tilespmem:$0x6098] =	vst v63  }
0x42: {  	s1 =	simm.s32 @p0 $0x3  }
0x43: {  	_ =	swait.ge @p0 [sflag:s1], $0x190  }
0x44: {  	[sflag:s1] =	ssyncset.done @p0 $0x0  }
0x45: {  	s8 =	rddreg [dreg:$0x4];
	[sflag:s1] =	ssyncadd.s32 @p0 $0xFFFFFE70;
	s1 =	simm.s32 @!p0 $0x3988  }
0x46: {  	[spmem:s8] =	stream.linear.scatter @!p0 [tilespmem:s1], [sflag:$0x3], $0x280, $0x38;
	[tilespmem:$0x6098] =	vst v63  }
0x47: {  	s1 =	simm.s32 @!p0 $0x3  }
0x48: {  	_ =	swait.ge @!p0 [sflag:s1], $0x280  }
0x49: {  	[sflag:s1] =	ssyncset.done @!p0 $0x0  }
0x4a: {  	[sflag:s1] =	ssyncadd.s32 @!p0 $0xFFFFFD80  }
0x4b: {  	[bflag:$0x0] =	sbarrier.arrive $0xFFFF  }
0x4c: {  	s21 =	simm.s32 $0x2988;
	s10 =	rddreg [dreg:$0x5]  }
0x4d: {  	[tilespmem:s21], [sflag:$0x1] =	stream.linear.gather [hbm4b:s10+s3], $0x200, $0x38;
	[tilespmem:$0x6098] =	vst v63  }
0x4e: {  	_ = 	snop  }
0x4f: {  	[tilespmem:s22], [sflag:$0x1] =	stream.linear.gather [hbm4b:s11+s3], $0x200, $0x38;
	[tilespmem:$0x6098] =	vst v63  }
0x50: {  	s23 =	simm.s32 $0x2D88;
	s1 =	simm.s32 $0x0  }
0x51: {  	[tilespmem:s23], [sflag:$0x1] =	stream.linear.gather [hbm4b:s12+s3], $0x200, $0x38;
	[tilespmem:$0x6098] =	vst v63  }
.LBB2_2:
0x52: {  	_ =	swait.ge [sflag:s24], $0x200  }
0x53: {  	[sflag:s24] =	ssyncset.done $0x0  }
0x54: {  	[sflag:s24] =	ssyncadd.s32 $0xFFFFFE00  }
0x55: {  	_ =	swait.ge [sflag:s24], $0x200  }
0x56: {  	[sflag:s24] =	ssyncset.done $0x0  }
0x57: {  	s21 =	sshll.u32 s1, $0xA;
	[sflag:s24] =	ssyncadd.s32 $0xFFFFFE00  }
0x58: {  	s8 =	sadd.s32 s21, s13;
	_ =	swait.ge [sflag:s24], $0x200  }
0x59: {  	s8 =	sshrl.u32 s8, $0x3;
	[sflag:s24] =	ssyncset.done $0x0  }
0x5a: {  	s23 =	simm.s32 $0x0;
	s10 =	sadd.s32 s5, s8;
	[sflag:s24] =	ssyncadd.s32 $0xFFFFFE00  }
0x5b: {  	[tilespmem:s25], [sflag:$0x2] =	stream.linear.gather [hbm4b:s10+s23], $0x200, $0x38;
	[tilespmem:$0x6098] =	vst v63  }
0x5c: {  	s10 =	sadd.s32 s6, s8  }
0x5d: {  	[tilespmem:s26], [sflag:$0x2] =	stream.linear.gather [hbm4b:s10+s23], $0x200, $0x38;
	[tilespmem:$0x6098] =	vst v63  }
0x5e: {  	s8 =	sadd.s32 s7, s8  }
0x5f: {  	[tilespmem:s28], [sflag:$0x2] =	stream.linear.gather [hbm4b:s8+s23], $0x200, $0x38;
	[tilespmem:$0x6098] =	vst v63  }
0x60: {  	s23 =	simm.s32 $0x0  }
0x61: {  	v2 =	vld [tilespmem:s23+$0x2988];
	_ =	sdelay $0x6  }
0x62: {  	v1 =	vld [tilespmem:s23+$0x2D88]  }
0x63: {  	s10 =	simm.s32 $0x80;
	s8 =	simm.s32 $0x10;
	v2 =	vld.idx.msk [tilespmem:v2+s19+$0x0], $0xffff  }
.LBB2_3:
0x64: {  	p1 =	sne.s32 s10, $0x7C0;
	v3 =	vld [tilespmem:s8+$0x2988];
	_ =	sdelay $0x3  }
.Ltmp0:
0x65: {  	(pc) =	sbr.rel @p1 .LBB2_3-.Ltmp0, $3  }
0x66: {  	v2 =	vmul.f32 v2, v1;
	_ =	sdelay $0x1  }
0x67: {  	v1 =	vld [tilespmem:s8+$0x2D88];
	[tilespmem:s23+$0x3588] =	vst v2;
	s23 =	smov.u32 s8  }
0x68: {  	s8 =	sshra.s32 s10, $0x2;
	s10 =	sadd.s32 $0x40, s10;
	v2 =	vld.idx.msk [tilespmem:v3+s19+$0x0], $0xffff  }
0x69: {  	v3 =	vld [tilespmem:s8+$0x2988];
	_ =	sdelay $0x4  }
0x6a: {  	v1 =	vmul.f32 v2, v1;
	_ =	sdelay $0x1  }
0x6b: {  	v2 =	vld [tilespmem:s8+$0x2D88];
	[tilespmem:s23+$0x3588] =	vst v1  }
0x6c: {  	v1 =	vld.idx.msk [tilespmem:v3+s19+$0x0], $0xffff;
	_ =	sdelay $0x4  }
0x6d: {  	v1 =	vmul.f32 v1, v2;
	_ =	sdelay $0x1  }
0x6e: {  	[tilespmem:s8+$0x3588] =	vst v1  }
0x6f: {  	[spmem:s2] =	stream.indirect.scatter.add.f32 [tilespmem:s30], [sflag:$0x3], $0x1, s22, s29, $0xb8;
	[tilespmem:$0x6098] =	vst v63  }
0x70: {  	_ =	swait.ge [sflag:s20], $0x200  }
0x71: {  	[sflag:s20] =	ssyncset.done $0x0  }
0x72: {  	[sflag:s20] =	ssyncadd.s32 $0xFFFFFE00  }
0x73: {  	_ =	swait.ge [sflag:s31], $0x200  }
0x74: {  	[sflag:s31] =	ssyncset.done $0x0  }
0x75: {  	[sflag:s31] =	ssyncadd.s32 $0xFFFFFE00  }
0x76: {  	_ =	swait.ge [sflag:s31], $0x200  }
0x77: {  	[sflag:s31] =	ssyncset.done $0x0  }
0x78: {  	p1 =	seq.s32 s1, $0x9;
	[sflag:s31] =	ssyncadd.s32 $0xFFFFFE00  }
0x79: {  	s8 =	sadd.s32 @!p1 s21, s14;
	_ =	swait.ge [sflag:s31], $0x200  }
0x7a: {  	s23 =	simm.s32 @!p1 $0x2988;
	s8 =	sshrl.u32 @!p1 s8, $0x3;
	[sflag:s31] =	ssyncset.done $0x0  }
0x7b: {  	s21 =	simm.s32 @!p1 $0x0;
	s10 =	sadd.s32 @!p1 s5, s8;
	[sflag:s31] =	ssyncadd.s32 $0xFFFFFE00  }
0x7c: {  	[tilespmem:s23], [sflag:$0x1] =	stream.linear.gather @!p1 [hbm4b:s10+s21], $0x200, $0x38;
	[tilespmem:$0x6098] =	vst v63  }
0x7d: {  	s10 =	sadd.s32 @!p1 s6, s8;
	s23 =	simm.s32 @!p1 $0x2B88  }
0x7e: {  	[tilespmem:s23], [sflag:$0x1] =	stream.linear.gather @!p1 [hbm4b:s10+s21], $0x200, $0x38;
	[tilespmem:$0x6098] =	vst v63  }
0x7f: {  	s8 =	sadd.s32 @!p1 s7, s8;
	s10 =	simm.s32 @!p1 $0x2D88  }
0x80: {  	[tilespmem:s10], [sflag:$0x1] =	stream.linear.gather @!p1 [hbm4b:s8+s21], $0x200, $0x38;
	[tilespmem:$0x6098] =	vst v63  }
0x81: {  	s21 =	simm.s32 $0x0  }
0x82: {  	v2 =	vld [tilespmem:s21+$0x2F88];
	_ =	sdelay $0x6  }
0x83: {  	v1 =	vld [tilespmem:s21+$0x3388]  }
0x84: {  	s8 =	simm.s32 $0x10;
	s10 =	simm.s32 $0x80;
	v2 =	vld.idx.msk [tilespmem:v2+s19+$0x0], $0xffff  }
.LBB2_5:
0x85: {  	p1 =	sne.s32 s10, $0x7C0;
	v3 =	vld [tilespmem:s8+$0x2F88];
	_ =	sdelay $0x3  }
.Ltmp1:
0x86: {  	(pc) =	sbr.rel @p1 .LBB2_5-.Ltmp1, $3  }
0x87: {  	v2 =	vmul.f32 v2, v1;
	_ =	sdelay $0x1  }
0x88: {  	v1 =	vld [tilespmem:s8+$0x3388];
	[tilespmem:s21+$0x3788] =	vst v2;
	s21 =	smov.u32 s8  }
0x89: {  	s8 =	sshra.s32 s10, $0x2;
	s10 =	sadd.s32 $0x40, s10;
	v2 =	vld.idx.msk [tilespmem:v3+s19+$0x0], $0xffff  }
0x8a: {  	v3 =	vld [tilespmem:s8+$0x2F88];
	_ =	sdelay $0x4  }
0x8b: {  	v1 =	vmul.f32 v2, v1;
	_ =	sdelay $0x1  }
0x8c: {  	v2 =	vld [tilespmem:s8+$0x3388];
	[tilespmem:s21+$0x3788] =	vst v1  }
0x8d: {  	v1 =	vld.idx.msk [tilespmem:v3+s19+$0x0], $0xffff;
	_ =	sdelay $0x4  }
0x8e: {  	s1 =	sadd.s32 $0x1, s1;
	v1 =	vmul.f32 v1, v2  }
0x8f: {  	p1 =	sne.s32 s1, $0xA  }
.Ltmp2:
0x90: {  	[tilespmem:s8+$0x3788] =	vst v1;
	(pc) =	sbr.rel @p1 .LBB2_2-.Ltmp2, $4  }
0x91: {  	[spmem:s2] =	stream.indirect.scatter.add.f32 [tilespmem:s0], [sflag:$0x3], $0x1, s26, s29, $0xb8;
	[tilespmem:$0x6098] =	vst v63  }
0x92: {  	_ =	swait.ge [sflag:s20], $0x200  }
0x93: {  	[sflag:s20] =	ssyncset.done $0x0  }
0x94: {  	[sflag:s20] =	ssyncadd.s32 $0xFFFFFE00  }
0x95: {  	[bflag:$0x0] =	sbarrier.arrive $0xFFFF;
	s1 =	simm.s32 @p0 $0x3988;
	s8 =	simm.s32 @p0 $0x3  }
0x96: {  	[tilespmem:s1], [sflag:$0x3] =	stream.linear.gather @p0 [spmem:s9], $0x190, $0x38;
	[tilespmem:$0x6098] =	vst v63  }
0x97: {  	_ =	swait.ge @p0 [sflag:s8], $0x190  }
0x98: {  	[sflag:s8] =	ssyncset.done @p0 $0x0  }
0x99: {  	s10 =	simm.s32 @p0 $0x0;
	[sflag:s8] =	ssyncadd.s32 @p0 $0xFFFFFE70  }
0x9a: {  	[hbm4b:s17+s10] =	stream.linear.scatter @p0 [tilespmem:s1], [sflag:$0x3], $0x190, $0x38;
	[tilespmem:$0x6098] =	vst v63  }
0x9b: {  	_ =	swait.ge @p0 [sflag:s8], $0x190  }
0x9c: {  	[sflag:s8] =	ssyncset.done @p0 $0x0  }
0x9d: {  	s1 =	simm.s32 @!p0 $0x3988;
	[sflag:s8] =	ssyncadd.s32 @p0 $0xFFFFFE70;
	s8 =	simm.s32 @!p0 $0x3  }
0x9e: {  	[tilespmem:s1], [sflag:$0x3] =	stream.linear.gather @!p0 [spmem:s15], $0x280, $0x38;
	[tilespmem:$0x6098] =	vst v63  }
0x9f: {  	s4 =	sadd.s32 $0x1, s4;
	_ =	swait.ge @!p0 [sflag:s8], $0x280  }
0xa0: {  	p1 =	sne.s32 s4, s18;
	[sflag:s8] =	ssyncset.done @!p0 $0x0  }
.Ltmp3:
0xa1: {  	s10 =	simm.s32 @!p0 $0x0;
	[sflag:s8] =	ssyncadd.s32 @!p0 $0xFFFFFD80;
	(pc) =	sbr.rel @p1 .LBB2_1-.Ltmp3, $4  }
0xa2: {  	[hbm4b:s16+s10] =	stream.linear.scatter @!p0 [tilespmem:s1], [sflag:$0x3], $0x280, $0x38;
	[tilespmem:$0x6098] =	vst v63  }
0xa3: {  	_ =	swait.ge @!p0 [sflag:s8], $0x280  }
0xa4: {  	[sflag:s8] =	ssyncset.done @!p0 $0x0  }
0xa5: {  	[sflag:s8] =	ssyncadd.s32 @!p0 $0xFFFFFD80  }
0xa6: {  	_ =	sfence.sel $0x180000  }
0xa7: {  	[bflag:$0x0] =	sbarrier.arrive $0xFFFF  }
0xa8: {  	_ =	strace $0x90000050  }
0xa9: {  	s0 =	stileid.u32;
	[bflag:$0x2] =	sbarrier.arrive $0xFFFF  }
0xaa: {  	p0 =	sne.s32 s0, $0x0;
	s0 =	rddreg [dreg:$0x3]  }
0xab: {  	s0 =	sadd.s32 @!p0 $0x100000, s0  }
0xac: {  	[sflag:s0] =	ssyncadd.tile.s32 @!p0 $0x1;
	_ =	shalt  }
.Lfunc_end2:
_tile_overlayer_lowered:
.L_overlay_start_2:
0xad: {  	(tag) =	ssettag $0x2  }
0xae: {  	s0 =	rddreg [dreg:$0x0];
	s2 =	stileid.u32  }
0xaf: {  	s1 =	rddreg [dreg:$0x1];
	p0 =	sne.s32 s2, $0x0  }
0xb0: {  	s3 =	rddreg [dreg:$0x2];
	[bflag:$0x3] =	sbarrier.arrive $0xFFFF;
	s2 =	simm.s32 @!p0 $0x1C03  }
0xb1: {  	[timem:s3], [sflag:s2] =	dma.local @!p0 [hbm:s0], s1  }
0xb2: {  	s0 =	simm.s32 @!p0 $0x3  }
0xb3: {  	_ =	swait.ge @!p0 [sflag:s0], s1  }
0xb4: {  	s1 =	ssub.s32 @!p0 $0x0, s1;
	[sflag:s0] =	ssyncset.done @!p0 $0x0  }
0xb5: {  	[sflag:s0] =	ssyncadd.s32 @!p0 s1  }
0xb6: {  	[bflag:$0x3] =	sbarrier.arrive $0xFFFF  }
0xb7: {  	_ =	shalt  }

// kernel: kernel.6.cloned.1.call-start
scs
__scs_entry_jumppad:
0x0: {  	(pc) =	sbr.rel $0x88, $3  }
0x1: {  	(tag) =	ssettag $0x0;
	lr =	simm.s32 $0x1  }
0x2: {  	[smem:$0x3F96] =	sst lr;
	_ =	strace $0xD0000000  }
0x3: {  	_ = 	snop  }
0x4: {  	_ = 	snop  }
0x5: {  	_ = 	snop  }
0x6: {  	_ = 	snop  }
0x7: {  	_ = 	snop  }
__scs_overlays_trampoline_lowered:
0x8: {  	[smem:$0x3FA5] =	sst s0  }
0x9: {  	[smem:$0x3FA6] =	sst s1  }
0xa: {  	[smem:$0x3FA7] =	sst s2  }
0xb: {  	[smem:$0x3FA8] =	sst s3  }
0xc: {  	[smem:$0x3FA9] =	sst s4  }
0xd: {  	[smem:$0x3FAA] =	sst s5  }
0xe: {  	[smem:$0x3FAB] =	sst s6  }
0xf: {  	[smem:$0x3FAC] =	sst s7  }
0x10: {  	[smem:$0x3FAD] =	sst s8  }
0x11: {  	[smem:$0x3FAE] =	sst s9;
	s0 =	simm.s32 @!p0 $0x0  }
0x12: {  	s1 =	sld [smem:$0x3F94];
	s0 =	simm.s32 @p0 $0x1  }
0x13: {  	[smem:$0x3FAF] =	sst s0;
	s0 =	simm.s32 @!p1 $0x0  }
0x14: {  	s2 =	sld [smem:$0x3F93];
	s0 =	simm.s32 @p1 $0x1  }
0x15: {  	[smem:$0x3FB0] =	sst s0;
	s0 =	simm.s32 @!p2 $0x0  }
0x16: {  	s3 =	sld [smem:$0x3FDB];
	s0 =	simm.s32 @p2 $0x1  }
0x17: {  	s4 =	simm.s32 $0x1BF5;
	[smem:$0x3FB2] =	sst s0  }
0x18: {  	s0 =	sld [smem:$0x3F95];
	_ =	swait.ge [sflag:s4], $0x0  }
0x19: {  	s7 =	sld [smem:$0x3F96]  }
0x1a: {  	s8 =	sadd.s32 $0xFFFFE003, lr  }
0x1b: {  	s9 =	sadd.s32 $0xFFFFFEF7, lr;
	s5 =	simm.s32 $0xFFFFFFFF;
	p2 =	slt.u32 s8, $0xFFFFF086  }
0x1c: {  	p1 =	slt.u32 s9, $0xF7A;
	s5 =	simm.s32 @!p2 $0x0  }
0x1d: {  	s5 =	simm.s32 @p1 $0x1;
	p0 =	seq.s32 s7, s2  }
0x1e: {  	s7 =	smul.u32 @!p0 $0xF7A, s2;
	p2 =	seq.s32 @!p0 s5, $0x0  }
0x1f: {  	s9 =	smul.u32 $0xF7A, s1;
	s8 =	simm.s32 @!p0 $0x1BF5;
	p2 =	por !p2, p0  }
0x20: {  	[sflag:s8] =	ssyncset.s32 @!p0 $0xFFFFF086;
	s6 =	sadd.s32 @!p0 s3, s7;
	s7 =	simm.s32 @!p0 $0x108  }
0x21: {  	s3 =	sadd.s32 s3, s9;
	s6 =	sadd.s32 @!p0 $0x88, s6;
	s7 =	simm.s32 @p2 $0x1082  }
0x22: {  	[simem:s7], [sflag:s8] =	dma.local @!p0 [hbm:s6], $0xF7A  }
0x23: {  	s9 =	sor.u32 $0xD0000000, s2;
	s6 =	simm.s32 $0x108;
	_ =	swait.ge @!p0 [sflag:s8], $0x0  }
0x24: {  	s3 =	sadd.s32 $0x88, s3;
	s6 =	simm.s32 @!p1 $0x1082;
	[sflag:s4] =	ssyncset.s32 $0xFFFFF086  }
0x25: {  	[simem:s6], [sflag:s4] =	dma.local [hbm:s3], $0xF7A  }
0x26: {  	[smem:$0x3F96] =	sst s1;
	(tag) =	ssettag s2;
	_ =	strace s9  }
0x27: {  	s1 =	sld [smem:$0x3FA6]  }
0x28: {  	s2 =	sld [smem:$0x3FA7]  }
0x29: {  	s4 =	sld [smem:$0x3FA9]  }
0x2a: {  	p0 =	seq.s32 s5, $0x0;
	s5 =	sld [smem:$0x3FAA]  }
0x2b: {  	s6 =	sld [smem:$0x3FAB]  }
0x2c: {  	s7 =	sld [smem:$0x3FAC]  }
0x2d: {  	s3 =	simm.s32 $0x108;
	s8 =	sld [smem:$0x3FAD]  }
0x2e: {  	s3 =	simm.s32 @!p0 $0x1082;
	s9 =	sld [smem:$0x3FAE]  }
0x2f: {  	lr =	sadd.s32 s0, s3;
	s0 =	sld [smem:$0x3FA5]  }
0x30: {  	s3 =	sld [smem:$0x3FA8]  }
0x31: {  	[smem:$0x3FB1] =	sst s10  }
0x32: {  	s10 =	sld [smem:$0x3FAF];
	_ =	sdelay $0x3  }
0x33: {  	p0 =	seq.s32 s10, $0x1;
	s10 =	sld [smem:$0x3FB1];
	_ =	sdelay $0x3  }
0x34: {  	[smem:$0x3FB1] =	sst s10  }
0x35: {  	s10 =	sld [smem:$0x3FB0];
	_ =	sdelay $0x3  }
0x36: {  	p1 =	seq.s32 s10, $0x1;
	s10 =	sld [smem:$0x3FB1];
	_ =	sdelay $0x3  }
0x37: {  	[smem:$0x3FB1] =	sst s10  }
0x38: {  	s10 =	sld [smem:$0x3FB2]  }
0x39: {  	_ = 	snop;
	(pc) =	sbr.ind lr, $3  }
0x3a: {  	_ = 	snop  }
0x3b: {  	_ = 	snop  }
0x3c: {  	p2 =	seq.s32 s10, $0x1;
	s10 =	sld [smem:$0x3FB1]  }
0x3d: {  	_ =	shalt  }
0x3e: {  	_ =	shalt  }
0x3f: {  	_ =	shalt  }
0x40: {  	_ =	shalt  }
0x41: {  	_ =	shalt  }
0x42: {  	_ =	shalt  }
0x43: {  	_ =	shalt  }
0x44: {  	_ =	shalt  }
0x45: {  	_ =	shalt  }
0x46: {  	_ =	shalt  }
0x47: {  	_ =	shalt  }
0x48: {  	_ =	shalt  }
0x49: {  	_ =	shalt  }
0x4a: {  	_ =	shalt  }
0x4b: {  	_ =	shalt  }
0x4c: {  	_ =	shalt  }
0x4d: {  	_ =	shalt  }
0x4e: {  	_ =	shalt  }
0x4f: {  	_ =	shalt  }
0x50: {  	_ =	shalt  }
0x51: {  	_ =	shalt  }
0x52: {  	_ =	shalt  }
0x53: {  	_ =	shalt  }
0x54: {  	_ =	shalt  }
0x55: {  	_ =	shalt  }
0x56: {  	_ =	shalt  }
0x57: {  	_ =	shalt  }
0x58: {  	_ =	shalt  }
0x59: {  	_ =	shalt  }
0x5a: {  	_ =	shalt  }
0x5b: {  	_ =	shalt  }
0x5c: {  	_ =	shalt  }
0x5d: {  	_ =	shalt  }
0x5e: {  	_ =	shalt  }
0x5f: {  	_ =	shalt  }
0x60: {  	_ =	shalt  }
0x61: {  	_ =	shalt  }
0x62: {  	_ =	shalt  }
0x63: {  	_ =	shalt  }
0x64: {  	_ =	shalt  }
0x65: {  	_ =	shalt  }
0x66: {  	_ =	shalt  }
0x67: {  	_ =	shalt  }
0x68: {  	_ =	shalt  }
0x69: {  	_ =	shalt  }
0x6a: {  	_ =	shalt  }
0x6b: {  	_ =	shalt  }
0x6c: {  	_ =	shalt  }
0x6d: {  	_ =	shalt  }
0x6e: {  	_ =	shalt  }
0x6f: {  	_ =	shalt  }
0x70: {  	_ =	shalt  }
0x71: {  	_ =	shalt  }
0x72: {  	_ =	shalt  }
0x73: {  	_ =	shalt  }
0x74: {  	_ =	shalt  }
0x75: {  	_ =	shalt  }
0x76: {  	_ =	shalt  }
0x77: {  	_ =	shalt  }
0x78: {  	_ =	shalt  }
0x79: {  	_ =	shalt  }
0x7a: {  	_ =	shalt  }
0x7b: {  	_ =	shalt  }
0x7c: {  	_ =	shalt  }
0x7d: {  	_ =	shalt  }
0x7e: {  	_ =	shalt  }
0x7f: {  	_ =	shalt  }
0x80: {  	_ =	shalt  }
0x81: {  	_ =	shalt  }
0x82: {  	_ =	shalt  }
0x83: {  	_ =	shalt  }
0x84: {  	_ =	shalt  }
0x85: {  	_ =	shalt  }
0x86: {  	_ =	shalt  }
0x87: {  	_ =	shalt  }
.Lfunc_end0:
.L_simem_size_0:
called_computation_lowered:
.L_overlay_start_0:
0x88: {  	s2 =	sld [smem:$0x3FD9]  }
0x89: {  	s3 =	sld [smem:$0x3FFE];
	_ =	sdelay $0x1  }
0x8a: {  	s1 =	srdreg.scid  }
0x8b: {  	s0 =	sand.u32 $0x1, s1  }
0x8c: {  	s14 =	sshll.u32 s0, $0xA;
	s2 =	sadd.s32 s3, s2  }
0x8d: {  	s2 =	sadd.s32 s2, s14  }
0x8e: {  	[smem:$0x3FBD] =	sst s2  }
0x8f: {  	_ = 	snop  }
0x90: {  	s2 =	sld [smem:$0x3FD0];
	_ =	sdelay $0x2  }
0x91: {  	s15 =	simm.s32 $0xA;
	s4 =	simm.s32 $0x10  }
0x92: {  	[smem:s4], [sflag:s15] =	dma.local [hbm:s2], $0x1  }
0x93: {  	_ =	swait.eq [sflag:s15], $0x1  }
0x94: {  	[sflag:s15] =	ssyncset.done $0x0  }
0x95: {  	[sflag:s15] =	ssyncadd.s32 $0xFFFFFFFF  }
0x96: {  	s16 =	sld [smem:$0x10];
	(tm) =	ssettm $0x1  }
0x97: {  	s17 =	sld [smem:$0x3FFB];
	_ =	sdelay $0x3  }
0x98: {  	_ =	strace s17  }
0x99: {  	s3 =	sld [smem:$0x3FFC];
	_ =	sdelay $0x3  }
0x9a: {  	_ =	strace s3  }
0x9b: {  	s3 =	sld [smem:$0x3FFD];
	_ =	sdelay $0x3  }
0x9c: {  	_ =	strace s3  }
0x9d: {  	_ =	strace $0x8FFFFFFF  }
0x9e: {  	s18 =	sld [smem:$0x3FDB];
	_ =	sdelay $0x1  }
0x9f: {  	s19 =	simm.s32 $_scs_section_size  }
0xa0: {  	s5 =	simm.s32 $_size__tile_overlayer_lowered;
	s6 =	simm.s32 $_tile_overlayer_lowered  }
0xa1: {  	s22 =	simm.s32 $0x1BFF;
	s21 =	sshll.u32 s6, $0x1;
	s3 =	sadd.s32 s19, s18  }
0xa2: {  	s7 =	simm.s32 $0x0;
	s20 =	sshll.u32 s5, $0x1;
	s5 =	sadd.s32 s21, s3  }
0xa3: {  	[timem:s7], [sflag:s22] =	dma.local [hbm:s5], s20  }
0xa4: {  	_ =	swait.ge [sflag:s22], s20  }
0xa5: {  	s4 =	ssub.s32 $0x0, s20;
	[sflag:s22] =	ssyncset.done $0x0  }
0xa6: {  	[sflag:s22] =	ssyncadd.s32 s4;
	_ =	sdelay $0x1  }
0xa7: {  	s23 =	simm.s32 $0x1B8B  }
0xa8: {  	_ =	swait.ge [sflag:s23], $0x1  }
0xa9: {  	[sflag:s23] =	ssyncset.done $0x0  }
0xaa: {  	s25 =	simm.s32 $0x1B8E;
	s24 =	sld [smem:$0x3FFE];
	[sflag:s23] =	ssyncadd.s32 $0xFFFFFFFF  }
0xab: {  	s26 =	simm.s32 $execute0_lowered;
	[smem:$0x3FD2] =	sst s25  }
0xac: {  	s5 =	sshll.u32 s26, $0x1;
	_ =	strace $0x80000046;
	[dreg:$0x1] =	wrdreg $0xFFFFFFFF  }
0xad: {  	s28 =	simm.s32 $_size_execute0_lowered;
	s3 =	sadd.s32 s3, s5;
	[dreg:$0x0] =	wrdreg $0x0  }
0xae: {  	s5 =	sshll.u32 s28, $0x1;
	[dreg:$0x2] =	wrdreg s3  }
0xaf: {  	[dreg:$0x3] =	wrdreg s5  }
0xb0: {  	[dreg:$0x4] =	wrdreg $0xC0  }
0xb1: {  	_ =	task [dreg:s7], $0x5FFFF  }
0xb2: {  	[dreg:$0x1] =	wrdreg $0xFFFFFFFF  }
0xb3: {  	[dreg:$0x0] =	wrdreg $0x60  }
0xb4: {  	[dreg:$0x2] =	wrdreg s24  }
0xb5: {  	[dreg:$0x3] =	wrdreg s16  }
0xb6: {  	[dreg:$0x4] =	wrdreg $0x0  }
0xb7: {  	[dreg:$0x5] =	wrdreg $0x9  }
0xb8: {  	_ =	task.clear_ibuf [dreg:s7], $0x6FFFF;
	_ =	strace $0x90000046  }
0xb9: {  	s29 =	simm.s32 $0x9;
	_ =	strace $0x80000048  }
0xba: {  	_ =	swait.ge [sflag:s29], $0x1  }
0xbb: {  	[sflag:s29] =	ssyncadd.s32 $0xFFFFFFFF  }
0xbc: {  	_ =	strace $0x90000048  }
0xbd: {  	_ =	sfence  }
0xbe: {  	s30 =	sld [smem:$0x0];
	_ =	sdelay $0x2  }
0xbf: {  	s31 =	sshll.u32 s1, $0xD;
	s1 =	sshrl.u32 s1, $0x2  }
0xc0: {  	s3 =	sand.u32 $0x4000, s31;
	s1 =	sadd.s32 s1, s30  }
0xc1: {  	s0 =	sor.u32 s3, s0;
	s1 =	sshll.u32 s1, $0x11  }
0xc2: {  	s0 =	sor.u32 s1, s0  }
0xc3: {  	s0 =	sadd.s32 $0x8F2B, s0  }
0xc4: {  	[sflag:s0] =	ssyncadd.remote.s32 $0x1  }
0xc5: {  	_ =	sfence.sel $0xFFFF  }
0xc6: {  	[dreg:$0x0] =	wrdreg $0xFFFFFFFF;
	(pc) =	sbr.abs _section_cstart, $3  }
0xc7: {  	[dreg:$0x1] =	wrdreg $0xFFFFFFFF  }
0xc8: {  	_ =	task.clear_ibuf [dreg:s7], $0x2FFFF;
	_ =	strace $0x9FFFFFFF  }
0xc9: {  	(tm) =	ssettm $0x7FFFFFFF  }
tec
execute0_lowered:
.L_overlay_start_1:
0x0: {  	(tag) =	ssettag $0x1  }
0x1: {  	s0 =	rddreg [dreg:$0x0]  }
0x2: {  	s2 =	rddreg [dreg:$0x2]  }
0x3: {  	s3 =	simm.s32 $0x0;
	s1 =	srdreg.scid;
	s19 =	stileid.u32  }
0x4: {  	s20 =	simm.s32 $0x3;
	s22 =	simm.s32 $0x2B88;
	s24 =	simm.s32 $0x1  }
0x5: {  	s28 =	simm.s32 $0x3388;
	s29 =	simm.s32 $0x200;
	s30 =	simm.s32 $0x3588  }
0x6: {  	s31 =	simm.s32 $0x2;
	[smem:$0x7FF] =	sst s3;
	s5 =	sadd.s32 $0xA400, s0  }
0x7: {  	s1 =	sand.u32 $0x1, s1;
	s6 =	sadd.s32 $0x400, s0;
	s9 =	smul.u32 $0xA00, s19  }
0x8: {  	s7 =	sadd.s32 $0x14400, s0;
	s0 =	sadd.s32 $0x1E400, s0;
	s15 =	smul.u32 $0x280, s19  }
0x9: {  	p0 =	seq.s32 s19, $0xF;
	_ =	strace $0x80000047;
	s4 =	sshll.u32 s1, $0x4  }
0xa: {  	s8 =	ssub.s32 $0x2, s1;
	s1 =	smul.u32 $0x2710, s1;
	s4 =	sor.u32 s19, s4  }
0xb: {  	s10 =	sshrl.u32 s8, $0x1;
	s9 =	sshrl.u32 s9, $0x2;
	s19 =	simm.s32 $0x278  }
0xc: {  	s4 =	smul.u32 $0x2800, s4;
	s8 =	ssub.s32 s8, s10;
	s9 =	sadd.s32 s9, s2  }
0xd: {  	s26 =	sadd.s32 s15, s1;
	s1 =	sshrl.u32 s1, $0x3;
	s15 =	sadd.s32 s15, s2  }
0xe: {  	[dreg:$0x4] =	wrdreg s9;
	s9 =	sadd.s32 $0x2580, s2;
	s1 =	sadd.s32 s0, s1  }
0xf: {  	s18 =	smax.u32 s8, $0x1;
	s25 =	sshrl.u32 s4, $0x3;
	s13 =	sor.u32 $0x200, s4  }
0x10: {  	s14 =	sor.u32 $0x400, s4;
	s4 =	sshrl.u32 s26, $0x3;
	s17 =	sadd.s32 $0x4B0, s1  }
0x11: {  	s26 =	simm.s32 $0x3188;
	s11 =	sadd.s32 s5, s25;
	s12 =	sadd.s32 s7, s25  }
0x12: {  	s16 =	sadd.s32 s0, s4;
	s0 =	simm.s32 $0x3788;
	s4 =	simm.s32 $0x0  }
0x13: {  	v0 =	vimm.f32 $0.0e+00;
	[dreg:$0x5] =	wrdreg s11;
	s11 =	sadd.s32 s6, s25;
	s25 =	simm.s32 $0x2F88  }
.LBB2_1:
0x14: {  	s1 =	rddreg [dreg:$0x1]  }
0x15: {  	[tilespmem:s19], [sflag:$0x3] =	stream.linear.gather [hbm4b:s1+s3], $0x2710, $0x38;
	[tilespmem:$0x6098] =	vst v63  }
0x16: {  	_ =	swait.ge [sflag:s20], $0x2710  }
0x17: {  	[sflag:s20] =	ssyncset.done $0x0  }
0x18: {  	[sflag:s20] =	ssyncadd.s32 $0xFFFFD8F0  }
0x19: {  	[tilespmem:$0x3988] =	vst v0  }
0x1a: {  	[tilespmem:$0x3998] =	vst v0  }
0x1b: {  	[tilespmem:$0x39A8] =	vst v0  }
0x1c: {  	[tilespmem:$0x39B8] =	vst v0  }
0x1d: {  	[tilespmem:$0x39C8] =	vst v0  }
0x1e: {  	[tilespmem:$0x39D8] =	vst v0  }
0x1f: {  	[tilespmem:$0x39E8] =	vst v0  }
0x20: {  	[tilespmem:$0x39F8] =	vst v0  }
0x21: {  	[tilespmem:$0x3A08] =	vst v0  }
0x22: {  	[tilespmem:$0x3A18] =	vst v0  }
0x23: {  	[tilespmem:$0x3A28] =	vst v0  }
0x24: {  	[tilespmem:$0x3A38] =	vst v0  }
0x25: {  	[tilespmem:$0x3A48] =	vst v0  }
0x26: {  	[tilespmem:$0x3A58] =	vst v0  }
0x27: {  	[tilespmem:$0x3A68] =	vst v0  }
0x28: {  	[tilespmem:$0x3A78] =	vst v0  }
0x29: {  	[tilespmem:$0x3A88] =	vst v0  }
0x2a: {  	[tilespmem:$0x3A98] =	vst v0  }
0x2b: {  	[tilespmem:$0x3AA8] =	vst v0  }
0x2c: {  	[tilespmem:$0x3AB8] =	vst v0  }
0x2d: {  	[tilespmem:$0x3AC8] =	vst v0  }
0x2e: {  	[tilespmem:$0x3AD8] =	vst v0  }
0x2f: {  	[tilespmem:$0x3AE8] =	vst v0  }
0x30: {  	[tilespmem:$0x3AF8] =	vst v0  }
0x31: {  	[tilespmem:$0x3B08] =	vst v0  }
0x32: {  	[tilespmem:$0x3B18] =	vst v0  }
0x33: {  	[tilespmem:$0x3B28] =	vst v0  }
0x34: {  	[tilespmem:$0x3B38] =	vst v0  }
0x35: {  	[tilespmem:$0x3B48] =	vst v0  }
0x36: {  	[tilespmem:$0x3B58] =	vst v0  }
0x37: {  	[tilespmem:$0x3B68] =	vst v0  }
0x38: {  	[tilespmem:$0x3B78] =	vst v0  }
0x39: {  	[tilespmem:$0x3B88] =	vst v0  }
0x3a: {  	[tilespmem:$0x3B98] =	vst v0  }
0x3b: {  	[tilespmem:$0x3BA8] =	vst v0  }
0x3c: {  	[tilespmem:$0x3BB8] =	vst v0  }
0x3d: {  	[tilespmem:$0x3BC8] =	vst v0  }
0x3e: {  	[tilespmem:$0x3BD8] =	vst v0  }
0x3f: {  	[tilespmem:$0x3BE8] =	vst v0  }
0x40: {  	s1 =	simm.s32 @p0 $0x3988;
	[tilespmem:$0x3BF8] =	vst v0  }
0x41: {  	[spmem:s9] =	stream.linear.scatter @p0 [tilespmem:s1], [sflag:$0x3], $0x190, $0x38;
	[tilespmem:$0x6098] =	vst v63  }
0x42: {  	s1 =	simm.s32 @p0 $0x3  }
0x43: {  	_ =	swait.ge @p0 [sflag:s1], $0x190  }
0x44: {  	[sflag:s1] =	ssyncset.done @p0 $0x0  }
0x45: {  	s8 =	rddreg [dreg:$0x4];
	[sflag:s1] =	ssyncadd.s32 @p0 $0xFFFFFE70;
	s1 =	simm.s32 @!p0 $0x3988  }
0x46: {  	[spmem:s8] =	stream.linear.scatter @!p0 [tilespmem:s1], [sflag:$0x3], $0x280, $0x38;
	[tilespmem:$0x6098] =	vst v63  }
0x47: {  	s1 =	simm.s32 @!p0 $0x3  }
0x48: {  	_ =	swait.ge @!p0 [sflag:s1], $0x280  }
0x49: {  	[sflag:s1] =	ssyncset.done @!p0 $0x0  }
0x4a: {  	[sflag:s1] =	ssyncadd.s32 @!p0 $0xFFFFFD80  }
0x4b: {  	[bflag:$0x0] =	sbarrier.arrive $0xFFFF  }
0x4c: {  	s21 =	simm.s32 $0x2988;
	s10 =	rddreg [dreg:$0x5]  }
0x4d: {  	[tilespmem:s21], [sflag:$0x1] =	stream.linear.gather [hbm4b:s10+s3], $0x200, $0x38;
	[tilespmem:$0x6098] =	vst v63  }
0x4e: {  	_ = 	snop  }
0x4f: {  	[tilespmem:s22], [sflag:$0x1] =	stream.linear.gather [hbm4b:s11+s3], $0x200, $0x38;
	[tilespmem:$0x6098] =	vst v63  }
0x50: {  	s23 =	simm.s32 $0x2D88;
	s1 =	simm.s32 $0x0  }
0x51: {  	[tilespmem:s23], [sflag:$0x1] =	stream.linear.gather [hbm4b:s12+s3], $0x200, $0x38;
	[tilespmem:$0x6098] =	vst v63  }
.LBB2_2:
0x52: {  	_ =	swait.ge [sflag:s24], $0x200  }
0x53: {  	[sflag:s24] =	ssyncset.done $0x0  }
0x54: {  	[sflag:s24] =	ssyncadd.s32 $0xFFFFFE00  }
0x55: {  	_ =	swait.ge [sflag:s24], $0x200  }
0x56: {  	[sflag:s24] =	ssyncset.done $0x0  }
0x57: {  	s21 =	sshll.u32 s1, $0xA;
	[sflag:s24] =	ssyncadd.s32 $0xFFFFFE00  }
0x58: {  	s8 =	sadd.s32 s21, s13;
	_ =	swait.ge [sflag:s24], $0x200  }
0x59: {  	s8 =	sshrl.u32 s8, $0x3;
	[sflag:s24] =	ssyncset.done $0x0  }
0x5a: {  	s23 =	simm.s32 $0x0;
	s10 =	sadd.s32 s5, s8;
	[sflag:s24] =	ssyncadd.s32 $0xFFFFFE00  }
0x5b: {  	[tilespmem:s25], [sflag:$0x2] =	stream.linear.gather [hbm4b:s10+s23], $0x200, $0x38;
	[tilespmem:$0x6098] =	vst v63  }
0x5c: {  	s10 =	sadd.s32 s6, s8  }
0x5d: {  	[tilespmem:s26], [sflag:$0x2] =	stream.linear.gather [hbm4b:s10+s23], $0x200, $0x38;
	[tilespmem:$0x6098] =	vst v63  }
0x5e: {  	s8 =	sadd.s32 s7, s8  }
0x5f: {  	[tilespmem:s28], [sflag:$0x2] =	stream.linear.gather [hbm4b:s8+s23], $0x200, $0x38;
	[tilespmem:$0x6098] =	vst v63  }
0x60: {  	s23 =	simm.s32 $0x0  }
0x61: {  	v2 =	vld [tilespmem:s23+$0x2988];
	_ =	sdelay $0x6  }
0x62: {  	v1 =	vld [tilespmem:s23+$0x2D88]  }
0x63: {  	s10 =	simm.s32 $0x80;
	s8 =	simm.s32 $0x10;
	v2 =	vld.idx.msk [tilespmem:v2+s19+$0x0], $0xffff  }
.LBB2_3:
0x64: {  	p1 =	sne.s32 s10, $0x7C0;
	v3 =	vld [tilespmem:s8+$0x2988];
	_ =	sdelay $0x3  }
.Ltmp0:
0x65: {  	(pc) =	sbr.rel @p1 .LBB2_3-.Ltmp0, $3  }
0x66: {  	v2 =	vmul.f32 v2, v1;
	_ =	sdelay $0x1  }
0x67: {  	v1 =	vld [tilespmem:s8+$0x2D88];
	[tilespmem:s23+$0x3588] =	vst v2;
	s23 =	smov.u32 s8  }
0x68: {  	s8 =	sshra.s32 s10, $0x2;
	s10 =	sadd.s32 $0x40, s10;
	v2 =	vld.idx.msk [tilespmem:v3+s19+$0x0], $0xffff  }
0x69: {  	v3 =	vld [tilespmem:s8+$0x2988];
	_ =	sdelay $0x4  }
0x6a: {  	v1 =	vmul.f32 v2, v1;
	_ =	sdelay $0x1  }
0x6b: {  	v2 =	vld [tilespmem:s8+$0x2D88];
	[tilespmem:s23+$0x3588] =	vst v1  }
0x6c: {  	v1 =	vld.idx.msk [tilespmem:v3+s19+$0x0], $0xffff;
	_ =	sdelay $0x4  }
0x6d: {  	v1 =	vmul.f32 v1, v2;
	_ =	sdelay $0x1  }
0x6e: {  	[tilespmem:s8+$0x3588] =	vst v1  }
0x6f: {  	[spmem:s2] =	stream.indirect.scatter.add.f32 [tilespmem:s30], [sflag:$0x3], $0x1, s22, s29, $0xb8;
	[tilespmem:$0x6098] =	vst v63  }
0x70: {  	_ =	swait.ge [sflag:s20], $0x200  }
0x71: {  	[sflag:s20] =	ssyncset.done $0x0  }
0x72: {  	[sflag:s20] =	ssyncadd.s32 $0xFFFFFE00  }
0x73: {  	_ =	swait.ge [sflag:s31], $0x200  }
0x74: {  	[sflag:s31] =	ssyncset.done $0x0  }
0x75: {  	[sflag:s31] =	ssyncadd.s32 $0xFFFFFE00  }
0x76: {  	_ =	swait.ge [sflag:s31], $0x200  }
0x77: {  	[sflag:s31] =	ssyncset.done $0x0  }
0x78: {  	p1 =	seq.s32 s1, $0x9;
	[sflag:s31] =	ssyncadd.s32 $0xFFFFFE00  }
0x79: {  	s8 =	sadd.s32 @!p1 s21, s14;
	_ =	swait.ge [sflag:s31], $0x200  }
0x7a: {  	s23 =	simm.s32 @!p1 $0x2988;
	s8 =	sshrl.u32 @!p1 s8, $0x3;
	[sflag:s31] =	ssyncset.done $0x0  }
0x7b: {  	s21 =	simm.s32 @!p1 $0x0;
	s10 =	sadd.s32 @!p1 s5, s8;
	[sflag:s31] =	ssyncadd.s32 $0xFFFFFE00  }
0x7c: {  	[tilespmem:s23], [sflag:$0x1] =	stream.linear.gather @!p1 [hbm4b:s10+s21], $0x200, $0x38;
	[tilespmem:$0x6098] =	vst v63  }
0x7d: {  	s10 =	sadd.s32 @!p1 s6, s8;
	s23 =	simm.s32 @!p1 $0x2B88  }
0x7e: {  	[tilespmem:s23], [sflag:$0x1] =	stream.linear.gather @!p1 [hbm4b:s10+s21], $0x200, $0x38;
	[tilespmem:$0x6098] =	vst v63  }
0x7f: {  	s8 =	sadd.s32 @!p1 s7, s8;
	s10 =	simm.s32 @!p1 $0x2D88  }
0x80: {  	[tilespmem:s10], [sflag:$0x1] =	stream.linear.gather @!p1 [hbm4b:s8+s21], $0x200, $0x38;
	[tilespmem:$0x6098] =	vst v63  }
0x81: {  	s21 =	simm.s32 $0x0  }
0x82: {  	v2 =	vld [tilespmem:s21+$0x2F88];
	_ =	sdelay $0x6  }
0x83: {  	v1 =	vld [tilespmem:s21+$0x3388]  }
0x84: {  	s8 =	simm.s32 $0x10;
	s10 =	simm.s32 $0x80;
	v2 =	vld.idx.msk [tilespmem:v2+s19+$0x0], $0xffff  }
.LBB2_5:
0x85: {  	p1 =	sne.s32 s10, $0x7C0;
	v3 =	vld [tilespmem:s8+$0x2F88];
	_ =	sdelay $0x3  }
.Ltmp1:
0x86: {  	(pc) =	sbr.rel @p1 .LBB2_5-.Ltmp1, $3  }
0x87: {  	v2 =	vmul.f32 v2, v1;
	_ =	sdelay $0x1  }
0x88: {  	v1 =	vld [tilespmem:s8+$0x3388];
	[tilespmem:s21+$0x3788] =	vst v2;
	s21 =	smov.u32 s8  }
0x89: {  	s8 =	sshra.s32 s10, $0x2;
	s10 =	sadd.s32 $0x40, s10;
	v2 =	vld.idx.msk [tilespmem:v3+s19+$0x0], $0xffff  }
0x8a: {  	v3 =	vld [tilespmem:s8+$0x2F88];
	_ =	sdelay $0x4  }
0x8b: {  	v1 =	vmul.f32 v2, v1;
	_ =	sdelay $0x1  }
0x8c: {  	v2 =	vld [tilespmem:s8+$0x3388];
	[tilespmem:s21+$0x3788] =	vst v1  }
0x8d: {  	v1 =	vld.idx.msk [tilespmem:v3+s19+$0x0], $0xffff;
	_ =	sdelay $0x4  }
0x8e: {  	s1 =	sadd.s32 $0x1, s1;
	v1 =	vmul.f32 v1, v2  }
0x8f: {  	p1 =	sne.s32 s1, $0xA  }
.Ltmp2:
0x90: {  	[tilespmem:s8+$0x3788] =	vst v1;
	(pc) =	sbr.rel @p1 .LBB2_2-.Ltmp2, $4  }
0x91: {  	[spmem:s2] =	stream.indirect.scatter.add.f32 [tilespmem:s0], [sflag:$0x3], $0x1, s26, s29, $0xb8;
	[tilespmem:$0x6098] =	vst v63  }
0x92: {  	_ =	swait.ge [sflag:s20], $0x200  }
0x93: {  	[sflag:s20] =	ssyncset.done $0x0  }
0x94: {  	[sflag:s20] =	ssyncadd.s32 $0xFFFFFE00  }
0x95: {  	[bflag:$0x0] =	sbarrier.arrive $0xFFFF;
	s1 =	simm.s32 @p0 $0x3988;
	s8 =	simm.s32 @p0 $0x3  }
0x96: {  	[tilespmem:s1], [sflag:$0x3] =	stream.linear.gather @p0 [spmem:s9], $0x190, $0x38;
	[tilespmem:$0x6098] =	vst v63  }
0x97: {  	_ =	swait.ge @p0 [sflag:s8], $0x190  }
0x98: {  	[sflag:s8] =	ssyncset.done @p0 $0x0  }
0x99: {  	s10 =	simm.s32 @p0 $0x0;
	[sflag:s8] =	ssyncadd.s32 @p0 $0xFFFFFE70  }
0x9a: {  	[hbm4b:s17+s10] =	stream.linear.scatter @p0 [tilespmem:s1], [sflag:$0x3], $0x190, $0x38;
	[tilespmem:$0x6098] =	vst v63  }
0x9b: {  	_ =	swait.ge @p0 [sflag:s8], $0x190  }
0x9c: {  	[sflag:s8] =	ssyncset.done @p0 $0x0  }
0x9d: {  	s1 =	simm.s32 @!p0 $0x3988;
	[sflag:s8] =	ssyncadd.s32 @p0 $0xFFFFFE70;
	s8 =	simm.s32 @!p0 $0x3  }
0x9e: {  	[tilespmem:s1], [sflag:$0x3] =	stream.linear.gather @!p0 [spmem:s15], $0x280, $0x38;
	[tilespmem:$0x6098] =	vst v63  }
0x9f: {  	s4 =	sadd.s32 $0x1, s4;
	_ =	swait.ge @!p0 [sflag:s8], $0x280  }
0xa0: {  	p1 =	sne.s32 s4, s18;
	[sflag:s8] =	ssyncset.done @!p0 $0x0  }
.Ltmp3:
0xa1: {  	s10 =	simm.s32 @!p0 $0x0;
	[sflag:s8] =	ssyncadd.s32 @!p0 $0xFFFFFD80;
	(pc) =	sbr.rel @p1 .LBB2_1-.Ltmp3, $4  }
0xa2: {  	[hbm4b:s16+s10] =	stream.linear.scatter @!p0 [tilespmem:s1], [sflag:$0x3], $0x280, $0x38;
	[tilespmem:$0x6098] =	vst v63  }
0xa3: {  	_ =	swait.ge @!p0 [sflag:s8], $0x280  }
0xa4: {  	[sflag:s8] =	ssyncset.done @!p0 $0x0  }
0xa5: {  	[sflag:s8] =	ssyncadd.s32 @!p0 $0xFFFFFD80  }
0xa6: {  	_ =	sfence.sel $0x180000  }
0xa7: {  	[bflag:$0x0] =	sbarrier.arrive $0xFFFF  }
0xa8: {  	_ =	strace $0x90000047  }
0xa9: {  	s0 =	stileid.u32;
	[bflag:$0x2] =	sbarrier.arrive $0xFFFF  }
0xaa: {  	p0 =	sne.s32 s0, $0x0;
	s0 =	rddreg [dreg:$0x3]  }
0xab: {  	s0 =	sadd.s32 @!p0 $0x100000, s0  }
0xac: {  	[sflag:s0] =	ssyncadd.tile.s32 @!p0 $0x1;
	_ =	shalt  }
.Lfunc_end2:
_tile_overlayer_lowered:
.L_overlay_start_2:
0xad: {  	(tag) =	ssettag $0x2  }
0xae: {  	s0 =	rddreg [dreg:$0x0];
	s2 =	stileid.u32  }
0xaf: {  	s1 =	rddreg [dreg:$0x1];
	p0 =	sne.s32 s2, $0x0  }
0xb0: {  	s3 =	rddreg [dreg:$0x2];
	[bflag:$0x3] =	sbarrier.arrive $0xFFFF;
	s2 =	simm.s32 @!p0 $0x1C03  }
0xb1: {  	[timem:s3], [sflag:s2] =	dma.local @!p0 [hbm:s0], s1  }
0xb2: {  	s0 =	simm.s32 @!p0 $0x3  }
0xb3: {  	_ =	swait.ge @!p0 [sflag:s0], s1  }
0xb4: {  	s1 =	ssub.s32 @!p0 $0x0, s1;
	[sflag:s0] =	ssyncset.done @!p0 $0x0  }
0xb5: {  	[sflag:s0] =	ssyncadd.s32 @!p0 s1  }
0xb6: {  	[bflag:$0x3] =	sbarrier.arrive $0xFFFF  }
0xb7: {  	_ =	shalt  }

// kernel: kernel.9.cloned.1.call-start
scs
__scs_entry_jumppad:
0x0: {  	(pc) =	sbr.rel $0x88, $3  }
0x1: {  	(tag) =	ssettag $0x0;
	lr =	simm.s32 $0x1  }
0x2: {  	[smem:$0x3F96] =	sst lr;
	_ =	strace $0xD0000000  }
0x3: {  	_ = 	snop  }
0x4: {  	_ = 	snop  }
0x5: {  	_ = 	snop  }
0x6: {  	_ = 	snop  }
0x7: {  	_ = 	snop  }
__scs_overlays_trampoline_lowered:
0x8: {  	[smem:$0x3FA5] =	sst s0  }
0x9: {  	[smem:$0x3FA6] =	sst s1  }
0xa: {  	[smem:$0x3FA7] =	sst s2  }
0xb: {  	[smem:$0x3FA8] =	sst s3  }
0xc: {  	[smem:$0x3FA9] =	sst s4  }
0xd: {  	[smem:$0x3FAA] =	sst s5  }
0xe: {  	[smem:$0x3FAB] =	sst s6  }
0xf: {  	[smem:$0x3FAC] =	sst s7  }
0x10: {  	[smem:$0x3FAD] =	sst s8  }
0x11: {  	[smem:$0x3FAE] =	sst s9;
	s0 =	simm.s32 @!p0 $0x0  }
0x12: {  	s1 =	sld [smem:$0x3F94];
	s0 =	simm.s32 @p0 $0x1  }
0x13: {  	[smem:$0x3FAF] =	sst s0;
	s0 =	simm.s32 @!p1 $0x0  }
0x14: {  	s2 =	sld [smem:$0x3F93];
	s0 =	simm.s32 @p1 $0x1  }
0x15: {  	[smem:$0x3FB0] =	sst s0;
	s0 =	simm.s32 @!p2 $0x0  }
0x16: {  	s3 =	sld [smem:$0x3FDB];
	s0 =	simm.s32 @p2 $0x1  }
0x17: {  	s4 =	simm.s32 $0x1BF5;
	[smem:$0x3FB2] =	sst s0  }
0x18: {  	s0 =	sld [smem:$0x3F95];
	_ =	swait.ge [sflag:s4], $0x0  }
0x19: {  	s7 =	sld [smem:$0x3F96]  }
0x1a: {  	s8 =	sadd.s32 $0xFFFFE003, lr  }
0x1b: {  	s9 =	sadd.s32 $0xFFFFFEF7, lr;
	s5 =	simm.s32 $0xFFFFFFFF;
	p2 =	slt.u32 s8, $0xFFFFF086  }
0x1c: {  	p1 =	slt.u32 s9, $0xF7A;
	s5 =	simm.s32 @!p2 $0x0  }
0x1d: {  	s5 =	simm.s32 @p1 $0x1;
	p0 =	seq.s32 s7, s2  }
0x1e: {  	s7 =	smul.u32 @!p0 $0xF7A, s2;
	p2 =	seq.s32 @!p0 s5, $0x0  }
0x1f: {  	s9 =	smul.u32 $0xF7A, s1;
	s8 =	simm.s32 @!p0 $0x1BF5;
	p2 =	por !p2, p0  }
0x20: {  	[sflag:s8] =	ssyncset.s32 @!p0 $0xFFFFF086;
	s6 =	sadd.s32 @!p0 s3, s7;
	s7 =	simm.s32 @!p0 $0x108  }
0x21: {  	s3 =	sadd.s32 s3, s9;
	s6 =	sadd.s32 @!p0 $0x88, s6;
	s7 =	simm.s32 @p2 $0x1082  }
0x22: {  	[simem:s7], [sflag:s8] =	dma.local @!p0 [hbm:s6], $0xF7A  }
0x23: {  	s9 =	sor.u32 $0xD0000000, s2;
	s6 =	simm.s32 $0x108;
	_ =	swait.ge @!p0 [sflag:s8], $0x0  }
0x24: {  	s3 =	sadd.s32 $0x88, s3;
	s6 =	simm.s32 @!p1 $0x1082;
	[sflag:s4] =	ssyncset.s32 $0xFFFFF086  }
0x25: {  	[simem:s6], [sflag:s4] =	dma.local [hbm:s3], $0xF7A  }
0x26: {  	[smem:$0x3F96] =	sst s1;
	(tag) =	ssettag s2;
	_ =	strace s9  }
0x27: {  	s1 =	sld [smem:$0x3FA6]  }
0x28: {  	s2 =	sld [smem:$0x3FA7]  }
0x29: {  	s4 =	sld [smem:$0x3FA9]  }
0x2a: {  	p0 =	seq.s32 s5, $0x0;
	s5 =	sld [smem:$0x3FAA]  }
0x2b: {  	s6 =	sld [smem:$0x3FAB]  }
0x2c: {  	s7 =	sld [smem:$0x3FAC]  }
0x2d: {  	s3 =	simm.s32 $0x108;
	s8 =	sld [smem:$0x3FAD]  }
0x2e: {  	s3 =	simm.s32 @!p0 $0x1082;
	s9 =	sld [smem:$0x3FAE]  }
0x2f: {  	lr =	sadd.s32 s0, s3;
	s0 =	sld [smem:$0x3FA5]  }
0x30: {  	s3 =	sld [smem:$0x3FA8]  }
0x31: {  	[smem:$0x3FB1] =	sst s10  }
0x32: {  	s10 =	sld [smem:$0x3FAF];
	_ =	sdelay $0x3  }
0x33: {  	p0 =	seq.s32 s10, $0x1;
	s10 =	sld [smem:$0x3FB1];
	_ =	sdelay $0x3  }
0x34: {  	[smem:$0x3FB1] =	sst s10  }
0x35: {  	s10 =	sld [smem:$0x3FB0];
	_ =	sdelay $0x3  }
0x36: {  	p1 =	seq.s32 s10, $0x1;
	s10 =	sld [smem:$0x3FB1];
	_ =	sdelay $0x3  }
0x37: {  	[smem:$0x3FB1] =	sst s10  }
0x38: {  	s10 =	sld [smem:$0x3FB2]  }
0x39: {  	_ = 	snop;
	(pc) =	sbr.ind lr, $3  }
0x3a: {  	_ = 	snop  }
0x3b: {  	_ = 	snop  }
0x3c: {  	p2 =	seq.s32 s10, $0x1;
	s10 =	sld [smem:$0x3FB1]  }
0x3d: {  	_ =	shalt  }
0x3e: {  	_ =	shalt  }
0x3f: {  	_ =	shalt  }
0x40: {  	_ =	shalt  }
0x41: {  	_ =	shalt  }
0x42: {  	_ =	shalt  }
0x43: {  	_ =	shalt  }
0x44: {  	_ =	shalt  }
0x45: {  	_ =	shalt  }
0x46: {  	_ =	shalt  }
0x47: {  	_ =	shalt  }
0x48: {  	_ =	shalt  }
0x49: {  	_ =	shalt  }
0x4a: {  	_ =	shalt  }
0x4b: {  	_ =	shalt  }
0x4c: {  	_ =	shalt  }
0x4d: {  	_ =	shalt  }
0x4e: {  	_ =	shalt  }
0x4f: {  	_ =	shalt  }
0x50: {  	_ =	shalt  }
0x51: {  	_ =	shalt  }
0x52: {  	_ =	shalt  }
0x53: {  	_ =	shalt  }
0x54: {  	_ =	shalt  }
0x55: {  	_ =	shalt  }
0x56: {  	_ =	shalt  }
0x57: {  	_ =	shalt  }
0x58: {  	_ =	shalt  }
0x59: {  	_ =	shalt  }
0x5a: {  	_ =	shalt  }
0x5b: {  	_ =	shalt  }
0x5c: {  	_ =	shalt  }
0x5d: {  	_ =	shalt  }
0x5e: {  	_ =	shalt  }
0x5f: {  	_ =	shalt  }
0x60: {  	_ =	shalt  }
0x61: {  	_ =	shalt  }
0x62: {  	_ =	shalt  }
0x63: {  	_ =	shalt  }
0x64: {  	_ =	shalt  }
0x65: {  	_ =	shalt  }
0x66: {  	_ =	shalt  }
0x67: {  	_ =	shalt  }
0x68: {  	_ =	shalt  }
0x69: {  	_ =	shalt  }
0x6a: {  	_ =	shalt  }
0x6b: {  	_ =	shalt  }
0x6c: {  	_ =	shalt  }
0x6d: {  	_ =	shalt  }
0x6e: {  	_ =	shalt  }
0x6f: {  	_ =	shalt  }
0x70: {  	_ =	shalt  }
0x71: {  	_ =	shalt  }
0x72: {  	_ =	shalt  }
0x73: {  	_ =	shalt  }
0x74: {  	_ =	shalt  }
0x75: {  	_ =	shalt  }
0x76: {  	_ =	shalt  }
0x77: {  	_ =	shalt  }
0x78: {  	_ =	shalt  }
0x79: {  	_ =	shalt  }
0x7a: {  	_ =	shalt  }
0x7b: {  	_ =	shalt  }
0x7c: {  	_ =	shalt  }
0x7d: {  	_ =	shalt  }
0x7e: {  	_ =	shalt  }
0x7f: {  	_ =	shalt  }
0x80: {  	_ =	shalt  }
0x81: {  	_ =	shalt  }
0x82: {  	_ =	shalt  }
0x83: {  	_ =	shalt  }
0x84: {  	_ =	shalt  }
0x85: {  	_ =	shalt  }
0x86: {  	_ =	shalt  }
0x87: {  	_ =	shalt  }
.Lfunc_end0:
.L_simem_size_0:
called_computation.1_lowered:
.L_overlay_start_0:
0x88: {  	s2 =	sld [smem:$0x3FD9]  }
0x89: {  	s3 =	sld [smem:$0x3FFE];
	_ =	sdelay $0x1  }
0x8a: {  	s1 =	srdreg.scid  }
0x8b: {  	s0 =	sand.u32 $0x1, s1  }
0x8c: {  	s16 =	sshll.u32 s0, $0xA;
	s2 =	sadd.s32 s3, s2  }
0x8d: {  	s2 =	sadd.s32 s2, s16  }
0x8e: {  	[smem:$0x3FBD] =	sst s2  }
0x8f: {  	_ = 	snop  }
0x90: {  	(tm) =	ssettm $0x1  }
0x91: {  	s17 =	sld [smem:$0x3FFB];
	_ =	sdelay $0x3  }
0x92: {  	_ =	strace s17  }
0x93: {  	s2 =	sld [smem:$0x3FFC];
	_ =	sdelay $0x3  }
0x94: {  	_ =	strace s2  }
0x95: {  	s2 =	sld [smem:$0x3FFD];
	_ =	sdelay $0x3  }
0x96: {  	_ =	strace s2  }
0x97: {  	_ =	strace $0x8FFFFFFF  }
0x98: {  	s18 =	sld [smem:$0x3FDB];
	_ =	sdelay $0x1  }
0x99: {  	s19 =	simm.s32 $_scs_section_size  }
0x9a: {  	s4 =	simm.s32 $_size__tile_overlayer_lowered;
	s5 =	simm.s32 $_tile_overlayer_lowered  }
0x9b: {  	s22 =	simm.s32 $0x1BFF;
	s21 =	sshll.u32 s5, $0x1;
	s2 =	sadd.s32 s19, s18  }
0x9c: {  	s6 =	simm.s32 $0x0;
	s20 =	sshll.u32 s4, $0x1;
	s4 =	sadd.s32 s21, s2  }
0x9d: {  	[timem:s6], [sflag:s22] =	dma.local [hbm:s4], s20  }
0x9e: {  	_ =	swait.ge [sflag:s22], s20  }
0x9f: {  	s3 =	ssub.s32 $0x0, s20;
	[sflag:s22] =	ssyncset.done $0x0  }
0xa0: {  	[sflag:s22] =	ssyncadd.s32 s3;
	_ =	sdelay $0x1  }
0xa1: {  	s23 =	simm.s32 $0x1B8B  }
0xa2: {  	_ =	swait.ge [sflag:s23], $0x1  }
0xa3: {  	[sflag:s23] =	ssyncset.done $0x0  }
0xa4: {  	s25 =	simm.s32 $0x1B8E;
	s24 =	sld [smem:$0x3FFE];
	[sflag:s23] =	ssyncadd.s32 $0xFFFFFFFF  }
0xa5: {  	s26 =	simm.s32 $execute0_lowered;
	[smem:$0x3FD2] =	sst s25  }
0xa6: {  	s4 =	sshll.u32 s26, $0x1;
	_ =	strace $0x80000049;
	[dreg:$0x1] =	wrdreg $0xFFFFFFFF  }
0xa7: {  	s28 =	simm.s32 $_size_execute0_lowered;
	s2 =	sadd.s32 s2, s4;
	[dreg:$0x0] =	wrdreg $0x0  }
0xa8: {  	s4 =	sshll.u32 s28, $0x1;
	[dreg:$0x2] =	wrdreg s2  }
0xa9: {  	[dreg:$0x3] =	wrdreg s4  }
0xaa: {  	[dreg:$0x4] =	wrdreg $0xC0  }
0xab: {  	_ =	task [dreg:s6], $0x5FFFF  }
0xac: {  	[dreg:$0x1] =	wrdreg $0xFFFFFFFF  }
0xad: {  	[dreg:$0x0] =	wrdreg $0x60  }
0xae: {  	[dreg:$0x2] =	wrdreg s24  }
0xaf: {  	[dreg:$0x3] =	wrdreg $0x0  }
0xb0: {  	[dreg:$0x4] =	wrdreg $0x9  }
0xb1: {  	_ =	task.clear_ibuf [dreg:s6], $0x5FFFF;
	_ =	strace $0x90000049  }
0xb2: {  	s29 =	simm.s32 $0x9;
	_ =	strace $0x8000004B  }
0xb3: {  	_ =	swait.ge [sflag:s29], $0x1  }
0xb4: {  	[sflag:s29] =	ssyncadd.s32 $0xFFFFFFFF  }
0xb5: {  	_ =	strace $0x9000004B  }
0xb6: {  	_ =	sfence  }
0xb7: {  	s30 =	sld [smem:$0x0];
	_ =	sdelay $0x2  }
0xb8: {  	s31 =	sshll.u32 s1, $0xD;
	s1 =	sshrl.u32 s1, $0x2  }
0xb9: {  	s3 =	sand.u32 $0x4000, s31;
	s1 =	sadd.s32 s1, s30  }
0xba: {  	s0 =	sor.u32 s3, s0;
	s1 =	sshll.u32 s1, $0x11  }
0xbb: {  	s0 =	sor.u32 s1, s0  }
0xbc: {  	s0 =	sadd.s32 $0x8F2B, s0  }
0xbd: {  	[sflag:s0] =	ssyncadd.remote.s32 $0x1  }
0xbe: {  	_ =	sfence.sel $0xFFFF  }
0xbf: {  	[dreg:$0x0] =	wrdreg $0xFFFFFFFF;
	(pc) =	sbr.abs _section_cstart, $3  }
0xc0: {  	[dreg:$0x1] =	wrdreg $0xFFFFFFFF  }
0xc1: {  	_ =	task.clear_ibuf [dreg:s6], $0x2FFFF;
	_ =	strace $0x9FFFFFFF  }
0xc2: {  	(tm) =	ssettm $0x7FFFFFFF  }
0xc3: {  	_ =	shalt  }
tec
execute0_lowered:
.L_overlay_start_1:
0x0: {  	(tag) =	ssettag $0x1  }
0x1: {  	s0 =	rddreg [dreg:$0x0]  }
0x2: {  	s1 =	rddreg [dreg:$0x1]  }
0x3: {  	s2 =	simm.s32 $0x0;
	s3 =	srdreg.scid;
	s14 =	stileid.u32  }
0x4: {  	s28 =	simm.s32 $0x3310;
	s29 =	simm.s32 $0x2D10;
	s30 =	simm.s32 $0x2F10  }
0x5: {  	s31 =	simm.s32 $0x3110;
	[smem:$0x7FF] =	sst s2;
	s4 =	sadd.s32 $0xA400, s0  }
0x6: {  	s3 =	sand.u32 $0x1, s3;
	s5 =	sadd.s32 $0x400, s0;
	s9 =	smul.u32 $0xA000, s14  }
0x7: {  	s6 =	sadd.s32 $0x14400, s0;
	s19 =	smul.u32 $0x2800, s14;
	p0 =	seq.s32 s14, $0xF  }
0x8: {  	_ =	strace $0x8000004A;
	s7 =	sshll.u32 s3, $0x4;
	s10 =	ssub.s32 $0x2, s3  }
0x9: {  	s3 =	smul.u32 $0x27100, s3;
	s8 =	sor.u32 s14, s7;
	s7 =	sadd.s32 $0x1E400, s0  }
0xa: {  	s0 =	sadd.s32 $0x23400, s0;
	s11 =	sshrl.u32 s10, $0x1;
	s9 =	sshrl.u32 s9, $0x2  }
0xb: {  	s26 =	sadd.s32 s19, s1;
	s8 =	smul.u32 $0x2800, s8;
	s10 =	ssub.s32 s10, s11  }
0xc: {  	s9 =	sadd.s32 s9, s1;
	s24 =	sadd.s32 s19, s3;
	[dreg:$0xa] =	wrdreg s26  }
0xd: {  	s3 =	sshrl.u32 s3, $0x3;
	s26 =	simm.s32 $0x200;
	[dreg:$0x3] =	wrdreg s9  }
0xe: {  	s9 =	sadd.s32 $0x25800, s1;
	s25 =	sshrl.u32 s24, $0x3;
	s18 =	sshrl.u32 s8, $0x3  }
0xf: {  	s16 =	sor.u32 $0x400, s8;
	s17 =	sor.u32 $0x600, s8;
	s8 =	sadd.s32 s0, s25  }
0x10: {  	s24 =	simm.s32 $0x3;
	s12 =	sadd.s32 s4, s18;
	[dreg:$0xb] =	wrdreg s8  }
0x11: {  	s0 =	sadd.s32 s0, s3;
	s13 =	sadd.s32 s5, s18;
	[dreg:$0x4] =	wrdreg s12  }
0x12: {  	s25 =	simm.s32 $0x1;
	s11 =	sadd.s32 s6, s18;
	[dreg:$0x5] =	wrdreg s13  }
0x13: {  	s20 =	sor.u32 $0x40, s18;
	s0 =	sadd.s32 $0x4B00, s0;
	[dreg:$0x6] =	wrdreg s11  }
.Ltmp0:
0x14: {  	s21 =	sadd.s32 s4, s20;
	[dreg:$0xc] =	wrdreg s0;
	(pc) =	sbr.rel .LBB2_1-.Ltmp0, $4  }
0x15: {  	s3 =	simm.s32 $0x5310;
	s22 =	sadd.s32 s5, s20;
	[dreg:$0x7] =	wrdreg s21  }
0x16: {  	s8 =	simm.s32 $0x5;
	s23 =	sadd.s32 s6, s20;
	[dreg:$0x8] =	wrdreg s22  }
0x17: {  	v1 =	vlaneseq.u32;
	s0 =	simm.s32 $0x2;
	s11 =	simm.s32 $0x0;
	[dreg:$0x9] =	wrdreg s23  }
0x18: {  	v0 =	vimm.f32 $0.0e+00;
	v1 =	vmul.u32 $0x10, v1;
	s21 =	smax.u32 s10, $0x1;
	s23 =	simm.s32 $0x2910;
	s10 =	simm.s32 $0x4  }
.LBB2_10:
0x19: {  	[bflag:$0x0] =	sbarrier.arrive $0xFFFF;
	s12 =	simm.s32 @p0 $0x7310;
	s13 =	simm.s32 @p0 $0x5  }
0x1a: {  	[tilespmem:s12], [sflag:$0x5] =	stream.linear.gather @p0 [spmem:s9], $0x1900, $0x38;
	[tilespmem:$0x9B10] =	vst v63  }
0x1b: {  	_ =	swait.ge @p0 [sflag:s13], $0x1900  }
0x1c: {  	[sflag:s13] =	ssyncset.done @p0 $0x0  }
0x1d: {  	s14 =	simm.s32 @p0 $0x0;
	s15 =	rddreg [dreg:$0xc];
	[sflag:s13] =	ssyncadd.s32 @p0 $0xFFFFE700  }
0x1e: {  	[hbm4b:s15+s14] =	stream.linear.scatter @p0 [tilespmem:s12], [sflag:$0x5], $0x1900, $0x38;
	[tilespmem:$0x9B10] =	vst v63  }
0x1f: {  	_ =	swait.ge @p0 [sflag:s13], $0x1900  }
0x20: {  	[sflag:s13] =	ssyncset.done @p0 $0x0  }
0x21: {  	s12 =	simm.s32 @!p0 $0x7310;
	[sflag:s13] =	ssyncadd.s32 @p0 $0xFFFFE700;
	s13 =	rddreg [dreg:$0xa]  }
0x22: {  	[tilespmem:s12], [sflag:$0x5] =	stream.linear.gather @!p0 [spmem:s13], $0x2800, $0x38;
	[tilespmem:$0x9B10] =	vst v63  }
0x23: {  	s13 =	simm.s32 @!p0 $0x5  }
0x24: {  	s11 =	sadd.s32 $0x1, s11;
	_ =	swait.ge @!p0 [sflag:s13], $0x2800  }
0x25: {  	p1 =	sne.s32 s11, s21;
	s14 =	simm.s32 @!p0 $0x0;
	[sflag:s13] =	ssyncset.done @!p0 $0x0  }
.Ltmp1:
0x26: {  	s15 =	rddreg [dreg:$0xb];
	[sflag:s13] =	ssyncadd.s32 @!p0 $0xFFFFD800;
	(pc) =	sbr.rel @!p1 .LBB2_11-.Ltmp1, $4  }
0x27: {  	[hbm4b:s15+s14] =	stream.linear.scatter @!p0 [tilespmem:s12], [sflag:$0x5], $0x2800, $0x38;
	[tilespmem:$0x9B10] =	vst v63  }
0x28: {  	_ =	swait.ge @!p0 [sflag:s13], $0x2800  }
0x29: {  	[sflag:s13] =	ssyncset.done @!p0 $0x0  }
0x2a: {  	[sflag:s13] =	ssyncadd.s32 @!p0 $0xFFFFD800  }
.LBB2_1:
0x2b: {  	s12 =	simm.s32 $0x40;
	s13 =	simm.s32 $0x0  }
.LBB2_2:
0x2c: {  	p1 =	sne.s32 s12, $0x9FC0;
	[tilespmem:s13+$0x7310] =	vst v0;
	s13 =	smov.u32 s12;
	s12 =	sadd.s32 $0x40, s12  }
.Ltmp2:
0x2d: {  	(pc) =	sbr.rel @p1 .LBB2_2-.Ltmp2, $2  }
0x2e: {  	_ =	sdelay $0x2  }
0x2f: {  	s13 =	sshra.s32 s13, $0x2  }
0x30: {  	[tilespmem:s13+$0x7310] =	vst v0;
	s12 =	simm.s32 @p0 $0x7310  }
0x31: {  	[spmem:s9] =	stream.linear.scatter @p0 [tilespmem:s12], [sflag:$0x5], $0x1900, $0x38;
	[tilespmem:$0x9B10] =	vst v63  }
0x32: {  	s12 =	simm.s32 @p0 $0x5  }
0x33: {  	_ =	swait.ge @p0 [sflag:s12], $0x1900  }
0x34: {  	[sflag:s12] =	ssyncset.done @p0 $0x0  }
0x35: {  	s13 =	rddreg [dreg:$0x3];
	[sflag:s12] =	ssyncadd.s32 @p0 $0xFFFFE700;
	s12 =	simm.s32 @!p0 $0x7310  }
0x36: {  	[spmem:s13] =	stream.linear.scatter @!p0 [tilespmem:s12], [sflag:$0x5], $0x2800, $0x38;
	[tilespmem:$0x9B10] =	vst v63  }
0x37: {  	s12 =	simm.s32 @!p0 $0x5  }
0x38: {  	_ =	swait.ge @!p0 [sflag:s12], $0x2800  }
0x39: {  	[sflag:s12] =	ssyncset.done @!p0 $0x0  }
0x3a: {  	[sflag:s12] =	ssyncadd.s32 @!p0 $0xFFFFD800  }
0x3b: {  	[bflag:$0x0] =	sbarrier.arrive $0xFFFF  }
0x3c: {  	s14 =	simm.s32 $0x2710;
	s12 =	simm.s32 $0x0;
	s22 =	rddreg [dreg:$0x4]  }
0x3d: {  	[tilespmem:s14], [sflag:$0x1] =	stream.linear.gather [hbm4b:s22+s12], $0x200, $0x38;
	[tilespmem:$0x9B10] =	vst v63  }
0x3e: {  	s15 =	rddreg [dreg:$0x5]  }
0x3f: {  	[tilespmem:s23], [sflag:$0x1] =	stream.linear.gather [hbm4b:s15+s12], $0x200, $0x38;
	[tilespmem:$0x9B10] =	vst v63  }
0x40: {  	s18 =	rddreg [dreg:$0x6];
	s15 =	simm.s32 $0x2B10  }
0x41: {  	[tilespmem:s15], [sflag:$0x1] =	stream.linear.gather [hbm4b:s18+s12], $0x200, $0x38;
	[tilespmem:$0x9B10] =	vst v63  }
0x42: {  	_ =	swait.ge [sflag:s25], $0x200  }
0x43: {  	[sflag:s25] =	ssyncset.done $0x0  }
0x44: {  	[sflag:s25] =	ssyncadd.s32 $0xFFFFFE00  }
0x45: {  	_ =	swait.ge [sflag:s25], $0x200  }
0x46: {  	[sflag:s25] =	ssyncset.done $0x0  }
0x47: {  	[sflag:s25] =	ssyncadd.s32 $0xFFFFFE00  }
0x48: {  	_ =	swait.ge [sflag:s25], $0x200  }
0x49: {  	[sflag:s25] =	ssyncset.done $0x0  }
0x4a: {  	[sflag:s25] =	ssyncadd.s32 $0xFFFFFE00  }
0x4b: {  	[tilespmem:s28], [sflag:$0x3] =	stream.indirect.gather [hbm4b:s7+s26], $0x10, s14, s26, $0xb8;
	[tilespmem:$0x9B10] =	vst v63  }
0x4c: {  	s19 =	rddreg [dreg:$0x7]  }
0x4d: {  	[tilespmem:s29], [sflag:$0x2] =	stream.linear.gather [hbm4b:s19+s12], $0x200, $0x38;
	[tilespmem:$0x9B10] =	vst v63  }
0x4e: {  	s20 =	rddreg [dreg:$0x8]  }
0x4f: {  	[tilespmem:s30], [sflag:$0x2] =	stream.linear.gather [hbm4b:s20+s12], $0x200, $0x38;
	[tilespmem:$0x9B10] =	vst v63  }
0x50: {  	s13 =	simm.s32 $0x0;
	s22 =	rddreg [dreg:$0x9]  }
0x51: {  	[tilespmem:s31], [sflag:$0x2] =	stream.linear.gather [hbm4b:s22+s12], $0x200, $0x38;
	[tilespmem:$0x9B10] =	vst v63  }
.LBB2_4:
0x52: {  	_ =	swait.ge [sflag:s0], $0x200  }
0x53: {  	[sflag:s0] =	ssyncset.done $0x0  }
0x54: {  	[sflag:s0] =	ssyncadd.s32 $0xFFFFFE00  }
0x55: {  	_ =	swait.ge [sflag:s0], $0x200  }
0x56: {  	[sflag:s0] =	ssyncset.done $0x0  }
0x57: {  	[sflag:s0] =	ssyncadd.s32 $0xFFFFFE00  }
0x58: {  	v2 =	vmov s12;
	_ =	swait.ge [sflag:s0], $0x200  }
0x59: {  	v2 =	vshll.u32 v2, $0x4;
	[sflag:s0] =	ssyncset.done $0x0  }
0x5a: {  	v2 =	vor.u32 v1, v2;
	[sflag:s0] =	ssyncadd.s32 $0xFFFFFE00  }
0x5b: {  	[tilespmem:s3], [sflag:$0x4] =	stream.indirect.gather [hbm4b:s7+s26], $0x10, s29, s26, $0xb8;
	[tilespmem:$0x9B10] =	vst v63  }
0x5c: {  	_ =	swait.ge [sflag:s24], $0x2000  }
0x5d: {  	[sflag:s24] =	ssyncset.done $0x0  }
0x5e: {  	[sflag:s24] =	ssyncadd.s32 $0xFFFFE000  }
0x5f: {  	s22 =	simm.s32 $0x2B10;
	v3 =	vld.idx.msk [tilespmem:v2+s28+$0x0], $0xffff  }
0x60: {  	v5 =	vld [tilespmem:s22+$0x0];
	_ =	sdelay $0x2  }
0x61: {  	v4 =	vor.u32 $0x1, v2;
	_ =	sdelay $0x1  }
0x62: {  	v3 =	vmul.f32 v3, v5;
	_ =	sdelay $0x1  }
0x63: {  	[tilespmem:v2+s28+$0x0] =	vst.idx.msk $0xffff, v3  }
0x64: {  	v3 =	vld.idx.msk [tilespmem:v4+s28+$0x0], $0xffff;
	_ =	sdelay $0x2  }
0x65: {  	v6 =	vor.u32 $0x2, v2;
	_ =	sdelay $0x1  }
0x66: {  	v3 =	vmul.f32 v3, v5;
	_ =	sdelay $0x1  }
0x67: {  	[tilespmem:v4+s28+$0x0] =	vst.idx.msk $0xffff, v3  }
0x68: {  	v3 =	vld.idx.msk [tilespmem:v6+s28+$0x0], $0xffff;
	_ =	sdelay $0x2  }
0x69: {  	v4 =	vor.u32 $0x3, v2;
	_ =	sdelay $0x1  }
0x6a: {  	v3 =	vmul.f32 v3, v5;
	_ =	sdelay $0x1  }
0x6b: {  	[tilespmem:v6+s28+$0x0] =	vst.idx.msk $0xffff, v3  }
0x6c: {  	v3 =	vld.idx.msk [tilespmem:v4+s28+$0x0], $0xffff;
	_ =	sdelay $0x2  }
0x6d: {  	v6 =	vor.u32 $0x4, v2;
	_ =	sdelay $0x1  }
0x6e: {  	v3 =	vmul.f32 v3, v5;
	_ =	sdelay $0x1  }
0x6f: {  	[tilespmem:v4+s28+$0x0] =	vst.idx.msk $0xffff, v3  }
0x70: {  	v3 =	vld.idx.msk [tilespmem:v6+s28+$0x0], $0xffff;
	_ =	sdelay $0x2  }
0x71: {  	v4 =	vor.u32 $0x5, v2;
	_ =	sdelay $0x1  }
0x72: {  	v3 =	vmul.f32 v3, v5;
	_ =	sdelay $0x1  }
0x73: {  	[tilespmem:v6+s28+$0x0] =	vst.idx.msk $0xffff, v3  }
0x74: {  	v3 =	vld.idx.msk [tilespmem:v4+s28+$0x0], $0xffff;
	_ =	sdelay $0x2  }
0x75: {  	v6 =	vor.u32 $0x6, v2;
	_ =	sdelay $0x1  }
0x76: {  	v3 =	vmul.f32 v3, v5;
	_ =	sdelay $0x1  }
0x77: {  	[tilespmem:v4+s28+$0x0] =	vst.idx.msk $0xffff, v3  }
0x78: {  	v3 =	vld.idx.msk [tilespmem:v6+s28+$0x0], $0xffff;
	_ =	sdelay $0x2  }
0x79: {  	v4 =	vor.u32 $0x7, v2;
	_ =	sdelay $0x1  }
0x7a: {  	v3 =	vmul.f32 v3, v5;
	_ =	sdelay $0x1  }
0x7b: {  	[tilespmem:v6+s28+$0x0] =	vst.idx.msk $0xffff, v3  }
0x7c: {  	v3 =	vld.idx.msk [tilespmem:v4+s28+$0x0], $0xffff;
	_ =	sdelay $0x2  }
0x7d: {  	v6 =	vor.u32 $0x8, v2;
	_ =	sdelay $0x1  }
0x7e: {  	v3 =	vmul.f32 v3, v5;
	_ =	sdelay $0x1  }
0x7f: {  	[tilespmem:v4+s28+$0x0] =	vst.idx.msk $0xffff, v3  }
0x80: {  	v3 =	vld.idx.msk [tilespmem:v6+s28+$0x0], $0xffff;
	_ =	sdelay $0x2  }
0x81: {  	v4 =	vor.u32 $0x9, v2;
	_ =	sdelay $0x1  }
0x82: {  	v3 =	vmul.f32 v3, v5;
	_ =	sdelay $0x1  }
0x83: {  	[tilespmem:v6+s28+$0x0] =	vst.idx.msk $0xffff, v3  }
0x84: {  	v3 =	vld.idx.msk [tilespmem:v4+s28+$0x0], $0xffff;
	_ =	sdelay $0x2  }
0x85: {  	v6 =	vor.u32 $0xA, v2;
	_ =	sdelay $0x1  }
0x86: {  	v3 =	vmul.f32 v3, v5;
	_ =	sdelay $0x1  }
0x87: {  	[tilespmem:v4+s28+$0x0] =	vst.idx.msk $0xffff, v3  }
0x88: {  	v3 =	vld.idx.msk [tilespmem:v6+s28+$0x0], $0xffff;
	_ =	sdelay $0x2  }
0x89: {  	v4 =	vor.u32 $0xB, v2;
	_ =	sdelay $0x1  }
0x8a: {  	v3 =	vmul.f32 v3, v5;
	_ =	sdelay $0x1  }
0x8b: {  	[tilespmem:v6+s28+$0x0] =	vst.idx.msk $0xffff, v3  }
0x8c: {  	v3 =	vld.idx.msk [tilespmem:v4+s28+$0x0], $0xffff;
	_ =	sdelay $0x2  }
0x8d: {  	v6 =	vor.u32 $0xC, v2;
	_ =	sdelay $0x1  }
0x8e: {  	v3 =	vmul.f32 v3, v5;
	_ =	sdelay $0x1  }
0x8f: {  	[tilespmem:v4+s28+$0x0] =	vst.idx.msk $0xffff, v3  }
0x90: {  	v3 =	vld.idx.msk [tilespmem:v6+s28+$0x0], $0xffff;
	_ =	sdelay $0x2  }
0x91: {  	v4 =	vor.u32 $0xD, v2;
	_ =	sdelay $0x1  }
0x92: {  	v3 =	vmul.f32 v3, v5;
	_ =	sdelay $0x1  }
0x93: {  	[tilespmem:v6+s28+$0x0] =	vst.idx.msk $0xffff, v3  }
0x94: {  	v3 =	vld.idx.msk [tilespmem:v4+s28+$0x0], $0xffff;
	_ =	sdelay $0x2  }
0x95: {  	v6 =	vor.u32 $0xE, v2;
	_ =	sdelay $0x1  }
0x96: {  	v3 =	vmul.f32 v3, v5;
	_ =	sdelay $0x1  }
0x97: {  	[tilespmem:v4+s28+$0x0] =	vst.idx.msk $0xffff, v3  }
0x98: {  	v3 =	vld.idx.msk [tilespmem:v6+s28+$0x0], $0xffff;
	_ =	sdelay $0x2  }
0x99: {  	v4 =	vor.u32 $0xF, v2;
	_ =	sdelay $0x1  }
0x9a: {  	v2 =	vmul.f32 v3, v5;
	_ =	sdelay $0x1  }
0x9b: {  	[tilespmem:v6+s28+$0x0] =	vst.idx.msk $0xffff, v2  }
0x9c: {  	s14 =	simm.s32 $0x10;
	v3 =	vld.idx.msk [tilespmem:v4+s28+$0x0], $0xffff  }
0x9d: {  	v2 =	vmov s14  }
0x9e: {  	v2 =	vshll.u32 v2, $0x4  }
0x9f: {  	v2 =	vor.u32 v1, v2;
	_ =	sdelay $0x1  }
0xa0: {  	s14 =	simm.s32 $0x20;
	v3 =	vmul.f32 v3, v5  }
.LBB2_5:
0xa1: {  	p1 =	sne.s32 s14, $0x1F0  }
0xa2: {  	s22 =	sadd.s32 $0x10, s22;
	s15 =	smov.u32 s14;
	s14 =	sadd.s32 $0x10, s14;
	[tilespmem:v4+s28+$0x0] =	vst.idx.msk $0xffff, v3  }
0xa3: {  	v4 =	vld.idx.msk [tilespmem:v2+s28+$0x0], $0xffff  }
0xa4: {  	v3 =	vld [tilespmem:s22+$0x0];
	_ =	sdelay $0x2  }
0xa5: {  	v5 =	vor.u32 $0x1, v2;
	_ =	sdelay $0x1  }
0xa6: {  	v4 =	vmul.f32 v4, v3;
	_ =	sdelay $0x1  }
0xa7: {  	[tilespmem:v2+s28+$0x0] =	vst.idx.msk $0xffff, v4  }
0xa8: {  	v4 =	vld.idx.msk [tilespmem:v5+s28+$0x0], $0xffff;
	_ =	sdelay $0x3  }
0xa9: {  	v6 =	vor.u32 $0x2, v2;
	_ =	sdelay $0x1  }
0xaa: {  	v4 =	vmul.f32 v4, v3;
	_ =	sdelay $0x1  }
0xab: {  	[tilespmem:v5+s28+$0x0] =	vst.idx.msk $0xffff, v4  }
0xac: {  	v4 =	vld.idx.msk [tilespmem:v6+s28+$0x0], $0xffff;
	_ =	sdelay $0x3  }
0xad: {  	v5 =	vor.u32 $0x3, v2;
	_ =	sdelay $0x1  }
0xae: {  	v4 =	vmul.f32 v4, v3;
	_ =	sdelay $0x1  }
0xaf: {  	[tilespmem:v6+s28+$0x0] =	vst.idx.msk $0xffff, v4  }
0xb0: {  	v4 =	vld.idx.msk [tilespmem:v5+s28+$0x0], $0xffff;
	_ =	sdelay $0x3  }
0xb1: {  	v6 =	vor.u32 $0x4, v2;
	_ =	sdelay $0x1  }
0xb2: {  	v4 =	vmul.f32 v4, v3;
	_ =	sdelay $0x1  }
0xb3: {  	[tilespmem:v5+s28+$0x0] =	vst.idx.msk $0xffff, v4  }
0xb4: {  	v4 =	vld.idx.msk [tilespmem:v6+s28+$0x0], $0xffff;
	_ =	sdelay $0x3  }
0xb5: {  	v5 =	vor.u32 $0x5, v2;
	_ =	sdelay $0x1  }
0xb6: {  	v4 =	vmul.f32 v4, v3;
	_ =	sdelay $0x1  }
0xb7: {  	[tilespmem:v6+s28+$0x0] =	vst.idx.msk $0xffff, v4  }
0xb8: {  	v4 =	vld.idx.msk [tilespmem:v5+s28+$0x0], $0xffff;
	_ =	sdelay $0x3  }
0xb9: {  	v6 =	vor.u32 $0x6, v2;
	_ =	sdelay $0x1  }
0xba: {  	v4 =	vmul.f32 v4, v3;
	_ =	sdelay $0x1  }
0xbb: {  	[tilespmem:v5+s28+$0x0] =	vst.idx.msk $0xffff, v4  }
0xbc: {  	v4 =	vld.idx.msk [tilespmem:v6+s28+$0x0], $0xffff;
	_ =	sdelay $0x3  }
0xbd: {  	v5 =	vor.u32 $0x7, v2;
	_ =	sdelay $0x1  }
0xbe: {  	v4 =	vmul.f32 v4, v3;
	_ =	sdelay $0x1  }
0xbf: {  	[tilespmem:v6+s28+$0x0] =	vst.idx.msk $0xffff, v4  }
0xc0: {  	v4 =	vld.idx.msk [tilespmem:v5+s28+$0x0], $0xffff;
	_ =	sdelay $0x3  }
0xc1: {  	v6 =	vor.u32 $0x8, v2;
	_ =	sdelay $0x1  }
0xc2: {  	v4 =	vmul.f32 v4, v3;
	_ =	sdelay $0x1  }
0xc3: {  	[tilespmem:v5+s28+$0x0] =	vst.idx.msk $0xffff, v4  }
0xc4: {  	v4 =	vld.idx.msk [tilespmem:v6+s28+$0x0], $0xffff;
	_ =	sdelay $0x3  }
0xc5: {  	v5 =	vor.u32 $0x9, v2;
	_ =	sdelay $0x1  }
0xc6: {  	v4 =	vmul.f32 v4, v3;
	_ =	sdelay $0x1  }
0xc7: {  	[tilespmem:v6+s28+$0x0] =	vst.idx.msk $0xffff, v4  }
0xc8: {  	v4 =	vld.idx.msk [tilespmem:v5+s28+$0x0], $0xffff;
	_ =	sdelay $0x3  }
0xc9: {  	v6 =	vor.u32 $0xA, v2;
	_ =	sdelay $0x1  }
0xca: {  	v4 =	vmul.f32 v4, v3;
	_ =	sdelay $0x1  }
0xcb: {  	[tilespmem:v5+s28+$0x0] =	vst.idx.msk $0xffff, v4  }
0xcc: {  	v4 =	vld.idx.msk [tilespmem:v6+s28+$0x0], $0xffff;
	_ =	sdelay $0x3  }
0xcd: {  	v5 =	vor.u32 $0xB, v2;
	_ =	sdelay $0x1  }
0xce: {  	v4 =	vmul.f32 v4, v3;
	_ =	sdelay $0x1  }
0xcf: {  	[tilespmem:v6+s28+$0x0] =	vst.idx.msk $0xffff, v4  }
0xd0: {  	v4 =	vld.idx.msk [tilespmem:v5+s28+$0x0], $0xffff;
	_ =	sdelay $0x3  }
0xd1: {  	v6 =	vor.u32 $0xC, v2;
	_ =	sdelay $0x1  }
0xd2: {  	v4 =	vmul.f32 v4, v3;
	_ =	sdelay $0x1  }
0xd3: {  	[tilespmem:v5+s28+$0x0] =	vst.idx.msk $0xffff, v4  }
0xd4: {  	v4 =	vld.idx.msk [tilespmem:v6+s28+$0x0], $0xffff;
	_ =	sdelay $0x3  }
0xd5: {  	v5 =	vor.u32 $0xD, v2;
	_ =	sdelay $0x1  }
0xd6: {  	v4 =	vmul.f32 v4, v3;
	_ =	sdelay $0x1  }
0xd7: {  	[tilespmem:v6+s28+$0x0] =	vst.idx.msk $0xffff, v4  }
0xd8: {  	v4 =	vld.idx.msk [tilespmem:v5+s28+$0x0], $0xffff;
	_ =	sdelay $0x3  }
0xd9: {  	v6 =	vor.u32 $0xE, v2;
	_ =	sdelay $0x1  }
0xda: {  	v4 =	vmul.f32 v4, v3;
	_ =	sdelay $0x1  }
0xdb: {  	[tilespmem:v5+s28+$0x0] =	vst.idx.msk $0xffff, v4  }
0xdc: {  	v5 =	vld.idx.msk [tilespmem:v6+s28+$0x0], $0xffff;
	_ =	sdelay $0x3  }
0xdd: {  	v4 =	vor.u32 $0xF, v2;
	_ =	sdelay $0x1  }
0xde: {  	v2 =	vmul.f32 v5, v3;
	_ =	sdelay $0x1  }
0xdf: {  	[tilespmem:v6+s28+$0x0] =	vst.idx.msk $0xffff, v2  }
0xe0: {  	v5 =	vld.idx.msk [tilespmem:v4+s28+$0x0], $0xffff;
	_ =	sdelay $0x1  }
.Ltmp3:
0xe1: {  	v2 =	vmov s15;
	(pc) =	sbr.rel @p1 .LBB2_5-.Ltmp3, $3  }
0xe2: {  	v2 =	vshll.u32 v2, $0x4  }
0xe3: {  	v2 =	vor.u32 v1, v2;
	_ =	sdelay $0x1  }
0xe4: {  	v3 =	vmul.f32 v5, v3  }
0xe5: {  	_ =	sdelay $0x3  }
0xe6: {  	[tilespmem:v4+s28+$0x0] =	vst.idx.msk $0xffff, v3  }
0xe7: {  	s14 =	sadd.s32 $0x10, s22;
	v3 =	vld.idx.msk [tilespmem:v2+s28+$0x0], $0xffff  }
0xe8: {  	v4 =	vld [tilespmem:s14+$0x0];
	_ =	sdelay $0x2  }
0xe9: {  	v5 =	vor.u32 $0x1, v2;
	_ =	sdelay $0x1  }
0xea: {  	v3 =	vmul.f32 v3, v4;
	_ =	sdelay $0x1  }
0xeb: {  	[tilespmem:v2+s28+$0x0] =	vst.idx.msk $0xffff, v3  }
0xec: {  	v3 =	vld.idx.msk [tilespmem:v5+s28+$0x0], $0xffff;
	_ =	sdelay $0x2  }
0xed: {  	v6 =	vor.u32 $0x2, v2;
	_ =	sdelay $0x1  }
0xee: {  	v3 =	vmul.f32 v3, v4;
	_ =	sdelay $0x1  }
0xef: {  	[tilespmem:v5+s28+$0x0] =	vst.idx.msk $0xffff, v3  }
0xf0: {  	v3 =	vld.idx.msk [tilespmem:v6+s28+$0x0], $0xffff;
	_ =	sdelay $0x2  }
0xf1: {  	v5 =	vor.u32 $0x3, v2;
	_ =	sdelay $0x1  }
0xf2: {  	v3 =	vmul.f32 v3, v4;
	_ =	sdelay $0x1  }
0xf3: {  	[tilespmem:v6+s28+$0x0] =	vst.idx.msk $0xffff, v3  }
0xf4: {  	v3 =	vld.idx.msk [tilespmem:v5+s28+$0x0], $0xffff;
	_ =	sdelay $0x2  }
0xf5: {  	v6 =	vor.u32 $0x4, v2;
	_ =	sdelay $0x1  }
0xf6: {  	v3 =	vmul.f32 v3, v4;
	_ =	sdelay $0x1  }
0xf7: {  	[tilespmem:v5+s28+$0x0] =	vst.idx.msk $0xffff, v3  }
0xf8: {  	v3 =	vld.idx.msk [tilespmem:v6+s28+$0x0], $0xffff;
	_ =	sdelay $0x2  }
0xf9: {  	v5 =	vor.u32 $0x5, v2;
	_ =	sdelay $0x1  }
0xfa: {  	v3 =	vmul.f32 v3, v4;
	_ =	sdelay $0x1  }
0xfb: {  	[tilespmem:v6+s28+$0x0] =	vst.idx.msk $0xffff, v3  }
0xfc: {  	v3 =	vld.idx.msk [tilespmem:v5+s28+$0x0], $0xffff;
	_ =	sdelay $0x2  }
0xfd: {  	v6 =	vor.u32 $0x6, v2;
	_ =	sdelay $0x1  }
0xfe: {  	v3 =	vmul.f32 v3, v4;
	_ =	sdelay $0x1  }
0xff: {  	[tilespmem:v5+s28+$0x0] =	vst.idx.msk $0xffff, v3  }
0x100: {  	v3 =	vld.idx.msk [tilespmem:v6+s28+$0x0], $0xffff;
	_ =	sdelay $0x2  }
0x101: {  	v5 =	vor.u32 $0x7, v2;
	_ =	sdelay $0x1  }
0x102: {  	v3 =	vmul.f32 v3, v4;
	_ =	sdelay $0x1  }
0x103: {  	[tilespmem:v6+s28+$0x0] =	vst.idx.msk $0xffff, v3  }
0x104: {  	v3 =	vld.idx.msk [tilespmem:v5+s28+$0x0], $0xffff;
	_ =	sdelay $0x2  }
0x105: {  	v6 =	vor.u32 $0x8, v2;
	_ =	sdelay $0x1  }
0x106: {  	v3 =	vmul.f32 v3, v4;
	_ =	sdelay $0x1  }
0x107: {  	[tilespmem:v5+s28+$0x0] =	vst.idx.msk $0xffff, v3  }
0x108: {  	v3 =	vld.idx.msk [tilespmem:v6+s28+$0x0], $0xffff;
	_ =	sdelay $0x2  }
0x109: {  	v5 =	vor.u32 $0x9, v2;
	_ =	sdelay $0x1  }
0x10a: {  	v3 =	vmul.f32 v3, v4;
	_ =	sdelay $0x1  }
0x10b: {  	[tilespmem:v6+s28+$0x0] =	vst.idx.msk $0xffff, v3  }
0x10c: {  	v3 =	vld.idx.msk [tilespmem:v5+s28+$0x0], $0xffff;
	_ =	sdelay $0x2  }
0x10d: {  	v6 =	vor.u32 $0xA, v2;
	_ =	sdelay $0x1  }
0x10e: {  	v3 =	vmul.f32 v3, v4;
	_ =	sdelay $0x1  }
0x10f: {  	[tilespmem:v5+s28+$0x0] =	vst.idx.msk $0xffff, v3  }
0x110: {  	v3 =	vld.idx.msk [tilespmem:v6+s28+$0x0], $0xffff;
	_ =	sdelay $0x2  }
0x111: {  	v5 =	vor.u32 $0xB, v2;
	_ =	sdelay $0x1  }
0x112: {  	v3 =	vmul.f32 v3, v4;
	_ =	sdelay $0x1  }
0x113: {  	[tilespmem:v6+s28+$0x0] =	vst.idx.msk $0xffff, v3  }
0x114: {  	v3 =	vld.idx.msk [tilespmem:v5+s28+$0x0], $0xffff;
	_ =	sdelay $0x2  }
0x115: {  	v6 =	vor.u32 $0xC, v2;
	_ =	sdelay $0x1  }
0x116: {  	v3 =	vmul.f32 v3, v4;
	_ =	sdelay $0x1  }
0x117: {  	[tilespmem:v5+s28+$0x0] =	vst.idx.msk $0xffff, v3  }
0x118: {  	v3 =	vld.idx.msk [tilespmem:v6+s28+$0x0], $0xffff;
	_ =	sdelay $0x2  }
0x119: {  	v5 =	vor.u32 $0xD, v2;
	_ =	sdelay $0x1  }
0x11a: {  	v3 =	vmul.f32 v3, v4;
	_ =	sdelay $0x1  }
0x11b: {  	[tilespmem:v6+s28+$0x0] =	vst.idx.msk $0xffff, v3  }
0x11c: {  	v3 =	vld.idx.msk [tilespmem:v5+s28+$0x0], $0xffff;
	_ =	sdelay $0x2  }
0x11d: {  	v6 =	vor.u32 $0xE, v2;
	_ =	sdelay $0x1  }
0x11e: {  	v3 =	vmul.f32 v3, v4;
	_ =	sdelay $0x1  }
0x11f: {  	[tilespmem:v5+s28+$0x0] =	vst.idx.msk $0xffff, v3  }
0x120: {  	v3 =	vld.idx.msk [tilespmem:v6+s28+$0x0], $0xffff;
	_ =	sdelay $0x2  }
0x121: {  	v2 =	vor.u32 $0xF, v2;
	_ =	sdelay $0x1  }
0x122: {  	v3 =	vmul.f32 v3, v4;
	_ =	sdelay $0x1  }
0x123: {  	[tilespmem:v6+s28+$0x0] =	vst.idx.msk $0xffff, v3  }
0x124: {  	v3 =	vld.idx.msk [tilespmem:v2+s28+$0x0], $0xffff;
	_ =	sdelay $0x4  }
0x125: {  	v3 =	vmul.f32 v3, v4;
	_ =	sdelay $0x1  }
0x126: {  	s22 =	sshll.u32 s13, $0xA;
	p1 =	seq.s32 s13, $0x9;
	[tilespmem:v2+s28+$0x0] =	vst.idx.msk $0xffff, v3  }
0x127: {  	[spmem:s1] =	stream.indirect.scatter.add.f32 [tilespmem:s28], [sflag:$0x5], $0x10, s23, s26, $0xb8;
	[tilespmem:$0x9B10] =	vst v63  }
0x128: {  	s14 =	sadd.s32 @!p1 s22, s16;
	_ =	swait.ge [sflag:s8], $0x2000  }
0x129: {  	s18 =	simm.s32 @!p1 $0x0;
	s14 =	sshrl.u32 @!p1 s14, $0x3;
	[sflag:s8] =	ssyncset.done $0x0  }
0x12a: {  	s19 =	simm.s32 @!p1 $0x2710;
	s15 =	sadd.s32 @!p1 s4, s14;
	[sflag:s8] =	ssyncadd.s32 $0xFFFFE000  }
0x12b: {  	[tilespmem:s19], [sflag:$0x1] =	stream.linear.gather @!p1 [hbm4b:s15+s18], $0x200, $0x38;
	[tilespmem:$0x9B10] =	vst v63  }
0x12c: {  	s20 =	simm.s32 @!p1 $0x2910;
	s15 =	sadd.s32 @!p1 s5, s14  }
0x12d: {  	[tilespmem:s20], [sflag:$0x1] =	stream.linear.gather @!p1 [hbm4b:s15+s18], $0x200, $0x38;
	[tilespmem:$0x9B10] =	vst v63  }
0x12e: {  	s14 =	sadd.s32 @!p1 s6, s14;
	s15 =	simm.s32 @!p1 $0x2B10  }
0x12f: {  	[tilespmem:s15], [sflag:$0x1] =	stream.linear.gather @!p1 [hbm4b:s14+s18], $0x200, $0x38;
	[tilespmem:$0x9B10] =	vst v63  }
0x130: {  	s14 =	simm.s32 @!p1 $0x1  }
0x131: {  	_ =	swait.ge @!p1 [sflag:s14], $0x200  }
0x132: {  	[sflag:s14] =	ssyncset.done @!p1 $0x0  }
0x133: {  	[sflag:s14] =	ssyncadd.s32 @!p1 $0xFFFFFE00  }
0x134: {  	_ =	swait.ge @!p1 [sflag:s14], $0x200  }
0x135: {  	[sflag:s14] =	ssyncset.done @!p1 $0x0  }
0x136: {  	s18 =	simm.s32 $0x0;
	[sflag:s14] =	ssyncadd.s32 @!p1 $0xFFFFFE00  }
0x137: {  	v2 =	vmov s18;
	_ =	swait.ge @!p1 [sflag:s14], $0x200  }
0x138: {  	v2 =	vshll.u32 v2, $0x4;
	[sflag:s14] =	ssyncset.done @!p1 $0x0  }
0x139: {  	s15 =	simm.s32 @!p1 $0x3310;
	v2 =	vor.u32 v1, v2;
	[sflag:s14] =	ssyncadd.s32 @!p1 $0xFFFFFE00;
	s14 =	simm.s32 @!p1 $0x200  }
0x13a: {  	[tilespmem:s15], [sflag:$0x3] =	stream.indirect.gather @!p1 [hbm4b:s7+s14], $0x10, s19, s14, $0xb8;
	[tilespmem:$0x9B10] =	vst v63  }
0x13b: {  	_ =	swait.ge [sflag:s10], $0x2000  }
0x13c: {  	[sflag:s10] =	ssyncset.done $0x0  }
0x13d: {  	[sflag:s10] =	ssyncadd.s32 $0xFFFFE000  }
0x13e: {  	s14 =	simm.s32 $0x3110;
	v3 =	vld.idx.msk [tilespmem:v2+s3+$0x0], $0xffff  }
0x13f: {  	v5 =	vld [tilespmem:s14+$0x0];
	_ =	sdelay $0x2  }
0x140: {  	v4 =	vor.u32 $0x1, v2;
	_ =	sdelay $0x1  }
0x141: {  	v3 =	vmul.f32 v3, v5;
	_ =	sdelay $0x1  }
0x142: {  	[tilespmem:v2+s3+$0x0] =	vst.idx.msk $0xffff, v3  }
0x143: {  	v3 =	vld.idx.msk [tilespmem:v4+s3+$0x0], $0xffff;
	_ =	sdelay $0x2  }
0x144: {  	v6 =	vor.u32 $0x2, v2;
	_ =	sdelay $0x1  }
0x145: {  	v3 =	vmul.f32 v3, v5;
	_ =	sdelay $0x1  }
0x146: {  	[tilespmem:v4+s3+$0x0] =	vst.idx.msk $0xffff, v3  }
0x147: {  	v3 =	vld.idx.msk [tilespmem:v6+s3+$0x0], $0xffff;
	_ =	sdelay $0x2  }
0x148: {  	v4 =	vor.u32 $0x3, v2;
	_ =	sdelay $0x1  }
0x149: {  	v3 =	vmul.f32 v3, v5;
	_ =	sdelay $0x1  }
0x14a: {  	[tilespmem:v6+s3+$0x0] =	vst.idx.msk $0xffff, v3  }
0x14b: {  	v3 =	vld.idx.msk [tilespmem:v4+s3+$0x0], $0xffff;
	_ =	sdelay $0x2  }
0x14c: {  	v6 =	vor.u32 $0x4, v2;
	_ =	sdelay $0x1  }
0x14d: {  	v3 =	vmul.f32 v3, v5;
	_ =	sdelay $0x1  }
0x14e: {  	[tilespmem:v4+s3+$0x0] =	vst.idx.msk $0xffff, v3  }
0x14f: {  	v3 =	vld.idx.msk [tilespmem:v6+s3+$0x0], $0xffff;
	_ =	sdelay $0x2  }
0x150: {  	v4 =	vor.u32 $0x5, v2;
	_ =	sdelay $0x1  }
0x151: {  	v3 =	vmul.f32 v3, v5;
	_ =	sdelay $0x1  }
0x152: {  	[tilespmem:v6+s3+$0x0] =	vst.idx.msk $0xffff, v3  }
0x153: {  	v3 =	vld.idx.msk [tilespmem:v4+s3+$0x0], $0xffff;
	_ =	sdelay $0x2  }
0x154: {  	v6 =	vor.u32 $0x6, v2;
	_ =	sdelay $0x1  }
0x155: {  	v3 =	vmul.f32 v3, v5;
	_ =	sdelay $0x1  }
0x156: {  	[tilespmem:v4+s3+$0x0] =	vst.idx.msk $0xffff, v3  }
0x157: {  	v3 =	vld.idx.msk [tilespmem:v6+s3+$0x0], $0xffff;
	_ =	sdelay $0x2  }
0x158: {  	v4 =	vor.u32 $0x7, v2;
	_ =	sdelay $0x1  }
0x159: {  	v3 =	vmul.f32 v3, v5;
	_ =	sdelay $0x1  }
0x15a: {  	[tilespmem:v6+s3+$0x0] =	vst.idx.msk $0xffff, v3  }
0x15b: {  	v3 =	vld.idx.msk [tilespmem:v4+s3+$0x0], $0xffff;
	_ =	sdelay $0x2  }
0x15c: {  	v6 =	vor.u32 $0x8, v2;
	_ =	sdelay $0x1  }
0x15d: {  	v3 =	vmul.f32 v3, v5;
	_ =	sdelay $0x1  }
0x15e: {  	[tilespmem:v4+s3+$0x0] =	vst.idx.msk $0xffff, v3  }
0x15f: {  	v3 =	vld.idx.msk [tilespmem:v6+s3+$0x0], $0xffff;
	_ =	sdelay $0x2  }
0x160: {  	v4 =	vor.u32 $0x9, v2;
	_ =	sdelay $0x1  }
0x161: {  	v3 =	vmul.f32 v3, v5;
	_ =	sdelay $0x1  }
0x162: {  	[tilespmem:v6+s3+$0x0] =	vst.idx.msk $0xffff, v3  }
0x163: {  	v3 =	vld.idx.msk [tilespmem:v4+s3+$0x0], $0xffff;
	_ =	sdelay $0x2  }
0x164: {  	v6 =	vor.u32 $0xA, v2;
	_ =	sdelay $0x1  }
0x165: {  	v3 =	vmul.f32 v3, v5;
	_ =	sdelay $0x1  }
0x166: {  	[tilespmem:v4+s3+$0x0] =	vst.idx.msk $0xffff, v3  }
0x167: {  	v3 =	vld.idx.msk [tilespmem:v6+s3+$0x0], $0xffff;
	_ =	sdelay $0x2  }
0x168: {  	v4 =	vor.u32 $0xB, v2;
	_ =	sdelay $0x1  }
0x169: {  	v3 =	vmul.f32 v3, v5;
	_ =	sdelay $0x1  }
0x16a: {  	[tilespmem:v6+s3+$0x0] =	vst.idx.msk $0xffff, v3  }
0x16b: {  	v3 =	vld.idx.msk [tilespmem:v4+s3+$0x0], $0xffff;
	_ =	sdelay $0x2  }
0x16c: {  	v6 =	vor.u32 $0xC, v2;
	_ =	sdelay $0x1  }
0x16d: {  	v3 =	vmul.f32 v3, v5;
	_ =	sdelay $0x1  }
0x16e: {  	[tilespmem:v4+s3+$0x0] =	vst.idx.msk $0xffff, v3  }
0x16f: {  	v3 =	vld.idx.msk [tilespmem:v6+s3+$0x0], $0xffff;
	_ =	sdelay $0x2  }
0x170: {  	v4 =	vor.u32 $0xD, v2;
	_ =	sdelay $0x1  }
0x171: {  	v3 =	vmul.f32 v3, v5;
	_ =	sdelay $0x1  }
0x172: {  	[tilespmem:v6+s3+$0x0] =	vst.idx.msk $0xffff, v3  }
0x173: {  	v3 =	vld.idx.msk [tilespmem:v4+s3+$0x0], $0xffff;
	_ =	sdelay $0x2  }
0x174: {  	v6 =	vor.u32 $0xE, v2;
	_ =	sdelay $0x1  }
0x175: {  	v3 =	vmul.f32 v3, v5;
	_ =	sdelay $0x1  }
0x176: {  	[tilespmem:v4+s3+$0x0] =	vst.idx.msk $0xffff, v3  }
0x177: {  	v3 =	vld.idx.msk [tilespmem:v6+s3+$0x0], $0xffff;
	_ =	sdelay $0x2  }
0x178: {  	v4 =	vor.u32 $0xF, v2;
	_ =	sdelay $0x1  }
0x179: {  	v2 =	vmul.f32 v3, v5;
	_ =	sdelay $0x1  }
0x17a: {  	[tilespmem:v6+s3+$0x0] =	vst.idx.msk $0xffff, v2  }
0x17b: {  	s20 =	simm.s32 $0x10;
	v3 =	vld.idx.msk [tilespmem:v4+s3+$0x0], $0xffff  }
0x17c: {  	v2 =	vmov s20  }
0x17d: {  	v2 =	vshll.u32 v2, $0x4  }
0x17e: {  	v2 =	vor.u32 v1, v2;
	_ =	sdelay $0x1  }
0x17f: {  	s15 =	simm.s32 $0x20;
	v3 =	vmul.f32 v3, v5  }
.LBB2_7:
0x180: {  	p2 =	sne.s32 s15, $0x1F0  }
0x181: {  	s14 =	sadd.s32 $0x10, s14;
	s18 =	smov.u32 s15;
	s15 =	sadd.s32 $0x10, s15;
	[tilespmem:v4+s3+$0x0] =	vst.idx.msk $0xffff, v3  }
0x182: {  	v4 =	vld.idx.msk [tilespmem:v2+s3+$0x0], $0xffff  }
0x183: {  	v3 =	vld [tilespmem:s14+$0x0];
	_ =	sdelay $0x2  }
0x184: {  	v5 =	vor.u32 $0x1, v2;
	_ =	sdelay $0x1  }
0x185: {  	v4 =	vmul.f32 v4, v3;
	_ =	sdelay $0x1  }
0x186: {  	[tilespmem:v2+s3+$0x0] =	vst.idx.msk $0xffff, v4  }
0x187: {  	v4 =	vld.idx.msk [tilespmem:v5+s3+$0x0], $0xffff;
	_ =	sdelay $0x3  }
0x188: {  	v6 =	vor.u32 $0x2, v2;
	_ =	sdelay $0x1  }
0x189: {  	v4 =	vmul.f32 v4, v3;
	_ =	sdelay $0x1  }
0x18a: {  	[tilespmem:v5+s3+$0x0] =	vst.idx.msk $0xffff, v4  }
0x18b: {  	v4 =	vld.idx.msk [tilespmem:v6+s3+$0x0], $0xffff;
	_ =	sdelay $0x3  }
0x18c: {  	v5 =	vor.u32 $0x3, v2;
	_ =	sdelay $0x1  }
0x18d: {  	v4 =	vmul.f32 v4, v3;
	_ =	sdelay $0x1  }
0x18e: {  	[tilespmem:v6+s3+$0x0] =	vst.idx.msk $0xffff, v4  }
0x18f: {  	v4 =	vld.idx.msk [tilespmem:v5+s3+$0x0], $0xffff;
	_ =	sdelay $0x3  }
0x190: {  	v6 =	vor.u32 $0x4, v2;
	_ =	sdelay $0x1  }
0x191: {  	v4 =	vmul.f32 v4, v3;
	_ =	sdelay $0x1  }
0x192: {  	[tilespmem:v5+s3+$0x0] =	vst.idx.msk $0xffff, v4  }
0x193: {  	v4 =	vld.idx.msk [tilespmem:v6+s3+$0x0], $0xffff;
	_ =	sdelay $0x3  }
0x194: {  	v5 =	vor.u32 $0x5, v2;
	_ =	sdelay $0x1  }
0x195: {  	v4 =	vmul.f32 v4, v3;
	_ =	sdelay $0x1  }
0x196: {  	[tilespmem:v6+s3+$0x0] =	vst.idx.msk $0xffff, v4  }
0x197: {  	v4 =	vld.idx.msk [tilespmem:v5+s3+$0x0], $0xffff;
	_ =	sdelay $0x3  }
0x198: {  	v6 =	vor.u32 $0x6, v2;
	_ =	sdelay $0x1  }
0x199: {  	v4 =	vmul.f32 v4, v3;
	_ =	sdelay $0x1  }
0x19a: {  	[tilespmem:v5+s3+$0x0] =	vst.idx.msk $0xffff, v4  }
0x19b: {  	v4 =	vld.idx.msk [tilespmem:v6+s3+$0x0], $0xffff;
	_ =	sdelay $0x3  }
0x19c: {  	v5 =	vor.u32 $0x7, v2;
	_ =	sdelay $0x1  }
0x19d: {  	v4 =	vmul.f32 v4, v3;
	_ =	sdelay $0x1  }
0x19e: {  	[tilespmem:v6+s3+$0x0] =	vst.idx.msk $0xffff, v4  }
0x19f: {  	v4 =	vld.idx.msk [tilespmem:v5+s3+$0x0], $0xffff;
	_ =	sdelay $0x3  }
0x1a0: {  	v6 =	vor.u32 $0x8, v2;
	_ =	sdelay $0x1  }
0x1a1: {  	v4 =	vmul.f32 v4, v3;
	_ =	sdelay $0x1  }
0x1a2: {  	[tilespmem:v5+s3+$0x0] =	vst.idx.msk $0xffff, v4  }
0x1a3: {  	v4 =	vld.idx.msk [tilespmem:v6+s3+$0x0], $0xffff;
	_ =	sdelay $0x3  }
0x1a4: {  	v5 =	vor.u32 $0x9, v2;
	_ =	sdelay $0x1  }
0x1a5: {  	v4 =	vmul.f32 v4, v3;
	_ =	sdelay $0x1  }
0x1a6: {  	[tilespmem:v6+s3+$0x0] =	vst.idx.msk $0xffff, v4  }
0x1a7: {  	v4 =	vld.idx.msk [tilespmem:v5+s3+$0x0], $0xffff;
	_ =	sdelay $0x3  }
0x1a8: {  	v6 =	vor.u32 $0xA, v2;
	_ =	sdelay $0x1  }
0x1a9: {  	v4 =	vmul.f32 v4, v3;
	_ =	sdelay $0x1  }
0x1aa: {  	[tilespmem:v5+s3+$0x0] =	vst.idx.msk $0xffff, v4  }
0x1ab: {  	v4 =	vld.idx.msk [tilespmem:v6+s3+$0x0], $0xffff;
	_ =	sdelay $0x3  }
0x1ac: {  	v5 =	vor.u32 $0xB, v2;
	_ =	sdelay $0x1  }
0x1ad: {  	v4 =	vmul.f32 v4, v3;
	_ =	sdelay $0x1  }
0x1ae: {  	[tilespmem:v6+s3+$0x0] =	vst.idx.msk $0xffff, v4  }
0x1af: {  	v4 =	vld.idx.msk [tilespmem:v5+s3+$0x0], $0xffff;
	_ =	sdelay $0x3  }
0x1b0: {  	v6 =	vor.u32 $0xC, v2;
	_ =	sdelay $0x1  }
0x1b1: {  	v4 =	vmul.f32 v4, v3;
	_ =	sdelay $0x1  }
0x1b2: {  	[tilespmem:v5+s3+$0x0] =	vst.idx.msk $0xffff, v4  }
0x1b3: {  	v4 =	vld.idx.msk [tilespmem:v6+s3+$0x0], $0xffff;
	_ =	sdelay $0x3  }
0x1b4: {  	v5 =	vor.u32 $0xD, v2;
	_ =	sdelay $0x1  }
0x1b5: {  	v4 =	vmul.f32 v4, v3;
	_ =	sdelay $0x1  }
0x1b6: {  	[tilespmem:v6+s3+$0x0] =	vst.idx.msk $0xffff, v4  }
0x1b7: {  	v4 =	vld.idx.msk [tilespmem:v5+s3+$0x0], $0xffff;
	_ =	sdelay $0x3  }
0x1b8: {  	v6 =	vor.u32 $0xE, v2;
	_ =	sdelay $0x1  }
0x1b9: {  	v4 =	vmul.f32 v4, v3;
	_ =	sdelay $0x1  }
0x1ba: {  	[tilespmem:v5+s3+$0x0] =	vst.idx.msk $0xffff, v4  }
0x1bb: {  	v5 =	vld.idx.msk [tilespmem:v6+s3+$0x0], $0xffff;
	_ =	sdelay $0x3  }
0x1bc: {  	v4 =	vor.u32 $0xF, v2;
	_ =	sdelay $0x1  }
0x1bd: {  	v2 =	vmul.f32 v5, v3;
	_ =	sdelay $0x1  }
0x1be: {  	[tilespmem:v6+s3+$0x0] =	vst.idx.msk $0xffff, v2  }
0x1bf: {  	v5 =	vld.idx.msk [tilespmem:v4+s3+$0x0], $0xffff;
	_ =	sdelay $0x1  }
.Ltmp4:
0x1c0: {  	v2 =	vmov s18;
	(pc) =	sbr.rel @p2 .LBB2_7-.Ltmp4, $3  }
0x1c1: {  	v2 =	vshll.u32 v2, $0x4  }
0x1c2: {  	v2 =	vor.u32 v1, v2;
	_ =	sdelay $0x1  }
0x1c3: {  	v3 =	vmul.f32 v5, v3  }
0x1c4: {  	_ =	sdelay $0x3  }
0x1c5: {  	[tilespmem:v4+s3+$0x0] =	vst.idx.msk $0xffff, v3  }
0x1c6: {  	s14 =	sadd.s32 $0x10, s14;
	v3 =	vld.idx.msk [tilespmem:v2+s3+$0x0], $0xffff  }
0x1c7: {  	v4 =	vld [tilespmem:s14+$0x0];
	_ =	sdelay $0x2  }
0x1c8: {  	v5 =	vor.u32 $0x1, v2;
	_ =	sdelay $0x1  }
0x1c9: {  	v3 =	vmul.f32 v3, v4;
	_ =	sdelay $0x1  }
0x1ca: {  	[tilespmem:v2+s3+$0x0] =	vst.idx.msk $0xffff, v3  }
0x1cb: {  	v3 =	vld.idx.msk [tilespmem:v5+s3+$0x0], $0xffff;
	_ =	sdelay $0x2  }
0x1cc: {  	v6 =	vor.u32 $0x2, v2;
	_ =	sdelay $0x1  }
0x1cd: {  	v3 =	vmul.f32 v3, v4;
	_ =	sdelay $0x1  }
0x1ce: {  	[tilespmem:v5+s3+$0x0] =	vst.idx.msk $0xffff, v3  }
0x1cf: {  	v3 =	vld.idx.msk [tilespmem:v6+s3+$0x0], $0xffff;
	_ =	sdelay $0x2  }
0x1d0: {  	v52 =	vor.u32 $0x3, v2;
	_ =	sdelay $0x1  }
0x1d1: {  	v3 =	vmul.f32 v3, v4;
	_ =	sdelay $0x1  }
0x1d2: {  	[tilespmem:v6+s3+$0x0] =	vst.idx.msk $0xffff, v3  }
0x1d3: {  	v3 =	vld.idx.msk [tilespmem:v52+s3+$0x0], $0xffff;
	_ =	sdelay $0x2  }
0x1d4: {  	v53 =	vor.u32 $0x4, v2;
	_ =	sdelay $0x1  }
0x1d5: {  	v3 =	vmul.f32 v3, v4;
	_ =	sdelay $0x1  }
0x1d6: {  	[tilespmem:v52+s3+$0x0] =	vst.idx.msk $0xffff, v3  }
0x1d7: {  	v3 =	vld.idx.msk [tilespmem:v53+s3+$0x0], $0xffff;
	_ =	sdelay $0x2  }
0x1d8: {  	v54 =	vor.u32 $0x5, v2;
	_ =	sdelay $0x1  }
0x1d9: {  	v3 =	vmul.f32 v3, v4;
	_ =	sdelay $0x1  }
0x1da: {  	[tilespmem:v53+s3+$0x0] =	vst.idx.msk $0xffff, v3  }
0x1db: {  	v3 =	vld.idx.msk [tilespmem:v54+s3+$0x0], $0xffff;
	_ =	sdelay $0x2  }
0x1dc: {  	v55 =	vor.u32 $0x6, v2;
	_ =	sdelay $0x1  }
0x1dd: {  	v3 =	vmul.f32 v3, v4;
	_ =	sdelay $0x1  }
0x1de: {  	[tilespmem:v54+s3+$0x0] =	vst.idx.msk $0xffff, v3  }
0x1df: {  	v3 =	vld.idx.msk [tilespmem:v55+s3+$0x0], $0xffff;
	_ =	sdelay $0x2  }
0x1e0: {  	v56 =	vor.u32 $0x7, v2;
	_ =	sdelay $0x1  }
0x1e1: {  	v3 =	vmul.f32 v3, v4;
	_ =	sdelay $0x1  }
0x1e2: {  	[tilespmem:v55+s3+$0x0] =	vst.idx.msk $0xffff, v3  }
0x1e3: {  	v3 =	vld.idx.msk [tilespmem:v56+s3+$0x0], $0xffff;
	_ =	sdelay $0x2  }
0x1e4: {  	v57 =	vor.u32 $0x8, v2;
	_ =	sdelay $0x1  }
0x1e5: {  	v3 =	vmul.f32 v3, v4;
	_ =	sdelay $0x1  }
0x1e6: {  	[tilespmem:v56+s3+$0x0] =	vst.idx.msk $0xffff, v3  }
0x1e7: {  	v3 =	vld.idx.msk [tilespmem:v57+s3+$0x0], $0xffff;
	_ =	sdelay $0x2  }
0x1e8: {  	v58 =	vor.u32 $0x9, v2;
	_ =	sdelay $0x1  }
0x1e9: {  	v3 =	vmul.f32 v3, v4;
	_ =	sdelay $0x1  }
0x1ea: {  	[tilespmem:v57+s3+$0x0] =	vst.idx.msk $0xffff, v3  }
0x1eb: {  	v3 =	vld.idx.msk [tilespmem:v58+s3+$0x0], $0xffff;
	_ =	sdelay $0x2  }
0x1ec: {  	v59 =	vor.u32 $0xA, v2;
	_ =	sdelay $0x1  }
0x1ed: {  	v3 =	vmul.f32 v3, v4;
	_ =	sdelay $0x1  }
0x1ee: {  	[tilespmem:v58+s3+$0x0] =	vst.idx.msk $0xffff, v3  }
0x1ef: {  	v3 =	vld.idx.msk [tilespmem:v59+s3+$0x0], $0xffff;
	_ =	sdelay $0x2  }
0x1f0: {  	v60 =	vor.u32 $0xB, v2;
	_ =	sdelay $0x1  }
0x1f1: {  	v3 =	vmul.f32 v3, v4;
	_ =	sdelay $0x1  }
0x1f2: {  	[tilespmem:v59+s3+$0x0] =	vst.idx.msk $0xffff, v3  }
0x1f3: {  	v3 =	vld.idx.msk [tilespmem:v60+s3+$0x0], $0xffff;
	_ =	sdelay $0x2  }
0x1f4: {  	v61 =	vor.u32 $0xC, v2;
	_ =	sdelay $0x1  }
0x1f5: {  	v3 =	vmul.f32 v3, v4;
	_ =	sdelay $0x1  }
0x1f6: {  	[tilespmem:v60+s3+$0x0] =	vst.idx.msk $0xffff, v3  }
0x1f7: {  	v3 =	vld.idx.msk [tilespmem:v61+s3+$0x0], $0xffff;
	_ =	sdelay $0x2  }
0x1f8: {  	v62 =	vor.u32 $0xD, v2;
	_ =	sdelay $0x1  }
0x1f9: {  	v3 =	vmul.f32 v3, v4;
	_ =	sdelay $0x1  }
0x1fa: {  	[tilespmem:v61+s3+$0x0] =	vst.idx.msk $0xffff, v3  }
0x1fb: {  	v3 =	vld.idx.msk [tilespmem:v62+s3+$0x0], $0xffff;
	_ =	sdelay $0x2  }
0x1fc: {  	v63 =	vor.u32 $0xE, v2;
	_ =	sdelay $0x1  }
0x1fd: {  	v3 =	vmul.f32 v3, v4;
	_ =	sdelay $0x1  }
0x1fe: {  	[tilespmem:v62+s3+$0x0] =	vst.idx.msk $0xffff, v3  }
0x1ff: {  	v3 =	vld.idx.msk [tilespmem:v63+s3+$0x0], $0xffff;
	_ =	sdelay $0x2  }
0x200: {  	v2 =	vor.u32 $0xF, v2;
	_ =	sdelay $0x1  }
0x201: {  	v3 =	vmul.f32 v3, v4;
	_ =	sdelay $0x1  }
0x202: {  	[tilespmem:v63+s3+$0x0] =	vst.idx.msk $0xffff, v3  }
0x203: {  	v3 =	vld.idx.msk [tilespmem:v2+s3+$0x0], $0xffff;
	_ =	sdelay $0x4  }
0x204: {  	v3 =	vmul.f32 v3, v4;
	_ =	sdelay $0x1  }
.Ltmp5:
0x205: {  	[tilespmem:v2+s3+$0x0] =	vst.idx.msk $0xffff, v3;
	(pc) =	sbr.rel @p1 .LBB2_10-.Ltmp5, $4  }
0x206: {  	[spmem:s1] =	stream.indirect.scatter.add.f32 [tilespmem:s3], [sflag:$0x5], $0x10, s30, s26, $0xb8;
	[tilespmem:$0x9B10] =	vst v63  }
0x207: {  	_ =	swait.ge [sflag:s8], $0x2000  }
0x208: {  	[sflag:s8] =	ssyncset.done $0x0  }
0x209: {  	[sflag:s8] =	ssyncadd.s32 $0xFFFFE000  }
0x20a: {  	s14 =	sadd.s32 s22, s17  }
0x20b: {  	s14 =	sshrl.u32 s14, $0x3  }
0x20c: {  	s15 =	sadd.s32 s4, s14  }
0x20d: {  	[tilespmem:s29], [sflag:$0x2] =	stream.linear.gather [hbm4b:s15+s2], $0x200, $0x38;
	[tilespmem:$0x9B10] =	vst v63  }
.Ltmp6:
0x20e: {  	_ = 	snop;
	(pc) =	sbr.rel .LBB2_4-.Ltmp6, $4  }
0x20f: {  	s22 =	sadd.s32 s5, s14  }
0x210: {  	[tilespmem:s30], [sflag:$0x2] =	stream.linear.gather [hbm4b:s22+s2], $0x200, $0x38;
	[tilespmem:$0x9B10] =	vst v63  }
0x211: {  	s13 =	sadd.s32 $0x1, s13;
	s14 =	sadd.s32 s6, s14  }
0x212: {  	[tilespmem:s31], [sflag:$0x2] =	stream.linear.gather [hbm4b:s14+s2], $0x200, $0x38;
	[tilespmem:$0x9B10] =	vst v63  }
.LBB2_11:
0x213: {  	_ =	sfence.sel $0x180000  }
0x214: {  	[bflag:$0x0] =	sbarrier.arrive $0xFFFF  }
0x215: {  	_ =	strace $0x9000004A  }
0x216: {  	s0 =	stileid.u32;
	[bflag:$0x2] =	sbarrier.arrive $0xFFFF  }
0x217: {  	p0 =	sne.s32 s0, $0x0;
	s0 =	rddreg [dreg:$0x2]  }
0x218: {  	s0 =	sadd.s32 @!p0 $0x100000, s0  }
0x219: {  	[sflag:s0] =	ssyncadd.tile.s32 @!p0 $0x1;
	_ =	shalt  }
.Lfunc_end2:
_tile_overlayer_lowered:
.L_overlay_start_2:
0x21a: {  	(tag) =	ssettag $0x2  }
0x21b: {  	s0 =	rddreg [dreg:$0x0];
	s2 =	stileid.u32  }
0x21c: {  	s1 =	rddreg [dreg:$0x1];
	p0 =	sne.s32 s2, $0x0  }
0x21d: {  	s3 =	rddreg [dreg:$0x2];
	[bflag:$0x3] =	sbarrier.arrive $0xFFFF;
	s2 =	simm.s32 @!p0 $0x1C05  }
0x21e: {  	[timem:s3], [sflag:s2] =	dma.local @!p0 [hbm:s0], s1  }
0x21f: {  	s0 =	simm.s32 @!p0 $0x5  }
0x220: {  	_ =	swait.ge @!p0 [sflag:s0], s1  }
0x221: {  	s1 =	ssub.s32 @!p0 $0x0, s1;
	[sflag:s0] =	ssyncset.done @!p0 $0x0  }
0x222: {  	[sflag:s0] =	ssyncadd.s32 @!p0 s1  }
0x223: {  	[bflag:$0x3] =	sbarrier.arrive $0xFFFF  }
0x224: {  	_ =	shalt  }

</sc_bundles>
